<compile_context>
chip_gen: v7x
topology: tpu7x:2x2x1
jax: 0.10.2.dev20260603
libtpu: 0.0.44.dev20260713+nightly
codegen_flags: <defaults>
</compile_context>

<pallas_src>
import functools

import jax
import jax.numpy as jnp
from jax import lax
from jax.experimental import pallas as pl
from jax.experimental.pallas import tpu as pltpu
from jax.experimental.pallas import tpu_sc as plsc

F32 = jnp.float32
NC = 2
NS = 16
CH = 80
BLK = 1000



def _full(shape):
    return pl.BlockSpec(shape, lambda i: tuple(0 for _ in shape))


def _encoder(x, W1, b1, W2, b2, scale_by_sig):
    n, din = x.shape
    h = W1.shape[1]
    grid = n // BLK

    def body(x_ref, W1_ref, b1_ref, W2_ref, b2_ref, out_ref, sig_ref):
        xb = x_ref[...]
        sig = jax.nn.sigmoid(xb[:, din - 1:din] / 10.0)
        h1 = jnp.maximum(
            jnp.dot(xb.astype(jnp.bfloat16),
                    W1_ref[...].astype(jnp.bfloat16),
                    preferred_element_type=F32) + b1_ref[...],
            0.0)
        if scale_by_sig:
            h1 = h1 * sig
        h2 = jnp.dot(h1.astype(jnp.bfloat16),
                     W2_ref[...].astype(jnp.bfloat16),
                     preferred_element_type=F32) + b2_ref[...]
        out_ref[0] = h2[:, :128]
        out_ref[1] = h2[:, 128:]
        sig_ref[...] = jnp.broadcast_to(sig, (BLK, 8))

    out, sig = pl.pallas_call(
        body,
        grid=(grid,),
        in_specs=[
            pl.BlockSpec((BLK, din), lambda i: (i, 0)),
            _full((din, h)), _full((1, h)), _full((h, h)), _full((1, h)),
        ],
        out_specs=[
            pl.BlockSpec((2, BLK, 128), lambda i: (0, i, 0)),
            pl.BlockSpec((BLK, 8), lambda i: (i, 0)),
        ],
        out_shape=[
            jax.ShapeDtypeStruct((2, n, 128), F32),
            jax.ShapeDtypeStruct((n, 8), F32),
        ],
    )(x, W1, b1.reshape(1, h), W2, b2.reshape(1, h))
    return out.reshape(2 * n, 128), sig


def _combine(sum_flat, cnt, xdst_flat, Wl, bl, Wr, sig):
    n = cnt.shape[0] // 2
    h = Wl.shape[1]
    grid = n // BLK
    nb = n // BLK
    with_sig = sig is not None

    def body(*refs):
        if with_sig:
            (s0, s1, cnt0_ref, cnt1_ref, x0, x1, Wl_ref, bl_ref, Wr_ref,
             sg_ref, out_ref) = refs
        else:
            (s0, s1, cnt0_ref, cnt1_ref, x0, x1, Wl_ref, bl_ref, Wr_ref,
             out_ref) = refs
        cntv = cnt0_ref[...][:, 0:1] + cnt1_ref[...][:, 0:1]
        inv = 1.0 / jnp.maximum(cntv, 1.0)
        mean = jnp.concatenate([s0[...], s1[...]], axis=1) * inv
        xd = jnp.concatenate([x0[...], x1[...]], axis=1)
        o = (jnp.dot(mean.astype(jnp.bfloat16),
                     Wl_ref[...].astype(jnp.bfloat16),
                     preferred_element_type=F32)
             + bl_ref[...]
             + jnp.dot(xd.astype(jnp.bfloat16),
                       Wr_ref[...].astype(jnp.bfloat16),
                       preferred_element_type=F32))
        a = jnp.maximum(o, 0.0)
        if with_sig:
            a = a * sg_ref[...][:, 0:1]
        out_ref[0] = a[:, :128]
        out_ref[1] = a[:, 128:]

    in_specs = [
        pl.BlockSpec((BLK, 128), lambda i: (i, 0)),
        pl.BlockSpec((BLK, 128), lambda i, nb=nb: (nb + i, 0)),
        pl.BlockSpec((BLK, 16), lambda i: (i, 0)),
        pl.BlockSpec((BLK, 16), lambda i, nb=nb: (nb + i, 0)),
        pl.BlockSpec((BLK, 128), lambda i: (i, 0)),
        pl.BlockSpec((BLK, 128), lambda i, nb=nb: (nb + i, 0)),
        _full((h, h)), _full((1, h)), _full((h, h)),
    ]
    args = [sum_flat, sum_flat, cnt, cnt, xdst_flat, xdst_flat,
            Wl, bl.reshape(1, h), Wr]
    if with_sig:
        in_specs.append(pl.BlockSpec((BLK, 8), lambda i: (i, 0)))
        args.append(sig)

    out = pl.pallas_call(
        body,
        grid=(grid,),
        in_specs=in_specs,
        out_specs=pl.BlockSpec((2, BLK, 128), lambda i: (0, i, 0)),
        out_shape=jax.ShapeDtypeStruct((2, n, 128), F32),
    )(*args)
    return out.reshape(2 * n, 128)


def _pred_pre(feat_flat, Wp, bp):
    n = feat_flat.shape[0] // 2
    h = Wp.shape[1]
    grid = n // BLK
    nb = n // BLK
    with_b = bp is not None

    def body(*refs):
        if with_b:
            f0, f1, W_ref, b_ref, out_ref = refs
        else:
            f0, f1, W_ref, out_ref = refs
        f = jnp.concatenate([f0[...], f1[...]], axis=1)
        o = jnp.dot(f.astype(jnp.bfloat16), W_ref[...].astype(jnp.bfloat16),
                    preferred_element_type=F32)
        if with_b:
            o = o + b_ref[...]
        ob = o.astype(jnp.bfloat16)
        lo = lax.convert_element_type(
            lax.bitcast_convert_type(ob[:, :h // 2], jnp.uint16), jnp.int32)
        hi = lax.convert_element_type(
            lax.bitcast_convert_type(ob[:, h // 2:], jnp.uint16), jnp.int32)
        out_ref[...] = lo | (hi << 16)

    in_specs = [
        pl.BlockSpec((BLK, 128), lambda i: (i, 0)),
        pl.BlockSpec((BLK, 128), lambda i, nb=nb: (nb + i, 0)),
        _full((2 * h if Wp.shape[0] == 2 * h else Wp.shape[0], h)),
    ]
    args = [feat_flat, feat_flat, Wp]
    if with_b:
        in_specs.append(_full((1, h)))
        args.append(bp.reshape(1, h))

    return pl.pallas_call(
        body,
        grid=(grid,),
        in_specs=in_specs,
        out_specs=pl.BlockSpec((BLK, h // 2), lambda i: (i, 0)),
        out_shape=jax.ShapeDtypeStruct((n, h // 2), jnp.int32),
    )(*args)



_MESH = plsc.VectorSubcoreMesh(core_axis_name="c", subcore_axis_name="s")
_SC_PARAMS = pltpu.CompilerParams(use_tc_tiling_on_sc=False,
                                  needs_layout_passes=False)


@functools.lru_cache(maxsize=None)
def _make_segsum(n_src, n_dst, n_edges, with_counts):
    epw = n_edges // NS
    iters = epw // CH
    rps = (n_dst // NS) // 8 * 8
    tail = n_dst - NS * rps

    if with_counts:
        out_type = [jax.ShapeDtypeStruct((2 * n_dst, 128), F32),
                    jax.ShapeDtypeStruct((2 * n_dst, 16), F32)]
    else:
        out_type = jax.ShapeDtypeStruct((2 * n_dst, 128), F32)

    bedge = 4000
    bchunks = bedge // CH
    nblocks = epw // bedge
    scratch = [
        pltpu.VMEM((bedge,), jnp.int32),
        pltpu.VMEM((bedge,), jnp.int32),
        pltpu.VMEM((CH, 128), F32),
        pltpu.VMEM((CH, 128), F32),
        pltpu.VMEM((CH, 16), F32),
        pltpu.VMEM_SHARED((n_dst, 128), F32),
        pltpu.VMEM_SHARED((n_dst, 16), F32),
        pltpu.SemaphoreType.DMA,
        pltpu.SemaphoreType.DMA,
    ]

    def body(table, src_all, dst, z128, z16, ones, *rest):
        if with_counts:
            (out, cnt_out, sidx, didx, rows0, rows1, ones_v, acc, cacc,
             sem0, sem1) = rest
        else:
            (out, sidx, didx, rows0, rows1, ones_v, acc, cacc,
             sem0, sem1) = rest
        c = lax.axis_index("c")
        s = lax.axis_index("s")

        row0 = pl.multiple_of(s * rps, 8)
        pltpu.sync_copy(z128.at[pl.ds(row0, rps)], acc.at[pl.ds(row0, rps)])
        if with_counts:
            pltpu.sync_copy(z16.at[pl.ds(row0, rps)],
                            cacc.at[pl.ds(row0, rps)])
            pltpu.sync_copy(ones, ones_v)
        if tail:
            @pl.when(s == NS - 1)
            def _():
                pltpu.sync_copy(z128.at[pl.ds(NS * rps, tail)],
                                acc.at[pl.ds(NS * rps, tail)])
                if with_counts:
                    pltpu.sync_copy(z16.at[pl.ds(NS * rps, tail)],
                                    cacc.at[pl.ds(NS * rps, tail)])

        src_base = pl.multiple_of(c * n_edges + s * epw, 8)
        dst_base = pl.multiple_of(s * epw, 8)
        plsc.subcore_barrier()

        slots = ((rows0, sem0, rows1, sem1), (rows1, sem1, rows0, sem0))

        def block_step(blk, carry):
            boff = blk * bedge
            pltpu.sync_copy(src_all.at[pl.ds(src_base + boff, bedge)], sidx)
            pltpu.sync_copy(dst.at[pl.ds(dst_base + boff, bedge)], didx)
            pltpu.async_copy(table.at[sidx.at[pl.ds(0, CH)]], rows0, sem0)

            def pair(p, carry2):
                for b, (rb, sb, rn, sn) in enumerate(slots):
                    i = p * 2 + b
                    ioff = pl.multiple_of(i * CH, 8)

                    @pl.when(i + 1 < bchunks)
                    def _():
                        noff = pl.multiple_of((i + 1) * CH, 8)
                        pltpu.async_copy(
                            table.at[sidx.at[pl.ds(noff, CH)]], rn, sn)

                    pltpu.make_async_copy(
                        table.at[sidx.at[pl.ds(ioff, CH)]], rb, sb).wait()
                    pltpu.sync_copy(rb, acc.at[didx.at[pl.ds(ioff, CH)]],
                                    add=True)
                    if with_counts:
                        @pl.when(c == b)
                        def _():
                            pltpu.sync_copy(
                                ones_v, cacc.at[didx.at[pl.ds(ioff, CH)]],
                                add=True)
                return carry2

            lax.fori_loop(0, bchunks // 2, pair, 0)
            return carry

        lax.fori_loop(0, nblocks, block_step, 0)
        plsc.subcore_barrier()

        orow0 = pl.multiple_of(c * n_dst + s * rps, 8)
        pltpu.sync_copy(acc.at[pl.ds(row0, rps)], out.at[pl.ds(orow0, rps)])
        if with_counts:
            pltpu.sync_copy(cacc.at[pl.ds(row0, rps)],
                            cnt_out.at[pl.ds(orow0, rps)])
        if tail:
            @pl.when(s == NS - 1)
            def _():
                otail = pl.multiple_of(c * n_dst + NS * rps, 8)
                pltpu.sync_copy(acc.at[pl.ds(NS * rps, tail)],
                                out.at[pl.ds(otail, tail)])
                if with_counts:
                    pltpu.sync_copy(cacc.at[pl.ds(NS * rps, tail)],
                                    cnt_out.at[pl.ds(otail, tail)])

    return pl.kernel(body, out_type=out_type, mesh=_MESH,
                     scratch_types=scratch, compiler_params=_SC_PARAMS)


@functools.lru_cache(maxsize=None)
def _make_edgegather(n_edges, h):
    epw = n_edges // (NC * NS)
    iters = epw // CH

    hw = h // 2
    scratch = [
        pltpu.VMEM((epw,), jnp.int32),
        pltpu.VMEM((epw,), jnp.int32),
        pltpu.VMEM((CH, hw), jnp.int32),
        pltpu.VMEM((CH, hw), jnp.int32),
        pltpu.VMEM((CH, hw), jnp.int32),
        pltpu.VMEM((CH, hw), jnp.int32),
        pltpu.SemaphoreType.DMA,
        pltpu.SemaphoreType.DMA,
        pltpu.SemaphoreType.DMA,
        pltpu.SemaphoreType.DMA,
    ]

    def body(U, B, src, dst, u_out, b_out,
             sidx, didx, u0, u1, b0, b1, su0, su1, sb0, sb1):
        c = lax.axis_index("c")
        s = lax.axis_index("s")
        base = pl.multiple_of((c * NS + s) * epw, 8)

        pltpu.sync_copy(src.at[pl.ds(base, epw)], sidx)
        pltpu.sync_copy(dst.at[pl.ds(base, epw)], didx)

        pltpu.async_copy(U.at[sidx.at[pl.ds(0, CH)]], u0, su0)
        pltpu.async_copy(B.at[didx.at[pl.ds(0, CH)]], b0, sb0)

        slots = ((u0, su0, b0, sb0, u1, su1, b1, sb1),
                 (u1, su1, b1, sb1, u0, su0, b0, sb0))

        def pair(p, carry):
            for b, (ub, us, bb, bs, un, usn, bn, bsn) in enumerate(slots):
                i = p * 2 + b

                @pl.when(i < iters)
                def _():
                    ioff = pl.multiple_of(i * CH, 8)

                    @pl.when(i + 1 < iters)
                    def _():
                        noff = pl.multiple_of((i + 1) * CH, 8)
                        pltpu.async_copy(
                            U.at[sidx.at[pl.ds(noff, CH)]], un, usn)
                        pltpu.async_copy(
                            B.at[didx.at[pl.ds(noff, CH)]], bn, bsn)

                    pltpu.make_async_copy(
                        U.at[sidx.at[pl.ds(ioff, CH)]], ub, us).wait()
                    pltpu.make_async_copy(
                        B.at[didx.at[pl.ds(ioff, CH)]], bb, bs).wait()
                    ooff = pl.multiple_of(base + ioff, 8)
                    pltpu.sync_copy(ub, u_out.at[pl.ds(ooff, CH)])
                    pltpu.sync_copy(bb, b_out.at[pl.ds(ooff, CH)])
            return carry

        lax.fori_loop(0, (iters + 1) // 2, pair, 0)

    ot = jax.ShapeDtypeStruct((n_edges, h // 2), jnp.int32)
    return pl.kernel(body, out_type=[ot, ot],
                     mesh=_MESH, scratch_types=scratch)


def _edge_reduce(ug, bg, wlo, whi, bp2):
    e, hw = ug.shape
    be = 3200
    grid = e // be

    def unpack_lo(x):
        return lax.bitcast_convert_type(x << 16, F32)

    def unpack_hi(x):
        return lax.bitcast_convert_type(x & jnp.int32(-65536), F32)

    def body(u_ref, b_ref, wl_ref, wh_ref, b2_ref, out_ref):
        u = u_ref[...]
        b = b_ref[...]
        t_lo = jnp.maximum(unpack_lo(u) + unpack_lo(b), 0.0)
        t_hi = jnp.maximum(unpack_hi(u) + unpack_hi(b), 0.0)
        s = (jnp.dot(t_lo, wl_ref[...], preferred_element_type=F32)
             + jnp.dot(t_hi, wh_ref[...], preferred_element_type=F32))
        srow = s[:, 0] + b2_ref[0, 0]
        out_ref[0, 0] = 1.0 + 4.0 / (1.0 + jnp.exp(-srow))

    out = pl.pallas_call(
        body,
        grid=(grid,),
        in_specs=[
            pl.BlockSpec((be, hw), lambda i: (i, 0)),
            pl.BlockSpec((be, hw), lambda i: (i, 0)),
            _full((hw, 1)), _full((hw, 1)), _full((1, 1)),
        ],
        out_specs=pl.BlockSpec((1, 1, be), lambda i: (i, 0, 0)),
        out_shape=jax.ShapeDtypeStruct((grid, 1, be), F32),
    )(ug, bg, wlo.reshape(hw, 1), whi.reshape(hw, 1), bp2.reshape(1, 1))
    return out.reshape(e)



def kernel(x_user, x_book, edge_index,
           Wu1, bu1, Wu2, bu2, Wb1, bb1, Wb2, bb2,
           c1b_Wl, c1b_bl, c1b_Wr, c1u_Wl, c1u_bl, c1u_Wr,
           c2b_Wl, c2b_bl, c2b_Wr, c2u_Wl, c2u_bl, c2u_Wr,
           Wp1, bp1, Wp2, bp2):
    nu = x_user.shape[0]
    nb = x_book.shape[0]
    e = edge_index.shape[1]
    h = Wu1.shape[1]

    src = edge_index[0]
    dst = edge_index[1]
    src_all = jnp.concatenate([src, src + nu])
    dst_all = jnp.concatenate([dst, dst + nb])
    z128 = jnp.zeros((max(nu, nb), 128), F32)
    z16 = jnp.zeros((max(nu, nb), 16), F32)
    ones16 = jnp.ones((CH, 16), F32)

    uh0, sig = _encoder(x_user, Wu1, bu1, Wu2, bu2, True)
    bh0, _ = _encoder(x_book, Wb1, bb1, Wb2, bb2, False)

    seg_c = _make_segsum(nu, nb, e, True)
    sum_b, cnt_b = seg_c(uh0, src_all, dst, z128, z16, ones16)
    seg_u = _make_segsum(nb, nu, e, True)
    sum_u, cnt_u = seg_u(bh0, dst_all, src, z128, z16, ones16)
    bh1 = _combine(sum_b, cnt_b, bh0, c1b_Wl, c1b_bl, c1b_Wr, None)
    uh1 = _combine(sum_u, cnt_u, uh0, c1u_Wl, c1u_bl, c1u_Wr, sig)

    seg2_c = _make_segsum(nu, nb, e, False)
    sum_b2 = seg2_c(uh1, src_all, dst, z128, z16, ones16)
    seg2_u = _make_segsum(nb, nu, e, False)
    sum_u2 = seg2_u(bh1, dst_all, src, z128, z16, ones16)
    bf = _combine(sum_b2, cnt_b, bh1, c2b_Wl, c2b_bl, c2b_Wr, None)
    uf = _combine(sum_u2, cnt_u, uh1, c2u_Wl, c2u_bl, c2u_Wr, sig)

    U = _pred_pre(uf, Wp1[:h], bp1)
    B = _pred_pre(bf, Wp1[h:], None)

    ug, bg = _make_edgegather(e, h)(U, B, src, dst)
    w2 = Wp2.reshape(h)
    return _edge_reduce(ug, bg, w2[:h // 2], w2[h // 2:], bp2)

# --- scband reference (transcript-rebuilt; emitter-appended) ---
"""Pipeline reference for scband-book-recommender-gnn-59562606461090 (READ-ONLY COPY).

The authoritative reference and input builder live on the scoring server;
editing this copy changes nothing except your own understanding.
"""

import jax, jax.numpy as jnp
import numpy as np

NU = 10000
NB = 10000
E = 320000
DIN = 128
H = 256


def setup_inputs(seed: int = 0) -> dict:
    key = jax.random.key(seed)
    ks = jax.random.split(key, 40)
    w = lambda k, s: jax.random.normal(k, s, dtype=jnp.float32) * 0.05
    inp = {}
    inp["x_user"] = jax.random.normal(ks[0], (NU, DIN), dtype=jnp.float32)
    inp["x_book"] = jax.random.normal(ks[1], (NB, DIN), dtype=jnp.float32)
    src = jax.random.randint(ks[2], (E,), 0, NU)
    dst = jax.random.randint(ks[3], (E,), 0, NB)
    inp["edge_index"] = jnp.stack([src, dst]).astype(jnp.int32)
    # user/book encoders
    inp["Wu1"] = w(ks[4], (DIN, H)); inp["bu1"] = w(ks[5], (H,))
    inp["Wu2"] = w(ks[6], (H, H));   inp["bu2"] = w(ks[7], (H,))
    inp["Wb1"] = w(ks[8], (DIN, H)); inp["bb1"] = w(ks[9], (H,))
    inp["Wb2"] = w(ks[10], (H, H));  inp["bb2"] = w(ks[11], (H,))
    # conv1: (user,rates,book) dst=book ; (book,rated_by,user) dst=user
    inp["c1b_Wl"] = w(ks[12], (H, H)); inp["c1b_bl"] = w(ks[13], (H,)); inp["c1b_Wr"] = w(ks[14], (H, H))
    inp["c1u_Wl"] = w(ks[15], (H, H)); inp["c1u_bl"] = w(ks[16], (H,)); inp["c1u_Wr"] = w(ks[17], (H, H))
    # conv2
    inp["c2b_Wl"] = w(ks[18], (H, H)); inp["c2b_bl"] = w(ks[19], (H,)); inp["c2b_Wr"] = w(ks[20], (H, H))
    inp["c2u_Wl"] = w(ks[21], (H, H)); inp["c2u_bl"] = w(ks[22], (H,)); inp["c2u_Wr"] = w(ks[23], (H, H))
    # rating predictor MLP
    inp["Wp1"] = w(ks[24], (2 * H, H)); inp["bp1"] = w(ks[25], (H,))
    inp["Wp2"] = w(ks[26], (H, 1));     inp["bp2"] = w(ks[27], (1,))
    return inp


def _sage(x_src, x_dst, src, dst, Wl, bl, Wr, num_dst):
    # PyG SAGEConv: out = lin_l(mean_j x_j) + lin_r(x_dst)
    msgs = x_src[src]
    summed = jax.ops.segment_sum(msgs, dst, num_segments=num_dst)
    cnt = jax.ops.segment_sum(jnp.ones((src.shape[0],), jnp.float32), dst, num_segments=num_dst)
    mean = summed / jnp.maximum(cnt, 1.0)[:, None]
    return mean @ Wl + bl + x_dst @ Wr


def reference(x_user, x_book, edge_index,
              Wu1, bu1, Wu2, bu2, Wb1, bb1, Wb2, bb2,
              c1b_Wl, c1b_bl, c1b_Wr, c1u_Wl, c1u_bl, c1u_Wr,
              c2b_Wl, c2b_bl, c2b_Wr, c2u_Wl, c2u_bl, c2u_Wr,
              Wp1, bp1, Wp2, bp2):
    u_src = edge_index[0]
    b_dst = edge_index[1]
    num_ratings = x_user[:, -1:]
    exp_w = jax.nn.sigmoid(num_ratings / 10.0)
    # encoders (dropout = identity in eval)
    user_h = jax.nn.relu(x_user @ Wu1 + bu1) * exp_w
    user_h = user_h @ Wu2 + bu2
    book_h = jax.nn.relu(x_book @ Wb1 + bb1)
    book_h = book_h @ Wb2 + bb2
    # hetero conv 1: rates (user->book), rated_by (book->user, flipped edges)
    book_o = _sage(user_h, book_h, u_src, b_dst, c1b_Wl, c1b_bl, c1b_Wr, NB)
    user_o = _sage(book_h, user_h, b_dst, u_src, c1u_Wl, c1u_bl, c1u_Wr, NU)
    user_h = jax.nn.relu(user_o) * exp_w
    book_h = jax.nn.relu(book_o)
    # hetero conv 2
    book_o = _sage(user_h, book_h, u_src, b_dst, c2b_Wl, c2b_bl, c2b_Wr, NB)
    user_o = _sage(book_h, user_h, b_dst, u_src, c2u_Wl, c2u_bl, c2u_Wr, NU)
    user_f = jax.nn.relu(user_o) * exp_w
    book_f = jax.nn.relu(book_o)
    # edge_label_index defaults to rates edges
    user_emb = user_f[u_src]
    book_emb = book_f[b_dst]
    x = jnp.concatenate([user_emb, book_emb], axis=-1)
    h = jax.nn.relu(x @ Wp1 + bp1)
    pred = h @ Wp2 + bp2
    pred = 1.0 + 4.0 * jax.nn.sigmoid(pred)
    return jnp.squeeze(pred, axis=-1)

if __name__ == "__main__":
    import jax
    _d = setup_inputs()
    print(jax.jit(kernel)(*tuple(_d.values())))

</pallas_src>

<mosaic_0001>
#map = affine_map<(d0, d1) -> (0, 0)>
#map1 = affine_map<(d0, d1) -> (0)>
module attributes {stable_mosaic.version = 14 : i64} {
  func.func @body(%arg0: i32, %arg1: i32, %arg2: memref<20000x128xf32, #tpu.memory_space<hbm>>, %arg3: memref<640000xi32, #tpu.memory_space<hbm>>, %arg4: memref<320000xi32, #tpu.memory_space<hbm>>, %arg5: memref<10000x128xf32, #tpu.memory_space<hbm>>, %arg6: memref<10000x16xf32, #tpu.memory_space<hbm>>, %arg7: memref<80x16xf32, #tpu.memory_space<hbm>>, %arg8: memref<20000x128xf32, #tpu.memory_space<hbm>>, %arg9: memref<4000xi32, #tpu.memory_space<vmem>>, %arg10: memref<4000xi32, #tpu.memory_space<vmem>>, %arg11: memref<80x128xf32, #tpu.memory_space<vmem>>, %arg12: memref<80x128xf32, #tpu.memory_space<vmem>>, %arg13: memref<80x16xf32, #tpu.memory_space<vmem>>, %arg14: memref<10000x128xf32, #tpu.memory_space<vmem_shared>>, %arg15: memref<10000x16xf32, #tpu.memory_space<vmem_shared>>, %arg16: memref<!tpu.dma_semaphore, #tpu.memory_space<semaphore_mem>>, %arg17: memref<!tpu.dma_semaphore, #tpu.memory_space<semaphore_mem>>) attributes {dimension_semantics = [#tpu.dimension_semantics<core_parallel>, #tpu.dimension_semantics<subcore_parallel>], iteration_bounds = array<i64: 2, 16>, scalar_prefetch = 0 : i64, scratch_operands = 9 : i64, tpu.core_type = #tpu.core_type<sc_vector_subcore>, window_params = [{transform_indices = #map}, {transform_indices = #map1}, {transform_indices = #map1}, {transform_indices = #map}, {transform_indices = #map}, {transform_indices = #map}, {transform_indices = #map}]} {
    %mul3A = arith.constant 624 : i32
    %mul3A_0 = arith.muli %arg1, %mul3A : i32
    %multiple_of3A = tpu.assume_multiple %mul3A_0, 8 : i32
    "tpu.region"() ({
      %run_scoped3A = tpu.sem_alloc : memref<!tpu.dma_semaphore, #tpu.memory_space<semaphore_mem>>
      %dma_start3A = arith.constant 0 : i32
      %dma_start3A_28 = tpu.memref_slice %arg14[%multiple_of3A, %dma_start3A] : memref<10000x128xf32, #tpu.memory_space<vmem_shared>> -> memref<624x128xf32, #tpu.memory_space<vmem_shared>>
      %dma_start3A_29 = arith.constant 0 : i32
      %dma_start3A_30 = tpu.memref_slice %arg5[%multiple_of3A, %dma_start3A_29] : memref<10000x128xf32, #tpu.memory_space<hbm>> -> memref<624x128xf32, #tpu.memory_space<hbm>>
      tpu.enqueue_dma source(%dma_start3A_30 : memref<624x128xf32, #tpu.memory_space<hbm>>) target(%dma_start3A_28 : memref<624x128xf32, #tpu.memory_space<vmem_shared>>) target_semaphore(%run_scoped3A : memref<!tpu.dma_semaphore, #tpu.memory_space<semaphore_mem>>)
      %dma_wait3A = arith.constant 0 : i32
      %dma_wait3A_31 = tpu.memref_slice %arg14[%multiple_of3A, %dma_wait3A] : memref<10000x128xf32, #tpu.memory_space<vmem_shared>> -> memref<624x128xf32, #tpu.memory_space<vmem_shared>>
      %dma_wait3A_32 = arith.constant 0 : i32
      %dma_wait3A_33 = tpu.memref_slice %arg5[%multiple_of3A, %dma_wait3A_32] : memref<10000x128xf32, #tpu.memory_space<hbm>> -> memref<624x128xf32, #tpu.memory_space<hbm>>
      tpu.wait_dma2 semaphore(%run_scoped3A : memref<!tpu.dma_semaphore, #tpu.memory_space<semaphore_mem>>) src(%dma_wait3A_33 : memref<624x128xf32, #tpu.memory_space<hbm>>) dst(%dma_wait3A_31 : memref<624x128xf32, #tpu.memory_space<vmem_shared>>)
      tpu.yield
    }) : () -> ()
    %eq3A = arith.constant 15 : i32
    %eq3A_1 = arith.cmpi eq, %arg1, %eq3A : i32
    %convert_element_type3A = arith.extui %eq3A_1 : i1 to i32
    %cond3A = arith.constant 0 : i32
    %cond3A_2 = arith.cmpi ne, %convert_element_type3A, %cond3A : i32
    scf.if %cond3A_2 {
      "tpu.region"() ({
        %run_scoped3A = tpu.sem_alloc : memref<!tpu.dma_semaphore, #tpu.memory_space<semaphore_mem>>
        %dma_start3A = arith.constant 9984 : i32
        %dma_start3A_28 = arith.constant 0 : i32
        %dma_start3A_29 = tpu.memref_slice %arg14[%dma_start3A, %dma_start3A_28] : memref<10000x128xf32, #tpu.memory_space<vmem_shared>> -> memref<16x128xf32, #tpu.memory_space<vmem_shared>>
        %dma_start3A_30 = arith.constant 9984 : i32
        %dma_start3A_31 = arith.constant 0 : i32
        %dma_start3A_32 = tpu.memref_slice %arg5[%dma_start3A_30, %dma_start3A_31] : memref<10000x128xf32, #tpu.memory_space<hbm>> -> memref<16x128xf32, #tpu.memory_space<hbm>>
        tpu.enqueue_dma source(%dma_start3A_32 : memref<16x128xf32, #tpu.memory_space<hbm>>) target(%dma_start3A_29 : memref<16x128xf32, #tpu.memory_space<vmem_shared>>) target_semaphore(%run_scoped3A : memref<!tpu.dma_semaphore, #tpu.memory_space<semaphore_mem>>)
        %dma_wait3A = arith.constant 9984 : i32
        %dma_wait3A_33 = arith.constant 0 : i32
        %dma_wait3A_34 = tpu.memref_slice %arg14[%dma_wait3A, %dma_wait3A_33] : memref<10000x128xf32, #tpu.memory_space<vmem_shared>> -> memref<16x128xf32, #tpu.memory_space<vmem_shared>>
        %dma_wait3A_35 = arith.constant 9984 : i32
        %dma_wait3A_36 = arith.constant 0 : i32
        %dma_wait3A_37 = tpu.memref_slice %arg5[%dma_wait3A_35, %dma_wait3A_36] : memref<10000x128xf32, #tpu.memory_space<hbm>> -> memref<16x128xf32, #tpu.memory_space<hbm>>
        tpu.wait_dma2 semaphore(%run_scoped3A : memref<!tpu.dma_semaphore, #tpu.memory_space<semaphore_mem>>) src(%dma_wait3A_37 : memref<16x128xf32, #tpu.memory_space<hbm>>) dst(%dma_wait3A_34 : memref<16x128xf32, #tpu.memory_space<vmem_shared>>)
        tpu.yield
      }) : () -> ()
    } else {
    }
    %mul3A_3 = arith.constant 320000 : i32
    %mul3A_4 = arith.muli %arg0, %mul3A_3 : i32
    %mul3A_5 = arith.constant 20000 : i32
    %mul3A_6 = arith.muli %arg1, %mul3A_5 : i32
    %add3A = arith.addi %mul3A_4, %mul3A_6 : i32
    %multiple_of3A_7 = tpu.assume_multiple %add3A, 8 : i32
    %mul3A_8 = arith.constant 20000 : i32
    %mul3A_9 = arith.muli %arg1, %mul3A_8 : i32
    %multiple_of3A_10 = tpu.assume_multiple %mul3A_9, 8 : i32
    %barrier3A = arith.constant 0 : index
    tpu.barrier barrier_id(%barrier3A)
    %scan3A = arith.constant 0 : i32
    %scan3A_11 = arith.constant 0 : i32
    %scan3A_12 = arith.constant 5 : i32
    %scan3A_13 = arith.addi %scan3A_11, %scan3A_12 : i32
    %scan3A_14 = arith.constant 1 : i32
    scf.for %scan3A_28 = %scan3A_11 to %scan3A_13 step %scan3A_14  : i32 {
      %mul3A_29 = arith.constant 4000 : i32
      %mul3A_30 = arith.muli %scan3A_28, %mul3A_29 : i32
      %add3A_31 = arith.addi %multiple_of3A_7, %mul3A_30 : i32
      "tpu.region"() ({
        %run_scoped3A = tpu.sem_alloc : memref<!tpu.dma_semaphore, #tpu.memory_space<semaphore_mem>>
        %dma_start3A_43 = tpu.memref_slice %arg3[%add3A_31] : memref<640000xi32, #tpu.memory_space<hbm>> -> memref<4000xi32, #tpu.memory_space<hbm>>
        %dma_start3A_44 = tpu.memref_slice %arg3[%add3A_31] : memref<640000xi32, #tpu.memory_space<hbm>> -> memref<4000xi32, #tpu.memory_space<hbm>>
        tpu.enqueue_dma source(%dma_start3A_44 : memref<4000xi32, #tpu.memory_space<hbm>>) target(%arg9 : memref<4000xi32, #tpu.memory_space<vmem>>) target_semaphore(%run_scoped3A : memref<!tpu.dma_semaphore, #tpu.memory_space<semaphore_mem>>)
        %dma_wait3A = tpu.memref_slice %arg3[%add3A_31] : memref<640000xi32, #tpu.memory_space<hbm>> -> memref<4000xi32, #tpu.memory_space<hbm>>
        %dma_wait3A_45 = tpu.memref_slice %arg3[%add3A_31] : memref<640000xi32, #tpu.memory_space<hbm>> -> memref<4000xi32, #tpu.memory_space<hbm>>
        tpu.wait_dma2 semaphore(%run_scoped3A : memref<!tpu.dma_semaphore, #tpu.memory_space<semaphore_mem>>) src(%dma_wait3A_45 : memref<4000xi32, #tpu.memory_space<hbm>>) dst(%arg9 : memref<4000xi32, #tpu.memory_space<vmem>>)
        tpu.yield
      }) : () -> ()
      %add3A_32 = arith.addi %multiple_of3A_10, %mul3A_30 : i32
      "tpu.region"() ({
        %run_scoped3A = tpu.sem_alloc : memref<!tpu.dma_semaphore, #tpu.memory_space<semaphore_mem>>
        %dma_start3A_43 = tpu.memref_slice %arg4[%add3A_32] : memref<320000xi32, #tpu.memory_space<hbm>> -> memref<4000xi32, #tpu.memory_space<hbm>>
        %dma_start3A_44 = tpu.memref_slice %arg4[%add3A_32] : memref<320000xi32, #tpu.memory_space<hbm>> -> memref<4000xi32, #tpu.memory_space<hbm>>
        tpu.enqueue_dma source(%dma_start3A_44 : memref<4000xi32, #tpu.memory_space<hbm>>) target(%arg10 : memref<4000xi32, #tpu.memory_space<vmem>>) target_semaphore(%run_scoped3A : memref<!tpu.dma_semaphore, #tpu.memory_space<semaphore_mem>>)
        %dma_wait3A = tpu.memref_slice %arg4[%add3A_32] : memref<320000xi32, #tpu.memory_space<hbm>> -> memref<4000xi32, #tpu.memory_space<hbm>>
        %dma_wait3A_45 = tpu.memref_slice %arg4[%add3A_32] : memref<320000xi32, #tpu.memory_space<hbm>> -> memref<4000xi32, #tpu.memory_space<hbm>>
        tpu.wait_dma2 semaphore(%run_scoped3A : memref<!tpu.dma_semaphore, #tpu.memory_space<semaphore_mem>>) src(%dma_wait3A_45 : memref<4000xi32, #tpu.memory_space<hbm>>) dst(%arg10 : memref<4000xi32, #tpu.memory_space<vmem>>)
        tpu.yield
      }) : () -> ()
      %dma_start3A = arith.constant 0 : i32
      %dma_start3A_33 = tpu.memref_slice %arg9[%dma_start3A] : memref<4000xi32, #tpu.memory_space<vmem>> -> memref<80xi32, #tpu.memory_space<vmem>>
      %dma_start3A_34 = arith.constant 0 : i32
      %dma_start3A_35 = arith.constant 0 : i32
      %dma_start3A_36 = tpu.memref_slice %arg2[%dma_start3A_34, %dma_start3A_35] : memref<20000x128xf32, #tpu.memory_space<hbm>> -> memref<20000x128xf32, #tpu.memory_space<hbm>>
      tpu.enqueue_indirect_dma source(%dma_start3A_36 : memref<20000x128xf32, #tpu.memory_space<hbm>>) target(%arg11 : memref<80x128xf32, #tpu.memory_space<vmem>>) offsets(%dma_start3A_33 : memref<80xi32, #tpu.memory_space<vmem>>) semaphore(%arg16 : memref<!tpu.dma_semaphore, #tpu.memory_space<semaphore_mem>>)
      %scan3A_37 = arith.constant 0 : i32
      %scan3A_38 = arith.constant 0 : i32
      %scan3A_39 = arith.constant 25 : i32
      %scan3A_40 = arith.addi %scan3A_38, %scan3A_39 : i32
      %scan3A_41 = arith.constant 1 : i32
      scf.for %scan3A_43 = %scan3A_38 to %scan3A_40 step %scan3A_41  : i32 {
        %mul3A_44 = arith.constant 2 : i32
        %mul3A_45 = arith.muli %scan3A_43, %mul3A_44 : i32
        %add3A_46 = arith.constant 0 : i32
        %add3A_47 = arith.addi %mul3A_45, %add3A_46 : i32
        %mul3A_48 = arith.constant 80 : i32
        %mul3A_49 = arith.muli %add3A_47, %mul3A_48 : i32
        %multiple_of3A_50 = tpu.assume_multiple %mul3A_49, 8 : i32
        %add3A_51 = arith.constant 1 : i32
        %add3A_52 = arith.addi %add3A_47, %add3A_51 : i32
        %lt3A = arith.constant 50 : i32
        %lt3A_53 = arith.cmpi slt, %add3A_52, %lt3A : i32
        %convert_element_type3A_54 = arith.extui %lt3A_53 : i1 to i32
        %cond3A_55 = arith.constant 0 : i32
        %cond3A_56 = arith.cmpi ne, %convert_element_type3A_54, %cond3A_55 : i32
        scf.if %cond3A_56 {
          %add3A_78 = arith.constant 1 : i32
          %add3A_79 = arith.addi %add3A_47, %add3A_78 : i32
          %mul3A_80 = arith.constant 80 : i32
          %mul3A_81 = arith.muli %add3A_79, %mul3A_80 : i32
          %multiple_of3A_82 = tpu.assume_multiple %mul3A_81, 8 : i32
          %dma_start3A_83 = tpu.memref_slice %arg9[%multiple_of3A_82] : memref<4000xi32, #tpu.memory_space<vmem>> -> memref<80xi32, #tpu.memory_space<vmem>>
          %dma_start3A_84 = arith.constant 0 : i32
          %dma_start3A_85 = arith.constant 0 : i32
          %dma_start3A_86 = tpu.memref_slice %arg2[%dma_start3A_84, %dma_start3A_85] : memref<20000x128xf32, #tpu.memory_space<hbm>> -> memref<20000x128xf32, #tpu.memory_space<hbm>>
          tpu.enqueue_indirect_dma source(%dma_start3A_86 : memref<20000x128xf32, #tpu.memory_space<hbm>>) target(%arg12 : memref<80x128xf32, #tpu.memory_space<vmem>>) offsets(%dma_start3A_83 : memref<80xi32, #tpu.memory_space<vmem>>) semaphore(%arg17 : memref<!tpu.dma_semaphore, #tpu.memory_space<semaphore_mem>>)
        } else {
        }
        %dma_wait3A = tpu.memref_slice %arg9[%multiple_of3A_50] : memref<4000xi32, #tpu.memory_space<vmem>> -> memref<80xi32, #tpu.memory_space<vmem>>
        %dma_wait3A_57 = arith.constant 0 : i32
        %dma_wait3A_58 = arith.constant 0 : i32
        %dma_wait3A_59 = tpu.memref_slice %arg2[%dma_wait3A_57, %dma_wait3A_58] : memref<20000x128xf32, #tpu.memory_space<hbm>> -> memref<20000x128xf32, #tpu.memory_space<hbm>>
        tpu.wait_indirect_dma semaphore(%arg16 : memref<!tpu.dma_semaphore, #tpu.memory_space<semaphore_mem>>) src(%dma_wait3A_59 : memref<20000x128xf32, #tpu.memory_space<hbm>>) dst(%arg11 : memref<80x128xf32, #tpu.memory_space<vmem>>)
        "tpu.region"() ({
          %run_scoped3A = tpu.sem_alloc : memref<!tpu.dma_semaphore, #tpu.memory_space<semaphore_mem>>
          %dma_start3A_78 = tpu.memref_slice %arg10[%multiple_of3A_50] : memref<4000xi32, #tpu.memory_space<vmem>> -> memref<80xi32, #tpu.memory_space<vmem>>
          %dma_start3A_79 = arith.constant 0 : i32
          %dma_start3A_80 = arith.constant 0 : i32
          %dma_start3A_81 = tpu.memref_slice %arg14[%dma_start3A_79, %dma_start3A_80] : memref<10000x128xf32, #tpu.memory_space<vmem_shared>> -> memref<10000x128xf32, #tpu.memory_space<vmem_shared>>
          tpu.enqueue_indirect_dma source(%arg11 : memref<80x128xf32, #tpu.memory_space<vmem>>) target(%dma_start3A_81 : memref<10000x128xf32, #tpu.memory_space<vmem_shared>>) offsets(%dma_start3A_78 : memref<80xi32, #tpu.memory_space<vmem>>) semaphore(%run_scoped3A : memref<!tpu.dma_semaphore, #tpu.memory_space<semaphore_mem>>) {add = true}
          %dma_wait3A_82 = tpu.memref_slice %arg10[%multiple_of3A_50] : memref<4000xi32, #tpu.memory_space<vmem>> -> memref<80xi32, #tpu.memory_space<vmem>>
          %dma_wait3A_83 = arith.constant 0 : i32
          %dma_wait3A_84 = arith.constant 0 : i32
          %dma_wait3A_85 = tpu.memref_slice %arg14[%dma_wait3A_83, %dma_wait3A_84] : memref<10000x128xf32, #tpu.memory_space<vmem_shared>> -> memref<10000x128xf32, #tpu.memory_space<vmem_shared>>
          tpu.wait_indirect_dma semaphore(%run_scoped3A : memref<!tpu.dma_semaphore, #tpu.memory_space<semaphore_mem>>) src(%arg11 : memref<80x128xf32, #tpu.memory_space<vmem>>) dst(%dma_wait3A_85 : memref<10000x128xf32, #tpu.memory_space<vmem_shared>>)
          tpu.yield
        }) : () -> ()
        %mul3A_60 = arith.constant 2 : i32
        %mul3A_61 = arith.muli %scan3A_43, %mul3A_60 : i32
        %add3A_62 = arith.constant 1 : i32
        %add3A_63 = arith.addi %mul3A_61, %add3A_62 : i32
        %mul3A_64 = arith.constant 80 : i32
        %mul3A_65 = arith.muli %add3A_63, %mul3A_64 : i32
        %multiple_of3A_66 = tpu.assume_multiple %mul3A_65, 8 : i32
        %add3A_67 = arith.constant 1 : i32
        %add3A_68 = arith.addi %add3A_63, %add3A_67 : i32
        %lt3A_69 = arith.constant 50 : i32
        %lt3A_70 = arith.cmpi slt, %add3A_68, %lt3A_69 : i32
        %convert_element_type3A_71 = arith.extui %lt3A_70 : i1 to i32
        %cond3A_72 = arith.constant 0 : i32
        %cond3A_73 = arith.cmpi ne, %convert_element_type3A_71, %cond3A_72 : i32
        scf.if %cond3A_73 {
          %add3A_78 = arith.constant 1 : i32
          %add3A_79 = arith.addi %add3A_63, %add3A_78 : i32
          %mul3A_80 = arith.constant 80 : i32
          %mul3A_81 = arith.muli %add3A_79, %mul3A_80 : i32
          %multiple_of3A_82 = tpu.assume_multiple %mul3A_81, 8 : i32
          %dma_start3A_83 = tpu.memref_slice %arg9[%multiple_of3A_82] : memref<4000xi32, #tpu.memory_space<vmem>> -> memref<80xi32, #tpu.memory_space<vmem>>
          %dma_start3A_84 = arith.constant 0 : i32
          %dma_start3A_85 = arith.constant 0 : i32
          %dma_start3A_86 = tpu.memref_slice %arg2[%dma_start3A_84, %dma_start3A_85] : memref<20000x128xf32, #tpu.memory_space<hbm>> -> memref<20000x128xf32, #tpu.memory_space<hbm>>
          tpu.enqueue_indirect_dma source(%dma_start3A_86 : memref<20000x128xf32, #tpu.memory_space<hbm>>) target(%arg11 : memref<80x128xf32, #tpu.memory_space<vmem>>) offsets(%dma_start3A_83 : memref<80xi32, #tpu.memory_space<vmem>>) semaphore(%arg16 : memref<!tpu.dma_semaphore, #tpu.memory_space<semaphore_mem>>)
        } else {
        }
        %dma_wait3A_74 = tpu.memref_slice %arg9[%multiple_of3A_66] : memref<4000xi32, #tpu.memory_space<vmem>> -> memref<80xi32, #tpu.memory_space<vmem>>
        %dma_wait3A_75 = arith.constant 0 : i32
        %dma_wait3A_76 = arith.constant 0 : i32
        %dma_wait3A_77 = tpu.memref_slice %arg2[%dma_wait3A_75, %dma_wait3A_76] : memref<20000x128xf32, #tpu.memory_space<hbm>> -> memref<20000x128xf32, #tpu.memory_space<hbm>>
        tpu.wait_indirect_dma semaphore(%arg17 : memref<!tpu.dma_semaphore, #tpu.memory_space<semaphore_mem>>) src(%dma_wait3A_77 : memref<20000x128xf32, #tpu.memory_space<hbm>>) dst(%arg12 : memref<80x128xf32, #tpu.memory_space<vmem>>)
        "tpu.region"() ({
          %run_scoped3A = tpu.sem_alloc : memref<!tpu.dma_semaphore, #tpu.memory_space<semaphore_mem>>
          %dma_start3A_78 = tpu.memref_slice %arg10[%multiple_of3A_66] : memref<4000xi32, #tpu.memory_space<vmem>> -> memref<80xi32, #tpu.memory_space<vmem>>
          %dma_start3A_79 = arith.constant 0 : i32
          %dma_start3A_80 = arith.constant 0 : i32
          %dma_start3A_81 = tpu.memref_slice %arg14[%dma_start3A_79, %dma_start3A_80] : memref<10000x128xf32, #tpu.memory_space<vmem_shared>> -> memref<10000x128xf32, #tpu.memory_space<vmem_shared>>
          tpu.enqueue_indirect_dma source(%arg12 : memref<80x128xf32, #tpu.memory_space<vmem>>) target(%dma_start3A_81 : memref<10000x128xf32, #tpu.memory_space<vmem_shared>>) offsets(%dma_start3A_78 : memref<80xi32, #tpu.memory_space<vmem>>) semaphore(%run_scoped3A : memref<!tpu.dma_semaphore, #tpu.memory_space<semaphore_mem>>) {add = true}
          %dma_wait3A_82 = tpu.memref_slice %arg10[%multiple_of3A_66] : memref<4000xi32, #tpu.memory_space<vmem>> -> memref<80xi32, #tpu.memory_space<vmem>>
          %dma_wait3A_83 = arith.constant 0 : i32
          %dma_wait3A_84 = arith.constant 0 : i32
          %dma_wait3A_85 = tpu.memref_slice %arg14[%dma_wait3A_83, %dma_wait3A_84] : memref<10000x128xf32, #tpu.memory_space<vmem_shared>> -> memref<10000x128xf32, #tpu.memory_space<vmem_shared>>
          tpu.wait_indirect_dma semaphore(%run_scoped3A : memref<!tpu.dma_semaphore, #tpu.memory_space<semaphore_mem>>) src(%arg12 : memref<80x128xf32, #tpu.memory_space<vmem>>) dst(%dma_wait3A_85 : memref<10000x128xf32, #tpu.memory_space<vmem_shared>>)
          tpu.yield
        }) : () -> ()
      }
      %scan3A_42 = arith.constant 25 : i32
    }
    %scan3A_15 = arith.constant 5 : i32
    %barrier3A_16 = arith.constant 0 : index
    tpu.barrier barrier_id(%barrier3A_16)
    %mul3A_17 = arith.constant 10000 : i32
    %mul3A_18 = arith.muli %arg0, %mul3A_17 : i32
    %mul3A_19 = arith.constant 624 : i32
    %mul3A_20 = arith.muli %arg1, %mul3A_19 : i32
    %add3A_21 = arith.addi %mul3A_18, %mul3A_20 : i32
    %multiple_of3A_22 = tpu.assume_multiple %add3A_21, 8 : i32
    "tpu.region"() ({
      %run_scoped3A = tpu.sem_alloc : memref<!tpu.dma_semaphore, #tpu.memory_space<semaphore_mem>>
      %dma_start3A = arith.constant 0 : i32
      %dma_start3A_28 = tpu.memref_slice %arg8[%multiple_of3A_22, %dma_start3A] : memref<20000x128xf32, #tpu.memory_space<hbm>> -> memref<624x128xf32, #tpu.memory_space<hbm>>
      %dma_start3A_29 = arith.constant 0 : i32
      %dma_start3A_30 = tpu.memref_slice %arg14[%multiple_of3A, %dma_start3A_29] : memref<10000x128xf32, #tpu.memory_space<vmem_shared>> -> memref<624x128xf32, #tpu.memory_space<vmem_shared>>
      tpu.enqueue_dma source(%dma_start3A_30 : memref<624x128xf32, #tpu.memory_space<vmem_shared>>) target(%dma_start3A_28 : memref<624x128xf32, #tpu.memory_space<hbm>>) target_semaphore(%run_scoped3A : memref<!tpu.dma_semaphore, #tpu.memory_space<semaphore_mem>>)
      %dma_wait3A = arith.constant 0 : i32
      %dma_wait3A_31 = tpu.memref_slice %arg8[%multiple_of3A_22, %dma_wait3A] : memref<20000x128xf32, #tpu.memory_space<hbm>> -> memref<624x128xf32, #tpu.memory_space<hbm>>
      %dma_wait3A_32 = arith.constant 0 : i32
      %dma_wait3A_33 = tpu.memref_slice %arg14[%multiple_of3A, %dma_wait3A_32] : memref<10000x128xf32, #tpu.memory_space<vmem_shared>> -> memref<624x128xf32, #tpu.memory_space<vmem_shared>>
      tpu.wait_dma2 semaphore(%run_scoped3A : memref<!tpu.dma_semaphore, #tpu.memory_space<semaphore_mem>>) src(%dma_wait3A_33 : memref<624x128xf32, #tpu.memory_space<vmem_shared>>) dst(%dma_wait3A_31 : memref<624x128xf32, #tpu.memory_space<hbm>>)
      tpu.yield
    }) : () -> ()
    %eq3A_23 = arith.constant 15 : i32
    %eq3A_24 = arith.cmpi eq, %arg1, %eq3A_23 : i32
    %convert_element_type3A_25 = arith.extui %eq3A_24 : i1 to i32
    %cond3A_26 = arith.constant 0 : i32
    %cond3A_27 = arith.cmpi ne, %convert_element_type3A_25, %cond3A_26 : i32
    scf.if %cond3A_27 {
      %mul3A_28 = arith.constant 10000 : i32
      %mul3A_29 = arith.muli %arg0, %mul3A_28 : i32
      %add3A_30 = arith.constant 9984 : i32
      %add3A_31 = arith.addi %mul3A_29, %add3A_30 : i32
      %multiple_of3A_32 = tpu.assume_multiple %add3A_31, 8 : i32
      "tpu.region"() ({
        %run_scoped3A = tpu.sem_alloc : memref<!tpu.dma_semaphore, #tpu.memory_space<semaphore_mem>>
        %dma_start3A = arith.constant 0 : i32
        %dma_start3A_33 = tpu.memref_slice %arg8[%multiple_of3A_32, %dma_start3A] : memref<20000x128xf32, #tpu.memory_space<hbm>> -> memref<16x128xf32, #tpu.memory_space<hbm>>
        %dma_start3A_34 = arith.constant 9984 : i32
        %dma_start3A_35 = arith.constant 0 : i32
        %dma_start3A_36 = tpu.memref_slice %arg14[%dma_start3A_34, %dma_start3A_35] : memref<10000x128xf32, #tpu.memory_space<vmem_shared>> -> memref<16x128xf32, #tpu.memory_space<vmem_shared>>
        tpu.enqueue_dma source(%dma_start3A_36 : memref<16x128xf32, #tpu.memory_space<vmem_shared>>) target(%dma_start3A_33 : memref<16x128xf32, #tpu.memory_space<hbm>>) target_semaphore(%run_scoped3A : memref<!tpu.dma_semaphore, #tpu.memory_space<semaphore_mem>>)
        %dma_wait3A = arith.constant 0 : i32
        %dma_wait3A_37 = tpu.memref_slice %arg8[%multiple_of3A_32, %dma_wait3A] : memref<20000x128xf32, #tpu.memory_space<hbm>> -> memref<16x128xf32, #tpu.memory_space<hbm>>
        %dma_wait3A_38 = arith.constant 9984 : i32
        %dma_wait3A_39 = arith.constant 0 : i32
        %dma_wait3A_40 = tpu.memref_slice %arg14[%dma_wait3A_38, %dma_wait3A_39] : memref<10000x128xf32, #tpu.memory_space<vmem_shared>> -> memref<16x128xf32, #tpu.memory_space<vmem_shared>>
        tpu.wait_dma2 semaphore(%run_scoped3A : memref<!tpu.dma_semaphore, #tpu.memory_space<semaphore_mem>>) src(%dma_wait3A_40 : memref<16x128xf32, #tpu.memory_space<vmem_shared>>) dst(%dma_wait3A_37 : memref<16x128xf32, #tpu.memory_space<hbm>>)
        tpu.yield
      }) : () -> ()
    } else {
    }
    return
  }
}

#map = affine_map<(d0, d1) -> (0, 0)>
#map1 = affine_map<(d0, d1) -> (0)>
module attributes {stable_mosaic.version = 14 : i64} {
  func.func @body(%arg0: i32, %arg1: i32, %arg2: memref<20000x128xf32, #tpu.memory_space<hbm>>, %arg3: memref<640000xi32, #tpu.memory_space<hbm>>, %arg4: memref<320000xi32, #tpu.memory_space<hbm>>, %arg5: memref<10000x128xf32, #tpu.memory_space<hbm>>, %arg6: memref<10000x16xf32, #tpu.memory_space<hbm>>, %arg7: memref<80x16xf32, #tpu.memory_space<hbm>>, %arg8: memref<20000x128xf32, #tpu.memory_space<hbm>>, %arg9: memref<20000x16xf32, #tpu.memory_space<hbm>>, %arg10: memref<4000xi32, #tpu.memory_space<vmem>>, %arg11: memref<4000xi32, #tpu.memory_space<vmem>>, %arg12: memref<80x128xf32, #tpu.memory_space<vmem>>, %arg13: memref<80x128xf32, #tpu.memory_space<vmem>>, %arg14: memref<80x16xf32, #tpu.memory_space<vmem>>, %arg15: memref<10000x128xf32, #tpu.memory_space<vmem_shared>>, %arg16: memref<10000x16xf32, #tpu.memory_space<vmem_shared>>, %arg17: memref<!tpu.dma_semaphore, #tpu.memory_space<semaphore_mem>>, %arg18: memref<!tpu.dma_semaphore, #tpu.memory_space<semaphore_mem>>) attributes {dimension_semantics = [#tpu.dimension_semantics<core_parallel>, #tpu.dimension_semantics<subcore_parallel>], iteration_bounds = array<i64: 2, 16>, scalar_prefetch = 0 : i64, scratch_operands = 9 : i64, tpu.core_type = #tpu.core_type<sc_vector_subcore>, window_params = [{transform_indices = #map}, {transform_indices = #map1}, {transform_indices = #map1}, {transform_indices = #map}, {transform_indices = #map}, {transform_indices = #map}, {transform_indices = #map}, {transform_indices = #map}]} {
    %mul3A = arith.constant 624 : i32
    %mul3A_0 = arith.muli %arg1, %mul3A : i32
    %multiple_of3A = tpu.assume_multiple %mul3A_0, 8 : i32
    "tpu.region"() ({
      %run_scoped3A = tpu.sem_alloc : memref<!tpu.dma_semaphore, #tpu.memory_space<semaphore_mem>>
      %dma_start3A = arith.constant 0 : i32
      %dma_start3A_28 = tpu.memref_slice %arg15[%multiple_of3A, %dma_start3A] : memref<10000x128xf32, #tpu.memory_space<vmem_shared>> -> memref<624x128xf32, #tpu.memory_space<vmem_shared>>
      %dma_start3A_29 = arith.constant 0 : i32
      %dma_start3A_30 = tpu.memref_slice %arg5[%multiple_of3A, %dma_start3A_29] : memref<10000x128xf32, #tpu.memory_space<hbm>> -> memref<624x128xf32, #tpu.memory_space<hbm>>
      tpu.enqueue_dma source(%dma_start3A_30 : memref<624x128xf32, #tpu.memory_space<hbm>>) target(%dma_start3A_28 : memref<624x128xf32, #tpu.memory_space<vmem_shared>>) target_semaphore(%run_scoped3A : memref<!tpu.dma_semaphore, #tpu.memory_space<semaphore_mem>>)
      %dma_wait3A = arith.constant 0 : i32
      %dma_wait3A_31 = tpu.memref_slice %arg15[%multiple_of3A, %dma_wait3A] : memref<10000x128xf32, #tpu.memory_space<vmem_shared>> -> memref<624x128xf32, #tpu.memory_space<vmem_shared>>
      %dma_wait3A_32 = arith.constant 0 : i32
      %dma_wait3A_33 = tpu.memref_slice %arg5[%multiple_of3A, %dma_wait3A_32] : memref<10000x128xf32, #tpu.memory_space<hbm>> -> memref<624x128xf32, #tpu.memory_space<hbm>>
      tpu.wait_dma2 semaphore(%run_scoped3A : memref<!tpu.dma_semaphore, #tpu.memory_space<semaphore_mem>>) src(%dma_wait3A_33 : memref<624x128xf32, #tpu.memory_space<hbm>>) dst(%dma_wait3A_31 : memref<624x128xf32, #tpu.memory_space<vmem_shared>>)
      tpu.yield
    }) : () -> ()
    "tpu.region"() ({
      %run_scoped3A = tpu.sem_alloc : memref<!tpu.dma_semaphore, #tpu.memory_space<semaphore_mem>>
      %dma_start3A = arith.constant 0 : i32
      %dma_start3A_28 = tpu.memref_slice %arg16[%multiple_of3A, %dma_start3A] : memref<10000x16xf32, #tpu.memory_space<vmem_shared>> -> memref<624x16xf32, #tpu.memory_space<vmem_shared>>
      %dma_start3A_29 = arith.constant 0 : i32
      %dma_start3A_30 = tpu.memref_slice %arg6[%multiple_of3A, %dma_start3A_29] : memref<10000x16xf32, #tpu.memory_space<hbm>> -> memref<624x16xf32, #tpu.memory_space<hbm>>
      tpu.enqueue_dma source(%dma_start3A_30 : memref<624x16xf32, #tpu.memory_space<hbm>>) target(%dma_start3A_28 : memref<624x16xf32, #tpu.memory_space<vmem_shared>>) target_semaphore(%run_scoped3A : memref<!tpu.dma_semaphore, #tpu.memory_space<semaphore_mem>>)
      %dma_wait3A = arith.constant 0 : i32
      %dma_wait3A_31 = tpu.memref_slice %arg16[%multiple_of3A, %dma_wait3A] : memref<10000x16xf32, #tpu.memory_space<vmem_shared>> -> memref<624x16xf32, #tpu.memory_space<vmem_shared>>
      %dma_wait3A_32 = arith.constant 0 : i32
      %dma_wait3A_33 = tpu.memref_slice %arg6[%multiple_of3A, %dma_wait3A_32] : memref<10000x16xf32, #tpu.memory_space<hbm>> -> memref<624x16xf32, #tpu.memory_space<hbm>>
      tpu.wait_dma2 semaphore(%run_scoped3A : memref<!tpu.dma_semaphore, #tpu.memory_space<semaphore_mem>>) src(%dma_wait3A_33 : memref<624x16xf32, #tpu.memory_space<hbm>>) dst(%dma_wait3A_31 : memref<624x16xf32, #tpu.memory_space<vmem_shared>>)
      tpu.yield
    }) : () -> ()
    "tpu.region"() ({
      %run_scoped3A = tpu.sem_alloc : memref<!tpu.dma_semaphore, #tpu.memory_space<semaphore_mem>>
      tpu.enqueue_dma source(%arg7 : memref<80x16xf32, #tpu.memory_space<hbm>>) target(%arg14 : memref<80x16xf32, #tpu.memory_space<vmem>>) target_semaphore(%run_scoped3A : memref<!tpu.dma_semaphore, #tpu.memory_space<semaphore_mem>>)
      tpu.wait_dma2 semaphore(%run_scoped3A : memref<!tpu.dma_semaphore, #tpu.memory_space<semaphore_mem>>) src(%arg7 : memref<80x16xf32, #tpu.memory_space<hbm>>) dst(%arg14 : memref<80x16xf32, #tpu.memory_space<vmem>>)
      tpu.yield
    }) : () -> ()
    %eq3A = arith.constant 15 : i32
    %eq3A_1 = arith.cmpi eq, %arg1, %eq3A : i32
    %convert_element_type3A = arith.extui %eq3A_1 : i1 to i32
    %cond3A = arith.constant 0 : i32
    %cond3A_2 = arith.cmpi ne, %convert_element_type3A, %cond3A : i32
    scf.if %cond3A_2 {
      "tpu.region"() ({
        %run_scoped3A = tpu.sem_alloc : memref<!tpu.dma_semaphore, #tpu.memory_space<semaphore_mem>>
        %dma_start3A = arith.constant 9984 : i32
        %dma_start3A_28 = arith.constant 0 : i32
        %dma_start3A_29 = tpu.memref_slice %arg15[%dma_start3A, %dma_start3A_28] : memref<10000x128xf32, #tpu.memory_space<vmem_shared>> -> memref<16x128xf32, #tpu.memory_space<vmem_shared>>
        %dma_start3A_30 = arith.constant 9984 : i32
        %dma_start3A_31 = arith.constant 0 : i32
        %dma_start3A_32 = tpu.memref_slice %arg5[%dma_start3A_30, %dma_start3A_31] : memref<10000x128xf32, #tpu.memory_space<hbm>> -> memref<16x128xf32, #tpu.memory_space<hbm>>
        tpu.enqueue_dma source(%dma_start3A_32 : memref<16x128xf32, #tpu.memory_space<hbm>>) target(%dma_start3A_29 : memref<16x128xf32, #tpu.memory_space<vmem_shared>>) target_semaphore(%run_scoped3A : memref<!tpu.dma_semaphore, #tpu.memory_space<semaphore_mem>>)
        %dma_wait3A = arith.constant 9984 : i32
        %dma_wait3A_33 = arith.constant 0 : i32
        %dma_wait3A_34 = tpu.memref_slice %arg15[%dma_wait3A, %dma_wait3A_33] : memref<10000x128xf32, #tpu.memory_space<vmem_shared>> -> memref<16x128xf32, #tpu.memory_space<vmem_shared>>
        %dma_wait3A_35 = arith.constant 9984 : i32
        %dma_wait3A_36 = arith.constant 0 : i32
        %dma_wait3A_37 = tpu.memref_slice %arg5[%dma_wait3A_35, %dma_wait3A_36] : memref<10000x128xf32, #tpu.memory_space<hbm>> -> memref<16x128xf32, #tpu.memory_space<hbm>>
        tpu.wait_dma2 semaphore(%run_scoped3A : memref<!tpu.dma_semaphore, #tpu.memory_space<semaphore_mem>>) src(%dma_wait3A_37 : memref<16x128xf32, #tpu.memory_space<hbm>>) dst(%dma_wait3A_34 : memref<16x128xf32, #tpu.memory_space<vmem_shared>>)
        tpu.yield
      }) : () -> ()
      "tpu.region"() ({
        %run_scoped3A = tpu.sem_alloc : memref<!tpu.dma_semaphore, #tpu.memory_space<semaphore_mem>>
        %dma_start3A = arith.constant 9984 : i32
        %dma_start3A_28 = arith.constant 0 : i32
        %dma_start3A_29 = tpu.memref_slice %arg16[%dma_start3A, %dma_start3A_28] : memref<10000x16xf32, #tpu.memory_space<vmem_shared>> -> memref<16x16xf32, #tpu.memory_space<vmem_shared>>
        %dma_start3A_30 = arith.constant 9984 : i32
        %dma_start3A_31 = arith.constant 0 : i32
        %dma_start3A_32 = tpu.memref_slice %arg6[%dma_start3A_30, %dma_start3A_31] : memref<10000x16xf32, #tpu.memory_space<hbm>> -> memref<16x16xf32, #tpu.memory_space<hbm>>
        tpu.enqueue_dma source(%dma_start3A_32 : memref<16x16xf32, #tpu.memory_space<hbm>>) target(%dma_start3A_29 : memref<16x16xf32, #tpu.memory_space<vmem_shared>>) target_semaphore(%run_scoped3A : memref<!tpu.dma_semaphore, #tpu.memory_space<semaphore_mem>>)
        %dma_wait3A = arith.constant 9984 : i32
        %dma_wait3A_33 = arith.constant 0 : i32
        %dma_wait3A_34 = tpu.memref_slice %arg16[%dma_wait3A, %dma_wait3A_33] : memref<10000x16xf32, #tpu.memory_space<vmem_shared>> -> memref<16x16xf32, #tpu.memory_space<vmem_shared>>
        %dma_wait3A_35 = arith.constant 9984 : i32
        %dma_wait3A_36 = arith.constant 0 : i32
        %dma_wait3A_37 = tpu.memref_slice %arg6[%dma_wait3A_35, %dma_wait3A_36] : memref<10000x16xf32, #tpu.memory_space<hbm>> -> memref<16x16xf32, #tpu.memory_space<hbm>>
        tpu.wait_dma2 semaphore(%run_scoped3A : memref<!tpu.dma_semaphore, #tpu.memory_space<semaphore_mem>>) src(%dma_wait3A_37 : memref<16x16xf32, #tpu.memory_space<hbm>>) dst(%dma_wait3A_34 : memref<16x16xf32, #tpu.memory_space<vmem_shared>>)
        tpu.yield
      }) : () -> ()
    } else {
    }
    %mul3A_3 = arith.constant 320000 : i32
    %mul3A_4 = arith.muli %arg0, %mul3A_3 : i32
    %mul3A_5 = arith.constant 20000 : i32
    %mul3A_6 = arith.muli %arg1, %mul3A_5 : i32
    %add3A = arith.addi %mul3A_4, %mul3A_6 : i32
    %multiple_of3A_7 = tpu.assume_multiple %add3A, 8 : i32
    %mul3A_8 = arith.constant 20000 : i32
    %mul3A_9 = arith.muli %arg1, %mul3A_8 : i32
    %multiple_of3A_10 = tpu.assume_multiple %mul3A_9, 8 : i32
    %barrier3A = arith.constant 0 : index
    tpu.barrier barrier_id(%barrier3A)
    %scan3A = arith.constant 0 : i32
    %scan3A_11 = arith.constant 0 : i32
    %scan3A_12 = arith.constant 5 : i32
    %scan3A_13 = arith.addi %scan3A_11, %scan3A_12 : i32
    %scan3A_14 = arith.constant 1 : i32
    scf.for %scan3A_28 = %scan3A_11 to %scan3A_13 step %scan3A_14  : i32 {
      %mul3A_29 = arith.constant 4000 : i32
      %mul3A_30 = arith.muli %scan3A_28, %mul3A_29 : i32
      %add3A_31 = arith.addi %multiple_of3A_7, %mul3A_30 : i32
      "tpu.region"() ({
        %run_scoped3A = tpu.sem_alloc : memref<!tpu.dma_semaphore, #tpu.memory_space<semaphore_mem>>
        %dma_start3A_43 = tpu.memref_slice %arg3[%add3A_31] : memref<640000xi32, #tpu.memory_space<hbm>> -> memref<4000xi32, #tpu.memory_space<hbm>>
        %dma_start3A_44 = tpu.memref_slice %arg3[%add3A_31] : memref<640000xi32, #tpu.memory_space<hbm>> -> memref<4000xi32, #tpu.memory_space<hbm>>
        tpu.enqueue_dma source(%dma_start3A_44 : memref<4000xi32, #tpu.memory_space<hbm>>) target(%arg10 : memref<4000xi32, #tpu.memory_space<vmem>>) target_semaphore(%run_scoped3A : memref<!tpu.dma_semaphore, #tpu.memory_space<semaphore_mem>>)
        %dma_wait3A = tpu.memref_slice %arg3[%add3A_31] : memref<640000xi32, #tpu.memory_space<hbm>> -> memref<4000xi32, #tpu.memory_space<hbm>>
        %dma_wait3A_45 = tpu.memref_slice %arg3[%add3A_31] : memref<640000xi32, #tpu.memory_space<hbm>> -> memref<4000xi32, #tpu.memory_space<hbm>>
        tpu.wait_dma2 semaphore(%run_scoped3A : memref<!tpu.dma_semaphore, #tpu.memory_space<semaphore_mem>>) src(%dma_wait3A_45 : memref<4000xi32, #tpu.memory_space<hbm>>) dst(%arg10 : memref<4000xi32, #tpu.memory_space<vmem>>)
        tpu.yield
      }) : () -> ()
      %add3A_32 = arith.addi %multiple_of3A_10, %mul3A_30 : i32
      "tpu.region"() ({
        %run_scoped3A = tpu.sem_alloc : memref<!tpu.dma_semaphore, #tpu.memory_space<semaphore_mem>>
        %dma_start3A_43 = tpu.memref_slice %arg4[%add3A_32] : memref<320000xi32, #tpu.memory_space<hbm>> -> memref<4000xi32, #tpu.memory_space<hbm>>
        %dma_start3A_44 = tpu.memref_slice %arg4[%add3A_32] : memref<320000xi32, #tpu.memory_space<hbm>> -> memref<4000xi32, #tpu.memory_space<hbm>>
        tpu.enqueue_dma source(%dma_start3A_44 : memref<4000xi32, #tpu.memory_space<hbm>>) target(%arg11 : memref<4000xi32, #tpu.memory_space<vmem>>) target_semaphore(%run_scoped3A : memref<!tpu.dma_semaphore, #tpu.memory_space<semaphore_mem>>)
        %dma_wait3A = tpu.memref_slice %arg4[%add3A_32] : memref<320000xi32, #tpu.memory_space<hbm>> -> memref<4000xi32, #tpu.memory_space<hbm>>
        %dma_wait3A_45 = tpu.memref_slice %arg4[%add3A_32] : memref<320000xi32, #tpu.memory_space<hbm>> -> memref<4000xi32, #tpu.memory_space<hbm>>
        tpu.wait_dma2 semaphore(%run_scoped3A : memref<!tpu.dma_semaphore, #tpu.memory_space<semaphore_mem>>) src(%dma_wait3A_45 : memref<4000xi32, #tpu.memory_space<hbm>>) dst(%arg11 : memref<4000xi32, #tpu.memory_space<vmem>>)
        tpu.yield
      }) : () -> ()
      %dma_start3A = arith.constant 0 : i32
      %dma_start3A_33 = tpu.memref_slice %arg10[%dma_start3A] : memref<4000xi32, #tpu.memory_space<vmem>> -> memref<80xi32, #tpu.memory_space<vmem>>
      %dma_start3A_34 = arith.constant 0 : i32
      %dma_start3A_35 = arith.constant 0 : i32
      %dma_start3A_36 = tpu.memref_slice %arg2[%dma_start3A_34, %dma_start3A_35] : memref<20000x128xf32, #tpu.memory_space<hbm>> -> memref<20000x128xf32, #tpu.memory_space<hbm>>
      tpu.enqueue_indirect_dma source(%dma_start3A_36 : memref<20000x128xf32, #tpu.memory_space<hbm>>) target(%arg12 : memref<80x128xf32, #tpu.memory_space<vmem>>) offsets(%dma_start3A_33 : memref<80xi32, #tpu.memory_space<vmem>>) semaphore(%arg17 : memref<!tpu.dma_semaphore, #tpu.memory_space<semaphore_mem>>)
      %scan3A_37 = arith.constant 0 : i32
      %scan3A_38 = arith.constant 0 : i32
      %scan3A_39 = arith.constant 25 : i32
      %scan3A_40 = arith.addi %scan3A_38, %scan3A_39 : i32
      %scan3A_41 = arith.constant 1 : i32
      scf.for %scan3A_43 = %scan3A_38 to %scan3A_40 step %scan3A_41  : i32 {
        %mul3A_44 = arith.constant 2 : i32
        %mul3A_45 = arith.muli %scan3A_43, %mul3A_44 : i32
        %add3A_46 = arith.constant 0 : i32
        %add3A_47 = arith.addi %mul3A_45, %add3A_46 : i32
        %mul3A_48 = arith.constant 80 : i32
        %mul3A_49 = arith.muli %add3A_47, %mul3A_48 : i32
        %multiple_of3A_50 = tpu.assume_multiple %mul3A_49, 8 : i32
        %add3A_51 = arith.constant 1 : i32
        %add3A_52 = arith.addi %add3A_47, %add3A_51 : i32
        %lt3A = arith.constant 50 : i32
        %lt3A_53 = arith.cmpi slt, %add3A_52, %lt3A : i32
        %convert_element_type3A_54 = arith.extui %lt3A_53 : i1 to i32
        %cond3A_55 = arith.constant 0 : i32
        %cond3A_56 = arith.cmpi ne, %convert_element_type3A_54, %cond3A_55 : i32
        scf.if %cond3A_56 {
          %add3A_88 = arith.constant 1 : i32
          %add3A_89 = arith.addi %add3A_47, %add3A_88 : i32
          %mul3A_90 = arith.constant 80 : i32
          %mul3A_91 = arith.muli %add3A_89, %mul3A_90 : i32
          %multiple_of3A_92 = tpu.assume_multiple %mul3A_91, 8 : i32
          %dma_start3A_93 = tpu.memref_slice %arg10[%multiple_of3A_92] : memref<4000xi32, #tpu.memory_space<vmem>> -> memref<80xi32, #tpu.memory_space<vmem>>
          %dma_start3A_94 = arith.constant 0 : i32
          %dma_start3A_95 = arith.constant 0 : i32
          %dma_start3A_96 = tpu.memref_slice %arg2[%dma_start3A_94, %dma_start3A_95] : memref<20000x128xf32, #tpu.memory_space<hbm>> -> memref<20000x128xf32, #tpu.memory_space<hbm>>
          tpu.enqueue_indirect_dma source(%dma_start3A_96 : memref<20000x128xf32, #tpu.memory_space<hbm>>) target(%arg13 : memref<80x128xf32, #tpu.memory_space<vmem>>) offsets(%dma_start3A_93 : memref<80xi32, #tpu.memory_space<vmem>>) semaphore(%arg18 : memref<!tpu.dma_semaphore, #tpu.memory_space<semaphore_mem>>)
        } else {
        }
        %dma_wait3A = tpu.memref_slice %arg10[%multiple_of3A_50] : memref<4000xi32, #tpu.memory_space<vmem>> -> memref<80xi32, #tpu.memory_space<vmem>>
        %dma_wait3A_57 = arith.constant 0 : i32
        %dma_wait3A_58 = arith.constant 0 : i32
        %dma_wait3A_59 = tpu.memref_slice %arg2[%dma_wait3A_57, %dma_wait3A_58] : memref<20000x128xf32, #tpu.memory_space<hbm>> -> memref<20000x128xf32, #tpu.memory_space<hbm>>
        tpu.wait_indirect_dma semaphore(%arg17 : memref<!tpu.dma_semaphore, #tpu.memory_space<semaphore_mem>>) src(%dma_wait3A_59 : memref<20000x128xf32, #tpu.memory_space<hbm>>) dst(%arg12 : memref<80x128xf32, #tpu.memory_space<vmem>>)
        "tpu.region"() ({
          %run_scoped3A = tpu.sem_alloc : memref<!tpu.dma_semaphore, #tpu.memory_space<semaphore_mem>>
          %dma_start3A_88 = tpu.memref_slice %arg11[%multiple_of3A_50] : memref<4000xi32, #tpu.memory_space<vmem>> -> memref<80xi32, #tpu.memory_space<vmem>>
          %dma_start3A_89 = arith.constant 0 : i32
          %dma_start3A_90 = arith.constant 0 : i32
          %dma_start3A_91 = tpu.memref_slice %arg15[%dma_start3A_89, %dma_start3A_90] : memref<10000x128xf32, #tpu.memory_space<vmem_shared>> -> memref<10000x128xf32, #tpu.memory_space<vmem_shared>>
          tpu.enqueue_indirect_dma source(%arg12 : memref<80x128xf32, #tpu.memory_space<vmem>>) target(%dma_start3A_91 : memref<10000x128xf32, #tpu.memory_space<vmem_shared>>) offsets(%dma_start3A_88 : memref<80xi32, #tpu.memory_space<vmem>>) semaphore(%run_scoped3A : memref<!tpu.dma_semaphore, #tpu.memory_space<semaphore_mem>>) {add = true}
          %dma_wait3A_92 = tpu.memref_slice %arg11[%multiple_of3A_50] : memref<4000xi32, #tpu.memory_space<vmem>> -> memref<80xi32, #tpu.memory_space<vmem>>
          %dma_wait3A_93 = arith.constant 0 : i32
          %dma_wait3A_94 = arith.constant 0 : i32
          %dma_wait3A_95 = tpu.memref_slice %arg15[%dma_wait3A_93, %dma_wait3A_94] : memref<10000x128xf32, #tpu.memory_space<vmem_shared>> -> memref<10000x128xf32, #tpu.memory_space<vmem_shared>>
          tpu.wait_indirect_dma semaphore(%run_scoped3A : memref<!tpu.dma_semaphore, #tpu.memory_space<semaphore_mem>>) src(%arg12 : memref<80x128xf32, #tpu.memory_space<vmem>>) dst(%dma_wait3A_95 : memref<10000x128xf32, #tpu.memory_space<vmem_shared>>)
          tpu.yield
        }) : () -> ()
        %eq3A_60 = arith.constant 0 : i32
        %eq3A_61 = arith.cmpi eq, %arg0, %eq3A_60 : i32
        %convert_element_type3A_62 = arith.extui %eq3A_61 : i1 to i32
        %cond3A_63 = arith.constant 0 : i32
        %cond3A_64 = arith.cmpi ne, %convert_element_type3A_62, %cond3A_63 : i32
        scf.if %cond3A_64 {
          "tpu.region"() ({
            %run_scoped3A = tpu.sem_alloc : memref<!tpu.dma_semaphore, #tpu.memory_space<semaphore_mem>>
            %dma_start3A_88 = tpu.memref_slice %arg11[%multiple_of3A_50] : memref<4000xi32, #tpu.memory_space<vmem>> -> memref<80xi32, #tpu.memory_space<vmem>>
            %dma_start3A_89 = arith.constant 0 : i32
            %dma_start3A_90 = arith.constant 0 : i32
            %dma_start3A_91 = tpu.memref_slice %arg16[%dma_start3A_89, %dma_start3A_90] : memref<10000x16xf32, #tpu.memory_space<vmem_shared>> -> memref<10000x16xf32, #tpu.memory_space<vmem_shared>>
            tpu.enqueue_indirect_dma source(%arg14 : memref<80x16xf32, #tpu.memory_space<vmem>>) target(%dma_start3A_91 : memref<10000x16xf32, #tpu.memory_space<vmem_shared>>) offsets(%dma_start3A_88 : memref<80xi32, #tpu.memory_space<vmem>>) semaphore(%run_scoped3A : memref<!tpu.dma_semaphore, #tpu.memory_space<semaphore_mem>>) {add = true}
            %dma_wait3A_92 = tpu.memref_slice %arg11[%multiple_of3A_50] : memref<4000xi32, #tpu.memory_space<vmem>> -> memref<80xi32, #tpu.memory_space<vmem>>
            %dma_wait3A_93 = arith.constant 0 : i32
            %dma_wait3A_94 = arith.constant 0 : i32
            %dma_wait3A_95 = tpu.memref_slice %arg16[%dma_wait3A_93, %dma_wait3A_94] : memref<10000x16xf32, #tpu.memory_space<vmem_shared>> -> memref<10000x16xf32, #tpu.memory_space<vmem_shared>>
            tpu.wait_indirect_dma semaphore(%run_scoped3A : memref<!tpu.dma_semaphore, #tpu.memory_space<semaphore_mem>>) src(%arg14 : memref<80x16xf32, #tpu.memory_space<vmem>>) dst(%dma_wait3A_95 : memref<10000x16xf32, #tpu.memory_space<vmem_shared>>)
            tpu.yield
          }) : () -> ()
        } else {
        }
        %mul3A_65 = arith.constant 2 : i32
        %mul3A_66 = arith.muli %scan3A_43, %mul3A_65 : i32
        %add3A_67 = arith.constant 1 : i32
        %add3A_68 = arith.addi %mul3A_66, %add3A_67 : i32
        %mul3A_69 = arith.constant 80 : i32
        %mul3A_70 = arith.muli %add3A_68, %mul3A_69 : i32
        %multiple_of3A_71 = tpu.assume_multiple %mul3A_70, 8 : i32
        %add3A_72 = arith.constant 1 : i32
        %add3A_73 = arith.addi %add3A_68, %add3A_72 : i32
        %lt3A_74 = arith.constant 50 : i32
        %lt3A_75 = arith.cmpi slt, %add3A_73, %lt3A_74 : i32
        %convert_element_type3A_76 = arith.extui %lt3A_75 : i1 to i32
        %cond3A_77 = arith.constant 0 : i32
        %cond3A_78 = arith.cmpi ne, %convert_element_type3A_76, %cond3A_77 : i32
        scf.if %cond3A_78 {
          %add3A_88 = arith.constant 1 : i32
          %add3A_89 = arith.addi %add3A_68, %add3A_88 : i32
          %mul3A_90 = arith.constant 80 : i32
          %mul3A_91 = arith.muli %add3A_89, %mul3A_90 : i32
          %multiple_of3A_92 = tpu.assume_multiple %mul3A_91, 8 : i32
          %dma_start3A_93 = tpu.memref_slice %arg10[%multiple_of3A_92] : memref<4000xi32, #tpu.memory_space<vmem>> -> memref<80xi32, #tpu.memory_space<vmem>>
          %dma_start3A_94 = arith.constant 0 : i32
          %dma_start3A_95 = arith.constant 0 : i32
          %dma_start3A_96 = tpu.memref_slice %arg2[%dma_start3A_94, %dma_start3A_95] : memref<20000x128xf32, #tpu.memory_space<hbm>> -> memref<20000x128xf32, #tpu.memory_space<hbm>>
          tpu.enqueue_indirect_dma source(%dma_start3A_96 : memref<20000x128xf32, #tpu.memory_space<hbm>>) target(%arg12 : memref<80x128xf32, #tpu.memory_space<vmem>>) offsets(%dma_start3A_93 : memref<80xi32, #tpu.memory_space<vmem>>) semaphore(%arg17 : memref<!tpu.dma_semaphore, #tpu.memory_space<semaphore_mem>>)
        } else {
        }
        %dma_wait3A_79 = tpu.memref_slice %arg10[%multiple_of3A_71] : memref<4000xi32, #tpu.memory_space<vmem>> -> memref<80xi32, #tpu.memory_space<vmem>>
        %dma_wait3A_80 = arith.constant 0 : i32
        %dma_wait3A_81 = arith.constant 0 : i32
        %dma_wait3A_82 = tpu.memref_slice %arg2[%dma_wait3A_80, %dma_wait3A_81] : memref<20000x128xf32, #tpu.memory_space<hbm>> -> memref<20000x128xf32, #tpu.memory_space<hbm>>
        tpu.wait_indirect_dma semaphore(%arg18 : memref<!tpu.dma_semaphore, #tpu.memory_space<semaphore_mem>>) src(%dma_wait3A_82 : memref<20000x128xf32, #tpu.memory_space<hbm>>) dst(%arg13 : memref<80x128xf32, #tpu.memory_space<vmem>>)
        "tpu.region"() ({
          %run_scoped3A = tpu.sem_alloc : memref<!tpu.dma_semaphore, #tpu.memory_space<semaphore_mem>>
          %dma_start3A_88 = tpu.memref_slice %arg11[%multiple_of3A_71] : memref<4000xi32, #tpu.memory_space<vmem>> -> memref<80xi32, #tpu.memory_space<vmem>>
          %dma_start3A_89 = arith.constant 0 : i32
          %dma_start3A_90 = arith.constant 0 : i32
          %dma_start3A_91 = tpu.memref_slice %arg15[%dma_start3A_89, %dma_start3A_90] : memref<10000x128xf32, #tpu.memory_space<vmem_shared>> -> memref<10000x128xf32, #tpu.memory_space<vmem_shared>>
          tpu.enqueue_indirect_dma source(%arg13 : memref<80x128xf32, #tpu.memory_space<vmem>>) target(%dma_start3A_91 : memref<10000x128xf32, #tpu.memory_space<vmem_shared>>) offsets(%dma_start3A_88 : memref<80xi32, #tpu.memory_space<vmem>>) semaphore(%run_scoped3A : memref<!tpu.dma_semaphore, #tpu.memory_space<semaphore_mem>>) {add = true}
          %dma_wait3A_92 = tpu.memref_slice %arg11[%multiple_of3A_71] : memref<4000xi32, #tpu.memory_space<vmem>> -> memref<80xi32, #tpu.memory_space<vmem>>
          %dma_wait3A_93 = arith.constant 0 : i32
          %dma_wait3A_94 = arith.constant 0 : i32
          %dma_wait3A_95 = tpu.memref_slice %arg15[%dma_wait3A_93, %dma_wait3A_94] : memref<10000x128xf32, #tpu.memory_space<vmem_shared>> -> memref<10000x128xf32, #tpu.memory_space<vmem_shared>>
          tpu.wait_indirect_dma semaphore(%run_scoped3A : memref<!tpu.dma_semaphore, #tpu.memory_space<semaphore_mem>>) src(%arg13 : memref<80x128xf32, #tpu.memory_space<vmem>>) dst(%dma_wait3A_95 : memref<10000x128xf32, #tpu.memory_space<vmem_shared>>)
          tpu.yield
        }) : () -> ()
        %eq3A_83 = arith.constant 1 : i32
        %eq3A_84 = arith.cmpi eq, %arg0, %eq3A_83 : i32
        %convert_element_type3A_85 = arith.extui %eq3A_84 : i1 to i32
        %cond3A_86 = arith.constant 0 : i32
        %cond3A_87 = arith.cmpi ne, %convert_element_type3A_85, %cond3A_86 : i32
        scf.if %cond3A_87 {
          "tpu.region"() ({
            %run_scoped3A = tpu.sem_alloc : memref<!tpu.dma_semaphore, #tpu.memory_space<semaphore_mem>>
            %dma_start3A_88 = tpu.memref_slice %arg11[%multiple_of3A_71] : memref<4000xi32, #tpu.memory_space<vmem>> -> memref<80xi32, #tpu.memory_space<vmem>>
            %dma_start3A_89 = arith.constant 0 : i32
            %dma_start3A_90 = arith.constant 0 : i32
            %dma_start3A_91 = tpu.memref_slice %arg16[%dma_start3A_89, %dma_start3A_90] : memref<10000x16xf32, #tpu.memory_space<vmem_shared>> -> memref<10000x16xf32, #tpu.memory_space<vmem_shared>>
            tpu.enqueue_indirect_dma source(%arg14 : memref<80x16xf32, #tpu.memory_space<vmem>>) target(%dma_start3A_91 : memref<10000x16xf32, #tpu.memory_space<vmem_shared>>) offsets(%dma_start3A_88 : memref<80xi32, #tpu.memory_space<vmem>>) semaphore(%run_scoped3A : memref<!tpu.dma_semaphore, #tpu.memory_space<semaphore_mem>>) {add = true}
            %dma_wait3A_92 = tpu.memref_slice %arg11[%multiple_of3A_71] : memref<4000xi32, #tpu.memory_space<vmem>> -> memref<80xi32, #tpu.memory_space<vmem>>
            %dma_wait3A_93 = arith.constant 0 : i32
            %dma_wait3A_94 = arith.constant 0 : i32
            %dma_wait3A_95 = tpu.memref_slice %arg16[%dma_wait3A_93, %dma_wait3A_94] : memref<10000x16xf32, #tpu.memory_space<vmem_shared>> -> memref<10000x16xf32, #tpu.memory_space<vmem_shared>>
            tpu.wait_indirect_dma semaphore(%run_scoped3A : memref<!tpu.dma_semaphore, #tpu.memory_space<semaphore_mem>>) src(%arg14 : memref<80x16xf32, #tpu.memory_space<vmem>>) dst(%dma_wait3A_95 : memref<10000x16xf32, #tpu.memory_space<vmem_shared>>)
            tpu.yield
          }) : () -> ()
        } else {
        }
      }
      %scan3A_42 = arith.constant 25 : i32
    }
    %scan3A_15 = arith.constant 5 : i32
    %barrier3A_16 = arith.constant 0 : index
    tpu.barrier barrier_id(%barrier3A_16)
    %mul3A_17 = arith.constant 10000 : i32
    %mul3A_18 = arith.muli %arg0, %mul3A_17 : i32
    %mul3A_19 = arith.constant 624 : i32
    %mul3A_20 = arith.muli %arg1, %mul3A_19 : i32
    %add3A_21 = arith.addi %mul3A_18, %mul3A_20 : i32
    %multiple_of3A_22 = tpu.assume_multiple %add3A_21, 8 : i32
    "tpu.region"() ({
      %run_scoped3A = tpu.sem_alloc : memref<!tpu.dma_semaphore, #tpu.memory_space<semaphore_mem>>
      %dma_start3A = arith.constant 0 : i32
      %dma_start3A_28 = tpu.memref_slice %arg8[%multiple_of3A_22, %dma_start3A] : memref<20000x128xf32, #tpu.memory_space<hbm>> -> memref<624x128xf32, #tpu.memory_space<hbm>>
      %dma_start3A_29 = arith.constant 0 : i32
      %dma_start3A_30 = tpu.memref_slice %arg15[%multiple_of3A, %dma_start3A_29] : memref<10000x128xf32, #tpu.memory_space<vmem_shared>> -> memref<624x128xf32, #tpu.memory_space<vmem_shared>>
      tpu.enqueue_dma source(%dma_start3A_30 : memref<624x128xf32, #tpu.memory_space<vmem_shared>>) target(%dma_start3A_28 : memref<624x128xf32, #tpu.memory_space<hbm>>) target_semaphore(%run_scoped3A : memref<!tpu.dma_semaphore, #tpu.memory_space<semaphore_mem>>)
      %dma_wait3A = arith.constant 0 : i32
      %dma_wait3A_31 = tpu.memref_slice %arg8[%multiple_of3A_22, %dma_wait3A] : memref<20000x128xf32, #tpu.memory_space<hbm>> -> memref<624x128xf32, #tpu.memory_space<hbm>>
      %dma_wait3A_32 = arith.constant 0 : i32
      %dma_wait3A_33 = tpu.memref_slice %arg15[%multiple_of3A, %dma_wait3A_32] : memref<10000x128xf32, #tpu.memory_space<vmem_shared>> -> memref<624x128xf32, #tpu.memory_space<vmem_shared>>
      tpu.wait_dma2 semaphore(%run_scoped3A : memref<!tpu.dma_semaphore, #tpu.memory_space<semaphore_mem>>) src(%dma_wait3A_33 : memref<624x128xf32, #tpu.memory_space<vmem_shared>>) dst(%dma_wait3A_31 : memref<624x128xf32, #tpu.memory_space<hbm>>)
      tpu.yield
    }) : () -> ()
    "tpu.region"() ({
      %run_scoped3A = tpu.sem_alloc : memref<!tpu.dma_semaphore, #tpu.memory_space<semaphore_mem>>
      %dma_start3A = arith.constant 0 : i32
      %dma_start3A_28 = tpu.memref_slice %arg9[%multiple_of3A_22, %dma_start3A] : memref<20000x16xf32, #tpu.memory_space<hbm>> -> memref<624x16xf32, #tpu.memory_space<hbm>>
      %dma_start3A_29 = arith.constant 0 : i32
      %dma_start3A_30 = tpu.memref_slice %arg16[%multiple_of3A, %dma_start3A_29] : memref<10000x16xf32, #tpu.memory_space<vmem_shared>> -> memref<624x16xf32, #tpu.memory_space<vmem_shared>>
      tpu.enqueue_dma source(%dma_start3A_30 : memref<624x16xf32, #tpu.memory_space<vmem_shared>>) target(%dma_start3A_28 : memref<624x16xf32, #tpu.memory_space<hbm>>) target_semaphore(%run_scoped3A : memref<!tpu.dma_semaphore, #tpu.memory_space<semaphore_mem>>)
      %dma_wait3A = arith.constant 0 : i32
      %dma_wait3A_31 = tpu.memref_slice %arg9[%multiple_of3A_22, %dma_wait3A] : memref<20000x16xf32, #tpu.memory_space<hbm>> -> memref<624x16xf32, #tpu.memory_space<hbm>>
      %dma_wait3A_32 = arith.constant 0 : i32
      %dma_wait3A_33 = tpu.memref_slice %arg16[%multiple_of3A, %dma_wait3A_32] : memref<10000x16xf32, #tpu.memory_space<vmem_shared>> -> memref<624x16xf32, #tpu.memory_space<vmem_shared>>
      tpu.wait_dma2 semaphore(%run_scoped3A : memref<!tpu.dma_semaphore, #tpu.memory_space<semaphore_mem>>) src(%dma_wait3A_33 : memref<624x16xf32, #tpu.memory_space<vmem_shared>>) dst(%dma_wait3A_31 : memref<624x16xf32, #tpu.memory_space<hbm>>)
      tpu.yield
    }) : () -> ()
    %eq3A_23 = arith.constant 15 : i32
    %eq3A_24 = arith.cmpi eq, %arg1, %eq3A_23 : i32
    %convert_element_type3A_25 = arith.extui %eq3A_24 : i1 to i32
    %cond3A_26 = arith.constant 0 : i32
    %cond3A_27 = arith.cmpi ne, %convert_element_type3A_25, %cond3A_26 : i32
    scf.if %cond3A_27 {
      %mul3A_28 = arith.constant 10000 : i32
      %mul3A_29 = arith.muli %arg0, %mul3A_28 : i32
      %add3A_30 = arith.constant 9984 : i32
      %add3A_31 = arith.addi %mul3A_29, %add3A_30 : i32
      %multiple_of3A_32 = tpu.assume_multiple %add3A_31, 8 : i32
      "tpu.region"() ({
        %run_scoped3A = tpu.sem_alloc : memref<!tpu.dma_semaphore, #tpu.memory_space<semaphore_mem>>
        %dma_start3A = arith.constant 0 : i32
        %dma_start3A_33 = tpu.memref_slice %arg8[%multiple_of3A_32, %dma_start3A] : memref<20000x128xf32, #tpu.memory_space<hbm>> -> memref<16x128xf32, #tpu.memory_space<hbm>>
        %dma_start3A_34 = arith.constant 9984 : i32
        %dma_start3A_35 = arith.constant 0 : i32
        %dma_start3A_36 = tpu.memref_slice %arg15[%dma_start3A_34, %dma_start3A_35] : memref<10000x128xf32, #tpu.memory_space<vmem_shared>> -> memref<16x128xf32, #tpu.memory_space<vmem_shared>>
        tpu.enqueue_dma source(%dma_start3A_36 : memref<16x128xf32, #tpu.memory_space<vmem_shared>>) target(%dma_start3A_33 : memref<16x128xf32, #tpu.memory_space<hbm>>) target_semaphore(%run_scoped3A : memref<!tpu.dma_semaphore, #tpu.memory_space<semaphore_mem>>)
        %dma_wait3A = arith.constant 0 : i32
        %dma_wait3A_37 = tpu.memref_slice %arg8[%multiple_of3A_32, %dma_wait3A] : memref<20000x128xf32, #tpu.memory_space<hbm>> -> memref<16x128xf32, #tpu.memory_space<hbm>>
        %dma_wait3A_38 = arith.constant 9984 : i32
        %dma_wait3A_39 = arith.constant 0 : i32
        %dma_wait3A_40 = tpu.memref_slice %arg15[%dma_wait3A_38, %dma_wait3A_39] : memref<10000x128xf32, #tpu.memory_space<vmem_shared>> -> memref<16x128xf32, #tpu.memory_space<vmem_shared>>
        tpu.wait_dma2 semaphore(%run_scoped3A : memref<!tpu.dma_semaphore, #tpu.memory_space<semaphore_mem>>) src(%dma_wait3A_40 : memref<16x128xf32, #tpu.memory_space<vmem_shared>>) dst(%dma_wait3A_37 : memref<16x128xf32, #tpu.memory_space<hbm>>)
        tpu.yield
      }) : () -> ()
      "tpu.region"() ({
        %run_scoped3A = tpu.sem_alloc : memref<!tpu.dma_semaphore, #tpu.memory_space<semaphore_mem>>
        %dma_start3A = arith.constant 0 : i32
        %dma_start3A_33 = tpu.memref_slice %arg9[%multiple_of3A_32, %dma_start3A] : memref<20000x16xf32, #tpu.memory_space<hbm>> -> memref<16x16xf32, #tpu.memory_space<hbm>>
        %dma_start3A_34 = arith.constant 9984 : i32
        %dma_start3A_35 = arith.constant 0 : i32
        %dma_start3A_36 = tpu.memref_slice %arg16[%dma_start3A_34, %dma_start3A_35] : memref<10000x16xf32, #tpu.memory_space<vmem_shared>> -> memref<16x16xf32, #tpu.memory_space<vmem_shared>>
        tpu.enqueue_dma source(%dma_start3A_36 : memref<16x16xf32, #tpu.memory_space<vmem_shared>>) target(%dma_start3A_33 : memref<16x16xf32, #tpu.memory_space<hbm>>) target_semaphore(%run_scoped3A : memref<!tpu.dma_semaphore, #tpu.memory_space<semaphore_mem>>)
        %dma_wait3A = arith.constant 0 : i32
        %dma_wait3A_37 = tpu.memref_slice %arg9[%multiple_of3A_32, %dma_wait3A] : memref<20000x16xf32, #tpu.memory_space<hbm>> -> memref<16x16xf32, #tpu.memory_space<hbm>>
        %dma_wait3A_38 = arith.constant 9984 : i32
        %dma_wait3A_39 = arith.constant 0 : i32
        %dma_wait3A_40 = tpu.memref_slice %arg16[%dma_wait3A_38, %dma_wait3A_39] : memref<10000x16xf32, #tpu.memory_space<vmem_shared>> -> memref<16x16xf32, #tpu.memory_space<vmem_shared>>
        tpu.wait_dma2 semaphore(%run_scoped3A : memref<!tpu.dma_semaphore, #tpu.memory_space<semaphore_mem>>) src(%dma_wait3A_40 : memref<16x16xf32, #tpu.memory_space<vmem_shared>>) dst(%dma_wait3A_37 : memref<16x16xf32, #tpu.memory_space<hbm>>)
        tpu.yield
      }) : () -> ()
    } else {
    }
    return
  }
}

#map = affine_map<(d0, d1) -> (0, 0)>
#map1 = affine_map<(d0, d1) -> (0)>
module attributes {stable_mosaic.version = 14 : i64} {
  func.func @body(%arg0: i32, %arg1: i32, %arg2: memref<20000x128xf32, #tpu.memory_space<hbm>>, %arg3: memref<640000xi32, #tpu.memory_space<hbm>>, %arg4: memref<320000xi32, #tpu.memory_space<hbm>>, %arg5: memref<10000x128xf32, #tpu.memory_space<hbm>>, %arg6: memref<10000x16xf32, #tpu.memory_space<hbm>>, %arg7: memref<80x16xf32, #tpu.memory_space<hbm>>, %arg8: memref<20000x128xf32, #tpu.memory_space<hbm>>, %arg9: memref<4000xi32, #tpu.memory_space<vmem>>, %arg10: memref<4000xi32, #tpu.memory_space<vmem>>, %arg11: memref<80x128xf32, #tpu.memory_space<vmem>>, %arg12: memref<80x128xf32, #tpu.memory_space<vmem>>, %arg13: memref<80x16xf32, #tpu.memory_space<vmem>>, %arg14: memref<10000x128xf32, #tpu.memory_space<vmem_shared>>, %arg15: memref<10000x16xf32, #tpu.memory_space<vmem_shared>>, %arg16: memref<!tpu.dma_semaphore, #tpu.memory_space<semaphore_mem>>, %arg17: memref<!tpu.dma_semaphore, #tpu.memory_space<semaphore_mem>>) attributes {dimension_semantics = [#tpu.dimension_semantics<core_parallel>, #tpu.dimension_semantics<subcore_parallel>], iteration_bounds = array<i64: 2, 16>, scalar_prefetch = 0 : i64, scratch_operands = 9 : i64, tpu.core_type = #tpu.core_type<sc_vector_subcore>, window_params = [{transform_indices = #map}, {transform_indices = #map1}, {transform_indices = #map1}, {transform_indices = #map}, {transform_indices = #map}, {transform_indices = #map}, {transform_indices = #map}]} {
    %mul3A = arith.constant 624 : i32
    %mul3A_0 = arith.muli %arg1, %mul3A : i32
    %multiple_of3A = tpu.assume_multiple %mul3A_0, 8 : i32
    "tpu.region"() ({
      %run_scoped3A = tpu.sem_alloc : memref<!tpu.dma_semaphore, #tpu.memory_space<semaphore_mem>>
      %dma_start3A = arith.constant 0 : i32
      %dma_start3A_28 = tpu.memref_slice %arg14[%multiple_of3A, %dma_start3A] : memref<10000x128xf32, #tpu.memory_space<vmem_shared>> -> memref<624x128xf32, #tpu.memory_space<vmem_shared>>
      %dma_start3A_29 = arith.constant 0 : i32
      %dma_start3A_30 = tpu.memref_slice %arg5[%multiple_of3A, %dma_start3A_29] : memref<10000x128xf32, #tpu.memory_space<hbm>> -> memref<624x128xf32, #tpu.memory_space<hbm>>
      tpu.enqueue_dma source(%dma_start3A_30 : memref<624x128xf32, #tpu.memory_space<hbm>>) target(%dma_start3A_28 : memref<624x128xf32, #tpu.memory_space<vmem_shared>>) target_semaphore(%run_scoped3A : memref<!tpu.dma_semaphore, #tpu.memory_space<semaphore_mem>>)
      %dma_wait3A = arith.constant 0 : i32
      %dma_wait3A_31 = tpu.memref_slice %arg14[%multiple_of3A, %dma_wait3A] : memref<10000x128xf32, #tpu.memory_space<vmem_shared>> -> memref<624x128xf32, #tpu.memory_space<vmem_shared>>
      %dma_wait3A_32 = arith.constant 0 : i32
      %dma_wait3A_33 = tpu.memref_slice %arg5[%multiple_of3A, %dma_wait3A_32] : memref<10000x128xf32, #tpu.memory_space<hbm>> -> memref<624x128xf32, #tpu.memory_space<hbm>>
      tpu.wait_dma2 semaphore(%run_scoped3A : memref<!tpu.dma_semaphore, #tpu.memory_space<semaphore_mem>>) src(%dma_wait3A_33 : memref<624x128xf32, #tpu.memory_space<hbm>>) dst(%dma_wait3A_31 : memref<624x128xf32, #tpu.memory_space<vmem_shared>>)
      tpu.yield
    }) : () -> ()
    %eq3A = arith.constant 15 : i32
    %eq3A_1 = arith.cmpi eq, %arg1, %eq3A : i32
    %convert_element_type3A = arith.extui %eq3A_1 : i1 to i32
    %cond3A = arith.constant 0 : i32
    %cond3A_2 = arith.cmpi ne, %convert_element_type3A, %cond3A : i32
    scf.if %cond3A_2 {
      "tpu.region"() ({
        %run_scoped3A = tpu.sem_alloc : memref<!tpu.dma_semaphore, #tpu.memory_space<semaphore_mem>>
        %dma_start3A = arith.constant 9984 : i32
        %dma_start3A_28 = arith.constant 0 : i32
        %dma_start3A_29 = tpu.memref_slice %arg14[%dma_start3A, %dma_start3A_28] : memref<10000x128xf32, #tpu.memory_space<vmem_shared>> -> memref<16x128xf32, #tpu.memory_space<vmem_shared>>
        %dma_start3A_30 = arith.constant 9984 : i32
        %dma_start3A_31 = arith.constant 0 : i32
        %dma_start3A_32 = tpu.memref_slice %arg5[%dma_start3A_30, %dma_start3A_31] : memref<10000x128xf32, #tpu.memory_space<hbm>> -> memref<16x128xf32, #tpu.memory_space<hbm>>
        tpu.enqueue_dma source(%dma_start3A_32 : memref<16x128xf32, #tpu.memory_space<hbm>>) target(%dma_start3A_29 : memref<16x128xf32, #tpu.memory_space<vmem_shared>>) target_semaphore(%run_scoped3A : memref<!tpu.dma_semaphore, #tpu.memory_space<semaphore_mem>>)
        %dma_wait3A = arith.constant 9984 : i32
        %dma_wait3A_33 = arith.constant 0 : i32
        %dma_wait3A_34 = tpu.memref_slice %arg14[%dma_wait3A, %dma_wait3A_33] : memref<10000x128xf32, #tpu.memory_space<vmem_shared>> -> memref<16x128xf32, #tpu.memory_space<vmem_shared>>
        %dma_wait3A_35 = arith.constant 9984 : i32
        %dma_wait3A_36 = arith.constant 0 : i32
        %dma_wait3A_37 = tpu.memref_slice %arg5[%dma_wait3A_35, %dma_wait3A_36] : memref<10000x128xf32, #tpu.memory_space<hbm>> -> memref<16x128xf32, #tpu.memory_space<hbm>>
        tpu.wait_dma2 semaphore(%run_scoped3A : memref<!tpu.dma_semaphore, #tpu.memory_space<semaphore_mem>>) src(%dma_wait3A_37 : memref<16x128xf32, #tpu.memory_space<hbm>>) dst(%dma_wait3A_34 : memref<16x128xf32, #tpu.memory_space<vmem_shared>>)
        tpu.yield
      }) : () -> ()
    } else {
    }
    %mul3A_3 = arith.constant 320000 : i32
    %mul3A_4 = arith.muli %arg0, %mul3A_3 : i32
    %mul3A_5 = arith.constant 20000 : i32
    %mul3A_6 = arith.muli %arg1, %mul3A_5 : i32
    %add3A = arith.addi %mul3A_4, %mul3A_6 : i32
    %multiple_of3A_7 = tpu.assume_multiple %add3A, 8 : i32
    %mul3A_8 = arith.constant 20000 : i32
    %mul3A_9 = arith.muli %arg1, %mul3A_8 : i32
    %multiple_of3A_10 = tpu.assume_multiple %mul3A_9, 8 : i32
    %barrier3A = arith.constant 0 : index
    tpu.barrier barrier_id(%barrier3A)
    %scan3A = arith.constant 0 : i32
    %scan3A_11 = arith.constant 0 : i32
    %scan3A_12 = arith.constant 5 : i32
    %scan3A_13 = arith.addi %scan3A_11, %scan3A_12 : i32
    %scan3A_14 = arith.constant 1 : i32
    scf.for %scan3A_28 = %scan3A_11 to %scan3A_13 step %scan3A_14  : i32 {
      %mul3A_29 = arith.constant 4000 : i32
      %mul3A_30 = arith.muli %scan3A_28, %mul3A_29 : i32
      %add3A_31 = arith.addi %multiple_of3A_7, %mul3A_30 : i32
      "tpu.region"() ({
        %run_scoped3A = tpu.sem_alloc : memref<!tpu.dma_semaphore, #tpu.memory_space<semaphore_mem>>
        %dma_start3A_43 = tpu.memref_slice %arg3[%add3A_31] : memref<640000xi32, #tpu.memory_space<hbm>> -> memref<4000xi32, #tpu.memory_space<hbm>>
        %dma_start3A_44 = tpu.memref_slice %arg3[%add3A_31] : memref<640000xi32, #tpu.memory_space<hbm>> -> memref<4000xi32, #tpu.memory_space<hbm>>
        tpu.enqueue_dma source(%dma_start3A_44 : memref<4000xi32, #tpu.memory_space<hbm>>) target(%arg9 : memref<4000xi32, #tpu.memory_space<vmem>>) target_semaphore(%run_scoped3A : memref<!tpu.dma_semaphore, #tpu.memory_space<semaphore_mem>>)
        %dma_wait3A = tpu.memref_slice %arg3[%add3A_31] : memref<640000xi32, #tpu.memory_space<hbm>> -> memref<4000xi32, #tpu.memory_space<hbm>>
        %dma_wait3A_45 = tpu.memref_slice %arg3[%add3A_31] : memref<640000xi32, #tpu.memory_space<hbm>> -> memref<4000xi32, #tpu.memory_space<hbm>>
        tpu.wait_dma2 semaphore(%run_scoped3A : memref<!tpu.dma_semaphore, #tpu.memory_space<semaphore_mem>>) src(%dma_wait3A_45 : memref<4000xi32, #tpu.memory_space<hbm>>) dst(%arg9 : memref<4000xi32, #tpu.memory_space<vmem>>)
        tpu.yield
      }) : () -> ()
      %add3A_32 = arith.addi %multiple_of3A_10, %mul3A_30 : i32
      "tpu.region"() ({
        %run_scoped3A = tpu.sem_alloc : memref<!tpu.dma_semaphore, #tpu.memory_space<semaphore_mem>>
        %dma_start3A_43 = tpu.memref_slice %arg4[%add3A_32] : memref<320000xi32, #tpu.memory_space<hbm>> -> memref<4000xi32, #tpu.memory_space<hbm>>
        %dma_start3A_44 = tpu.memref_slice %arg4[%add3A_32] : memref<320000xi32, #tpu.memory_space<hbm>> -> memref<4000xi32, #tpu.memory_space<hbm>>
        tpu.enqueue_dma source(%dma_start3A_44 : memref<4000xi32, #tpu.memory_space<hbm>>) target(%arg10 : memref<4000xi32, #tpu.memory_space<vmem>>) target_semaphore(%run_scoped3A : memref<!tpu.dma_semaphore, #tpu.memory_space<semaphore_mem>>)
        %dma_wait3A = tpu.memref_slice %arg4[%add3A_32] : memref<320000xi32, #tpu.memory_space<hbm>> -> memref<4000xi32, #tpu.memory_space<hbm>>
        %dma_wait3A_45 = tpu.memref_slice %arg4[%add3A_32] : memref<320000xi32, #tpu.memory_space<hbm>> -> memref<4000xi32, #tpu.memory_space<hbm>>
        tpu.wait_dma2 semaphore(%run_scoped3A : memref<!tpu.dma_semaphore, #tpu.memory_space<semaphore_mem>>) src(%dma_wait3A_45 : memref<4000xi32, #tpu.memory_space<hbm>>) dst(%arg10 : memref<4000xi32, #tpu.memory_space<vmem>>)
        tpu.yield
      }) : () -> ()
      %dma_start3A = arith.constant 0 : i32
      %dma_start3A_33 = tpu.memref_slice %arg9[%dma_start3A] : memref<4000xi32, #tpu.memory_space<vmem>> -> memref<80xi32, #tpu.memory_space<vmem>>
      %dma_start3A_34 = arith.constant 0 : i32
      %dma_start3A_35 = arith.constant 0 : i32
      %dma_start3A_36 = tpu.memref_slice %arg2[%dma_start3A_34, %dma_start3A_35] : memref<20000x128xf32, #tpu.memory_space<hbm>> -> memref<20000x128xf32, #tpu.memory_space<hbm>>
      tpu.enqueue_indirect_dma source(%dma_start3A_36 : memref<20000x128xf32, #tpu.memory_space<hbm>>) target(%arg11 : memref<80x128xf32, #tpu.memory_space<vmem>>) offsets(%dma_start3A_33 : memref<80xi32, #tpu.memory_space<vmem>>) semaphore(%arg16 : memref<!tpu.dma_semaphore, #tpu.memory_space<semaphore_mem>>)
      %scan3A_37 = arith.constant 0 : i32
      %scan3A_38 = arith.constant 0 : i32
      %scan3A_39 = arith.constant 25 : i32
      %scan3A_40 = arith.addi %scan3A_38, %scan3A_39 : i32
      %scan3A_41 = arith.constant 1 : i32
      scf.for %scan3A_43 = %scan3A_38 to %scan3A_40 step %scan3A_41  : i32 {
        %mul3A_44 = arith.constant 2 : i32
        %mul3A_45 = arith.muli %scan3A_43, %mul3A_44 : i32
        %add3A_46 = arith.constant 0 : i32
        %add3A_47 = arith.addi %mul3A_45, %add3A_46 : i32
        %mul3A_48 = arith.constant 80 : i32
        %mul3A_49 = arith.muli %add3A_47, %mul3A_48 : i32
        %multiple_of3A_50 = tpu.assume_multiple %mul3A_49, 8 : i32
        %add3A_51 = arith.constant 1 : i32
        %add3A_52 = arith.addi %add3A_47, %add3A_51 : i32
        %lt3A = arith.constant 50 : i32
        %lt3A_53 = arith.cmpi slt, %add3A_52, %lt3A : i32
        %convert_element_type3A_54 = arith.extui %lt3A_53 : i1 to i32
        %cond3A_55 = arith.constant 0 : i32
        %cond3A_56 = arith.cmpi ne, %convert_element_type3A_54, %cond3A_55 : i32
        scf.if %cond3A_56 {
          %add3A_78 = arith.constant 1 : i32
          %add3A_79 = arith.addi %add3A_47, %add3A_78 : i32
          %mul3A_80 = arith.constant 80 : i32
          %mul3A_81 = arith.muli %add3A_79, %mul3A_80 : i32
          %multiple_of3A_82 = tpu.assume_multiple %mul3A_81, 8 : i32
          %dma_start3A_83 = tpu.memref_slice %arg9[%multiple_of3A_82] : memref<4000xi32, #tpu.memory_space<vmem>> -> memref<80xi32, #tpu.memory_space<vmem>>
          %dma_start3A_84 = arith.constant 0 : i32
          %dma_start3A_85 = arith.constant 0 : i32
          %dma_start3A_86 = tpu.memref_slice %arg2[%dma_start3A_84, %dma_start3A_85] : memref<20000x128xf32, #tpu.memory_space<hbm>> -> memref<20000x128xf32, #tpu.memory_space<hbm>>
          tpu.enqueue_indirect_dma source(%dma_start3A_86 : memref<20000x128xf32, #tpu.memory_space<hbm>>) target(%arg12 : memref<80x128xf32, #tpu.memory_space<vmem>>) offsets(%dma_start3A_83 : memref<80xi32, #tpu.memory_space<vmem>>) semaphore(%arg17 : memref<!tpu.dma_semaphore, #tpu.memory_space<semaphore_mem>>)
        } else {
        }
        %dma_wait3A = tpu.memref_slice %arg9[%multiple_of3A_50] : memref<4000xi32, #tpu.memory_space<vmem>> -> memref<80xi32, #tpu.memory_space<vmem>>
        %dma_wait3A_57 = arith.constant 0 : i32
        %dma_wait3A_58 = arith.constant 0 : i32
        %dma_wait3A_59 = tpu.memref_slice %arg2[%dma_wait3A_57, %dma_wait3A_58] : memref<20000x128xf32, #tpu.memory_space<hbm>> -> memref<20000x128xf32, #tpu.memory_space<hbm>>
        tpu.wait_indirect_dma semaphore(%arg16 : memref<!tpu.dma_semaphore, #tpu.memory_space<semaphore_mem>>) src(%dma_wait3A_59 : memref<20000x128xf32, #tpu.memory_space<hbm>>) dst(%arg11 : memref<80x128xf32, #tpu.memory_space<vmem>>)
        "tpu.region"() ({
          %run_scoped3A = tpu.sem_alloc : memref<!tpu.dma_semaphore, #tpu.memory_space<semaphore_mem>>
          %dma_start3A_78 = tpu.memref_slice %arg10[%multiple_of3A_50] : memref<4000xi32, #tpu.memory_space<vmem>> -> memref<80xi32, #tpu.memory_space<vmem>>
          %dma_start3A_79 = arith.constant 0 : i32
          %dma_start3A_80 = arith.constant 0 : i32
          %dma_start3A_81 = tpu.memref_slice %arg14[%dma_start3A_79, %dma_start3A_80] : memref<10000x128xf32, #tpu.memory_space<vmem_shared>> -> memref<10000x128xf32, #tpu.memory_space<vmem_shared>>
          tpu.enqueue_indirect_dma source(%arg11 : memref<80x128xf32, #tpu.memory_space<vmem>>) target(%dma_start3A_81 : memref<10000x128xf32, #tpu.memory_space<vmem_shared>>) offsets(%dma_start3A_78 : memref<80xi32, #tpu.memory_space<vmem>>) semaphore(%run_scoped3A : memref<!tpu.dma_semaphore, #tpu.memory_space<semaphore_mem>>) {add = true}
          %dma_wait3A_82 = tpu.memref_slice %arg10[%multiple_of3A_50] : memref<4000xi32, #tpu.memory_space<vmem>> -> memref<80xi32, #tpu.memory_space<vmem>>
          %dma_wait3A_83 = arith.constant 0 : i32
          %dma_wait3A_84 = arith.constant 0 : i32
          %dma_wait3A_85 = tpu.memref_slice %arg14[%dma_wait3A_83, %dma_wait3A_84] : memref<10000x128xf32, #tpu.memory_space<vmem_shared>> -> memref<10000x128xf32, #tpu.memory_space<vmem_shared>>
          tpu.wait_indirect_dma semaphore(%run_scoped3A : memref<!tpu.dma_semaphore, #tpu.memory_space<semaphore_mem>>) src(%arg11 : memref<80x128xf32, #tpu.memory_space<vmem>>) dst(%dma_wait3A_85 : memref<10000x128xf32, #tpu.memory_space<vmem_shared>>)
          tpu.yield
        }) : () -> ()
        %mul3A_60 = arith.constant 2 : i32
        %mul3A_61 = arith.muli %scan3A_43, %mul3A_60 : i32
        %add3A_62 = arith.constant 1 : i32
        %add3A_63 = arith.addi %mul3A_61, %add3A_62 : i32
        %mul3A_64 = arith.constant 80 : i32
        %mul3A_65 = arith.muli %add3A_63, %mul3A_64 : i32
        %multiple_of3A_66 = tpu.assume_multiple %mul3A_65, 8 : i32
        %add3A_67 = arith.constant 1 : i32
        %add3A_68 = arith.addi %add3A_63, %add3A_67 : i32
        %lt3A_69 = arith.constant 50 : i32
        %lt3A_70 = arith.cmpi slt, %add3A_68, %lt3A_69 : i32
        %convert_element_type3A_71 = arith.extui %lt3A_70 : i1 to i32
        %cond3A_72 = arith.constant 0 : i32
        %cond3A_73 = arith.cmpi ne, %convert_element_type3A_71, %cond3A_72 : i32
        scf.if %cond3A_73 {
          %add3A_78 = arith.constant 1 : i32
          %add3A_79 = arith.addi %add3A_63, %add3A_78 : i32
          %mul3A_80 = arith.constant 80 : i32
          %mul3A_81 = arith.muli %add3A_79, %mul3A_80 : i32
          %multiple_of3A_82 = tpu.assume_multiple %mul3A_81, 8 : i32
          %dma_start3A_83 = tpu.memref_slice %arg9[%multiple_of3A_82] : memref<4000xi32, #tpu.memory_space<vmem>> -> memref<80xi32, #tpu.memory_space<vmem>>
          %dma_start3A_84 = arith.constant 0 : i32
          %dma_start3A_85 = arith.constant 0 : i32
          %dma_start3A_86 = tpu.memref_slice %arg2[%dma_start3A_84, %dma_start3A_85] : memref<20000x128xf32, #tpu.memory_space<hbm>> -> memref<20000x128xf32, #tpu.memory_space<hbm>>
          tpu.enqueue_indirect_dma source(%dma_start3A_86 : memref<20000x128xf32, #tpu.memory_space<hbm>>) target(%arg11 : memref<80x128xf32, #tpu.memory_space<vmem>>) offsets(%dma_start3A_83 : memref<80xi32, #tpu.memory_space<vmem>>) semaphore(%arg16 : memref<!tpu.dma_semaphore, #tpu.memory_space<semaphore_mem>>)
        } else {
        }
        %dma_wait3A_74 = tpu.memref_slice %arg9[%multiple_of3A_66] : memref<4000xi32, #tpu.memory_space<vmem>> -> memref<80xi32, #tpu.memory_space<vmem>>
        %dma_wait3A_75 = arith.constant 0 : i32
        %dma_wait3A_76 = arith.constant 0 : i32
        %dma_wait3A_77 = tpu.memref_slice %arg2[%dma_wait3A_75, %dma_wait3A_76] : memref<20000x128xf32, #tpu.memory_space<hbm>> -> memref<20000x128xf32, #tpu.memory_space<hbm>>
        tpu.wait_indirect_dma semaphore(%arg17 : memref<!tpu.dma_semaphore, #tpu.memory_space<semaphore_mem>>) src(%dma_wait3A_77 : memref<20000x128xf32, #tpu.memory_space<hbm>>) dst(%arg12 : memref<80x128xf32, #tpu.memory_space<vmem>>)
        "tpu.region"() ({
          %run_scoped3A = tpu.sem_alloc : memref<!tpu.dma_semaphore, #tpu.memory_space<semaphore_mem>>
          %dma_start3A_78 = tpu.memref_slice %arg10[%multiple_of3A_66] : memref<4000xi32, #tpu.memory_space<vmem>> -> memref<80xi32, #tpu.memory_space<vmem>>
          %dma_start3A_79 = arith.constant 0 : i32
          %dma_start3A_80 = arith.constant 0 : i32
          %dma_start3A_81 = tpu.memref_slice %arg14[%dma_start3A_79, %dma_start3A_80] : memref<10000x128xf32, #tpu.memory_space<vmem_shared>> -> memref<10000x128xf32, #tpu.memory_space<vmem_shared>>
          tpu.enqueue_indirect_dma source(%arg12 : memref<80x128xf32, #tpu.memory_space<vmem>>) target(%dma_start3A_81 : memref<10000x128xf32, #tpu.memory_space<vmem_shared>>) offsets(%dma_start3A_78 : memref<80xi32, #tpu.memory_space<vmem>>) semaphore(%run_scoped3A : memref<!tpu.dma_semaphore, #tpu.memory_space<semaphore_mem>>) {add = true}
          %dma_wait3A_82 = tpu.memref_slice %arg10[%multiple_of3A_66] : memref<4000xi32, #tpu.memory_space<vmem>> -> memref<80xi32, #tpu.memory_space<vmem>>
          %dma_wait3A_83 = arith.constant 0 : i32
          %dma_wait3A_84 = arith.constant 0 : i32
          %dma_wait3A_85 = tpu.memref_slice %arg14[%dma_wait3A_83, %dma_wait3A_84] : memref<10000x128xf32, #tpu.memory_space<vmem_shared>> -> memref<10000x128xf32, #tpu.memory_space<vmem_shared>>
          tpu.wait_indirect_dma semaphore(%run_scoped3A : memref<!tpu.dma_semaphore, #tpu.memory_space<semaphore_mem>>) src(%arg12 : memref<80x128xf32, #tpu.memory_space<vmem>>) dst(%dma_wait3A_85 : memref<10000x128xf32, #tpu.memory_space<vmem_shared>>)
          tpu.yield
        }) : () -> ()
      }
      %scan3A_42 = arith.constant 25 : i32
    }
    %scan3A_15 = arith.constant 5 : i32
    %barrier3A_16 = arith.constant 0 : index
    tpu.barrier barrier_id(%barrier3A_16)
    %mul3A_17 = arith.constant 10000 : i32
    %mul3A_18 = arith.muli %arg0, %mul3A_17 : i32
    %mul3A_19 = arith.constant 624 : i32
    %mul3A_20 = arith.muli %arg1, %mul3A_19 : i32
    %add3A_21 = arith.addi %mul3A_18, %mul3A_20 : i32
    %multiple_of3A_22 = tpu.assume_multiple %add3A_21, 8 : i32
    "tpu.region"() ({
      %run_scoped3A = tpu.sem_alloc : memref<!tpu.dma_semaphore, #tpu.memory_space<semaphore_mem>>
      %dma_start3A = arith.constant 0 : i32
      %dma_start3A_28 = tpu.memref_slice %arg8[%multiple_of3A_22, %dma_start3A] : memref<20000x128xf32, #tpu.memory_space<hbm>> -> memref<624x128xf32, #tpu.memory_space<hbm>>
      %dma_start3A_29 = arith.constant 0 : i32
      %dma_start3A_30 = tpu.memref_slice %arg14[%multiple_of3A, %dma_start3A_29] : memref<10000x128xf32, #tpu.memory_space<vmem_shared>> -> memref<624x128xf32, #tpu.memory_space<vmem_shared>>
      tpu.enqueue_dma source(%dma_start3A_30 : memref<624x128xf32, #tpu.memory_space<vmem_shared>>) target(%dma_start3A_28 : memref<624x128xf32, #tpu.memory_space<hbm>>) target_semaphore(%run_scoped3A : memref<!tpu.dma_semaphore, #tpu.memory_space<semaphore_mem>>)
      %dma_wait3A = arith.constant 0 : i32
      %dma_wait3A_31 = tpu.memref_slice %arg8[%multiple_of3A_22, %dma_wait3A] : memref<20000x128xf32, #tpu.memory_space<hbm>> -> memref<624x128xf32, #tpu.memory_space<hbm>>
      %dma_wait3A_32 = arith.constant 0 : i32
      %dma_wait3A_33 = tpu.memref_slice %arg14[%multiple_of3A, %dma_wait3A_32] : memref<10000x128xf32, #tpu.memory_space<vmem_shared>> -> memref<624x128xf32, #tpu.memory_space<vmem_shared>>
      tpu.wait_dma2 semaphore(%run_scoped3A : memref<!tpu.dma_semaphore, #tpu.memory_space<semaphore_mem>>) src(%dma_wait3A_33 : memref<624x128xf32, #tpu.memory_space<vmem_shared>>) dst(%dma_wait3A_31 : memref<624x128xf32, #tpu.memory_space<hbm>>)
      tpu.yield
    }) : () -> ()
    %eq3A_23 = arith.constant 15 : i32
    %eq3A_24 = arith.cmpi eq, %arg1, %eq3A_23 : i32
    %convert_element_type3A_25 = arith.extui %eq3A_24 : i1 to i32
    %cond3A_26 = arith.constant 0 : i32
    %cond3A_27 = arith.cmpi ne, %convert_element_type3A_25, %cond3A_26 : i32
    scf.if %cond3A_27 {
      %mul3A_28 = arith.constant 10000 : i32
      %mul3A_29 = arith.muli %arg0, %mul3A_28 : i32
      %add3A_30 = arith.constant 9984 : i32
      %add3A_31 = arith.addi %mul3A_29, %add3A_30 : i32
      %multiple_of3A_32 = tpu.assume_multiple %add3A_31, 8 : i32
      "tpu.region"() ({
        %run_scoped3A = tpu.sem_alloc : memref<!tpu.dma_semaphore, #tpu.memory_space<semaphore_mem>>
        %dma_start3A = arith.constant 0 : i32
        %dma_start3A_33 = tpu.memref_slice %arg8[%multiple_of3A_32, %dma_start3A] : memref<20000x128xf32, #tpu.memory_space<hbm>> -> memref<16x128xf32, #tpu.memory_space<hbm>>
        %dma_start3A_34 = arith.constant 9984 : i32
        %dma_start3A_35 = arith.constant 0 : i32
        %dma_start3A_36 = tpu.memref_slice %arg14[%dma_start3A_34, %dma_start3A_35] : memref<10000x128xf32, #tpu.memory_space<vmem_shared>> -> memref<16x128xf32, #tpu.memory_space<vmem_shared>>
        tpu.enqueue_dma source(%dma_start3A_36 : memref<16x128xf32, #tpu.memory_space<vmem_shared>>) target(%dma_start3A_33 : memref<16x128xf32, #tpu.memory_space<hbm>>) target_semaphore(%run_scoped3A : memref<!tpu.dma_semaphore, #tpu.memory_space<semaphore_mem>>)
        %dma_wait3A = arith.constant 0 : i32
        %dma_wait3A_37 = tpu.memref_slice %arg8[%multiple_of3A_32, %dma_wait3A] : memref<20000x128xf32, #tpu.memory_space<hbm>> -> memref<16x128xf32, #tpu.memory_space<hbm>>
        %dma_wait3A_38 = arith.constant 9984 : i32
        %dma_wait3A_39 = arith.constant 0 : i32
        %dma_wait3A_40 = tpu.memref_slice %arg14[%dma_wait3A_38, %dma_wait3A_39] : memref<10000x128xf32, #tpu.memory_space<vmem_shared>> -> memref<16x128xf32, #tpu.memory_space<vmem_shared>>
        tpu.wait_dma2 semaphore(%run_scoped3A : memref<!tpu.dma_semaphore, #tpu.memory_space<semaphore_mem>>) src(%dma_wait3A_40 : memref<16x128xf32, #tpu.memory_space<vmem_shared>>) dst(%dma_wait3A_37 : memref<16x128xf32, #tpu.memory_space<hbm>>)
        tpu.yield
      }) : () -> ()
    } else {
    }
    return
  }
}

#map = affine_map<(d0, d1) -> (0, 0)>
#map1 = affine_map<(d0, d1) -> (0)>
module attributes {stable_mosaic.version = 14 : i64} {
  func.func @body(%arg0: i32, %arg1: i32, %arg2: memref<20000x128xf32, #tpu.memory_space<hbm>>, %arg3: memref<640000xi32, #tpu.memory_space<hbm>>, %arg4: memref<320000xi32, #tpu.memory_space<hbm>>, %arg5: memref<10000x128xf32, #tpu.memory_space<hbm>>, %arg6: memref<10000x16xf32, #tpu.memory_space<hbm>>, %arg7: memref<80x16xf32, #tpu.memory_space<hbm>>, %arg8: memref<20000x128xf32, #tpu.memory_space<hbm>>, %arg9: memref<20000x16xf32, #tpu.memory_space<hbm>>, %arg10: memref<4000xi32, #tpu.memory_space<vmem>>, %arg11: memref<4000xi32, #tpu.memory_space<vmem>>, %arg12: memref<80x128xf32, #tpu.memory_space<vmem>>, %arg13: memref<80x128xf32, #tpu.memory_space<vmem>>, %arg14: memref<80x16xf32, #tpu.memory_space<vmem>>, %arg15: memref<10000x128xf32, #tpu.memory_space<vmem_shared>>, %arg16: memref<10000x16xf32, #tpu.memory_space<vmem_shared>>, %arg17: memref<!tpu.dma_semaphore, #tpu.memory_space<semaphore_mem>>, %arg18: memref<!tpu.dma_semaphore, #tpu.memory_space<semaphore_mem>>) attributes {dimension_semantics = [#tpu.dimension_semantics<core_parallel>, #tpu.dimension_semantics<subcore_parallel>], iteration_bounds = array<i64: 2, 16>, scalar_prefetch = 0 : i64, scratch_operands = 9 : i64, tpu.core_type = #tpu.core_type<sc_vector_subcore>, window_params = [{transform_indices = #map}, {transform_indices = #map1}, {transform_indices = #map1}, {transform_indices = #map}, {transform_indices = #map}, {transform_indices = #map}, {transform_indices = #map}, {transform_indices = #map}]} {
    %mul3A = arith.constant 624 : i32
    %mul3A_0 = arith.muli %arg1, %mul3A : i32
    %multiple_of3A = tpu.assume_multiple %mul3A_0, 8 : i32
    "tpu.region"() ({
      %run_scoped3A = tpu.sem_alloc : memref<!tpu.dma_semaphore, #tpu.memory_space<semaphore_mem>>
      %dma_start3A = arith.constant 0 : i32
      %dma_start3A_28 = tpu.memref_slice %arg15[%multiple_of3A, %dma_start3A] : memref<10000x128xf32, #tpu.memory_space<vmem_shared>> -> memref<624x128xf32, #tpu.memory_space<vmem_shared>>
      %dma_start3A_29 = arith.constant 0 : i32
      %dma_start3A_30 = tpu.memref_slice %arg5[%multiple_of3A, %dma_start3A_29] : memref<10000x128xf32, #tpu.memory_space<hbm>> -> memref<624x128xf32, #tpu.memory_space<hbm>>
      tpu.enqueue_dma source(%dma_start3A_30 : memref<624x128xf32, #tpu.memory_space<hbm>>) target(%dma_start3A_28 : memref<624x128xf32, #tpu.memory_space<vmem_shared>>) target_semaphore(%run_scoped3A : memref<!tpu.dma_semaphore, #tpu.memory_space<semaphore_mem>>)
      %dma_wait3A = arith.constant 0 : i32
      %dma_wait3A_31 = tpu.memref_slice %arg15[%multiple_of3A, %dma_wait3A] : memref<10000x128xf32, #tpu.memory_space<vmem_shared>> -> memref<624x128xf32, #tpu.memory_space<vmem_shared>>
      %dma_wait3A_32 = arith.constant 0 : i32
      %dma_wait3A_33 = tpu.memref_slice %arg5[%multiple_of3A, %dma_wait3A_32] : memref<10000x128xf32, #tpu.memory_space<hbm>> -> memref<624x128xf32, #tpu.memory_space<hbm>>
      tpu.wait_dma2 semaphore(%run_scoped3A : memref<!tpu.dma_semaphore, #tpu.memory_space<semaphore_mem>>) src(%dma_wait3A_33 : memref<624x128xf32, #tpu.memory_space<hbm>>) dst(%dma_wait3A_31 : memref<624x128xf32, #tpu.memory_space<vmem_shared>>)
      tpu.yield
    }) : () -> ()
    "tpu.region"() ({
      %run_scoped3A = tpu.sem_alloc : memref<!tpu.dma_semaphore, #tpu.memory_space<semaphore_mem>>
      %dma_start3A = arith.constant 0 : i32
      %dma_start3A_28 = tpu.memref_slice %arg16[%multiple_of3A, %dma_start3A] : memref<10000x16xf32, #tpu.memory_space<vmem_shared>> -> memref<624x16xf32, #tpu.memory_space<vmem_shared>>
      %dma_start3A_29 = arith.constant 0 : i32
      %dma_start3A_30 = tpu.memref_slice %arg6[%multiple_of3A, %dma_start3A_29] : memref<10000x16xf32, #tpu.memory_space<hbm>> -> memref<624x16xf32, #tpu.memory_space<hbm>>
      tpu.enqueue_dma source(%dma_start3A_30 : memref<624x16xf32, #tpu.memory_space<hbm>>) target(%dma_start3A_28 : memref<624x16xf32, #tpu.memory_space<vmem_shared>>) target_semaphore(%run_scoped3A : memref<!tpu.dma_semaphore, #tpu.memory_space<semaphore_mem>>)
      %dma_wait3A = arith.constant 0 : i32
      %dma_wait3A_31 = tpu.memref_slice %arg16[%multiple_of3A, %dma_wait3A] : memref<10000x16xf32, #tpu.memory_space<vmem_shared>> -> memref<624x16xf32, #tpu.memory_space<vmem_shared>>
      %dma_wait3A_32 = arith.constant 0 : i32
      %dma_wait3A_33 = tpu.memref_slice %arg6[%multiple_of3A, %dma_wait3A_32] : memref<10000x16xf32, #tpu.memory_space<hbm>> -> memref<624x16xf32, #tpu.memory_space<hbm>>
      tpu.wait_dma2 semaphore(%run_scoped3A : memref<!tpu.dma_semaphore, #tpu.memory_space<semaphore_mem>>) src(%dma_wait3A_33 : memref<624x16xf32, #tpu.memory_space<hbm>>) dst(%dma_wait3A_31 : memref<624x16xf32, #tpu.memory_space<vmem_shared>>)
      tpu.yield
    }) : () -> ()
    "tpu.region"() ({
      %run_scoped3A = tpu.sem_alloc : memref<!tpu.dma_semaphore, #tpu.memory_space<semaphore_mem>>
      tpu.enqueue_dma source(%arg7 : memref<80x16xf32, #tpu.memory_space<hbm>>) target(%arg14 : memref<80x16xf32, #tpu.memory_space<vmem>>) target_semaphore(%run_scoped3A : memref<!tpu.dma_semaphore, #tpu.memory_space<semaphore_mem>>)
      tpu.wait_dma2 semaphore(%run_scoped3A : memref<!tpu.dma_semaphore, #tpu.memory_space<semaphore_mem>>) src(%arg7 : memref<80x16xf32, #tpu.memory_space<hbm>>) dst(%arg14 : memref<80x16xf32, #tpu.memory_space<vmem>>)
      tpu.yield
    }) : () -> ()
    %eq3A = arith.constant 15 : i32
    %eq3A_1 = arith.cmpi eq, %arg1, %eq3A : i32
    %convert_element_type3A = arith.extui %eq3A_1 : i1 to i32
    %cond3A = arith.constant 0 : i32
    %cond3A_2 = arith.cmpi ne, %convert_element_type3A, %cond3A : i32
    scf.if %cond3A_2 {
      "tpu.region"() ({
        %run_scoped3A = tpu.sem_alloc : memref<!tpu.dma_semaphore, #tpu.memory_space<semaphore_mem>>
        %dma_start3A = arith.constant 9984 : i32
        %dma_start3A_28 = arith.constant 0 : i32
        %dma_start3A_29 = tpu.memref_slice %arg15[%dma_start3A, %dma_start3A_28] : memref<10000x128xf32, #tpu.memory_space<vmem_shared>> -> memref<16x128xf32, #tpu.memory_space<vmem_shared>>
        %dma_start3A_30 = arith.constant 9984 : i32
        %dma_start3A_31 = arith.constant 0 : i32
        %dma_start3A_32 = tpu.memref_slice %arg5[%dma_start3A_30, %dma_start3A_31] : memref<10000x128xf32, #tpu.memory_space<hbm>> -> memref<16x128xf32, #tpu.memory_space<hbm>>
        tpu.enqueue_dma source(%dma_start3A_32 : memref<16x128xf32, #tpu.memory_space<hbm>>) target(%dma_start3A_29 : memref<16x128xf32, #tpu.memory_space<vmem_shared>>) target_semaphore(%run_scoped3A : memref<!tpu.dma_semaphore, #tpu.memory_space<semaphore_mem>>)
        %dma_wait3A = arith.constant 9984 : i32
        %dma_wait3A_33 = arith.constant 0 : i32
        %dma_wait3A_34 = tpu.memref_slice %arg15[%dma_wait3A, %dma_wait3A_33] : memref<10000x128xf32, #tpu.memory_space<vmem_shared>> -> memref<16x128xf32, #tpu.memory_space<vmem_shared>>
        %dma_wait3A_35 = arith.constant 9984 : i32
        %dma_wait3A_36 = arith.constant 0 : i32
        %dma_wait3A_37 = tpu.memref_slice %arg5[%dma_wait3A_35, %dma_wait3A_36] : memref<10000x128xf32, #tpu.memory_space<hbm>> -> memref<16x128xf32, #tpu.memory_space<hbm>>
        tpu.wait_dma2 semaphore(%run_scoped3A : memref<!tpu.dma_semaphore, #tpu.memory_space<semaphore_mem>>) src(%dma_wait3A_37 : memref<16x128xf32, #tpu.memory_space<hbm>>) dst(%dma_wait3A_34 : memref<16x128xf32, #tpu.memory_space<vmem_shared>>)
        tpu.yield
      }) : () -> ()
      "tpu.region"() ({
        %run_scoped3A = tpu.sem_alloc : memref<!tpu.dma_semaphore, #tpu.memory_space<semaphore_mem>>
        %dma_start3A = arith.constant 9984 : i32
        %dma_start3A_28 = arith.constant 0 : i32
        %dma_start3A_29 = tpu.memref_slice %arg16[%dma_start3A, %dma_start3A_28] : memref<10000x16xf32, #tpu.memory_space<vmem_shared>> -> memref<16x16xf32, #tpu.memory_space<vmem_shared>>
        %dma_start3A_30 = arith.constant 9984 : i32
        %dma_start3A_31 = arith.constant 0 : i32
        %dma_start3A_32 = tpu.memref_slice %arg6[%dma_start3A_30, %dma_start3A_31] : memref<10000x16xf32, #tpu.memory_space<hbm>> -> memref<16x16xf32, #tpu.memory_space<hbm>>
        tpu.enqueue_dma source(%dma_start3A_32 : memref<16x16xf32, #tpu.memory_space<hbm>>) target(%dma_start3A_29 : memref<16x16xf32, #tpu.memory_space<vmem_shared>>) target_semaphore(%run_scoped3A : memref<!tpu.dma_semaphore, #tpu.memory_space<semaphore_mem>>)
        %dma_wait3A = arith.constant 9984 : i32
        %dma_wait3A_33 = arith.constant 0 : i32
        %dma_wait3A_34 = tpu.memref_slice %arg16[%dma_wait3A, %dma_wait3A_33] : memref<10000x16xf32, #tpu.memory_space<vmem_shared>> -> memref<16x16xf32, #tpu.memory_space<vmem_shared>>
        %dma_wait3A_35 = arith.constant 9984 : i32
        %dma_wait3A_36 = arith.constant 0 : i32
        %dma_wait3A_37 = tpu.memref_slice %arg6[%dma_wait3A_35, %dma_wait3A_36] : memref<10000x16xf32, #tpu.memory_space<hbm>> -> memref<16x16xf32, #tpu.memory_space<hbm>>
        tpu.wait_dma2 semaphore(%run_scoped3A : memref<!tpu.dma_semaphore, #tpu.memory_space<semaphore_mem>>) src(%dma_wait3A_37 : memref<16x16xf32, #tpu.memory_space<hbm>>) dst(%dma_wait3A_34 : memref<16x16xf32, #tpu.memory_space<vmem_shared>>)
        tpu.yield
      }) : () -> ()
    } else {
    }
    %mul3A_3 = arith.constant 320000 : i32
    %mul3A_4 = arith.muli %arg0, %mul3A_3 : i32
    %mul3A_5 = arith.constant 20000 : i32
    %mul3A_6 = arith.muli %arg1, %mul3A_5 : i32
    %add3A = arith.addi %mul3A_4, %mul3A_6 : i32
    %multiple_of3A_7 = tpu.assume_multiple %add3A, 8 : i32
    %mul3A_8 = arith.constant 20000 : i32
    %mul3A_9 = arith.muli %arg1, %mul3A_8 : i32
    %multiple_of3A_10 = tpu.assume_multiple %mul3A_9, 8 : i32
    %barrier3A = arith.constant 0 : index
    tpu.barrier barrier_id(%barrier3A)
    %scan3A = arith.constant 0 : i32
    %scan3A_11 = arith.constant 0 : i32
    %scan3A_12 = arith.constant 5 : i32
    %scan3A_13 = arith.addi %scan3A_11, %scan3A_12 : i32
    %scan3A_14 = arith.constant 1 : i32
    scf.for %scan3A_28 = %scan3A_11 to %scan3A_13 step %scan3A_14  : i32 {
      %mul3A_29 = arith.constant 4000 : i32
      %mul3A_30 = arith.muli %scan3A_28, %mul3A_29 : i32
      %add3A_31 = arith.addi %multiple_of3A_7, %mul3A_30 : i32
      "tpu.region"() ({
        %run_scoped3A = tpu.sem_alloc : memref<!tpu.dma_semaphore, #tpu.memory_space<semaphore_mem>>
        %dma_start3A_43 = tpu.memref_slice %arg3[%add3A_31] : memref<640000xi32, #tpu.memory_space<hbm>> -> memref<4000xi32, #tpu.memory_space<hbm>>
        %dma_start3A_44 = tpu.memref_slice %arg3[%add3A_31] : memref<640000xi32, #tpu.memory_space<hbm>> -> memref<4000xi32, #tpu.memory_space<hbm>>
        tpu.enqueue_dma source(%dma_start3A_44 : memref<4000xi32, #tpu.memory_space<hbm>>) target(%arg10 : memref<4000xi32, #tpu.memory_space<vmem>>) target_semaphore(%run_scoped3A : memref<!tpu.dma_semaphore, #tpu.memory_space<semaphore_mem>>)
        %dma_wait3A = tpu.memref_slice %arg3[%add3A_31] : memref<640000xi32, #tpu.memory_space<hbm>> -> memref<4000xi32, #tpu.memory_space<hbm>>
        %dma_wait3A_45 = tpu.memref_slice %arg3[%add3A_31] : memref<640000xi32, #tpu.memory_space<hbm>> -> memref<4000xi32, #tpu.memory_space<hbm>>
        tpu.wait_dma2 semaphore(%run_scoped3A : memref<!tpu.dma_semaphore, #tpu.memory_space<semaphore_mem>>) src(%dma_wait3A_45 : memref<4000xi32, #tpu.memory_space<hbm>>) dst(%arg10 : memref<4000xi32, #tpu.memory_space<vmem>>)
        tpu.yield
      }) : () -> ()
      %add3A_32 = arith.addi %multiple_of3A_10, %mul3A_30 : i32
      "tpu.region"() ({
        %run_scoped3A = tpu.sem_alloc : memref<!tpu.dma_semaphore, #tpu.memory_space<semaphore_mem>>
        %dma_start3A_43 = tpu.memref_slice %arg4[%add3A_32] : memref<320000xi32, #tpu.memory_space<hbm>> -> memref<4000xi32, #tpu.memory_space<hbm>>
        %dma_start3A_44 = tpu.memref_slice %arg4[%add3A_32] : memref<320000xi32, #tpu.memory_space<hbm>> -> memref<4000xi32, #tpu.memory_space<hbm>>
        tpu.enqueue_dma source(%dma_start3A_44 : memref<4000xi32, #tpu.memory_space<hbm>>) target(%arg11 : memref<4000xi32, #tpu.memory_space<vmem>>) target_semaphore(%run_scoped3A : memref<!tpu.dma_semaphore, #tpu.memory_space<semaphore_mem>>)
        %dma_wait3A = tpu.memref_slice %arg4[%add3A_32] : memref<320000xi32, #tpu.memory_space<hbm>> -> memref<4000xi32, #tpu.memory_space<hbm>>
        %dma_wait3A_45 = tpu.memref_slice %arg4[%add3A_32] : memref<320000xi32, #tpu.memory_space<hbm>> -> memref<4000xi32, #tpu.memory_space<hbm>>
        tpu.wait_dma2 semaphore(%run_scoped3A : memref<!tpu.dma_semaphore, #tpu.memory_space<semaphore_mem>>) src(%dma_wait3A_45 : memref<4000xi32, #tpu.memory_space<hbm>>) dst(%arg11 : memref<4000xi32, #tpu.memory_space<vmem>>)
        tpu.yield
      }) : () -> ()
      %dma_start3A = arith.constant 0 : i32
      %dma_start3A_33 = tpu.memref_slice %arg10[%dma_start3A] : memref<4000xi32, #tpu.memory_space<vmem>> -> memref<80xi32, #tpu.memory_space<vmem>>
      %dma_start3A_34 = arith.constant 0 : i32
      %dma_start3A_35 = arith.constant 0 : i32
      %dma_start3A_36 = tpu.memref_slice %arg2[%dma_start3A_34, %dma_start3A_35] : memref<20000x128xf32, #tpu.memory_space<hbm>> -> memref<20000x128xf32, #tpu.memory_space<hbm>>
      tpu.enqueue_indirect_dma source(%dma_start3A_36 : memref<20000x128xf32, #tpu.memory_space<hbm>>) target(%arg12 : memref<80x128xf32, #tpu.memory_space<vmem>>) offsets(%dma_start3A_33 : memref<80xi32, #tpu.memory_space<vmem>>) semaphore(%arg17 : memref<!tpu.dma_semaphore, #tpu.memory_space<semaphore_mem>>)
      %scan3A_37 = arith.constant 0 : i32
      %scan3A_38 = arith.constant 0 : i32
      %scan3A_39 = arith.constant 25 : i32
      %scan3A_40 = arith.addi %scan3A_38, %scan3A_39 : i32
      %scan3A_41 = arith.constant 1 : i32
      scf.for %scan3A_43 = %scan3A_38 to %scan3A_40 step %scan3A_41  : i32 {
        %mul3A_44 = arith.constant 2 : i32
        %mul3A_45 = arith.muli %scan3A_43, %mul3A_44 : i32
        %add3A_46 = arith.constant 0 : i32
        %add3A_47 = arith.addi %mul3A_45, %add3A_46 : i32
        %mul3A_48 = arith.constant 80 : i32
        %mul3A_49 = arith.muli %add3A_47, %mul3A_48 : i32
        %multiple_of3A_50 = tpu.assume_multiple %mul3A_49, 8 : i32
        %add3A_51 = arith.constant 1 : i32
        %add3A_52 = arith.addi %add3A_47, %add3A_51 : i32
        %lt3A = arith.constant 50 : i32
        %lt3A_53 = arith.cmpi slt, %add3A_52, %lt3A : i32
        %convert_element_type3A_54 = arith.extui %lt3A_53 : i1 to i32
        %cond3A_55 = arith.constant 0 : i32
        %cond3A_56 = arith.cmpi ne, %convert_element_type3A_54, %cond3A_55 : i32
        scf.if %cond3A_56 {
          %add3A_88 = arith.constant 1 : i32
          %add3A_89 = arith.addi %add3A_47, %add3A_88 : i32
          %mul3A_90 = arith.constant 80 : i32
          %mul3A_91 = arith.muli %add3A_89, %mul3A_90 : i32
          %multiple_of3A_92 = tpu.assume_multiple %mul3A_91, 8 : i32
          %dma_start3A_93 = tpu.memref_slice %arg10[%multiple_of3A_92] : memref<4000xi32, #tpu.memory_space<vmem>> -> memref<80xi32, #tpu.memory_space<vmem>>
          %dma_start3A_94 = arith.constant 0 : i32
          %dma_start3A_95 = arith.constant 0 : i32
          %dma_start3A_96 = tpu.memref_slice %arg2[%dma_start3A_94, %dma_start3A_95] : memref<20000x128xf32, #tpu.memory_space<hbm>> -> memref<20000x128xf32, #tpu.memory_space<hbm>>
          tpu.enqueue_indirect_dma source(%dma_start3A_96 : memref<20000x128xf32, #tpu.memory_space<hbm>>) target(%arg13 : memref<80x128xf32, #tpu.memory_space<vmem>>) offsets(%dma_start3A_93 : memref<80xi32, #tpu.memory_space<vmem>>) semaphore(%arg18 : memref<!tpu.dma_semaphore, #tpu.memory_space<semaphore_mem>>)
        } else {
        }
        %dma_wait3A = tpu.memref_slice %arg10[%multiple_of3A_50] : memref<4000xi32, #tpu.memory_space<vmem>> -> memref<80xi32, #tpu.memory_space<vmem>>
        %dma_wait3A_57 = arith.constant 0 : i32
        %dma_wait3A_58 = arith.constant 0 : i32
        %dma_wait3A_59 = tpu.memref_slice %arg2[%dma_wait3A_57, %dma_wait3A_58] : memref<20000x128xf32, #tpu.memory_space<hbm>> -> memref<20000x128xf32, #tpu.memory_space<hbm>>
        tpu.wait_indirect_dma semaphore(%arg17 : memref<!tpu.dma_semaphore, #tpu.memory_space<semaphore_mem>>) src(%dma_wait3A_59 : memref<20000x128xf32, #tpu.memory_space<hbm>>) dst(%arg12 : memref<80x128xf32, #tpu.memory_space<vmem>>)
        "tpu.region"() ({
          %run_scoped3A = tpu.sem_alloc : memref<!tpu.dma_semaphore, #tpu.memory_space<semaphore_mem>>
          %dma_start3A_88 = tpu.memref_slice %arg11[%multiple_of3A_50] : memref<4000xi32, #tpu.memory_space<vmem>> -> memref<80xi32, #tpu.memory_space<vmem>>
          %dma_start3A_89 = arith.constant 0 : i32
          %dma_start3A_90 = arith.constant 0 : i32
          %dma_start3A_91 = tpu.memref_slice %arg15[%dma_start3A_89, %dma_start3A_90] : memref<10000x128xf32, #tpu.memory_space<vmem_shared>> -> memref<10000x128xf32, #tpu.memory_space<vmem_shared>>
          tpu.enqueue_indirect_dma source(%arg12 : memref<80x128xf32, #tpu.memory_space<vmem>>) target(%dma_start3A_91 : memref<10000x128xf32, #tpu.memory_space<vmem_shared>>) offsets(%dma_start3A_88 : memref<80xi32, #tpu.memory_space<vmem>>) semaphore(%run_scoped3A : memref<!tpu.dma_semaphore, #tpu.memory_space<semaphore_mem>>) {add = true}
          %dma_wait3A_92 = tpu.memref_slice %arg11[%multiple_of3A_50] : memref<4000xi32, #tpu.memory_space<vmem>> -> memref<80xi32, #tpu.memory_space<vmem>>
          %dma_wait3A_93 = arith.constant 0 : i32
          %dma_wait3A_94 = arith.constant 0 : i32
          %dma_wait3A_95 = tpu.memref_slice %arg15[%dma_wait3A_93, %dma_wait3A_94] : memref<10000x128xf32, #tpu.memory_space<vmem_shared>> -> memref<10000x128xf32, #tpu.memory_space<vmem_shared>>
          tpu.wait_indirect_dma semaphore(%run_scoped3A : memref<!tpu.dma_semaphore, #tpu.memory_space<semaphore_mem>>) src(%arg12 : memref<80x128xf32, #tpu.memory_space<vmem>>) dst(%dma_wait3A_95 : memref<10000x128xf32, #tpu.memory_space<vmem_shared>>)
          tpu.yield
        }) : () -> ()
        %eq3A_60 = arith.constant 0 : i32
        %eq3A_61 = arith.cmpi eq, %arg0, %eq3A_60 : i32
        %convert_element_type3A_62 = arith.extui %eq3A_61 : i1 to i32
        %cond3A_63 = arith.constant 0 : i32
        %cond3A_64 = arith.cmpi ne, %convert_element_type3A_62, %cond3A_63 : i32
        scf.if %cond3A_64 {
          "tpu.region"() ({
            %run_scoped3A = tpu.sem_alloc : memref<!tpu.dma_semaphore, #tpu.memory_space<semaphore_mem>>
            %dma_start3A_88 = tpu.memref_slice %arg11[%multiple_of3A_50] : memref<4000xi32, #tpu.memory_space<vmem>> -> memref<80xi32, #tpu.memory_space<vmem>>
            %dma_start3A_89 = arith.constant 0 : i32
            %dma_start3A_90 = arith.constant 0 : i32
            %dma_start3A_91 = tpu.memref_slice %arg16[%dma_start3A_89, %dma_start3A_90] : memref<10000x16xf32, #tpu.memory_space<vmem_shared>> -> memref<10000x16xf32, #tpu.memory_space<vmem_shared>>
            tpu.enqueue_indirect_dma source(%arg14 : memref<80x16xf32, #tpu.memory_space<vmem>>) target(%dma_start3A_91 : memref<10000x16xf32, #tpu.memory_space<vmem_shared>>) offsets(%dma_start3A_88 : memref<80xi32, #tpu.memory_space<vmem>>) semaphore(%run_scoped3A : memref<!tpu.dma_semaphore, #tpu.memory_space<semaphore_mem>>) {add = true}
            %dma_wait3A_92 = tpu.memref_slice %arg11[%multiple_of3A_50] : memref<4000xi32, #tpu.memory_space<vmem>> -> memref<80xi32, #tpu.memory_space<vmem>>
            %dma_wait3A_93 = arith.constant 0 : i32
            %dma_wait3A_94 = arith.constant 0 : i32
            %dma_wait3A_95 = tpu.memref_slice %arg16[%dma_wait3A_93, %dma_wait3A_94] : memref<10000x16xf32, #tpu.memory_space<vmem_shared>> -> memref<10000x16xf32, #tpu.memory_space<vmem_shared>>
            tpu.wait_indirect_dma semaphore(%run_scoped3A : memref<!tpu.dma_semaphore, #tpu.memory_space<semaphore_mem>>) src(%arg14 : memref<80x16xf32, #tpu.memory_space<vmem>>) dst(%dma_wait3A_95 : memref<10000x16xf32, #tpu.memory_space<vmem_shared>>)
            tpu.yield
          }) : () -> ()
        } else {
        }
        %mul3A_65 = arith.constant 2 : i32
        %mul3A_66 = arith.muli %scan3A_43, %mul3A_65 : i32
        %add3A_67 = arith.constant 1 : i32
        %add3A_68 = arith.addi %mul3A_66, %add3A_67 : i32
        %mul3A_69 = arith.constant 80 : i32
        %mul3A_70 = arith.muli %add3A_68, %mul3A_69 : i32
        %multiple_of3A_71 = tpu.assume_multiple %mul3A_70, 8 : i32
        %add3A_72 = arith.constant 1 : i32
        %add3A_73 = arith.addi %add3A_68, %add3A_72 : i32
        %lt3A_74 = arith.constant 50 : i32
        %lt3A_75 = arith.cmpi slt, %add3A_73, %lt3A_74 : i32
        %convert_element_type3A_76 = arith.extui %lt3A_75 : i1 to i32
        %cond3A_77 = arith.constant 0 : i32
        %cond3A_78 = arith.cmpi ne, %convert_element_type3A_76, %cond3A_77 : i32
        scf.if %cond3A_78 {
          %add3A_88 = arith.constant 1 : i32
          %add3A_89 = arith.addi %add3A_68, %add3A_88 : i32
          %mul3A_90 = arith.constant 80 : i32
          %mul3A_91 = arith.muli %add3A_89, %mul3A_90 : i32
          %multiple_of3A_92 = tpu.assume_multiple %mul3A_91, 8 : i32
          %dma_start3A_93 = tpu.memref_slice %arg10[%multiple_of3A_92] : memref<4000xi32, #tpu.memory_space<vmem>> -> memref<80xi32, #tpu.memory_space<vmem>>
          %dma_start3A_94 = arith.constant 0 : i32
          %dma_start3A_95 = arith.constant 0 : i32
          %dma_start3A_96 = tpu.memref_slice %arg2[%dma_start3A_94, %dma_start3A_95] : memref<20000x128xf32, #tpu.memory_space<hbm>> -> memref<20000x128xf32, #tpu.memory_space<hbm>>
          tpu.enqueue_indirect_dma source(%dma_start3A_96 : memref<20000x128xf32, #tpu.memory_space<hbm>>) target(%arg12 : memref<80x128xf32, #tpu.memory_space<vmem>>) offsets(%dma_start3A_93 : memref<80xi32, #tpu.memory_space<vmem>>) semaphore(%arg17 : memref<!tpu.dma_semaphore, #tpu.memory_space<semaphore_mem>>)
        } else {
        }
        %dma_wait3A_79 = tpu.memref_slice %arg10[%multiple_of3A_71] : memref<4000xi32, #tpu.memory_space<vmem>> -> memref<80xi32, #tpu.memory_space<vmem>>
        %dma_wait3A_80 = arith.constant 0 : i32
        %dma_wait3A_81 = arith.constant 0 : i32
        %dma_wait3A_82 = tpu.memref_slice %arg2[%dma_wait3A_80, %dma_wait3A_81] : memref<20000x128xf32, #tpu.memory_space<hbm>> -> memref<20000x128xf32, #tpu.memory_space<hbm>>
        tpu.wait_indirect_dma semaphore(%arg18 : memref<!tpu.dma_semaphore, #tpu.memory_space<semaphore_mem>>) src(%dma_wait3A_82 : memref<20000x128xf32, #tpu.memory_space<hbm>>) dst(%arg13 : memref<80x128xf32, #tpu.memory_space<vmem>>)
        "tpu.region"() ({
          %run_scoped3A = tpu.sem_alloc : memref<!tpu.dma_semaphore, #tpu.memory_space<semaphore_mem>>
          %dma_start3A_88 = tpu.memref_slice %arg11[%multiple_of3A_71] : memref<4000xi32, #tpu.memory_space<vmem>> -> memref<80xi32, #tpu.memory_space<vmem>>
          %dma_start3A_89 = arith.constant 0 : i32
          %dma_start3A_90 = arith.constant 0 : i32
          %dma_start3A_91 = tpu.memref_slice %arg15[%dma_start3A_89, %dma_start3A_90] : memref<10000x128xf32, #tpu.memory_space<vmem_shared>> -> memref<10000x128xf32, #tpu.memory_space<vmem_shared>>
          tpu.enqueue_indirect_dma source(%arg13 : memref<80x128xf32, #tpu.memory_space<vmem>>) target(%dma_start3A_91 : memref<10000x128xf32, #tpu.memory_space<vmem_shared>>) offsets(%dma_start3A_88 : memref<80xi32, #tpu.memory_space<vmem>>) semaphore(%run_scoped3A : memref<!tpu.dma_semaphore, #tpu.memory_space<semaphore_mem>>) {add = true}
          %dma_wait3A_92 = tpu.memref_slice %arg11[%multiple_of3A_71] : memref<4000xi32, #tpu.memory_space<vmem>> -> memref<80xi32, #tpu.memory_space<vmem>>
          %dma_wait3A_93 = arith.constant 0 : i32
          %dma_wait3A_94 = arith.constant 0 : i32
          %dma_wait3A_95 = tpu.memref_slice %arg15[%dma_wait3A_93, %dma_wait3A_94] : memref<10000x128xf32, #tpu.memory_space<vmem_shared>> -> memref<10000x128xf32, #tpu.memory_space<vmem_shared>>
          tpu.wait_indirect_dma semaphore(%run_scoped3A : memref<!tpu.dma_semaphore, #tpu.memory_space<semaphore_mem>>) src(%arg13 : memref<80x128xf32, #tpu.memory_space<vmem>>) dst(%dma_wait3A_95 : memref<10000x128xf32, #tpu.memory_space<vmem_shared>>)
          tpu.yield
        }) : () -> ()
        %eq3A_83 = arith.constant 1 : i32
        %eq3A_84 = arith.cmpi eq, %arg0, %eq3A_83 : i32
        %convert_element_type3A_85 = arith.extui %eq3A_84 : i1 to i32
        %cond3A_86 = arith.constant 0 : i32
        %cond3A_87 = arith.cmpi ne, %convert_element_type3A_85, %cond3A_86 : i32
        scf.if %cond3A_87 {
          "tpu.region"() ({
            %run_scoped3A = tpu.sem_alloc : memref<!tpu.dma_semaphore, #tpu.memory_space<semaphore_mem>>
            %dma_start3A_88 = tpu.memref_slice %arg11[%multiple_of3A_71] : memref<4000xi32, #tpu.memory_space<vmem>> -> memref<80xi32, #tpu.memory_space<vmem>>
            %dma_start3A_89 = arith.constant 0 : i32
            %dma_start3A_90 = arith.constant 0 : i32
            %dma_start3A_91 = tpu.memref_slice %arg16[%dma_start3A_89, %dma_start3A_90] : memref<10000x16xf32, #tpu.memory_space<vmem_shared>> -> memref<10000x16xf32, #tpu.memory_space<vmem_shared>>
            tpu.enqueue_indirect_dma source(%arg14 : memref<80x16xf32, #tpu.memory_space<vmem>>) target(%dma_start3A_91 : memref<10000x16xf32, #tpu.memory_space<vmem_shared>>) offsets(%dma_start3A_88 : memref<80xi32, #tpu.memory_space<vmem>>) semaphore(%run_scoped3A : memref<!tpu.dma_semaphore, #tpu.memory_space<semaphore_mem>>) {add = true}
            %dma_wait3A_92 = tpu.memref_slice %arg11[%multiple_of3A_71] : memref<4000xi32, #tpu.memory_space<vmem>> -> memref<80xi32, #tpu.memory_space<vmem>>
            %dma_wait3A_93 = arith.constant 0 : i32
            %dma_wait3A_94 = arith.constant 0 : i32
            %dma_wait3A_95 = tpu.memref_slice %arg16[%dma_wait3A_93, %dma_wait3A_94] : memref<10000x16xf32, #tpu.memory_space<vmem_shared>> -> memref<10000x16xf32, #tpu.memory_space<vmem_shared>>
            tpu.wait_indirect_dma semaphore(%run_scoped3A : memref<!tpu.dma_semaphore, #tpu.memory_space<semaphore_mem>>) src(%arg14 : memref<80x16xf32, #tpu.memory_space<vmem>>) dst(%dma_wait3A_95 : memref<10000x16xf32, #tpu.memory_space<vmem_shared>>)
            tpu.yield
          }) : () -> ()
        } else {
        }
      }
      %scan3A_42 = arith.constant 25 : i32
    }
    %scan3A_15 = arith.constant 5 : i32
    %barrier3A_16 = arith.constant 0 : index
    tpu.barrier barrier_id(%barrier3A_16)
    %mul3A_17 = arith.constant 10000 : i32
    %mul3A_18 = arith.muli %arg0, %mul3A_17 : i32
    %mul3A_19 = arith.constant 624 : i32
    %mul3A_20 = arith.muli %arg1, %mul3A_19 : i32
    %add3A_21 = arith.addi %mul3A_18, %mul3A_20 : i32
    %multiple_of3A_22 = tpu.assume_multiple %add3A_21, 8 : i32
    "tpu.region"() ({
      %run_scoped3A = tpu.sem_alloc : memref<!tpu.dma_semaphore, #tpu.memory_space<semaphore_mem>>
      %dma_start3A = arith.constant 0 : i32
      %dma_start3A_28 = tpu.memref_slice %arg8[%multiple_of3A_22, %dma_start3A] : memref<20000x128xf32, #tpu.memory_space<hbm>> -> memref<624x128xf32, #tpu.memory_space<hbm>>
      %dma_start3A_29 = arith.constant 0 : i32
      %dma_start3A_30 = tpu.memref_slice %arg15[%multiple_of3A, %dma_start3A_29] : memref<10000x128xf32, #tpu.memory_space<vmem_shared>> -> memref<624x128xf32, #tpu.memory_space<vmem_shared>>
      tpu.enqueue_dma source(%dma_start3A_30 : memref<624x128xf32, #tpu.memory_space<vmem_shared>>) target(%dma_start3A_28 : memref<624x128xf32, #tpu.memory_space<hbm>>) target_semaphore(%run_scoped3A : memref<!tpu.dma_semaphore, #tpu.memory_space<semaphore_mem>>)
      %dma_wait3A = arith.constant 0 : i32
      %dma_wait3A_31 = tpu.memref_slice %arg8[%multiple_of3A_22, %dma_wait3A] : memref<20000x128xf32, #tpu.memory_space<hbm>> -> memref<624x128xf32, #tpu.memory_space<hbm>>
      %dma_wait3A_32 = arith.constant 0 : i32
      %dma_wait3A_33 = tpu.memref_slice %arg15[%multiple_of3A, %dma_wait3A_32] : memref<10000x128xf32, #tpu.memory_space<vmem_shared>> -> memref<624x128xf32, #tpu.memory_space<vmem_shared>>
      tpu.wait_dma2 semaphore(%run_scoped3A : memref<!tpu.dma_semaphore, #tpu.memory_space<semaphore_mem>>) src(%dma_wait3A_33 : memref<624x128xf32, #tpu.memory_space<vmem_shared>>) dst(%dma_wait3A_31 : memref<624x128xf32, #tpu.memory_space<hbm>>)
      tpu.yield
    }) : () -> ()
    "tpu.region"() ({
      %run_scoped3A = tpu.sem_alloc : memref<!tpu.dma_semaphore, #tpu.memory_space<semaphore_mem>>
      %dma_start3A = arith.constant 0 : i32
      %dma_start3A_28 = tpu.memref_slice %arg9[%multiple_of3A_22, %dma_start3A] : memref<20000x16xf32, #tpu.memory_space<hbm>> -> memref<624x16xf32, #tpu.memory_space<hbm>>
      %dma_start3A_29 = arith.constant 0 : i32
      %dma_start3A_30 = tpu.memref_slice %arg16[%multiple_of3A, %dma_start3A_29] : memref<10000x16xf32, #tpu.memory_space<vmem_shared>> -> memref<624x16xf32, #tpu.memory_space<vmem_shared>>
      tpu.enqueue_dma source(%dma_start3A_30 : memref<624x16xf32, #tpu.memory_space<vmem_shared>>) target(%dma_start3A_28 : memref<624x16xf32, #tpu.memory_space<hbm>>) target_semaphore(%run_scoped3A : memref<!tpu.dma_semaphore, #tpu.memory_space<semaphore_mem>>)
      %dma_wait3A = arith.constant 0 : i32
      %dma_wait3A_31 = tpu.memref_slice %arg9[%multiple_of3A_22, %dma_wait3A] : memref<20000x16xf32, #tpu.memory_space<hbm>> -> memref<624x16xf32, #tpu.memory_space<hbm>>
      %dma_wait3A_32 = arith.constant 0 : i32
      %dma_wait3A_33 = tpu.memref_slice %arg16[%multiple_of3A, %dma_wait3A_32] : memref<10000x16xf32, #tpu.memory_space<vmem_shared>> -> memref<624x16xf32, #tpu.memory_space<vmem_shared>>
      tpu.wait_dma2 semaphore(%run_scoped3A : memref<!tpu.dma_semaphore, #tpu.memory_space<semaphore_mem>>) src(%dma_wait3A_33 : memref<624x16xf32, #tpu.memory_space<vmem_shared>>) dst(%dma_wait3A_31 : memref<624x16xf32, #tpu.memory_space<hbm>>)
      tpu.yield
    }) : () -> ()
    %eq3A_23 = arith.constant 15 : i32
    %eq3A_24 = arith.cmpi eq, %arg1, %eq3A_23 : i32
    %convert_element_type3A_25 = arith.extui %eq3A_24 : i1 to i32
    %cond3A_26 = arith.constant 0 : i32
    %cond3A_27 = arith.cmpi ne, %convert_element_type3A_25, %cond3A_26 : i32
    scf.if %cond3A_27 {
      %mul3A_28 = arith.constant 10000 : i32
      %mul3A_29 = arith.muli %arg0, %mul3A_28 : i32
      %add3A_30 = arith.constant 9984 : i32
      %add3A_31 = arith.addi %mul3A_29, %add3A_30 : i32
      %multiple_of3A_32 = tpu.assume_multiple %add3A_31, 8 : i32
      "tpu.region"() ({
        %run_scoped3A = tpu.sem_alloc : memref<!tpu.dma_semaphore, #tpu.memory_space<semaphore_mem>>
        %dma_start3A = arith.constant 0 : i32
        %dma_start3A_33 = tpu.memref_slice %arg8[%multiple_of3A_32, %dma_start3A] : memref<20000x128xf32, #tpu.memory_space<hbm>> -> memref<16x128xf32, #tpu.memory_space<hbm>>
        %dma_start3A_34 = arith.constant 9984 : i32
        %dma_start3A_35 = arith.constant 0 : i32
        %dma_start3A_36 = tpu.memref_slice %arg15[%dma_start3A_34, %dma_start3A_35] : memref<10000x128xf32, #tpu.memory_space<vmem_shared>> -> memref<16x128xf32, #tpu.memory_space<vmem_shared>>
        tpu.enqueue_dma source(%dma_start3A_36 : memref<16x128xf32, #tpu.memory_space<vmem_shared>>) target(%dma_start3A_33 : memref<16x128xf32, #tpu.memory_space<hbm>>) target_semaphore(%run_scoped3A : memref<!tpu.dma_semaphore, #tpu.memory_space<semaphore_mem>>)
        %dma_wait3A = arith.constant 0 : i32
        %dma_wait3A_37 = tpu.memref_slice %arg8[%multiple_of3A_32, %dma_wait3A] : memref<20000x128xf32, #tpu.memory_space<hbm>> -> memref<16x128xf32, #tpu.memory_space<hbm>>
        %dma_wait3A_38 = arith.constant 9984 : i32
        %dma_wait3A_39 = arith.constant 0 : i32
        %dma_wait3A_40 = tpu.memref_slice %arg15[%dma_wait3A_38, %dma_wait3A_39] : memref<10000x128xf32, #tpu.memory_space<vmem_shared>> -> memref<16x128xf32, #tpu.memory_space<vmem_shared>>
        tpu.wait_dma2 semaphore(%run_scoped3A : memref<!tpu.dma_semaphore, #tpu.memory_space<semaphore_mem>>) src(%dma_wait3A_40 : memref<16x128xf32, #tpu.memory_space<vmem_shared>>) dst(%dma_wait3A_37 : memref<16x128xf32, #tpu.memory_space<hbm>>)
        tpu.yield
      }) : () -> ()
      "tpu.region"() ({
        %run_scoped3A = tpu.sem_alloc : memref<!tpu.dma_semaphore, #tpu.memory_space<semaphore_mem>>
        %dma_start3A = arith.constant 0 : i32
        %dma_start3A_33 = tpu.memref_slice %arg9[%multiple_of3A_32, %dma_start3A] : memref<20000x16xf32, #tpu.memory_space<hbm>> -> memref<16x16xf32, #tpu.memory_space<hbm>>
        %dma_start3A_34 = arith.constant 9984 : i32
        %dma_start3A_35 = arith.constant 0 : i32
        %dma_start3A_36 = tpu.memref_slice %arg16[%dma_start3A_34, %dma_start3A_35] : memref<10000x16xf32, #tpu.memory_space<vmem_shared>> -> memref<16x16xf32, #tpu.memory_space<vmem_shared>>
        tpu.enqueue_dma source(%dma_start3A_36 : memref<16x16xf32, #tpu.memory_space<vmem_shared>>) target(%dma_start3A_33 : memref<16x16xf32, #tpu.memory_space<hbm>>) target_semaphore(%run_scoped3A : memref<!tpu.dma_semaphore, #tpu.memory_space<semaphore_mem>>)
        %dma_wait3A = arith.constant 0 : i32
        %dma_wait3A_37 = tpu.memref_slice %arg9[%multiple_of3A_32, %dma_wait3A] : memref<20000x16xf32, #tpu.memory_space<hbm>> -> memref<16x16xf32, #tpu.memory_space<hbm>>
        %dma_wait3A_38 = arith.constant 9984 : i32
        %dma_wait3A_39 = arith.constant 0 : i32
        %dma_wait3A_40 = tpu.memref_slice %arg16[%dma_wait3A_38, %dma_wait3A_39] : memref<10000x16xf32, #tpu.memory_space<vmem_shared>> -> memref<16x16xf32, #tpu.memory_space<vmem_shared>>
        tpu.wait_dma2 semaphore(%run_scoped3A : memref<!tpu.dma_semaphore, #tpu.memory_space<semaphore_mem>>) src(%dma_wait3A_40 : memref<16x16xf32, #tpu.memory_space<vmem_shared>>) dst(%dma_wait3A_37 : memref<16x16xf32, #tpu.memory_space<hbm>>)
        tpu.yield
      }) : () -> ()
    } else {
    }
    return
  }
}

#map = affine_map<(d0, d1) -> (0, 0)>
#map1 = affine_map<(d0, d1) -> (0)>
module attributes {stable_mosaic.version = 14 : i64} {
  func.func @body(%arg0: i32, %arg1: i32, %arg2: memref<10000x128xi32, #tpu.memory_space<hbm>>, %arg3: memref<10000x128xi32, #tpu.memory_space<hbm>>, %arg4: memref<320000xi32, #tpu.memory_space<hbm>>, %arg5: memref<320000xi32, #tpu.memory_space<hbm>>, %arg6: memref<320000x128xi32, #tpu.memory_space<hbm>>, %arg7: memref<320000x128xi32, #tpu.memory_space<hbm>>, %arg8: memref<10000xi32, #tpu.memory_space<vmem>>, %arg9: memref<10000xi32, #tpu.memory_space<vmem>>, %arg10: memref<80x128xi32, #tpu.memory_space<vmem>>, %arg11: memref<80x128xi32, #tpu.memory_space<vmem>>, %arg12: memref<80x128xi32, #tpu.memory_space<vmem>>, %arg13: memref<80x128xi32, #tpu.memory_space<vmem>>, %arg14: memref<!tpu.dma_semaphore, #tpu.memory_space<semaphore_mem>>, %arg15: memref<!tpu.dma_semaphore, #tpu.memory_space<semaphore_mem>>, %arg16: memref<!tpu.dma_semaphore, #tpu.memory_space<semaphore_mem>>, %arg17: memref<!tpu.dma_semaphore, #tpu.memory_space<semaphore_mem>>) attributes {dimension_semantics = [#tpu.dimension_semantics<core_parallel>, #tpu.dimension_semantics<subcore_parallel>], iteration_bounds = array<i64: 2, 16>, scalar_prefetch = 0 : i64, scratch_operands = 10 : i64, tpu.core_type = #tpu.core_type<sc_vector_subcore>, window_params = [{transform_indices = #map}, {transform_indices = #map}, {transform_indices = #map1}, {transform_indices = #map1}, {transform_indices = #map}, {transform_indices = #map}]} {
    %mul3A = arith.constant 16 : i32
    %mul3A_0 = arith.muli %arg0, %mul3A : i32
    %add3A = arith.addi %mul3A_0, %arg1 : i32
    %mul3A_1 = arith.constant 10000 : i32
    %mul3A_2 = arith.muli %add3A, %mul3A_1 : i32
    %multiple_of3A = tpu.assume_multiple %mul3A_2, 8 : i32
    "tpu.region"() ({
      %run_scoped3A = tpu.sem_alloc : memref<!tpu.dma_semaphore, #tpu.memory_space<semaphore_mem>>
      %dma_start3A_17 = tpu.memref_slice %arg4[%multiple_of3A] : memref<320000xi32, #tpu.memory_space<hbm>> -> memref<10000xi32, #tpu.memory_space<hbm>>
      %dma_start3A_18 = tpu.memref_slice %arg4[%multiple_of3A] : memref<320000xi32, #tpu.memory_space<hbm>> -> memref<10000xi32, #tpu.memory_space<hbm>>
      tpu.enqueue_dma source(%dma_start3A_18 : memref<10000xi32, #tpu.memory_space<hbm>>) target(%arg8 : memref<10000xi32, #tpu.memory_space<vmem>>) target_semaphore(%run_scoped3A : memref<!tpu.dma_semaphore, #tpu.memory_space<semaphore_mem>>)
      %dma_wait3A = tpu.memref_slice %arg4[%multiple_of3A] : memref<320000xi32, #tpu.memory_space<hbm>> -> memref<10000xi32, #tpu.memory_space<hbm>>
      %dma_wait3A_19 = tpu.memref_slice %arg4[%multiple_of3A] : memref<320000xi32, #tpu.memory_space<hbm>> -> memref<10000xi32, #tpu.memory_space<hbm>>
      tpu.wait_dma2 semaphore(%run_scoped3A : memref<!tpu.dma_semaphore, #tpu.memory_space<semaphore_mem>>) src(%dma_wait3A_19 : memref<10000xi32, #tpu.memory_space<hbm>>) dst(%arg8 : memref<10000xi32, #tpu.memory_space<vmem>>)
      tpu.yield
    }) : () -> ()
    "tpu.region"() ({
      %run_scoped3A = tpu.sem_alloc : memref<!tpu.dma_semaphore, #tpu.memory_space<semaphore_mem>>
      %dma_start3A_17 = tpu.memref_slice %arg5[%multiple_of3A] : memref<320000xi32, #tpu.memory_space<hbm>> -> memref<10000xi32, #tpu.memory_space<hbm>>
      %dma_start3A_18 = tpu.memref_slice %arg5[%multiple_of3A] : memref<320000xi32, #tpu.memory_space<hbm>> -> memref<10000xi32, #tpu.memory_space<hbm>>
      tpu.enqueue_dma source(%dma_start3A_18 : memref<10000xi32, #tpu.memory_space<hbm>>) target(%arg9 : memref<10000xi32, #tpu.memory_space<vmem>>) target_semaphore(%run_scoped3A : memref<!tpu.dma_semaphore, #tpu.memory_space<semaphore_mem>>)
      %dma_wait3A = tpu.memref_slice %arg5[%multiple_of3A] : memref<320000xi32, #tpu.memory_space<hbm>> -> memref<10000xi32, #tpu.memory_space<hbm>>
      %dma_wait3A_19 = tpu.memref_slice %arg5[%multiple_of3A] : memref<320000xi32, #tpu.memory_space<hbm>> -> memref<10000xi32, #tpu.memory_space<hbm>>
      tpu.wait_dma2 semaphore(%run_scoped3A : memref<!tpu.dma_semaphore, #tpu.memory_space<semaphore_mem>>) src(%dma_wait3A_19 : memref<10000xi32, #tpu.memory_space<hbm>>) dst(%arg9 : memref<10000xi32, #tpu.memory_space<vmem>>)
      tpu.yield
    }) : () -> ()
    %dma_start3A = arith.constant 0 : i32
    %dma_start3A_3 = tpu.memref_slice %arg8[%dma_start3A] : memref<10000xi32, #tpu.memory_space<vmem>> -> memref<80xi32, #tpu.memory_space<vmem>>
    %dma_start3A_4 = arith.constant 0 : i32
    %dma_start3A_5 = arith.constant 0 : i32
    %dma_start3A_6 = tpu.memref_slice %arg2[%dma_start3A_4, %dma_start3A_5] : memref<10000x128xi32, #tpu.memory_space<hbm>> -> memref<10000x128xi32, #tpu.memory_space<hbm>>
    tpu.enqueue_indirect_dma source(%dma_start3A_6 : memref<10000x128xi32, #tpu.memory_space<hbm>>) target(%arg10 : memref<80x128xi32, #tpu.memory_space<vmem>>) offsets(%dma_start3A_3 : memref<80xi32, #tpu.memory_space<vmem>>) semaphore(%arg14 : memref<!tpu.dma_semaphore, #tpu.memory_space<semaphore_mem>>)
    %dma_start3A_7 = arith.constant 0 : i32
    %dma_start3A_8 = tpu.memref_slice %arg9[%dma_start3A_7] : memref<10000xi32, #tpu.memory_space<vmem>> -> memref<80xi32, #tpu.memory_space<vmem>>
    %dma_start3A_9 = arith.constant 0 : i32
    %dma_start3A_10 = arith.constant 0 : i32
    %dma_start3A_11 = tpu.memref_slice %arg3[%dma_start3A_9, %dma_start3A_10] : memref<10000x128xi32, #tpu.memory_space<hbm>> -> memref<10000x128xi32, #tpu.memory_space<hbm>>
    tpu.enqueue_indirect_dma source(%dma_start3A_11 : memref<10000x128xi32, #tpu.memory_space<hbm>>) target(%arg12 : memref<80x128xi32, #tpu.memory_space<vmem>>) offsets(%dma_start3A_8 : memref<80xi32, #tpu.memory_space<vmem>>) semaphore(%arg16 : memref<!tpu.dma_semaphore, #tpu.memory_space<semaphore_mem>>)
    %scan3A = arith.constant 0 : i32
    %scan3A_12 = arith.constant 0 : i32
    %scan3A_13 = arith.constant 63 : i32
    %scan3A_14 = arith.addi %scan3A_12, %scan3A_13 : i32
    %scan3A_15 = arith.constant 1 : i32
    scf.for %scan3A_17 = %scan3A_12 to %scan3A_14 step %scan3A_15  : i32 {
      %mul3A_18 = arith.constant 2 : i32
      %mul3A_19 = arith.muli %scan3A_17, %mul3A_18 : i32
      %add3A_20 = arith.constant 0 : i32
      %add3A_21 = arith.addi %mul3A_19, %add3A_20 : i32
      %lt3A = arith.constant 125 : i32
      %lt3A_22 = arith.cmpi slt, %add3A_21, %lt3A : i32
      %convert_element_type3A = arith.extui %lt3A_22 : i1 to i32
      %cond3A = arith.constant 0 : i32
      %cond3A_23 = arith.cmpi ne, %convert_element_type3A, %cond3A : i32
      scf.if %cond3A_23 {
        %mul3A_33 = arith.constant 80 : i32
        %mul3A_34 = arith.muli %add3A_21, %mul3A_33 : i32
        %multiple_of3A_35 = tpu.assume_multiple %mul3A_34, 8 : i32
        %add3A_36 = arith.constant 1 : i32
        %add3A_37 = arith.addi %add3A_21, %add3A_36 : i32
        %lt3A_38 = arith.constant 125 : i32
        %lt3A_39 = arith.cmpi slt, %add3A_37, %lt3A_38 : i32
        %convert_element_type3A_40 = arith.extui %lt3A_39 : i1 to i32
        %cond3A_41 = arith.constant 0 : i32
        %cond3A_42 = arith.cmpi ne, %convert_element_type3A_40, %cond3A_41 : i32
        scf.if %cond3A_42 {
          %add3A_52 = arith.constant 1 : i32
          %add3A_53 = arith.addi %add3A_21, %add3A_52 : i32
          %mul3A_54 = arith.constant 80 : i32
          %mul3A_55 = arith.muli %add3A_53, %mul3A_54 : i32
          %multiple_of3A_56 = tpu.assume_multiple %mul3A_55, 8 : i32
          %dma_start3A_57 = tpu.memref_slice %arg8[%multiple_of3A_56] : memref<10000xi32, #tpu.memory_space<vmem>> -> memref<80xi32, #tpu.memory_space<vmem>>
          %dma_start3A_58 = arith.constant 0 : i32
          %dma_start3A_59 = arith.constant 0 : i32
          %dma_start3A_60 = tpu.memref_slice %arg2[%dma_start3A_58, %dma_start3A_59] : memref<10000x128xi32, #tpu.memory_space<hbm>> -> memref<10000x128xi32, #tpu.memory_space<hbm>>
          tpu.enqueue_indirect_dma source(%dma_start3A_60 : memref<10000x128xi32, #tpu.memory_space<hbm>>) target(%arg11 : memref<80x128xi32, #tpu.memory_space<vmem>>) offsets(%dma_start3A_57 : memref<80xi32, #tpu.memory_space<vmem>>) semaphore(%arg15 : memref<!tpu.dma_semaphore, #tpu.memory_space<semaphore_mem>>)
          %dma_start3A_61 = tpu.memref_slice %arg9[%multiple_of3A_56] : memref<10000xi32, #tpu.memory_space<vmem>> -> memref<80xi32, #tpu.memory_space<vmem>>
          %dma_start3A_62 = arith.constant 0 : i32
          %dma_start3A_63 = arith.constant 0 : i32
          %dma_start3A_64 = tpu.memref_slice %arg3[%dma_start3A_62, %dma_start3A_63] : memref<10000x128xi32, #tpu.memory_space<hbm>> -> memref<10000x128xi32, #tpu.memory_space<hbm>>
          tpu.enqueue_indirect_dma source(%dma_start3A_64 : memref<10000x128xi32, #tpu.memory_space<hbm>>) target(%arg13 : memref<80x128xi32, #tpu.memory_space<vmem>>) offsets(%dma_start3A_61 : memref<80xi32, #tpu.memory_space<vmem>>) semaphore(%arg17 : memref<!tpu.dma_semaphore, #tpu.memory_space<semaphore_mem>>)
        } else {
        }
        %dma_wait3A = tpu.memref_slice %arg8[%multiple_of3A_35] : memref<10000xi32, #tpu.memory_space<vmem>> -> memref<80xi32, #tpu.memory_space<vmem>>
        %dma_wait3A_43 = arith.constant 0 : i32
        %dma_wait3A_44 = arith.constant 0 : i32
        %dma_wait3A_45 = tpu.memref_slice %arg2[%dma_wait3A_43, %dma_wait3A_44] : memref<10000x128xi32, #tpu.memory_space<hbm>> -> memref<10000x128xi32, #tpu.memory_space<hbm>>
        tpu.wait_indirect_dma semaphore(%arg14 : memref<!tpu.dma_semaphore, #tpu.memory_space<semaphore_mem>>) src(%dma_wait3A_45 : memref<10000x128xi32, #tpu.memory_space<hbm>>) dst(%arg10 : memref<80x128xi32, #tpu.memory_space<vmem>>)
        %dma_wait3A_46 = tpu.memref_slice %arg9[%multiple_of3A_35] : memref<10000xi32, #tpu.memory_space<vmem>> -> memref<80xi32, #tpu.memory_space<vmem>>
        %dma_wait3A_47 = arith.constant 0 : i32
        %dma_wait3A_48 = arith.constant 0 : i32
        %dma_wait3A_49 = tpu.memref_slice %arg3[%dma_wait3A_47, %dma_wait3A_48] : memref<10000x128xi32, #tpu.memory_space<hbm>> -> memref<10000x128xi32, #tpu.memory_space<hbm>>
        tpu.wait_indirect_dma semaphore(%arg16 : memref<!tpu.dma_semaphore, #tpu.memory_space<semaphore_mem>>) src(%dma_wait3A_49 : memref<10000x128xi32, #tpu.memory_space<hbm>>) dst(%arg12 : memref<80x128xi32, #tpu.memory_space<vmem>>)
        %add3A_50 = arith.addi %multiple_of3A, %multiple_of3A_35 : i32
        %multiple_of3A_51 = tpu.assume_multiple %add3A_50, 8 : i32
        "tpu.region"() ({
          %run_scoped3A = tpu.sem_alloc : memref<!tpu.dma_semaphore, #tpu.memory_space<semaphore_mem>>
          %dma_start3A_52 = arith.constant 0 : i32
          %dma_start3A_53 = tpu.memref_slice %arg6[%multiple_of3A_51, %dma_start3A_52] : memref<320000x128xi32, #tpu.memory_space<hbm>> -> memref<80x128xi32, #tpu.memory_space<hbm>>
          %dma_start3A_54 = arith.constant 0 : i32
          %dma_start3A_55 = tpu.memref_slice %arg6[%multiple_of3A_51, %dma_start3A_54] : memref<320000x128xi32, #tpu.memory_space<hbm>> -> memref<80x128xi32, #tpu.memory_space<hbm>>
          tpu.enqueue_dma source(%arg10 : memref<80x128xi32, #tpu.memory_space<vmem>>) target(%dma_start3A_55 : memref<80x128xi32, #tpu.memory_space<hbm>>) target_semaphore(%run_scoped3A : memref<!tpu.dma_semaphore, #tpu.memory_space<semaphore_mem>>)
          %dma_wait3A_56 = arith.constant 0 : i32
          %dma_wait3A_57 = tpu.memref_slice %arg6[%multiple_of3A_51, %dma_wait3A_56] : memref<320000x128xi32, #tpu.memory_space<hbm>> -> memref<80x128xi32, #tpu.memory_space<hbm>>
          %dma_wait3A_58 = arith.constant 0 : i32
          %dma_wait3A_59 = tpu.memref_slice %arg6[%multiple_of3A_51, %dma_wait3A_58] : memref<320000x128xi32, #tpu.memory_space<hbm>> -> memref<80x128xi32, #tpu.memory_space<hbm>>
          tpu.wait_dma2 semaphore(%run_scoped3A : memref<!tpu.dma_semaphore, #tpu.memory_space<semaphore_mem>>) src(%arg10 : memref<80x128xi32, #tpu.memory_space<vmem>>) dst(%dma_wait3A_59 : memref<80x128xi32, #tpu.memory_space<hbm>>)
          tpu.yield
        }) : () -> ()
        "tpu.region"() ({
          %run_scoped3A = tpu.sem_alloc : memref<!tpu.dma_semaphore, #tpu.memory_space<semaphore_mem>>
          %dma_start3A_52 = arith.constant 0 : i32
          %dma_start3A_53 = tpu.memref_slice %arg7[%multiple_of3A_51, %dma_start3A_52] : memref<320000x128xi32, #tpu.memory_space<hbm>> -> memref<80x128xi32, #tpu.memory_space<hbm>>
          %dma_start3A_54 = arith.constant 0 : i32
          %dma_start3A_55 = tpu.memref_slice %arg7[%multiple_of3A_51, %dma_start3A_54] : memref<320000x128xi32, #tpu.memory_space<hbm>> -> memref<80x128xi32, #tpu.memory_space<hbm>>
          tpu.enqueue_dma source(%arg12 : memref<80x128xi32, #tpu.memory_space<vmem>>) target(%dma_start3A_55 : memref<80x128xi32, #tpu.memory_space<hbm>>) target_semaphore(%run_scoped3A : memref<!tpu.dma_semaphore, #tpu.memory_space<semaphore_mem>>)
          %dma_wait3A_56 = arith.constant 0 : i32
          %dma_wait3A_57 = tpu.memref_slice %arg7[%multiple_of3A_51, %dma_wait3A_56] : memref<320000x128xi32, #tpu.memory_space<hbm>> -> memref<80x128xi32, #tpu.memory_space<hbm>>
          %dma_wait3A_58 = arith.constant 0 : i32
          %dma_wait3A_59 = tpu.memref_slice %arg7[%multiple_of3A_51, %dma_wait3A_58] : memref<320000x128xi32, #tpu.memory_space<hbm>> -> memref<80x128xi32, #tpu.memory_space<hbm>>
          tpu.wait_dma2 semaphore(%run_scoped3A : memref<!tpu.dma_semaphore, #tpu.memory_space<semaphore_mem>>) src(%arg12 : memref<80x128xi32, #tpu.memory_space<vmem>>) dst(%dma_wait3A_59 : memref<80x128xi32, #tpu.memory_space<hbm>>)
          tpu.yield
        }) : () -> ()
      } else {
      }
      %mul3A_24 = arith.constant 2 : i32
      %mul3A_25 = arith.muli %scan3A_17, %mul3A_24 : i32
      %add3A_26 = arith.constant 1 : i32
      %add3A_27 = arith.addi %mul3A_25, %add3A_26 : i32
      %lt3A_28 = arith.constant 125 : i32
      %lt3A_29 = arith.cmpi slt, %add3A_27, %lt3A_28 : i32
      %convert_element_type3A_30 = arith.extui %lt3A_29 : i1 to i32
      %cond3A_31 = arith.constant 0 : i32
      %cond3A_32 = arith.cmpi ne, %convert_element_type3A_30, %cond3A_31 : i32
      scf.if %cond3A_32 {
        %mul3A_33 = arith.constant 80 : i32
        %mul3A_34 = arith.muli %add3A_27, %mul3A_33 : i32
        %multiple_of3A_35 = tpu.assume_multiple %mul3A_34, 8 : i32
        %add3A_36 = arith.constant 1 : i32
        %add3A_37 = arith.addi %add3A_27, %add3A_36 : i32
        %lt3A_38 = arith.constant 125 : i32
        %lt3A_39 = arith.cmpi slt, %add3A_37, %lt3A_38 : i32
        %convert_element_type3A_40 = arith.extui %lt3A_39 : i1 to i32
        %cond3A_41 = arith.constant 0 : i32
        %cond3A_42 = arith.cmpi ne, %convert_element_type3A_40, %cond3A_41 : i32
        scf.if %cond3A_42 {
          %add3A_52 = arith.constant 1 : i32
          %add3A_53 = arith.addi %add3A_27, %add3A_52 : i32
          %mul3A_54 = arith.constant 80 : i32
          %mul3A_55 = arith.muli %add3A_53, %mul3A_54 : i32
          %multiple_of3A_56 = tpu.assume_multiple %mul3A_55, 8 : i32
          %dma_start3A_57 = tpu.memref_slice %arg8[%multiple_of3A_56] : memref<10000xi32, #tpu.memory_space<vmem>> -> memref<80xi32, #tpu.memory_space<vmem>>
          %dma_start3A_58 = arith.constant 0 : i32
          %dma_start3A_59 = arith.constant 0 : i32
          %dma_start3A_60 = tpu.memref_slice %arg2[%dma_start3A_58, %dma_start3A_59] : memref<10000x128xi32, #tpu.memory_space<hbm>> -> memref<10000x128xi32, #tpu.memory_space<hbm>>
          tpu.enqueue_indirect_dma source(%dma_start3A_60 : memref<10000x128xi32, #tpu.memory_space<hbm>>) target(%arg10 : memref<80x128xi32, #tpu.memory_space<vmem>>) offsets(%dma_start3A_57 : memref<80xi32, #tpu.memory_space<vmem>>) semaphore(%arg14 : memref<!tpu.dma_semaphore, #tpu.memory_space<semaphore_mem>>)
          %dma_start3A_61 = tpu.memref_slice %arg9[%multiple_of3A_56] : memref<10000xi32, #tpu.memory_space<vmem>> -> memref<80xi32, #tpu.memory_space<vmem>>
          %dma_start3A_62 = arith.constant 0 : i32
          %dma_start3A_63 = arith.constant 0 : i32
          %dma_start3A_64 = tpu.memref_slice %arg3[%dma_start3A_62, %dma_start3A_63] : memref<10000x128xi32, #tpu.memory_space<hbm>> -> memref<10000x128xi32, #tpu.memory_space<hbm>>
          tpu.enqueue_indirect_dma source(%dma_start3A_64 : memref<10000x128xi32, #tpu.memory_space<hbm>>) target(%arg12 : memref<80x128xi32, #tpu.memory_space<vmem>>) offsets(%dma_start3A_61 : memref<80xi32, #tpu.memory_space<vmem>>) semaphore(%arg16 : memref<!tpu.dma_semaphore, #tpu.memory_space<semaphore_mem>>)
        } else {
        }
        %dma_wait3A = tpu.memref_slice %arg8[%multiple_of3A_35] : memref<10000xi32, #tpu.memory_space<vmem>> -> memref<80xi32, #tpu.memory_space<vmem>>
        %dma_wait3A_43 = arith.constant 0 : i32
        %dma_wait3A_44 = arith.constant 0 : i32
        %dma_wait3A_45 = tpu.memref_slice %arg2[%dma_wait3A_43, %dma_wait3A_44] : memref<10000x128xi32, #tpu.memory_space<hbm>> -> memref<10000x128xi32, #tpu.memory_space<hbm>>
        tpu.wait_indirect_dma semaphore(%arg15 : memref<!tpu.dma_semaphore, #tpu.memory_space<semaphore_mem>>) src(%dma_wait3A_45 : memref<10000x128xi32, #tpu.memory_space<hbm>>) dst(%arg11 : memref<80x128xi32, #tpu.memory_space<vmem>>)
        %dma_wait3A_46 = tpu.memref_slice %arg9[%multiple_of3A_35] : memref<10000xi32, #tpu.memory_space<vmem>> -> memref<80xi32, #tpu.memory_space<vmem>>
        %dma_wait3A_47 = arith.constant 0 : i32
        %dma_wait3A_48 = arith.constant 0 : i32
        %dma_wait3A_49 = tpu.memref_slice %arg3[%dma_wait3A_47, %dma_wait3A_48] : memref<10000x128xi32, #tpu.memory_space<hbm>> -> memref<10000x128xi32, #tpu.memory_space<hbm>>
        tpu.wait_indirect_dma semaphore(%arg17 : memref<!tpu.dma_semaphore, #tpu.memory_space<semaphore_mem>>) src(%dma_wait3A_49 : memref<10000x128xi32, #tpu.memory_space<hbm>>) dst(%arg13 : memref<80x128xi32, #tpu.memory_space<vmem>>)
        %add3A_50 = arith.addi %multiple_of3A, %multiple_of3A_35 : i32
        %multiple_of3A_51 = tpu.assume_multiple %add3A_50, 8 : i32
        "tpu.region"() ({
          %run_scoped3A = tpu.sem_alloc : memref<!tpu.dma_semaphore, #tpu.memory_space<semaphore_mem>>
          %dma_start3A_52 = arith.constant 0 : i32
          %dma_start3A_53 = tpu.memref_slice %arg6[%multiple_of3A_51, %dma_start3A_52] : memref<320000x128xi32, #tpu.memory_space<hbm>> -> memref<80x128xi32, #tpu.memory_space<hbm>>
          %dma_start3A_54 = arith.constant 0 : i32
          %dma_start3A_55 = tpu.memref_slice %arg6[%multiple_of3A_51, %dma_start3A_54] : memref<320000x128xi32, #tpu.memory_space<hbm>> -> memref<80x128xi32, #tpu.memory_space<hbm>>
          tpu.enqueue_dma source(%arg11 : memref<80x128xi32, #tpu.memory_space<vmem>>) target(%dma_start3A_55 : memref<80x128xi32, #tpu.memory_space<hbm>>) target_semaphore(%run_scoped3A : memref<!tpu.dma_semaphore, #tpu.memory_space<semaphore_mem>>)
          %dma_wait3A_56 = arith.constant 0 : i32
          %dma_wait3A_57 = tpu.memref_slice %arg6[%multiple_of3A_51, %dma_wait3A_56] : memref<320000x128xi32, #tpu.memory_space<hbm>> -> memref<80x128xi32, #tpu.memory_space<hbm>>
          %dma_wait3A_58 = arith.constant 0 : i32
          %dma_wait3A_59 = tpu.memref_slice %arg6[%multiple_of3A_51, %dma_wait3A_58] : memref<320000x128xi32, #tpu.memory_space<hbm>> -> memref<80x128xi32, #tpu.memory_space<hbm>>
          tpu.wait_dma2 semaphore(%run_scoped3A : memref<!tpu.dma_semaphore, #tpu.memory_space<semaphore_mem>>) src(%arg11 : memref<80x128xi32, #tpu.memory_space<vmem>>) dst(%dma_wait3A_59 : memref<80x128xi32, #tpu.memory_space<hbm>>)
          tpu.yield
        }) : () -> ()
        "tpu.region"() ({
          %run_scoped3A = tpu.sem_alloc : memref<!tpu.dma_semaphore, #tpu.memory_space<semaphore_mem>>
          %dma_start3A_52 = arith.constant 0 : i32
          %dma_start3A_53 = tpu.memref_slice %arg7[%multiple_of3A_51, %dma_start3A_52] : memref<320000x128xi32, #tpu.memory_space<hbm>> -> memref<80x128xi32, #tpu.memory_space<hbm>>
          %dma_start3A_54 = arith.constant 0 : i32
          %dma_start3A_55 = tpu.memref_slice %arg7[%multiple_of3A_51, %dma_start3A_54] : memref<320000x128xi32, #tpu.memory_space<hbm>> -> memref<80x128xi32, #tpu.memory_space<hbm>>
          tpu.enqueue_dma source(%arg13 : memref<80x128xi32, #tpu.memory_space<vmem>>) target(%dma_start3A_55 : memref<80x128xi32, #tpu.memory_space<hbm>>) target_semaphore(%run_scoped3A : memref<!tpu.dma_semaphore, #tpu.memory_space<semaphore_mem>>)
          %dma_wait3A_56 = arith.constant 0 : i32
          %dma_wait3A_57 = tpu.memref_slice %arg7[%multiple_of3A_51, %dma_wait3A_56] : memref<320000x128xi32, #tpu.memory_space<hbm>> -> memref<80x128xi32, #tpu.memory_space<hbm>>
          %dma_wait3A_58 = arith.constant 0 : i32
          %dma_wait3A_59 = tpu.memref_slice %arg7[%multiple_of3A_51, %dma_wait3A_58] : memref<320000x128xi32, #tpu.memory_space<hbm>> -> memref<80x128xi32, #tpu.memory_space<hbm>>
          tpu.wait_dma2 semaphore(%run_scoped3A : memref<!tpu.dma_semaphore, #tpu.memory_space<semaphore_mem>>) src(%arg13 : memref<80x128xi32, #tpu.memory_space<vmem>>) dst(%dma_wait3A_59 : memref<80x128xi32, #tpu.memory_space<hbm>>)
          tpu.yield
        }) : () -> ()
      } else {
      }
    }
    %scan3A_16 = arith.constant 63 : i32
    return
  }
}

module attributes {stable_mosaic.version = 14 : i64} {
  func.func @body(%arg0: i32, %arg1: memref<1000x128xf32, #tpu.memory_space<vmem>>, %arg2: memref<128x256xf32, #tpu.memory_space<vmem>>, %arg3: memref<1x256xf32, #tpu.memory_space<vmem>>, %arg4: memref<256x256xf32, #tpu.memory_space<vmem>>, %arg5: memref<1x256xf32, #tpu.memory_space<vmem>>, %arg6: memref<2x1000x128xf32, #tpu.memory_space<vmem>>, %arg7: memref<1000x8xf32, #tpu.memory_space<vmem>>) attributes {dimension_semantics = [#tpu.dimension_semantics<arbitrary>], iteration_bounds = array<i64: 10>, scalar_prefetch = 0 : i64, scratch_operands = 0 : i64, tpu.core_type = #tpu.core_type<tc>, window_params = [{transform_indices = @transform_0, window_bounds = array<i64: 1000, 128>}, {pipeline_mode = #tpu.pipeline_mode<synchronous>, transform_indices = @transform_1, window_bounds = array<i64: 128, 256>}, {pipeline_mode = #tpu.pipeline_mode<synchronous>, transform_indices = @transform_2, window_bounds = array<i64: 1, 256>}, {pipeline_mode = #tpu.pipeline_mode<synchronous>, transform_indices = @transform_3, window_bounds = array<i64: 256, 256>}, {pipeline_mode = #tpu.pipeline_mode<synchronous>, transform_indices = @transform_4, window_bounds = array<i64: 1, 256>}, {transform_indices = @transform_5, window_bounds = array<i64: 2, 1000, 128>}, {transform_indices = @transform_6, window_bounds = array<i64: 1000, 8>}]} {
    %get3A = arith.constant 0 : index
    %get3A_0 = arith.constant 0 : index
    %get3A_1 = vector.load %arg1[%get3A, %get3A_0] : memref<1000x128xf32, #tpu.memory_space<vmem>>, vector<1000x128xf32>
    %slice3A = vector.extract_strided_slice %get3A_1 {offsets = [0, 127], sizes = [1000, 1], strides = [1, 1]} : vector<1000x128xf32> to vector<1000x1xf32>
    %div3A = arith.constant 1.000000e+01 : f32
    %div3A_2 = vector.broadcast %div3A : f32 to vector<1000x1xf32>
    %div3A_3 = arith.divf %slice3A, %div3A_2 : vector<1000x1xf32>
    %logistic3A = arith.negf %div3A_3 : vector<1000x1xf32>
    %logistic3A_4 = math.exp %logistic3A : vector<1000x1xf32>
    %logistic3A_5 = arith.constant 1.000000e+00 : f32
    %logistic3A_6 = vector.broadcast %logistic3A_5 : f32 to vector<1000x1xf32>
    %logistic3A_7 = arith.addf %logistic3A_6, %logistic3A_4 : vector<1000x1xf32>
    %logistic3A_8 = arith.divf %logistic3A_6, %logistic3A_7 : vector<1000x1xf32>
    %convert_element_type3A = arith.truncf %get3A_1 : vector<1000x128xf32> to vector<1000x128xbf16>
    %get3A_9 = arith.constant 0 : index
    %get3A_10 = arith.constant 0 : index
    %get3A_11 = vector.load %arg2[%get3A_9, %get3A_10] : memref<128x256xf32, #tpu.memory_space<vmem>>, vector<128x256xf32>
    %convert_element_type3A_12 = arith.truncf %get3A_11 : vector<128x256xf32> to vector<128x256xbf16>
    %dot_general3A = arith.constant dense<0.000000e+00> : vector<1000x256xf32>
    %dot_general3A_13 = tpu.matmul %convert_element_type3A, %convert_element_type3A_12, %dot_general3A {dimension_numbers = #tpu.dot_dimension_numbers<[1], [0], [0], [1], [0, 0, 1, 1], [], []>, transpose_lhs_hint = false} : vector<1000x128xbf16>, vector<128x256xbf16>, vector<1000x256xf32> -> vector<1000x256xf32>
    %get3A_14 = arith.constant 0 : index
    %get3A_15 = arith.constant 0 : index
    %get3A_16 = vector.load %arg3[%get3A_14, %get3A_15] : memref<1x256xf32, #tpu.memory_space<vmem>>, vector<1x256xf32>
    %add3A = vector.broadcast %get3A_16 : vector<1x256xf32> to vector<1000x256xf32>
    %add3A_17 = arith.addf %dot_general3A_13, %add3A : vector<1000x256xf32>
    %max3A = arith.constant 0.000000e+00 : f32
    %max3A_18 = vector.broadcast %max3A : f32 to vector<1000x256xf32>
    %max3A_19 = arith.maximumf %add3A_17, %max3A_18 : vector<1000x256xf32>
    %convert_element_type3A_20 = arith.truncf %max3A_19 : vector<1000x256xf32> to vector<1000x256xbf16>
    %get3A_21 = arith.constant 0 : index
    %get3A_22 = arith.constant 0 : index
    %get3A_23 = vector.load %arg4[%get3A_21, %get3A_22] : memref<256x256xf32, #tpu.memory_space<vmem>>, vector<256x256xf32>
    %convert_element_type3A_24 = arith.truncf %get3A_23 : vector<256x256xf32> to vector<256x256xbf16>
    %dot_general3A_25 = arith.constant dense<0.000000e+00> : vector<1000x256xf32>
    %dot_general3A_26 = tpu.matmul %convert_element_type3A_20, %convert_element_type3A_24, %dot_general3A_25 {dimension_numbers = #tpu.dot_dimension_numbers<[1], [0], [0], [1], [0, 0, 1, 1], [], []>, transpose_lhs_hint = false} : vector<1000x256xbf16>, vector<256x256xbf16>, vector<1000x256xf32> -> vector<1000x256xf32>
    %get3A_27 = arith.constant 0 : index
    %get3A_28 = arith.constant 0 : index
    %get3A_29 = vector.load %arg5[%get3A_27, %get3A_28] : memref<1x256xf32, #tpu.memory_space<vmem>>, vector<1x256xf32>
    %add3A_30 = vector.broadcast %get3A_29 : vector<1x256xf32> to vector<1000x256xf32>
    %add3A_31 = arith.addf %dot_general3A_26, %add3A_30 : vector<1000x256xf32>
    %slice3A_32 = vector.extract_strided_slice %add3A_31 {offsets = [0, 0], sizes = [1000, 128], strides = [1, 1]} : vector<1000x256xf32> to vector<1000x128xf32>
    %swap3A = arith.constant 0 : index
    %swap3A_33 = arith.constant 0 : index
    %swap3A_34 = arith.constant 0 : index
    %swap3A_35 = vector.load %arg6[%swap3A, %swap3A_33, %swap3A_34] : memref<2x1000x128xf32, #tpu.memory_space<vmem>>, vector<1x1000x128xf32>
    %swap3A_36 = vector.shape_cast %swap3A_35 : vector<1x1000x128xf32> to vector<1000x128xf32>
    %swap3A_37 = vector.shape_cast %slice3A_32 : vector<1000x128xf32> to vector<1x1000x128xf32>
    tpu.vector_store %arg6[%swap3A, %swap3A_33, %swap3A_34], %swap3A_37 {strides = array<i32>} : memref<2x1000x128xf32, #tpu.memory_space<vmem>>, vector<1x1000x128xf32>,
    %slice3A_38 = vector.extract_strided_slice %add3A_31 {offsets = [0, 128], sizes = [1000, 128], strides = [1, 1]} : vector<1000x256xf32> to vector<1000x128xf32>
    %swap3A_39 = arith.constant 1 : index
    %swap3A_40 = arith.constant 0 : index
    %swap3A_41 = arith.constant 0 : index
    %swap3A_42 = vector.load %arg6[%swap3A_39, %swap3A_40, %swap3A_41] : memref<2x1000x128xf32, #tpu.memory_space<vmem>>, vector<1x1000x128xf32>
    %swap3A_43 = vector.shape_cast %swap3A_42 : vector<1x1000x128xf32> to vector<1000x128xf32>
    %swap3A_44 = vector.shape_cast %slice3A_38 : vector<1000x128xf32> to vector<1x1000x128xf32>
    tpu.vector_store %arg6[%swap3A_39, %swap3A_40, %swap3A_41], %swap3A_44 {strides = array<i32>} : memref<2x1000x128xf32, #tpu.memory_space<vmem>>, vector<1x1000x128xf32>,
    %broadcast_in_dim3A = vector.shape_cast %logistic3A_8 : vector<1000x1xf32> to vector<1000x1xf32>
    %broadcast_in_dim3A_45 = vector.broadcast %broadcast_in_dim3A : vector<1000x1xf32> to vector<1000x8xf32>
    %swap3A_46 = arith.constant 0 : index
    %swap3A_47 = arith.constant 0 : index
    %swap3A_48 = vector.load %arg7[%swap3A_46, %swap3A_47] : memref<1000x8xf32, #tpu.memory_space<vmem>>, vector<1000x8xf32>
    tpu.vector_store %arg7[%swap3A_46, %swap3A_47], %broadcast_in_dim3A_45 {strides = array<i32>} : memref<1000x8xf32, #tpu.memory_space<vmem>>, vector<1000x8xf32>,
    return
  }
  func.func @transform_0(%arg0: i32) -> (i32, i32) {
    %c0_i32 = arith.constant 0 : i32
    %c0_i32_0 = arith.constant 0 : i32
    return %arg0, %c0_i32 : i32, i32
  }
  func.func @transform_1(%arg0: i32) -> (i32, i32) {
    %c0_i32 = arith.constant 0 : i32
    %c0_i32_0 = arith.constant 0 : i32
    %c0_i32_1 = arith.constant 0 : i32
    return %c0_i32, %c0_i32_0 : i32, i32
  }
  func.func @transform_2(%arg0: i32) -> (i32, i32) {
    %c0_i32 = arith.constant 0 : i32
    %c0_i32_0 = arith.constant 0 : i32
    %c0_i32_1 = arith.constant 0 : i32
    return %c0_i32, %c0_i32_0 : i32, i32
  }
  func.func @transform_3(%arg0: i32) -> (i32, i32) {
    %c0_i32 = arith.constant 0 : i32
    %c0_i32_0 = arith.constant 0 : i32
    %c0_i32_1 = arith.constant 0 : i32
    return %c0_i32, %c0_i32_0 : i32, i32
  }
  func.func @transform_4(%arg0: i32) -> (i32, i32) {
    %c0_i32 = arith.constant 0 : i32
    %c0_i32_0 = arith.constant 0 : i32
    %c0_i32_1 = arith.constant 0 : i32
    return %c0_i32, %c0_i32_0 : i32, i32
  }
  func.func @transform_5(%arg0: i32) -> (i32, i32, i32) {
    %c0_i32 = arith.constant 0 : i32
    %c0_i32_0 = arith.constant 0 : i32
    %c0_i32_1 = arith.constant 0 : i32
    return %c0_i32, %arg0, %c0_i32_0 : i32, i32, i32
  }
  func.func @transform_6(%arg0: i32) -> (i32, i32) {
    %c0_i32 = arith.constant 0 : i32
    %c0_i32_0 = arith.constant 0 : i32
    return %arg0, %c0_i32 : i32, i32
  }
}

module attributes {stable_mosaic.version = 14 : i64} {
  func.func @body(%arg0: i32, %arg1: memref<1000x128xf32, #tpu.memory_space<vmem>>, %arg2: memref<128x256xf32, #tpu.memory_space<vmem>>, %arg3: memref<1x256xf32, #tpu.memory_space<vmem>>, %arg4: memref<256x256xf32, #tpu.memory_space<vmem>>, %arg5: memref<1x256xf32, #tpu.memory_space<vmem>>, %arg6: memref<2x1000x128xf32, #tpu.memory_space<vmem>>, %arg7: memref<1000x8xf32, #tpu.memory_space<vmem>>) attributes {dimension_semantics = [#tpu.dimension_semantics<arbitrary>], iteration_bounds = array<i64: 10>, scalar_prefetch = 0 : i64, scratch_operands = 0 : i64, tpu.core_type = #tpu.core_type<tc>, window_params = [{transform_indices = @transform_0, window_bounds = array<i64: 1000, 128>}, {pipeline_mode = #tpu.pipeline_mode<synchronous>, transform_indices = @transform_1, window_bounds = array<i64: 128, 256>}, {pipeline_mode = #tpu.pipeline_mode<synchronous>, transform_indices = @transform_2, window_bounds = array<i64: 1, 256>}, {pipeline_mode = #tpu.pipeline_mode<synchronous>, transform_indices = @transform_3, window_bounds = array<i64: 256, 256>}, {pipeline_mode = #tpu.pipeline_mode<synchronous>, transform_indices = @transform_4, window_bounds = array<i64: 1, 256>}, {transform_indices = @transform_5, window_bounds = array<i64: 2, 1000, 128>}, {transform_indices = @transform_6, window_bounds = array<i64: 1000, 8>}]} {
    %get3A = arith.constant 0 : index
    %get3A_0 = arith.constant 0 : index
    %get3A_1 = vector.load %arg1[%get3A, %get3A_0] : memref<1000x128xf32, #tpu.memory_space<vmem>>, vector<1000x128xf32>
    %slice3A = vector.extract_strided_slice %get3A_1 {offsets = [0, 127], sizes = [1000, 1], strides = [1, 1]} : vector<1000x128xf32> to vector<1000x1xf32>
    %div3A = arith.constant 1.000000e+01 : f32
    %div3A_2 = vector.broadcast %div3A : f32 to vector<1000x1xf32>
    %div3A_3 = arith.divf %slice3A, %div3A_2 : vector<1000x1xf32>
    %logistic3A = arith.negf %div3A_3 : vector<1000x1xf32>
    %logistic3A_4 = math.exp %logistic3A : vector<1000x1xf32>
    %logistic3A_5 = arith.constant 1.000000e+00 : f32
    %logistic3A_6 = vector.broadcast %logistic3A_5 : f32 to vector<1000x1xf32>
    %logistic3A_7 = arith.addf %logistic3A_6, %logistic3A_4 : vector<1000x1xf32>
    %logistic3A_8 = arith.divf %logistic3A_6, %logistic3A_7 : vector<1000x1xf32>
    %convert_element_type3A = arith.truncf %get3A_1 : vector<1000x128xf32> to vector<1000x128xbf16>
    %get3A_9 = arith.constant 0 : index
    %get3A_10 = arith.constant 0 : index
    %get3A_11 = vector.load %arg2[%get3A_9, %get3A_10] : memref<128x256xf32, #tpu.memory_space<vmem>>, vector<128x256xf32>
    %convert_element_type3A_12 = arith.truncf %get3A_11 : vector<128x256xf32> to vector<128x256xbf16>
    %dot_general3A = arith.constant dense<0.000000e+00> : vector<1000x256xf32>
    %dot_general3A_13 = tpu.matmul %convert_element_type3A, %convert_element_type3A_12, %dot_general3A {dimension_numbers = #tpu.dot_dimension_numbers<[1], [0], [0], [1], [0, 0, 1, 1], [], []>, transpose_lhs_hint = false} : vector<1000x128xbf16>, vector<128x256xbf16>, vector<1000x256xf32> -> vector<1000x256xf32>
    %get3A_14 = arith.constant 0 : index
    %get3A_15 = arith.constant 0 : index
    %get3A_16 = vector.load %arg3[%get3A_14, %get3A_15] : memref<1x256xf32, #tpu.memory_space<vmem>>, vector<1x256xf32>
    %add3A = vector.broadcast %get3A_16 : vector<1x256xf32> to vector<1000x256xf32>
    %add3A_17 = arith.addf %dot_general3A_13, %add3A : vector<1000x256xf32>
    %max3A = arith.constant 0.000000e+00 : f32
    %max3A_18 = vector.broadcast %max3A : f32 to vector<1000x256xf32>
    %max3A_19 = arith.maximumf %add3A_17, %max3A_18 : vector<1000x256xf32>
    %mul3A = vector.broadcast %logistic3A_8 : vector<1000x1xf32> to vector<1000x256xf32>
    %mul3A_20 = arith.mulf %max3A_19, %mul3A : vector<1000x256xf32>
    %convert_element_type3A_21 = arith.truncf %mul3A_20 : vector<1000x256xf32> to vector<1000x256xbf16>
    %get3A_22 = arith.constant 0 : index
    %get3A_23 = arith.constant 0 : index
    %get3A_24 = vector.load %arg4[%get3A_22, %get3A_23] : memref<256x256xf32, #tpu.memory_space<vmem>>, vector<256x256xf32>
    %convert_element_type3A_25 = arith.truncf %get3A_24 : vector<256x256xf32> to vector<256x256xbf16>
    %dot_general3A_26 = arith.constant dense<0.000000e+00> : vector<1000x256xf32>
    %dot_general3A_27 = tpu.matmul %convert_element_type3A_21, %convert_element_type3A_25, %dot_general3A_26 {dimension_numbers = #tpu.dot_dimension_numbers<[1], [0], [0], [1], [0, 0, 1, 1], [], []>, transpose_lhs_hint = false} : vector<1000x256xbf16>, vector<256x256xbf16>, vector<1000x256xf32> -> vector<1000x256xf32>
    %get3A_28 = arith.constant 0 : index
    %get3A_29 = arith.constant 0 : index
    %get3A_30 = vector.load %arg5[%get3A_28, %get3A_29] : memref<1x256xf32, #tpu.memory_space<vmem>>, vector<1x256xf32>
    %add3A_31 = vector.broadcast %get3A_30 : vector<1x256xf32> to vector<1000x256xf32>
    %add3A_32 = arith.addf %dot_general3A_27, %add3A_31 : vector<1000x256xf32>
    %slice3A_33 = vector.extract_strided_slice %add3A_32 {offsets = [0, 0], sizes = [1000, 128], strides = [1, 1]} : vector<1000x256xf32> to vector<1000x128xf32>
    %swap3A = arith.constant 0 : index
    %swap3A_34 = arith.constant 0 : index
    %swap3A_35 = arith.constant 0 : index
    %swap3A_36 = vector.load %arg6[%swap3A, %swap3A_34, %swap3A_35] : memref<2x1000x128xf32, #tpu.memory_space<vmem>>, vector<1x1000x128xf32>
    %swap3A_37 = vector.shape_cast %swap3A_36 : vector<1x1000x128xf32> to vector<1000x128xf32>
    %swap3A_38 = vector.shape_cast %slice3A_33 : vector<1000x128xf32> to vector<1x1000x128xf32>
    tpu.vector_store %arg6[%swap3A, %swap3A_34, %swap3A_35], %swap3A_38 {strides = array<i32>} : memref<2x1000x128xf32, #tpu.memory_space<vmem>>, vector<1x1000x128xf32>,
    %slice3A_39 = vector.extract_strided_slice %add3A_32 {offsets = [0, 128], sizes = [1000, 128], strides = [1, 1]} : vector<1000x256xf32> to vector<1000x128xf32>
    %swap3A_40 = arith.constant 1 : index
    %swap3A_41 = arith.constant 0 : index
    %swap3A_42 = arith.constant 0 : index
    %swap3A_43 = vector.load %arg6[%swap3A_40, %swap3A_41, %swap3A_42] : memref<2x1000x128xf32, #tpu.memory_space<vmem>>, vector<1x1000x128xf32>
    %swap3A_44 = vector.shape_cast %swap3A_43 : vector<1x1000x128xf32> to vector<1000x128xf32>
    %swap3A_45 = vector.shape_cast %slice3A_39 : vector<1000x128xf32> to vector<1x1000x128xf32>
    tpu.vector_store %arg6[%swap3A_40, %swap3A_41, %swap3A_42], %swap3A_45 {strides = array<i32>} : memref<2x1000x128xf32, #tpu.memory_space<vmem>>, vector<1x1000x128xf32>,
    %broadcast_in_dim3A = vector.shape_cast %logistic3A_8 : vector<1000x1xf32> to vector<1000x1xf32>
    %broadcast_in_dim3A_46 = vector.broadcast %broadcast_in_dim3A : vector<1000x1xf32> to vector<1000x8xf32>
    %swap3A_47 = arith.constant 0 : index
    %swap3A_48 = arith.constant 0 : index
    %swap3A_49 = vector.load %arg7[%swap3A_47, %swap3A_48] : memref<1000x8xf32, #tpu.memory_space<vmem>>, vector<1000x8xf32>
    tpu.vector_store %arg7[%swap3A_47, %swap3A_48], %broadcast_in_dim3A_46 {strides = array<i32>} : memref<1000x8xf32, #tpu.memory_space<vmem>>, vector<1000x8xf32>,
    return
  }
  func.func @transform_0(%arg0: i32) -> (i32, i32) {
    %c0_i32 = arith.constant 0 : i32
    %c0_i32_0 = arith.constant 0 : i32
    return %arg0, %c0_i32 : i32, i32
  }
  func.func @transform_1(%arg0: i32) -> (i32, i32) {
    %c0_i32 = arith.constant 0 : i32
    %c0_i32_0 = arith.constant 0 : i32
    %c0_i32_1 = arith.constant 0 : i32
    return %c0_i32, %c0_i32_0 : i32, i32
  }
  func.func @transform_2(%arg0: i32) -> (i32, i32) {
    %c0_i32 = arith.constant 0 : i32
    %c0_i32_0 = arith.constant 0 : i32
    %c0_i32_1 = arith.constant 0 : i32
    return %c0_i32, %c0_i32_0 : i32, i32
  }
  func.func @transform_3(%arg0: i32) -> (i32, i32) {
    %c0_i32 = arith.constant 0 : i32
    %c0_i32_0 = arith.constant 0 : i32
    %c0_i32_1 = arith.constant 0 : i32
    return %c0_i32, %c0_i32_0 : i32, i32
  }
  func.func @transform_4(%arg0: i32) -> (i32, i32) {
    %c0_i32 = arith.constant 0 : i32
    %c0_i32_0 = arith.constant 0 : i32
    %c0_i32_1 = arith.constant 0 : i32
    return %c0_i32, %c0_i32_0 : i32, i32
  }
  func.func @transform_5(%arg0: i32) -> (i32, i32, i32) {
    %c0_i32 = arith.constant 0 : i32
    %c0_i32_0 = arith.constant 0 : i32
    %c0_i32_1 = arith.constant 0 : i32
    return %c0_i32, %arg0, %c0_i32_0 : i32, i32, i32
  }
  func.func @transform_6(%arg0: i32) -> (i32, i32) {
    %c0_i32 = arith.constant 0 : i32
    %c0_i32_0 = arith.constant 0 : i32
    return %arg0, %c0_i32 : i32, i32
  }
}

module attributes {stable_mosaic.version = 14 : i64} {
  func.func @body(%arg0: i32, %arg1: memref<1000x128xf32, #tpu.memory_space<vmem>>, %arg2: memref<1000x128xf32, #tpu.memory_space<vmem>>, %arg3: memref<1000x16xf32, #tpu.memory_space<vmem>>, %arg4: memref<1000x16xf32, #tpu.memory_space<vmem>>, %arg5: memref<1000x128xf32, #tpu.memory_space<vmem>>, %arg6: memref<1000x128xf32, #tpu.memory_space<vmem>>, %arg7: memref<256x256xf32, #tpu.memory_space<vmem>>, %arg8: memref<1x256xf32, #tpu.memory_space<vmem>>, %arg9: memref<256x256xf32, #tpu.memory_space<vmem>>, %arg10: memref<1000x8xf32, #tpu.memory_space<vmem>>, %arg11: memref<2x1000x128xf32, #tpu.memory_space<vmem>>) attributes {dimension_semantics = [#tpu.dimension_semantics<arbitrary>], iteration_bounds = array<i64: 10>, scalar_prefetch = 0 : i64, scratch_operands = 0 : i64, tpu.core_type = #tpu.core_type<tc>, window_params = [{transform_indices = @transform_0, window_bounds = array<i64: 1000, 128>}, {transform_indices = @transform_1, window_bounds = array<i64: 1000, 128>}, {transform_indices = @transform_2, window_bounds = array<i64: 1000, 16>}, {transform_indices = @transform_3, window_bounds = array<i64: 1000, 16>}, {transform_indices = @transform_4, window_bounds = array<i64: 1000, 128>}, {transform_indices = @transform_5, window_bounds = array<i64: 1000, 128>}, {pipeline_mode = #tpu.pipeline_mode<synchronous>, transform_indices = @transform_6, window_bounds = array<i64: 256, 256>}, {pipeline_mode = #tpu.pipeline_mode<synchronous>, transform_indices = @transform_7, window_bounds = array<i64: 1, 256>}, {pipeline_mode = #tpu.pipeline_mode<synchronous>, transform_indices = @transform_8, window_bounds = array<i64: 256, 256>}, {transform_indices = @transform_9, window_bounds = array<i64: 1000, 8>}, {transform_indices = @transform_10, window_bounds = array<i64: 2, 1000, 128>}]} {
    %get3A = arith.constant 0 : index
    %get3A_0 = arith.constant 0 : index
    %get3A_1 = vector.load %arg3[%get3A, %get3A_0] : memref<1000x16xf32, #tpu.memory_space<vmem>>, vector<1000x16xf32>
    %slice3A = vector.extract_strided_slice %get3A_1 {offsets = [0, 0], sizes = [1000, 1], strides = [1, 1]} : vector<1000x16xf32> to vector<1000x1xf32>
    %get3A_2 = arith.constant 0 : index
    %get3A_3 = arith.constant 0 : index
    %get3A_4 = vector.load %arg4[%get3A_2, %get3A_3] : memref<1000x16xf32, #tpu.memory_space<vmem>>, vector<1000x16xf32>
    %slice3A_5 = vector.extract_strided_slice %get3A_4 {offsets = [0, 0], sizes = [1000, 1], strides = [1, 1]} : vector<1000x16xf32> to vector<1000x1xf32>
    %add3A = arith.addf %slice3A, %slice3A_5 : vector<1000x1xf32>
    %max3A = arith.constant 1.000000e+00 : f32
    %max3A_6 = vector.broadcast %max3A : f32 to vector<1000x1xf32>
    %max3A_7 = arith.maximumf %add3A, %max3A_6 : vector<1000x1xf32>
    %div3A = arith.constant 1.000000e+00 : f32
    %div3A_8 = vector.broadcast %div3A : f32 to vector<1000x1xf32>
    %div3A_9 = arith.divf %div3A_8, %max3A_7 : vector<1000x1xf32>
    %get3A_10 = arith.constant 0 : index
    %get3A_11 = arith.constant 0 : index
    %get3A_12 = vector.load %arg1[%get3A_10, %get3A_11] : memref<1000x128xf32, #tpu.memory_space<vmem>>, vector<1000x128xf32>
    %get3A_13 = arith.constant 0 : index
    %get3A_14 = arith.constant 0 : index
    %get3A_15 = vector.load %arg2[%get3A_13, %get3A_14] : memref<1000x128xf32, #tpu.memory_space<vmem>>, vector<1000x128xf32>
    %concatenate3A = tpu.concatenate %get3A_12, %get3A_15 in 1 : vector<1000x128xf32>, vector<1000x128xf32> -> vector<1000x256xf32>
    %mul3A = vector.broadcast %div3A_9 : vector<1000x1xf32> to vector<1000x256xf32>
    %mul3A_16 = arith.mulf %concatenate3A, %mul3A : vector<1000x256xf32>
    %get3A_17 = arith.constant 0 : index
    %get3A_18 = arith.constant 0 : index
    %get3A_19 = vector.load %arg5[%get3A_17, %get3A_18] : memref<1000x128xf32, #tpu.memory_space<vmem>>, vector<1000x128xf32>
    %get3A_20 = arith.constant 0 : index
    %get3A_21 = arith.constant 0 : index
    %get3A_22 = vector.load %arg6[%get3A_20, %get3A_21] : memref<1000x128xf32, #tpu.memory_space<vmem>>, vector<1000x128xf32>
    %concatenate3A_23 = tpu.concatenate %get3A_19, %get3A_22 in 1 : vector<1000x128xf32>, vector<1000x128xf32> -> vector<1000x256xf32>
    %convert_element_type3A = arith.truncf %mul3A_16 : vector<1000x256xf32> to vector<1000x256xbf16>
    %get3A_24 = arith.constant 0 : index
    %get3A_25 = arith.constant 0 : index
    %get3A_26 = vector.load %arg7[%get3A_24, %get3A_25] : memref<256x256xf32, #tpu.memory_space<vmem>>, vector<256x256xf32>
    %convert_element_type3A_27 = arith.truncf %get3A_26 : vector<256x256xf32> to vector<256x256xbf16>
    %dot_general3A = arith.constant dense<0.000000e+00> : vector<1000x256xf32>
    %dot_general3A_28 = tpu.matmul %convert_element_type3A, %convert_element_type3A_27, %dot_general3A {dimension_numbers = #tpu.dot_dimension_numbers<[1], [0], [0], [1], [0, 0, 1, 1], [], []>, transpose_lhs_hint = false} : vector<1000x256xbf16>, vector<256x256xbf16>, vector<1000x256xf32> -> vector<1000x256xf32>
    %get3A_29 = arith.constant 0 : index
    %get3A_30 = arith.constant 0 : index
    %get3A_31 = vector.load %arg8[%get3A_29, %get3A_30] : memref<1x256xf32, #tpu.memory_space<vmem>>, vector<1x256xf32>
    %add3A_32 = vector.broadcast %get3A_31 : vector<1x256xf32> to vector<1000x256xf32>
    %add3A_33 = arith.addf %dot_general3A_28, %add3A_32 : vector<1000x256xf32>
    %convert_element_type3A_34 = arith.truncf %concatenate3A_23 : vector<1000x256xf32> to vector<1000x256xbf16>
    %get3A_35 = arith.constant 0 : index
    %get3A_36 = arith.constant 0 : index
    %get3A_37 = vector.load %arg9[%get3A_35, %get3A_36] : memref<256x256xf32, #tpu.memory_space<vmem>>, vector<256x256xf32>
    %convert_element_type3A_38 = arith.truncf %get3A_37 : vector<256x256xf32> to vector<256x256xbf16>
    %dot_general3A_39 = arith.constant dense<0.000000e+00> : vector<1000x256xf32>
    %dot_general3A_40 = tpu.matmul %convert_element_type3A_34, %convert_element_type3A_38, %dot_general3A_39 {dimension_numbers = #tpu.dot_dimension_numbers<[1], [0], [0], [1], [0, 0, 1, 1], [], []>, transpose_lhs_hint = false} : vector<1000x256xbf16>, vector<256x256xbf16>, vector<1000x256xf32> -> vector<1000x256xf32>
    %add3A_41 = arith.addf %add3A_33, %dot_general3A_40 : vector<1000x256xf32>
    %max3A_42 = arith.constant 0.000000e+00 : f32
    %max3A_43 = vector.broadcast %max3A_42 : f32 to vector<1000x256xf32>
    %max3A_44 = arith.maximumf %add3A_41, %max3A_43 : vector<1000x256xf32>
    %get3A_45 = arith.constant 0 : index
    %get3A_46 = arith.constant 0 : index
    %get3A_47 = vector.load %arg10[%get3A_45, %get3A_46] : memref<1000x8xf32, #tpu.memory_space<vmem>>, vector<1000x8xf32>
    %slice3A_48 = vector.extract_strided_slice %get3A_47 {offsets = [0, 0], sizes = [1000, 1], strides = [1, 1]} : vector<1000x8xf32> to vector<1000x1xf32>
    %mul3A_49 = vector.broadcast %slice3A_48 : vector<1000x1xf32> to vector<1000x256xf32>
    %mul3A_50 = arith.mulf %max3A_44, %mul3A_49 : vector<1000x256xf32>
    %slice3A_51 = vector.extract_strided_slice %mul3A_50 {offsets = [0, 0], sizes = [1000, 128], strides = [1, 1]} : vector<1000x256xf32> to vector<1000x128xf32>
    %swap3A = arith.constant 0 : index
    %swap3A_52 = arith.constant 0 : index
    %swap3A_53 = arith.constant 0 : index
    %swap3A_54 = vector.load %arg11[%swap3A, %swap3A_52, %swap3A_53] : memref<2x1000x128xf32, #tpu.memory_space<vmem>>, vector<1x1000x128xf32>
    %swap3A_55 = vector.shape_cast %swap3A_54 : vector<1x1000x128xf32> to vector<1000x128xf32>
    %swap3A_56 = vector.shape_cast %slice3A_51 : vector<1000x128xf32> to vector<1x1000x128xf32>
    tpu.vector_store %arg11[%swap3A, %swap3A_52, %swap3A_53], %swap3A_56 {strides = array<i32>} : memref<2x1000x128xf32, #tpu.memory_space<vmem>>, vector<1x1000x128xf32>,
    %slice3A_57 = vector.extract_strided_slice %mul3A_50 {offsets = [0, 128], sizes = [1000, 128], strides = [1, 1]} : vector<1000x256xf32> to vector<1000x128xf32>
    %swap3A_58 = arith.constant 1 : index
    %swap3A_59 = arith.constant 0 : index
    %swap3A_60 = arith.constant 0 : index
    %swap3A_61 = vector.load %arg11[%swap3A_58, %swap3A_59, %swap3A_60] : memref<2x1000x128xf32, #tpu.memory_space<vmem>>, vector<1x1000x128xf32>
    %swap3A_62 = vector.shape_cast %swap3A_61 : vector<1x1000x128xf32> to vector<1000x128xf32>
    %swap3A_63 = vector.shape_cast %slice3A_57 : vector<1000x128xf32> to vector<1x1000x128xf32>
    tpu.vector_store %arg11[%swap3A_58, %swap3A_59, %swap3A_60], %swap3A_63 {strides = array<i32>} : memref<2x1000x128xf32, #tpu.memory_space<vmem>>, vector<1x1000x128xf32>,
    return
  }
  func.func @transform_0(%arg0: i32) -> (i32, i32) {
    %c0_i32 = arith.constant 0 : i32
    %c0_i32_0 = arith.constant 0 : i32
    return %arg0, %c0_i32 : i32, i32
  }
  func.func @transform_1(%arg0: i32) -> (i32, i32) {
    %add3A = arith.constant 10 : i32
    %add3A_0 = arith.addi %add3A, %arg0 : i32
    %c0_i32 = arith.constant 0 : i32
    %c0_i32_1 = arith.constant 0 : i32
    return %add3A_0, %c0_i32 : i32, i32
  }
  func.func @transform_2(%arg0: i32) -> (i32, i32) {
    %c0_i32 = arith.constant 0 : i32
    %c0_i32_0 = arith.constant 0 : i32
    return %arg0, %c0_i32 : i32, i32
  }
  func.func @transform_3(%arg0: i32) -> (i32, i32) {
    %add3A = arith.constant 10 : i32
    %add3A_0 = arith.addi %add3A, %arg0 : i32
    %c0_i32 = arith.constant 0 : i32
    %c0_i32_1 = arith.constant 0 : i32
    return %add3A_0, %c0_i32 : i32, i32
  }
  func.func @transform_4(%arg0: i32) -> (i32, i32) {
    %c0_i32 = arith.constant 0 : i32
    %c0_i32_0 = arith.constant 0 : i32
    return %arg0, %c0_i32 : i32, i32
  }
  func.func @transform_5(%arg0: i32) -> (i32, i32) {
    %add3A = arith.constant 10 : i32
    %add3A_0 = arith.addi %add3A, %arg0 : i32
    %c0_i32 = arith.constant 0 : i32
    %c0_i32_1 = arith.constant 0 : i32
    return %add3A_0, %c0_i32 : i32, i32
  }
  func.func @transform_6(%arg0: i32) -> (i32, i32) {
    %c0_i32 = arith.constant 0 : i32
    %c0_i32_0 = arith.constant 0 : i32
    %c0_i32_1 = arith.constant 0 : i32
    return %c0_i32, %c0_i32_0 : i32, i32
  }
  func.func @transform_7(%arg0: i32) -> (i32, i32) {
    %c0_i32 = arith.constant 0 : i32
    %c0_i32_0 = arith.constant 0 : i32
    %c0_i32_1 = arith.constant 0 : i32
    return %c0_i32, %c0_i32_0 : i32, i32
  }
  func.func @transform_8(%arg0: i32) -> (i32, i32) {
    %c0_i32 = arith.constant 0 : i32
    %c0_i32_0 = arith.constant 0 : i32
    %c0_i32_1 = arith.constant 0 : i32
    return %c0_i32, %c0_i32_0 : i32, i32
  }
  func.func @transform_9(%arg0: i32) -> (i32, i32) {
    %c0_i32 = arith.constant 0 : i32
    %c0_i32_0 = arith.constant 0 : i32
    return %arg0, %c0_i32 : i32, i32
  }
  func.func @transform_10(%arg0: i32) -> (i32, i32, i32) {
    %c0_i32 = arith.constant 0 : i32
    %c0_i32_0 = arith.constant 0 : i32
    %c0_i32_1 = arith.constant 0 : i32
    return %c0_i32, %arg0, %c0_i32_0 : i32, i32, i32
  }
}

module attributes {stable_mosaic.version = 14 : i64} {
  func.func @body(%arg0: i32, %arg1: memref<1000x128xf32, #tpu.memory_space<vmem>>, %arg2: memref<1000x128xf32, #tpu.memory_space<vmem>>, %arg3: memref<1000x16xf32, #tpu.memory_space<vmem>>, %arg4: memref<1000x16xf32, #tpu.memory_space<vmem>>, %arg5: memref<1000x128xf32, #tpu.memory_space<vmem>>, %arg6: memref<1000x128xf32, #tpu.memory_space<vmem>>, %arg7: memref<256x256xf32, #tpu.memory_space<vmem>>, %arg8: memref<1x256xf32, #tpu.memory_space<vmem>>, %arg9: memref<256x256xf32, #tpu.memory_space<vmem>>, %arg10: memref<2x1000x128xf32, #tpu.memory_space<vmem>>) attributes {dimension_semantics = [#tpu.dimension_semantics<arbitrary>], iteration_bounds = array<i64: 10>, scalar_prefetch = 0 : i64, scratch_operands = 0 : i64, tpu.core_type = #tpu.core_type<tc>, window_params = [{transform_indices = @transform_0, window_bounds = array<i64: 1000, 128>}, {transform_indices = @transform_1, window_bounds = array<i64: 1000, 128>}, {transform_indices = @transform_2, window_bounds = array<i64: 1000, 16>}, {transform_indices = @transform_3, window_bounds = array<i64: 1000, 16>}, {transform_indices = @transform_4, window_bounds = array<i64: 1000, 128>}, {transform_indices = @transform_5, window_bounds = array<i64: 1000, 128>}, {pipeline_mode = #tpu.pipeline_mode<synchronous>, transform_indices = @transform_6, window_bounds = array<i64: 256, 256>}, {pipeline_mode = #tpu.pipeline_mode<synchronous>, transform_indices = @transform_7, window_bounds = array<i64: 1, 256>}, {pipeline_mode = #tpu.pipeline_mode<synchronous>, transform_indices = @transform_8, window_bounds = array<i64: 256, 256>}, {transform_indices = @transform_9, window_bounds = array<i64: 2, 1000, 128>}]} {
    %get3A = arith.constant 0 : index
    %get3A_0 = arith.constant 0 : index
    %get3A_1 = vector.load %arg3[%get3A, %get3A_0] : memref<1000x16xf32, #tpu.memory_space<vmem>>, vector<1000x16xf32>
    %slice3A = vector.extract_strided_slice %get3A_1 {offsets = [0, 0], sizes = [1000, 1], strides = [1, 1]} : vector<1000x16xf32> to vector<1000x1xf32>
    %get3A_2 = arith.constant 0 : index
    %get3A_3 = arith.constant 0 : index
    %get3A_4 = vector.load %arg4[%get3A_2, %get3A_3] : memref<1000x16xf32, #tpu.memory_space<vmem>>, vector<1000x16xf32>
    %slice3A_5 = vector.extract_strided_slice %get3A_4 {offsets = [0, 0], sizes = [1000, 1], strides = [1, 1]} : vector<1000x16xf32> to vector<1000x1xf32>
    %add3A = arith.addf %slice3A, %slice3A_5 : vector<1000x1xf32>
    %max3A = arith.constant 1.000000e+00 : f32
    %max3A_6 = vector.broadcast %max3A : f32 to vector<1000x1xf32>
    %max3A_7 = arith.maximumf %add3A, %max3A_6 : vector<1000x1xf32>
    %div3A = arith.constant 1.000000e+00 : f32
    %div3A_8 = vector.broadcast %div3A : f32 to vector<1000x1xf32>
    %div3A_9 = arith.divf %div3A_8, %max3A_7 : vector<1000x1xf32>
    %get3A_10 = arith.constant 0 : index
    %get3A_11 = arith.constant 0 : index
    %get3A_12 = vector.load %arg1[%get3A_10, %get3A_11] : memref<1000x128xf32, #tpu.memory_space<vmem>>, vector<1000x128xf32>
    %get3A_13 = arith.constant 0 : index
    %get3A_14 = arith.constant 0 : index
    %get3A_15 = vector.load %arg2[%get3A_13, %get3A_14] : memref<1000x128xf32, #tpu.memory_space<vmem>>, vector<1000x128xf32>
    %concatenate3A = tpu.concatenate %get3A_12, %get3A_15 in 1 : vector<1000x128xf32>, vector<1000x128xf32> -> vector<1000x256xf32>
    %mul3A = vector.broadcast %div3A_9 : vector<1000x1xf32> to vector<1000x256xf32>
    %mul3A_16 = arith.mulf %concatenate3A, %mul3A : vector<1000x256xf32>
    %get3A_17 = arith.constant 0 : index
    %get3A_18 = arith.constant 0 : index
    %get3A_19 = vector.load %arg5[%get3A_17, %get3A_18] : memref<1000x128xf32, #tpu.memory_space<vmem>>, vector<1000x128xf32>
    %get3A_20 = arith.constant 0 : index
    %get3A_21 = arith.constant 0 : index
    %get3A_22 = vector.load %arg6[%get3A_20, %get3A_21] : memref<1000x128xf32, #tpu.memory_space<vmem>>, vector<1000x128xf32>
    %concatenate3A_23 = tpu.concatenate %get3A_19, %get3A_22 in 1 : vector<1000x128xf32>, vector<1000x128xf32> -> vector<1000x256xf32>
    %convert_element_type3A = arith.truncf %mul3A_16 : vector<1000x256xf32> to vector<1000x256xbf16>
    %get3A_24 = arith.constant 0 : index
    %get3A_25 = arith.constant 0 : index
    %get3A_26 = vector.load %arg7[%get3A_24, %get3A_25] : memref<256x256xf32, #tpu.memory_space<vmem>>, vector<256x256xf32>
    %convert_element_type3A_27 = arith.truncf %get3A_26 : vector<256x256xf32> to vector<256x256xbf16>
    %dot_general3A = arith.constant dense<0.000000e+00> : vector<1000x256xf32>
    %dot_general3A_28 = tpu.matmul %convert_element_type3A, %convert_element_type3A_27, %dot_general3A {dimension_numbers = #tpu.dot_dimension_numbers<[1], [0], [0], [1], [0, 0, 1, 1], [], []>, transpose_lhs_hint = false} : vector<1000x256xbf16>, vector<256x256xbf16>, vector<1000x256xf32> -> vector<1000x256xf32>
    %get3A_29 = arith.constant 0 : index
    %get3A_30 = arith.constant 0 : index
    %get3A_31 = vector.load %arg8[%get3A_29, %get3A_30] : memref<1x256xf32, #tpu.memory_space<vmem>>, vector<1x256xf32>
    %add3A_32 = vector.broadcast %get3A_31 : vector<1x256xf32> to vector<1000x256xf32>
    %add3A_33 = arith.addf %dot_general3A_28, %add3A_32 : vector<1000x256xf32>
    %convert_element_type3A_34 = arith.truncf %concatenate3A_23 : vector<1000x256xf32> to vector<1000x256xbf16>
    %get3A_35 = arith.constant 0 : index
    %get3A_36 = arith.constant 0 : index
    %get3A_37 = vector.load %arg9[%get3A_35, %get3A_36] : memref<256x256xf32, #tpu.memory_space<vmem>>, vector<256x256xf32>
    %convert_element_type3A_38 = arith.truncf %get3A_37 : vector<256x256xf32> to vector<256x256xbf16>
    %dot_general3A_39 = arith.constant dense<0.000000e+00> : vector<1000x256xf32>
    %dot_general3A_40 = tpu.matmul %convert_element_type3A_34, %convert_element_type3A_38, %dot_general3A_39 {dimension_numbers = #tpu.dot_dimension_numbers<[1], [0], [0], [1], [0, 0, 1, 1], [], []>, transpose_lhs_hint = false} : vector<1000x256xbf16>, vector<256x256xbf16>, vector<1000x256xf32> -> vector<1000x256xf32>
    %add3A_41 = arith.addf %add3A_33, %dot_general3A_40 : vector<1000x256xf32>
    %max3A_42 = arith.constant 0.000000e+00 : f32
    %max3A_43 = vector.broadcast %max3A_42 : f32 to vector<1000x256xf32>
    %max3A_44 = arith.maximumf %add3A_41, %max3A_43 : vector<1000x256xf32>
    %slice3A_45 = vector.extract_strided_slice %max3A_44 {offsets = [0, 0], sizes = [1000, 128], strides = [1, 1]} : vector<1000x256xf32> to vector<1000x128xf32>
    %swap3A = arith.constant 0 : index
    %swap3A_46 = arith.constant 0 : index
    %swap3A_47 = arith.constant 0 : index
    %swap3A_48 = vector.load %arg10[%swap3A, %swap3A_46, %swap3A_47] : memref<2x1000x128xf32, #tpu.memory_space<vmem>>, vector<1x1000x128xf32>
    %swap3A_49 = vector.shape_cast %swap3A_48 : vector<1x1000x128xf32> to vector<1000x128xf32>
    %swap3A_50 = vector.shape_cast %slice3A_45 : vector<1000x128xf32> to vector<1x1000x128xf32>
    tpu.vector_store %arg10[%swap3A, %swap3A_46, %swap3A_47], %swap3A_50 {strides = array<i32>} : memref<2x1000x128xf32, #tpu.memory_space<vmem>>, vector<1x1000x128xf32>,
    %slice3A_51 = vector.extract_strided_slice %max3A_44 {offsets = [0, 128], sizes = [1000, 128], strides = [1, 1]} : vector<1000x256xf32> to vector<1000x128xf32>
    %swap3A_52 = arith.constant 1 : index
    %swap3A_53 = arith.constant 0 : index
    %swap3A_54 = arith.constant 0 : index
    %swap3A_55 = vector.load %arg10[%swap3A_52, %swap3A_53, %swap3A_54] : memref<2x1000x128xf32, #tpu.memory_space<vmem>>, vector<1x1000x128xf32>
    %swap3A_56 = vector.shape_cast %swap3A_55 : vector<1x1000x128xf32> to vector<1000x128xf32>
    %swap3A_57 = vector.shape_cast %slice3A_51 : vector<1000x128xf32> to vector<1x1000x128xf32>
    tpu.vector_store %arg10[%swap3A_52, %swap3A_53, %swap3A_54], %swap3A_57 {strides = array<i32>} : memref<2x1000x128xf32, #tpu.memory_space<vmem>>, vector<1x1000x128xf32>,
    return
  }
  func.func @transform_0(%arg0: i32) -> (i32, i32) {
    %c0_i32 = arith.constant 0 : i32
    %c0_i32_0 = arith.constant 0 : i32
    return %arg0, %c0_i32 : i32, i32
  }
  func.func @transform_1(%arg0: i32) -> (i32, i32) {
    %add3A = arith.constant 10 : i32
    %add3A_0 = arith.addi %add3A, %arg0 : i32
    %c0_i32 = arith.constant 0 : i32
    %c0_i32_1 = arith.constant 0 : i32
    return %add3A_0, %c0_i32 : i32, i32
  }
  func.func @transform_2(%arg0: i32) -> (i32, i32) {
    %c0_i32 = arith.constant 0 : i32
    %c0_i32_0 = arith.constant 0 : i32
    return %arg0, %c0_i32 : i32, i32
  }
  func.func @transform_3(%arg0: i32) -> (i32, i32) {
    %add3A = arith.constant 10 : i32
    %add3A_0 = arith.addi %add3A, %arg0 : i32
    %c0_i32 = arith.constant 0 : i32
    %c0_i32_1 = arith.constant 0 : i32
    return %add3A_0, %c0_i32 : i32, i32
  }
  func.func @transform_4(%arg0: i32) -> (i32, i32) {
    %c0_i32 = arith.constant 0 : i32
    %c0_i32_0 = arith.constant 0 : i32
    return %arg0, %c0_i32 : i32, i32
  }
  func.func @transform_5(%arg0: i32) -> (i32, i32) {
    %add3A = arith.constant 10 : i32
    %add3A_0 = arith.addi %add3A, %arg0 : i32
    %c0_i32 = arith.constant 0 : i32
    %c0_i32_1 = arith.constant 0 : i32
    return %add3A_0, %c0_i32 : i32, i32
  }
  func.func @transform_6(%arg0: i32) -> (i32, i32) {
    %c0_i32 = arith.constant 0 : i32
    %c0_i32_0 = arith.constant 0 : i32
    %c0_i32_1 = arith.constant 0 : i32
    return %c0_i32, %c0_i32_0 : i32, i32
  }
  func.func @transform_7(%arg0: i32) -> (i32, i32) {
    %c0_i32 = arith.constant 0 : i32
    %c0_i32_0 = arith.constant 0 : i32
    %c0_i32_1 = arith.constant 0 : i32
    return %c0_i32, %c0_i32_0 : i32, i32
  }
  func.func @transform_8(%arg0: i32) -> (i32, i32) {
    %c0_i32 = arith.constant 0 : i32
    %c0_i32_0 = arith.constant 0 : i32
    %c0_i32_1 = arith.constant 0 : i32
    return %c0_i32, %c0_i32_0 : i32, i32
  }
  func.func @transform_9(%arg0: i32) -> (i32, i32, i32) {
    %c0_i32 = arith.constant 0 : i32
    %c0_i32_0 = arith.constant 0 : i32
    %c0_i32_1 = arith.constant 0 : i32
    return %c0_i32, %arg0, %c0_i32_0 : i32, i32, i32
  }
}

module attributes {stable_mosaic.version = 14 : i64} {
  func.func @body(%arg0: i32, %arg1: memref<1000x128xf32, #tpu.memory_space<vmem>>, %arg2: memref<1000x128xf32, #tpu.memory_space<vmem>>, %arg3: memref<256x256xf32, #tpu.memory_space<vmem>>, %arg4: memref<1000x128xi32, #tpu.memory_space<vmem>>) attributes {dimension_semantics = [#tpu.dimension_semantics<arbitrary>], iteration_bounds = array<i64: 10>, scalar_prefetch = 0 : i64, scratch_operands = 0 : i64, tpu.core_type = #tpu.core_type<tc>, window_params = [{transform_indices = @transform_0, window_bounds = array<i64: 1000, 128>}, {transform_indices = @transform_1, window_bounds = array<i64: 1000, 128>}, {pipeline_mode = #tpu.pipeline_mode<synchronous>, transform_indices = @transform_2, window_bounds = array<i64: 256, 256>}, {transform_indices = @transform_3, window_bounds = array<i64: 1000, 128>}]} {
    %get3A = arith.constant 0 : index
    %get3A_0 = arith.constant 0 : index
    %get3A_1 = vector.load %arg1[%get3A, %get3A_0] : memref<1000x128xf32, #tpu.memory_space<vmem>>, vector<1000x128xf32>
    %get3A_2 = arith.constant 0 : index
    %get3A_3 = arith.constant 0 : index
    %get3A_4 = vector.load %arg2[%get3A_2, %get3A_3] : memref<1000x128xf32, #tpu.memory_space<vmem>>, vector<1000x128xf32>
    %concatenate3A = tpu.concatenate %get3A_1, %get3A_4 in 1 : vector<1000x128xf32>, vector<1000x128xf32> -> vector<1000x256xf32>
    %convert_element_type3A = arith.truncf %concatenate3A : vector<1000x256xf32> to vector<1000x256xbf16>
    %get3A_5 = arith.constant 0 : index
    %get3A_6 = arith.constant 0 : index
    %get3A_7 = vector.load %arg3[%get3A_5, %get3A_6] : memref<256x256xf32, #tpu.memory_space<vmem>>, vector<256x256xf32>
    %convert_element_type3A_8 = arith.truncf %get3A_7 : vector<256x256xf32> to vector<256x256xbf16>
    %dot_general3A = arith.constant dense<0.000000e+00> : vector<1000x256xf32>
    %dot_general3A_9 = tpu.matmul %convert_element_type3A, %convert_element_type3A_8, %dot_general3A {dimension_numbers = #tpu.dot_dimension_numbers<[1], [0], [0], [1], [0, 0, 1, 1], [], []>, transpose_lhs_hint = false} : vector<1000x256xbf16>, vector<256x256xbf16>, vector<1000x256xf32> -> vector<1000x256xf32>
    %convert_element_type3A_10 = arith.truncf %dot_general3A_9 : vector<1000x256xf32> to vector<1000x256xbf16>
    %slice3A = vector.extract_strided_slice %convert_element_type3A_10 {offsets = [0, 0], sizes = [1000, 128], strides = [1, 1]} : vector<1000x256xbf16> to vector<1000x128xbf16>
    %bitcast_convert_type3A = tpu.bitcast %slice3A : vector<1000x128xbf16> -> vector<1000x128xi16>
    %convert_element_type3A_11 = arith.extui %bitcast_convert_type3A : vector<1000x128xi16> to vector<1000x128xi32>
    %slice3A_12 = vector.extract_strided_slice %convert_element_type3A_10 {offsets = [0, 128], sizes = [1000, 128], strides = [1, 1]} : vector<1000x256xbf16> to vector<1000x128xbf16>
    %bitcast_convert_type3A_13 = tpu.bitcast %slice3A_12 : vector<1000x128xbf16> -> vector<1000x128xi16>
    %convert_element_type3A_14 = arith.extui %bitcast_convert_type3A_13 : vector<1000x128xi16> to vector<1000x128xi32>
    %shift_left3A = arith.constant 16 : i32
    %shift_left3A_15 = vector.broadcast %shift_left3A : i32 to vector<1000x128xi32>
    %shift_left3A_16 = arith.shli %convert_element_type3A_14, %shift_left3A_15 : vector<1000x128xi32>
    %or3A = arith.ori %convert_element_type3A_11, %shift_left3A_16 : vector<1000x128xi32>
    %swap3A = arith.constant 0 : index
    %swap3A_17 = arith.constant 0 : index
    %swap3A_18 = vector.load %arg4[%swap3A, %swap3A_17] : memref<1000x128xi32, #tpu.memory_space<vmem>>, vector<1000x128xi32>
    tpu.vector_store %arg4[%swap3A, %swap3A_17], %or3A {strides = array<i32>} : memref<1000x128xi32, #tpu.memory_space<vmem>>, vector<1000x128xi32>,
    return
  }
  func.func @transform_0(%arg0: i32) -> (i32, i32) {
    %c0_i32 = arith.constant 0 : i32
    %c0_i32_0 = arith.constant 0 : i32
    return %arg0, %c0_i32 : i32, i32
  }
  func.func @transform_1(%arg0: i32) -> (i32, i32) {
    %add3A = arith.constant 10 : i32
    %add3A_0 = arith.addi %add3A, %arg0 : i32
    %c0_i32 = arith.constant 0 : i32
    %c0_i32_1 = arith.constant 0 : i32
    return %add3A_0, %c0_i32 : i32, i32
  }
  func.func @transform_2(%arg0: i32) -> (i32, i32) {
    %c0_i32 = arith.constant 0 : i32
    %c0_i32_0 = arith.constant 0 : i32
    %c0_i32_1 = arith.constant 0 : i32
    return %c0_i32, %c0_i32_0 : i32, i32
  }
  func.func @transform_3(%arg0: i32) -> (i32, i32) {
    %c0_i32 = arith.constant 0 : i32
    %c0_i32_0 = arith.constant 0 : i32
    return %arg0, %c0_i32 : i32, i32
  }
}

module attributes {stable_mosaic.version = 14 : i64} {
  func.func @body(%arg0: i32, %arg1: memref<1000x128xf32, #tpu.memory_space<vmem>>, %arg2: memref<1000x128xf32, #tpu.memory_space<vmem>>, %arg3: memref<256x256xf32, #tpu.memory_space<vmem>>, %arg4: memref<1x256xf32, #tpu.memory_space<vmem>>, %arg5: memref<1000x128xi32, #tpu.memory_space<vmem>>) attributes {dimension_semantics = [#tpu.dimension_semantics<arbitrary>], iteration_bounds = array<i64: 10>, scalar_prefetch = 0 : i64, scratch_operands = 0 : i64, tpu.core_type = #tpu.core_type<tc>, window_params = [{transform_indices = @transform_0, window_bounds = array<i64: 1000, 128>}, {transform_indices = @transform_1, window_bounds = array<i64: 1000, 128>}, {pipeline_mode = #tpu.pipeline_mode<synchronous>, transform_indices = @transform_2, window_bounds = array<i64: 256, 256>}, {pipeline_mode = #tpu.pipeline_mode<synchronous>, transform_indices = @transform_3, window_bounds = array<i64: 1, 256>}, {transform_indices = @transform_4, window_bounds = array<i64: 1000, 128>}]} {
    %get3A = arith.constant 0 : index
    %get3A_0 = arith.constant 0 : index
    %get3A_1 = vector.load %arg1[%get3A, %get3A_0] : memref<1000x128xf32, #tpu.memory_space<vmem>>, vector<1000x128xf32>
    %get3A_2 = arith.constant 0 : index
    %get3A_3 = arith.constant 0 : index
    %get3A_4 = vector.load %arg2[%get3A_2, %get3A_3] : memref<1000x128xf32, #tpu.memory_space<vmem>>, vector<1000x128xf32>
    %concatenate3A = tpu.concatenate %get3A_1, %get3A_4 in 1 : vector<1000x128xf32>, vector<1000x128xf32> -> vector<1000x256xf32>
    %convert_element_type3A = arith.truncf %concatenate3A : vector<1000x256xf32> to vector<1000x256xbf16>
    %get3A_5 = arith.constant 0 : index
    %get3A_6 = arith.constant 0 : index
    %get3A_7 = vector.load %arg3[%get3A_5, %get3A_6] : memref<256x256xf32, #tpu.memory_space<vmem>>, vector<256x256xf32>
    %convert_element_type3A_8 = arith.truncf %get3A_7 : vector<256x256xf32> to vector<256x256xbf16>
    %dot_general3A = arith.constant dense<0.000000e+00> : vector<1000x256xf32>
    %dot_general3A_9 = tpu.matmul %convert_element_type3A, %convert_element_type3A_8, %dot_general3A {dimension_numbers = #tpu.dot_dimension_numbers<[1], [0], [0], [1], [0, 0, 1, 1], [], []>, transpose_lhs_hint = false} : vector<1000x256xbf16>, vector<256x256xbf16>, vector<1000x256xf32> -> vector<1000x256xf32>
    %get3A_10 = arith.constant 0 : index
    %get3A_11 = arith.constant 0 : index
    %get3A_12 = vector.load %arg4[%get3A_10, %get3A_11] : memref<1x256xf32, #tpu.memory_space<vmem>>, vector<1x256xf32>
    %add3A = vector.broadcast %get3A_12 : vector<1x256xf32> to vector<1000x256xf32>
    %add3A_13 = arith.addf %dot_general3A_9, %add3A : vector<1000x256xf32>
    %convert_element_type3A_14 = arith.truncf %add3A_13 : vector<1000x256xf32> to vector<1000x256xbf16>
    %slice3A = vector.extract_strided_slice %convert_element_type3A_14 {offsets = [0, 0], sizes = [1000, 128], strides = [1, 1]} : vector<1000x256xbf16> to vector<1000x128xbf16>
    %bitcast_convert_type3A = tpu.bitcast %slice3A : vector<1000x128xbf16> -> vector<1000x128xi16>
    %convert_element_type3A_15 = arith.extui %bitcast_convert_type3A : vector<1000x128xi16> to vector<1000x128xi32>
    %slice3A_16 = vector.extract_strided_slice %convert_element_type3A_14 {offsets = [0, 128], sizes = [1000, 128], strides = [1, 1]} : vector<1000x256xbf16> to vector<1000x128xbf16>
    %bitcast_convert_type3A_17 = tpu.bitcast %slice3A_16 : vector<1000x128xbf16> -> vector<1000x128xi16>
    %convert_element_type3A_18 = arith.extui %bitcast_convert_type3A_17 : vector<1000x128xi16> to vector<1000x128xi32>
    %shift_left3A = arith.constant 16 : i32
    %shift_left3A_19 = vector.broadcast %shift_left3A : i32 to vector<1000x128xi32>
    %shift_left3A_20 = arith.shli %convert_element_type3A_18, %shift_left3A_19 : vector<1000x128xi32>
    %or3A = arith.ori %convert_element_type3A_15, %shift_left3A_20 : vector<1000x128xi32>
    %swap3A = arith.constant 0 : index
    %swap3A_21 = arith.constant 0 : index
    %swap3A_22 = vector.load %arg5[%swap3A, %swap3A_21] : memref<1000x128xi32, #tpu.memory_space<vmem>>, vector<1000x128xi32>
    tpu.vector_store %arg5[%swap3A, %swap3A_21], %or3A {strides = array<i32>} : memref<1000x128xi32, #tpu.memory_space<vmem>>, vector<1000x128xi32>,
    return
  }
  func.func @transform_0(%arg0: i32) -> (i32, i32) {
    %c0_i32 = arith.constant 0 : i32
    %c0_i32_0 = arith.constant 0 : i32
    return %arg0, %c0_i32 : i32, i32
  }
  func.func @transform_1(%arg0: i32) -> (i32, i32) {
    %add3A = arith.constant 10 : i32
    %add3A_0 = arith.addi %add3A, %arg0 : i32
    %c0_i32 = arith.constant 0 : i32
    %c0_i32_1 = arith.constant 0 : i32
    return %add3A_0, %c0_i32 : i32, i32
  }
  func.func @transform_2(%arg0: i32) -> (i32, i32) {
    %c0_i32 = arith.constant 0 : i32
    %c0_i32_0 = arith.constant 0 : i32
    %c0_i32_1 = arith.constant 0 : i32
    return %c0_i32, %c0_i32_0 : i32, i32
  }
  func.func @transform_3(%arg0: i32) -> (i32, i32) {
    %c0_i32 = arith.constant 0 : i32
    %c0_i32_0 = arith.constant 0 : i32
    %c0_i32_1 = arith.constant 0 : i32
    return %c0_i32, %c0_i32_0 : i32, i32
  }
  func.func @transform_4(%arg0: i32) -> (i32, i32) {
    %c0_i32 = arith.constant 0 : i32
    %c0_i32_0 = arith.constant 0 : i32
    return %arg0, %c0_i32 : i32, i32
  }
}

module attributes {stable_mosaic.version = 14 : i64} {
  func.func @body(%arg0: i32, %arg1: memref<3200x128xi32, #tpu.memory_space<vmem>>, %arg2: memref<3200x128xi32, #tpu.memory_space<vmem>>, %arg3: memref<128x1xf32, #tpu.memory_space<vmem>>, %arg4: memref<128x1xf32, #tpu.memory_space<vmem>>, %arg5: memref<1x1xf32, #tpu.memory_space<vmem>>, %arg6: memref<1x1x3200xf32, #tpu.memory_space<vmem>>) attributes {dimension_semantics = [#tpu.dimension_semantics<arbitrary>], iteration_bounds = array<i64: 100>, scalar_prefetch = 0 : i64, scratch_operands = 0 : i64, tpu.core_type = #tpu.core_type<tc>, window_params = [{transform_indices = @transform_0, window_bounds = array<i64: 3200, 128>}, {transform_indices = @transform_1, window_bounds = array<i64: 3200, 128>}, {pipeline_mode = #tpu.pipeline_mode<synchronous>, transform_indices = @transform_2, window_bounds = array<i64: 128, 1>}, {pipeline_mode = #tpu.pipeline_mode<synchronous>, transform_indices = @transform_3, window_bounds = array<i64: 128, 1>}, {pipeline_mode = #tpu.pipeline_mode<synchronous>, transform_indices = @transform_4, window_bounds = array<i64: 1, 1>}, {transform_indices = @transform_5, window_bounds = array<i64: 1, 1, 3200>}]} {
    %get3A = arith.constant 0 : index
    %get3A_0 = arith.constant 0 : index
    %get3A_1 = vector.load %arg1[%get3A, %get3A_0] : memref<3200x128xi32, #tpu.memory_space<vmem>>, vector<3200x128xi32>
    %get3A_2 = arith.constant 0 : index
    %get3A_3 = arith.constant 0 : index
    %get3A_4 = vector.load %arg2[%get3A_2, %get3A_3] : memref<3200x128xi32, #tpu.memory_space<vmem>>, vector<3200x128xi32>
    %shift_left3A = arith.constant 16 : i32
    %shift_left3A_5 = vector.broadcast %shift_left3A : i32 to vector<3200x128xi32>
    %shift_left3A_6 = arith.shli %get3A_1, %shift_left3A_5 : vector<3200x128xi32>
    %bitcast_convert_type3A = tpu.bitcast %shift_left3A_6 : vector<3200x128xi32> -> vector<3200x128xf32>
    %shift_left3A_7 = arith.constant 16 : i32
    %shift_left3A_8 = vector.broadcast %shift_left3A_7 : i32 to vector<3200x128xi32>
    %shift_left3A_9 = arith.shli %get3A_4, %shift_left3A_8 : vector<3200x128xi32>
    %bitcast_convert_type3A_10 = tpu.bitcast %shift_left3A_9 : vector<3200x128xi32> -> vector<3200x128xf32>
    %add3A = arith.addf %bitcast_convert_type3A, %bitcast_convert_type3A_10 : vector<3200x128xf32>
    %max3A = arith.constant 0.000000e+00 : f32
    %max3A_11 = vector.broadcast %max3A : f32 to vector<3200x128xf32>
    %max3A_12 = arith.maximumf %add3A, %max3A_11 : vector<3200x128xf32>
    %and3A = arith.constant -65536 : i32
    %and3A_13 = vector.broadcast %and3A : i32 to vector<3200x128xi32>
    %and3A_14 = arith.andi %get3A_1, %and3A_13 : vector<3200x128xi32>
    %bitcast_convert_type3A_15 = tpu.bitcast %and3A_14 : vector<3200x128xi32> -> vector<3200x128xf32>
    %and3A_16 = arith.constant -65536 : i32
    %and3A_17 = vector.broadcast %and3A_16 : i32 to vector<3200x128xi32>
    %and3A_18 = arith.andi %get3A_4, %and3A_17 : vector<3200x128xi32>
    %bitcast_convert_type3A_19 = tpu.bitcast %and3A_18 : vector<3200x128xi32> -> vector<3200x128xf32>
    %add3A_20 = arith.addf %bitcast_convert_type3A_15, %bitcast_convert_type3A_19 : vector<3200x128xf32>
    %max3A_21 = arith.constant 0.000000e+00 : f32
    %max3A_22 = vector.broadcast %max3A_21 : f32 to vector<3200x128xf32>
    %max3A_23 = arith.maximumf %add3A_20, %max3A_22 : vector<3200x128xf32>
    %get3A_24 = arith.constant 0 : index
    %get3A_25 = arith.constant 0 : index
    %get3A_26 = vector.load %arg3[%get3A_24, %get3A_25] : memref<128x1xf32, #tpu.memory_space<vmem>>, vector<128x1xf32>
    %dot_general3A = arith.constant dense<0.000000e+00> : vector<3200x1xf32>
    %dot_general3A_27 = tpu.matmul %max3A_12, %get3A_26, %dot_general3A {dimension_numbers = #tpu.dot_dimension_numbers<[1], [0], [0], [1], [0, 0, 1, 1], [], []>, transpose_lhs_hint = false} : vector<3200x128xf32>, vector<128x1xf32>, vector<3200x1xf32> -> vector<3200x1xf32>
    %get3A_28 = arith.constant 0 : index
    %get3A_29 = arith.constant 0 : index
    %get3A_30 = vector.load %arg4[%get3A_28, %get3A_29] : memref<128x1xf32, #tpu.memory_space<vmem>>, vector<128x1xf32>
    %dot_general3A_31 = arith.constant dense<0.000000e+00> : vector<3200x1xf32>
    %dot_general3A_32 = tpu.matmul %max3A_23, %get3A_30, %dot_general3A_31 {dimension_numbers = #tpu.dot_dimension_numbers<[1], [0], [0], [1], [0, 0, 1, 1], [], []>, transpose_lhs_hint = false} : vector<3200x128xf32>, vector<128x1xf32>, vector<3200x1xf32> -> vector<3200x1xf32>
    %add3A_33 = arith.addf %dot_general3A_27, %dot_general3A_32 : vector<3200x1xf32>
    %squeeze3A = vector.shape_cast %add3A_33 : vector<3200x1xf32> to vector<3200xf32>
    %get3A_34 = arith.constant 0 : index
    %get3A_35 = arith.constant 0 : index
    %get3A_36 = vector.load %arg5[%get3A_34, %get3A_35] : memref<1x1xf32, #tpu.memory_space<vmem>>, vector<1x1xf32>
    %get3A_37 = vector.extract %get3A_36[0, 0] : f32 from vector<1x1xf32>
    %add3A_38 = vector.broadcast %get3A_37 : f32 to vector<3200xf32>
    %add3A_39 = arith.addf %squeeze3A, %add3A_38 : vector<3200xf32>
    %neg3A = arith.constant 0.000000e+00 : f32
    %neg3A_40 = vector.broadcast %neg3A : f32 to vector<3200xf32>
    %neg3A_41 = arith.subf %neg3A_40, %add3A_39 : vector<3200xf32>
    %exp3A = math.exp %neg3A_41 : vector<3200xf32>
    %add3A_42 = arith.constant 1.000000e+00 : f32
    %add3A_43 = vector.broadcast %add3A_42 : f32 to vector<3200xf32>
    %add3A_44 = arith.addf %add3A_43, %exp3A : vector<3200xf32>
    %div3A = arith.constant 4.000000e+00 : f32
    %div3A_45 = vector.broadcast %div3A : f32 to vector<3200xf32>
    %div3A_46 = arith.divf %div3A_45, %add3A_44 : vector<3200xf32>
    %add3A_47 = arith.constant 1.000000e+00 : f32
    %add3A_48 = vector.broadcast %add3A_47 : f32 to vector<3200xf32>
    %add3A_49 = arith.addf %add3A_48, %div3A_46 : vector<3200xf32>
    %swap3A = arith.constant 0 : index
    %swap3A_50 = arith.constant 0 : index
    %swap3A_51 = arith.constant 0 : index
    %swap3A_52 = vector.load %arg6[%swap3A, %swap3A_50, %swap3A_51] : memref<1x1x3200xf32, #tpu.memory_space<vmem>>, vector<1x1x3200xf32>
    %swap3A_53 = vector.shape_cast %swap3A_52 : vector<1x1x3200xf32> to vector<3200xf32>
    %swap3A_54 = vector.shape_cast %add3A_49 : vector<3200xf32> to vector<1x1x3200xf32>
    tpu.vector_store %arg6[%swap3A, %swap3A_50, %swap3A_51], %swap3A_54 {strides = array<i32>} : memref<1x1x3200xf32, #tpu.memory_space<vmem>>, vector<1x1x3200xf32>,
    return
  }
  func.func @transform_0(%arg0: i32) -> (i32, i32) {
    %c0_i32 = arith.constant 0 : i32
    %c0_i32_0 = arith.constant 0 : i32
    return %arg0, %c0_i32 : i32, i32
  }
  func.func @transform_1(%arg0: i32) -> (i32, i32) {
    %c0_i32 = arith.constant 0 : i32
    %c0_i32_0 = arith.constant 0 : i32
    return %arg0, %c0_i32 : i32, i32
  }
  func.func @transform_2(%arg0: i32) -> (i32, i32) {
    %c0_i32 = arith.constant 0 : i32
    %c0_i32_0 = arith.constant 0 : i32
    %c0_i32_1 = arith.constant 0 : i32
    return %c0_i32, %c0_i32_0 : i32, i32
  }
  func.func @transform_3(%arg0: i32) -> (i32, i32) {
    %c0_i32 = arith.constant 0 : i32
    %c0_i32_0 = arith.constant 0 : i32
    %c0_i32_1 = arith.constant 0 : i32
    return %c0_i32, %c0_i32_0 : i32, i32
  }
  func.func @transform_4(%arg0: i32) -> (i32, i32) {
    %c0_i32 = arith.constant 0 : i32
    %c0_i32_0 = arith.constant 0 : i32
    %c0_i32_1 = arith.constant 0 : i32
    return %c0_i32, %c0_i32_0 : i32, i32
  }
  func.func @transform_5(%arg0: i32) -> (i32, i32, i32) {
    %c0_i32 = arith.constant 0 : i32
    %c0_i32_0 = arith.constant 0 : i32
    %c0_i32_1 = arith.constant 0 : i32
    return %arg0, %c0_i32, %c0_i32_0 : i32, i32, i32
  }
}

</mosaic_0001>

<sc_bundles>
// kernel: kernel.16.cloned.1.call-start
scs
__scs_entry_jumppad:
0x0: {  	(pc) =	sbr.rel $0x88, $3  }
0x1: {  	(tag) =	ssettag $0x0;
	lr =	simm.s32 $0x1  }
0x2: {  	[smem:$0x3F86] =	sst lr;
	_ =	strace $0xD0000000  }
0x3: {  	_ = 	snop  }
0x4: {  	_ = 	snop  }
0x5: {  	_ = 	snop  }
0x6: {  	_ = 	snop  }
0x7: {  	_ = 	snop  }
__scs_overlays_trampoline_lowered:
0x8: {  	[smem:$0x3F95] =	sst s0  }
0x9: {  	[smem:$0x3F96] =	sst s1  }
0xa: {  	[smem:$0x3F97] =	sst s2  }
0xb: {  	[smem:$0x3F98] =	sst s3  }
0xc: {  	[smem:$0x3F99] =	sst s4  }
0xd: {  	[smem:$0x3F9A] =	sst s5  }
0xe: {  	[smem:$0x3F9B] =	sst s6  }
0xf: {  	[smem:$0x3F9C] =	sst s7  }
0x10: {  	[smem:$0x3F9D] =	sst s8  }
0x11: {  	[smem:$0x3F9E] =	sst s9;
	s0 =	simm.s32 @!p0 $0x0  }
0x12: {  	s1 =	sld [smem:$0x3F84];
	s0 =	simm.s32 @p0 $0x1  }
0x13: {  	[smem:$0x3F9F] =	sst s0;
	s0 =	simm.s32 @!p1 $0x0  }
0x14: {  	s2 =	sld [smem:$0x3F83];
	s0 =	simm.s32 @p1 $0x1  }
0x15: {  	[smem:$0x3FA0] =	sst s0;
	s0 =	simm.s32 @!p2 $0x0  }
0x16: {  	s3 =	sld [smem:$0x3FDB];
	s0 =	simm.s32 @p2 $0x1  }
0x17: {  	s4 =	simm.s32 $0x1BF5;
	[smem:$0x3FA2] =	sst s0  }
0x18: {  	s0 =	sld [smem:$0x3F85];
	_ =	swait.ge [sflag:s4], $0x0  }
0x19: {  	s7 =	sld [smem:$0x3F86]  }
0x1a: {  	s8 =	sadd.s32 $0xFFFFE003, lr  }
0x1b: {  	s9 =	sadd.s32 $0xFFFFFEF7, lr;
	s5 =	simm.s32 $0xFFFFFFFF;
	p2 =	slt.u32 s8, $0xFFFFF086  }
0x1c: {  	p1 =	slt.u32 s9, $0xF7A;
	s5 =	simm.s32 @!p2 $0x0  }
0x1d: {  	s5 =	simm.s32 @p1 $0x1;
	p0 =	seq.s32 s7, s2  }
0x1e: {  	s7 =	smul.u32 @!p0 $0xF7A, s2;
	p2 =	seq.s32 @!p0 s5, $0x0  }
0x1f: {  	s9 =	smul.u32 $0xF7A, s1;
	s8 =	simm.s32 @!p0 $0x1BF5;
	p2 =	por !p2, p0  }
0x20: {  	[sflag:s8] =	ssyncset.s32 @!p0 $0xFFFFF086;
	s6 =	sadd.s32 @!p0 s3, s7;
	s7 =	simm.s32 @!p0 $0x108  }
0x21: {  	s3 =	sadd.s32 s3, s9;
	s6 =	sadd.s32 @!p0 $0x88, s6;
	s7 =	simm.s32 @p2 $0x1082  }
0x22: {  	[simem:s7], [sflag:s8] =	dma.local @!p0 [hbm:s6], $0xF7A  }
0x23: {  	s9 =	sor.u32 $0xD0000000, s2;
	s6 =	simm.s32 $0x108;
	_ =	swait.ge @!p0 [sflag:s8], $0x0  }
0x24: {  	s3 =	sadd.s32 $0x88, s3;
	s6 =	simm.s32 @!p1 $0x1082;
	[sflag:s4] =	ssyncset.s32 $0xFFFFF086  }
0x25: {  	[simem:s6], [sflag:s4] =	dma.local [hbm:s3], $0xF7A  }
0x26: {  	[smem:$0x3F86] =	sst s1;
	(tag) =	ssettag s2;
	_ =	strace s9  }
0x27: {  	s1 =	sld [smem:$0x3F96]  }
0x28: {  	s2 =	sld [smem:$0x3F97]  }
0x29: {  	s4 =	sld [smem:$0x3F99]  }
0x2a: {  	p0 =	seq.s32 s5, $0x0;
	s5 =	sld [smem:$0x3F9A]  }
0x2b: {  	s6 =	sld [smem:$0x3F9B]  }
0x2c: {  	s7 =	sld [smem:$0x3F9C]  }
0x2d: {  	s3 =	simm.s32 $0x108;
	s8 =	sld [smem:$0x3F9D]  }
0x2e: {  	s3 =	simm.s32 @!p0 $0x1082;
	s9 =	sld [smem:$0x3F9E]  }
0x2f: {  	lr =	sadd.s32 s0, s3;
	s0 =	sld [smem:$0x3F95]  }
0x30: {  	s3 =	sld [smem:$0x3F98]  }
0x31: {  	[smem:$0x3FA1] =	sst s10  }
0x32: {  	s10 =	sld [smem:$0x3F9F];
	_ =	sdelay $0x3  }
0x33: {  	p0 =	seq.s32 s10, $0x1;
	s10 =	sld [smem:$0x3FA1];
	_ =	sdelay $0x3  }
0x34: {  	[smem:$0x3FA1] =	sst s10  }
0x35: {  	s10 =	sld [smem:$0x3FA0];
	_ =	sdelay $0x3  }
0x36: {  	p1 =	seq.s32 s10, $0x1;
	s10 =	sld [smem:$0x3FA1];
	_ =	sdelay $0x3  }
0x37: {  	[smem:$0x3FA1] =	sst s10  }
0x38: {  	s10 =	sld [smem:$0x3FA2]  }
0x39: {  	_ = 	snop;
	(pc) =	sbr.ind lr, $3  }
0x3a: {  	_ = 	snop  }
0x3b: {  	_ = 	snop  }
0x3c: {  	p2 =	seq.s32 s10, $0x1;
	s10 =	sld [smem:$0x3FA1]  }
0x3d: {  	_ =	shalt  }
0x3e: {  	_ =	shalt  }
0x3f: {  	_ =	shalt  }
0x40: {  	_ =	shalt  }
0x41: {  	_ =	shalt  }
0x42: {  	_ =	shalt  }
0x43: {  	_ =	shalt  }
0x44: {  	_ =	shalt  }
0x45: {  	_ =	shalt  }
0x46: {  	_ =	shalt  }
0x47: {  	_ =	shalt  }
0x48: {  	_ =	shalt  }
0x49: {  	_ =	shalt  }
0x4a: {  	_ =	shalt  }
0x4b: {  	_ =	shalt  }
0x4c: {  	_ =	shalt  }
0x4d: {  	_ =	shalt  }
0x4e: {  	_ =	shalt  }
0x4f: {  	_ =	shalt  }
0x50: {  	_ =	shalt  }
0x51: {  	_ =	shalt  }
0x52: {  	_ =	shalt  }
0x53: {  	_ =	shalt  }
0x54: {  	_ =	shalt  }
0x55: {  	_ =	shalt  }
0x56: {  	_ =	shalt  }
0x57: {  	_ =	shalt  }
0x58: {  	_ =	shalt  }
0x59: {  	_ =	shalt  }
0x5a: {  	_ =	shalt  }
0x5b: {  	_ =	shalt  }
0x5c: {  	_ =	shalt  }
0x5d: {  	_ =	shalt  }
0x5e: {  	_ =	shalt  }
0x5f: {  	_ =	shalt  }
0x60: {  	_ =	shalt  }
0x61: {  	_ =	shalt  }
0x62: {  	_ =	shalt  }
0x63: {  	_ =	shalt  }
0x64: {  	_ =	shalt  }
0x65: {  	_ =	shalt  }
0x66: {  	_ =	shalt  }
0x67: {  	_ =	shalt  }
0x68: {  	_ =	shalt  }
0x69: {  	_ =	shalt  }
0x6a: {  	_ =	shalt  }
0x6b: {  	_ =	shalt  }
0x6c: {  	_ =	shalt  }
0x6d: {  	_ =	shalt  }
0x6e: {  	_ =	shalt  }
0x6f: {  	_ =	shalt  }
0x70: {  	_ =	shalt  }
0x71: {  	_ =	shalt  }
0x72: {  	_ =	shalt  }
0x73: {  	_ =	shalt  }
0x74: {  	_ =	shalt  }
0x75: {  	_ =	shalt  }
0x76: {  	_ =	shalt  }
0x77: {  	_ =	shalt  }
0x78: {  	_ =	shalt  }
0x79: {  	_ =	shalt  }
0x7a: {  	_ =	shalt  }
0x7b: {  	_ =	shalt  }
0x7c: {  	_ =	shalt  }
0x7d: {  	_ =	shalt  }
0x7e: {  	_ =	shalt  }
0x7f: {  	_ =	shalt  }
0x80: {  	_ =	shalt  }
0x81: {  	_ =	shalt  }
0x82: {  	_ =	shalt  }
0x83: {  	_ =	shalt  }
0x84: {  	_ =	shalt  }
0x85: {  	_ =	shalt  }
0x86: {  	_ =	shalt  }
0x87: {  	_ =	shalt  }
.Lfunc_end0:
.L_simem_size_0:
called_computation_lowered:
.L_overlay_start_0:
0x88: {  	s2 =	sld [smem:$0x3FD9]  }
0x89: {  	s3 =	sld [smem:$0x3FFE];
	_ =	sdelay $0x1  }
0x8a: {  	s1 =	srdreg.scid  }
0x8b: {  	s0 =	sand.u32 $0x1, s1  }
0x8c: {  	s17 =	sshll.u32 s0, $0xA;
	s2 =	sadd.s32 s3, s2  }
0x8d: {  	s2 =	sadd.s32 s2, s17  }
0x8e: {  	[smem:$0x3FAD] =	sst s2  }
0x8f: {  	_ = 	snop  }
0x90: {  	s18 =	sld [smem:$0x3FD0];
	(tm) =	ssettm $0x1  }
0x91: {  	s19 =	sld [smem:$0x3FFB];
	_ =	sdelay $0x3  }
0x92: {  	_ =	strace s19  }
0x93: {  	s2 =	sld [smem:$0x3FFC];
	_ =	sdelay $0x3  }
0x94: {  	_ =	strace s2  }
0x95: {  	s2 =	sld [smem:$0x3FFD];
	_ =	sdelay $0x3  }
0x96: {  	_ =	strace s2  }
0x97: {  	_ =	strace $0x8FFFFFFF  }
0x98: {  	s20 =	sld [smem:$0x3FDB];
	_ =	sdelay $0x1  }
0x99: {  	s4 =	simm.s32 $_scs_section_size  }
0x9a: {  	s5 =	simm.s32 $_size__tile_overlayer_lowered;
	s6 =	simm.s32 $_tile_overlayer_lowered  }
0x9b: {  	s7 =	simm.s32 $0x1BFF;
	s21 =	sshll.u32 s6, $0x1;
	s4 =	sadd.s32 s4, s20  }
0x9c: {  	s22 =	simm.s32 $0x0;
	s5 =	sshll.u32 s5, $0x1;
	s6 =	sadd.s32 s21, s4  }
0x9d: {  	[timem:s22], [sflag:s7] =	dma.local [hbm:s6], s5  }
0x9e: {  	_ =	swait.ge [sflag:s7], s5  }
0x9f: {  	s5 =	ssub.s32 $0x0, s5;
	[sflag:s7] =	ssyncset.done $0x0  }
0xa0: {  	[sflag:s7] =	ssyncadd.s32 s5;
	_ =	sdelay $0x1  }
0xa1: {  	s23 =	simm.s32 $0x1B8B  }
0xa2: {  	_ =	swait.ge [sflag:s23], $0x1  }
0xa3: {  	[sflag:s23] =	ssyncset.done $0x0  }
0xa4: {  	[sflag:s23] =	ssyncadd.s32 $0xFFFFFFFF  }
0xa5: {  	s5 =	sld [smem:$0x0]  }
0xa6: {  	s6 =	sand.u32 $0xFFFFFFFE, s1  }
0xa7: {  	p0 =	sne.s32 s1, s6  }
0xa8: {  	s6 =	sshll.u32 @p0 s6, $0xE  }
0xa9: {  	s6 =	sadd.s32 @p0 $0x11B8D, s6;
	s7 =	sshll.u32 @p0 s5, $0x11  }
0xaa: {  	s6 =	sor.u32 @p0 s7, s6  }
0xab: {  	[sflag:s6] =	ssyncadd.remote.s32 @p0 $0x1;
	_ =	sdelay $0x1  }
0xac: {  	s6 =	simm.s32 @p0 $0x1B8D  }
0xad: {  	_ =	swait.eq @p0 [sflag:s6], $0x1  }
0xae: {  	[sflag:s6] =	ssyncadd.s32 @p0 $0xFFFFFFFF  }
0xaf: {  	s7 =	sshll.u32 @!p0 s1, $0xE  }
0xb0: {  	s7 =	sor.u32 @!p0 $0x4000, s7;
	s6 =	simm.s32 @!p0 $0x1B8D  }
0xb1: {  	s5 =	sshll.u32 @!p0 s5, $0x11;
	s7 =	sadd.s32 @!p0 $0x11B8D, s7;
	_ =	swait.eq @!p0 [sflag:s6], $0x1  }
0xb2: {  	s5 =	sor.u32 @!p0 s5, s7;
	[sflag:s6] =	ssyncadd.s32 @!p0 $0xFFFFFFFF  }
0xb3: {  	s25 =	simm.s32 $0x1B8E;
	s24 =	sld [smem:$0x3FFE];
	[sflag:s5] =	ssyncadd.remote.s32 @!p0 $0x1  }
0xb4: {  	s26 =	simm.s32 $execute0_lowered;
	[smem:$0x3FD2] =	sst s25  }
0xb5: {  	s6 =	sshll.u32 s26, $0x1;
	_ =	strace $0x80000049;
	[dreg:$0x1] =	wrdreg $0xFFFFFFFF  }
0xb6: {  	s28 =	simm.s32 $_size_execute0_lowered;
	s4 =	sadd.s32 s4, s6;
	[dreg:$0x0] =	wrdreg $0x0  }
0xb7: {  	s6 =	sshll.u32 s28, $0x1;
	[dreg:$0x2] =	wrdreg s4  }
0xb8: {  	[dreg:$0x3] =	wrdreg s6  }
0xb9: {  	[dreg:$0x4] =	wrdreg $0xC0  }
0xba: {  	_ =	task [dreg:s22], $0x5FFFF  }
0xbb: {  	[dreg:$0x1] =	wrdreg $0xFFFFFFFF  }
0xbc: {  	[dreg:$0x0] =	wrdreg $0x60  }
0xbd: {  	[dreg:$0x2] =	wrdreg s24  }
0xbe: {  	[dreg:$0x3] =	wrdreg s18  }
0xbf: {  	[dreg:$0x4] =	wrdreg $0x74400  }
0xc0: {  	[dreg:$0x5] =	wrdreg $0x1ACC00  }
0xc1: {  	[dreg:$0x6] =	wrdreg $0x9  }
0xc2: {  	_ =	task.clear_ibuf [dreg:s22], $0x7FFFF;
	_ =	strace $0x90000049  }
0xc3: {  	s29 =	simm.s32 $0x9;
	_ =	strace $0x8000004B  }
0xc4: {  	_ =	swait.ge [sflag:s29], $0x1  }
0xc5: {  	[sflag:s29] =	ssyncadd.s32 $0xFFFFFFFF  }
0xc6: {  	_ =	strace $0x9000004B  }
0xc7: {  	_ =	sfence  }
0xc8: {  	s30 =	sld [smem:$0x0];
	_ =	sdelay $0x2  }
0xc9: {  	s31 =	sshll.u32 s1, $0xD;
	s1 =	sshrl.u32 s1, $0x2  }
0xca: {  	s4 =	sand.u32 $0x4000, s31;
	s1 =	sadd.s32 s1, s30  }
0xcb: {  	s0 =	sor.u32 s4, s0;
	s1 =	sshll.u32 s1, $0x11  }
0xcc: {  	s0 =	sor.u32 s1, s0  }
0xcd: {  	s0 =	sadd.s32 $0x8F2B, s0  }
0xce: {  	[sflag:s0] =	ssyncadd.remote.s32 $0x1  }
0xcf: {  	_ =	sfence.sel $0xFFFF  }
0xd0: {  	[dreg:$0x0] =	wrdreg $0xFFFFFFFF;
	(pc) =	sbr.abs _section_cstart, $3  }
0xd1: {  	[dreg:$0x1] =	wrdreg $0xFFFFFFFF  }
0xd2: {  	_ =	task.clear_ibuf [dreg:s22], $0x2FFFF;
	_ =	strace $0x9FFFFFFF  }
0xd3: {  	(tm) =	ssettm $0x7FFFFFFF  }
tec
execute0_lowered:
.L_overlay_start_1:
0x0: {  	(tag) =	ssettag $0x1  }
0x1: {  	s0 =	rddreg [dreg:$0x0]  }
0x2: {  	s1 =	rddreg [dreg:$0x1]  }
0x3: {  	s2 =	rddreg [dreg:$0x2]  }
0x4: {  	s4 =	rddreg [dreg:$0x3];
	s3 =	simm.s32 $0x0;
	s16 =	stileid.u32  }
0x5: {  	s9 =	srdreg.scid;
	s28 =	simm.s32 $0xFA0;
	s29 =	simm.s32 $0x50  }
0x6: {  	s30 =	simm.s32 $0x1F40;
	s31 =	simm.s32 $0x4740;
	s21 =	smul.u32 $0x13800, s16  }
0x7: {  	[smem:$0x7FF] =	sst s3;
	s6 =	sadd.s32 $0x10A400, s0;
	s5 =	smul.u32 $0x2700, s16  }
0x8: {  	s7 =	sadd.s32 $0x10A00, s0;
	s9 =	sand.u32 $0x1, s9;
	s12 =	sadd.s32 $0x162400, s0  }
0x9: {  	s11 =	sadd.s32 $0xB2200, s0;
	s13 =	sadd.s32 $0x158600, s0;
	s15 =	smul.u32 $0x270, s16  }
0xa: {  	s24 =	sshll.u32 s16, $0x6;
	s19 =	sadd.s32 $0xAD000, s0;
	s18 =	smul.u32 $0x4E20, s16  }
0xb: {  	p0 =	sne.s32 s16, $0xF;
	_ =	strace $0x8000004A;
	[dreg:$0x5] =	wrdreg s11  }
0xc: {  	s22 =	ssub.s32 $0x2, s9;
	s25 =	smul.u32 $0x2710, s9;
	s11 =	sor.u32 $0x1C03, s24  }
0xd: {  	[dreg:$0xb] =	wrdreg s19;
	p1 =	sne.s32 s9, $0x0;
	p2 =	seq.s32 s9, $0x0  }
0xe: {  	s8 =	sshrl.u32 s21, $0x3;
	s10 =	sshrl.u32 s5, $0x3;
	s3 =	sadd.s32 s21, s2  }
0xf: {  	s14 =	sshrl.u32 s22, $0x1;
	s26 =	sadd.s32 s5, s4;
	[dreg:$0x6] =	wrdreg s3  }
0x10: {  	s8 =	sadd.s32 s8, s0;
	s10 =	sadd.s32 s10, s0;
	[dreg:$0x8] =	wrdreg s26  }
0x11: {  	s15 =	sadd.s32 s15, s25;
	s17 =	sadd.s32 $0x2700, s25;
	s25 =	sadd.s32 $0x27000, s4  }
0x12: {  	s14 =	ssub.s32 s22, s14;
	s0 =	sadd.s32 $0xB2000, s0;
	[dreg:$0x10] =	wrdreg s25  }
0x13: {  	s22 =	smul.u32 $0x4E200, s9;
	s23 =	sadd.s32 $0x86000, s8;
	[dreg:$0x11] =	wrdreg s0  }
0x14: {  	s9 =	simm.s32 $0x0;
	s5 =	sadd.s32 $0xAD200, s10;
	[dreg:$0x7] =	wrdreg s23  }
0x15: {  	s10 =	sadd.s32 $0x138000, s2;
	s20 =	sshll.u32 s15, $0x4;
	[dreg:$0x9] =	wrdreg s5  }
0x16: {  	s21 =	sshll.u32 s17, $0x4;
	s26 =	smax.u32 s14, $0x1;
	[dreg:$0xa] =	wrdreg s10  }
0x17: {  	s3 =	sshll.u32 s15, $0x1;
	s8 =	sadd.s32 s12, s20;
	[dreg:$0x12] =	wrdreg s26  }
0x18: {  	s25 =	simm.s32 $0x3;
	s23 =	sadd.s32 s12, s21;
	[dreg:$0xc] =	wrdreg s8  }
0x19: {  	s0 =	simm.s32 $0x1;
	s3 =	sadd.s32 s13, s3;
	[dreg:$0xd] =	wrdreg s23  }
0x1a: {  	s5 =	sshll.u32 s17, $0x1;
	s26 =	simm.s32 $0xF50;
	[dreg:$0xe] =	wrdreg s3  }
0x1b: {  	s24 =	sadd.s32 s13, s5;
	s23 =	sadd.s32 s18, s22;
	s3 =	simm.s32 $0x4  }
0x1c: {  	s5 =	simm.s32 $0x2;
	s8 =	simm.s32 $0x1EA0;
	[dreg:$0xf] =	wrdreg s24  }
.LBB2_1:
0x1d: {  	s10 =	rddreg [dreg:$0x6]  }
0x1e: {  	s17 =	rddreg [dreg:$0x7];
	s12 =	sshrl.u32 s10, $0x3  }
0x1f: {  	[dreg:$0x13] =	wrdreg s12  }
0x20: {  	[spmem:s12], [sflag:s11] =	dma.local [hbm:s17], $0x2700  }
0x21: {  	_ =	swait.ge [sflag:s25], $0x2700  }
0x22: {  	s19 =	rddreg [dreg:$0x8]  }
0x23: {  	[sflag:s25] =	ssyncset.done $0x0;
	s21 =	rddreg [dreg:$0x9];
	s20 =	sshrl.u32 s19, $0x3  }
0x24: {  	[sflag:s25] =	ssyncadd.s32 $0xFFFFD900;
	[dreg:$0x14] =	wrdreg s20  }
0x25: {  	[spmem:s20], [sflag:s11] =	dma.local [hbm:s21], $0x4E0  }
0x26: {  	_ =	swait.ge [sflag:s25], $0x4E0  }
0x27: {  	s22 =	simm.s32 $0x0;
	[sflag:s25] =	ssyncset.done $0x0  }
0x28: {  	s13 =	simm.s32 $0x6F40;
	s24 =	rddreg [dreg:$0x5];
	[sflag:s25] =	ssyncadd.s32 $0xFFFFFB20  }
0x29: {  	[tilespmem:s13], [sflag:$0x3] =	stream.linear.gather [hbm4b:s24+s22], $0x500, $0x38;
	[tilespmem:$0x1D3D0] =	vst v63  }
0x2a: {  	_ =	swait.ge [sflag:s25], $0x500  }
0x2b: {  	s10 =	rddreg [dreg:$0xa]  }
0x2c: {  	[sflag:s25] =	ssyncset.done $0x0;
	s12 =	sshrl.u32 @!p0 s10, $0x3;
	s10 =	rddreg [dreg:$0xb]  }
0x2d: {  	[sflag:s25] =	ssyncadd.s32 $0xFFFFFB00;
	[dreg:$0x15] =	wrdreg s12  }
0x2e: {  	[spmem:s12], [sflag:s11] =	dma.local @!p0 [hbm:s10], $0x100  }
0x2f: {  	s10 =	simm.s32 @!p0 $0x3  }
0x30: {  	_ =	swait.ge @!p0 [sflag:s10], $0x100  }
0x31: {  	[sflag:s10] =	ssyncset.done @!p0 $0x0;
	s12 =	rddreg [dreg:$0x10]  }
0x32: {  	[sflag:s10] =	ssyncadd.s32 @!p0 $0xFFFFFF00;
	s14 =	sshrl.u32 @!p0 s12, $0x3;
	s12 =	rddreg [dreg:$0x11]  }
0x33: {  	[spmem:s14], [sflag:s11] =	dma.local @!p0 [hbm:s12], $0x20  }
0x34: {  	_ =	swait.ge @!p0 [sflag:s10], $0x20  }
0x35: {  	[sflag:s10] =	ssyncset.done @!p0 $0x0  }
0x36: {  	[sflag:s10] =	ssyncadd.s32 @!p0 $0xFFFFFFE0  }
0x37: {  	s15 =	simm.s32 $0x0;
	[bflag:$0x0] =	sbarrier.arrive $0xFFFF  }
.LBB2_2:
0x38: {  	s10 =	smul.u32 $0xFA0, s15;
	_ =	sdelay $0x1  }
0x39: {  	s16 =	sadd.s32 s10, s23  }
0x3a: {  	s16 =	sshrl.u32 s16, $0x3  }
0x3b: {  	s17 =	simm.s32 $0x0;
	s16 =	sadd.s32 s7, s16  }
0x3c: {  	[tilespmem:s17], [sflag:$0x3] =	stream.linear.gather [hbm4b:s16+s17], $0xFA0, $0x38;
	[tilespmem:$0x1D3D0] =	vst v63  }
0x3d: {  	s10 =	sadd.s32 s18, s10;
	_ =	swait.ge [sflag:s25], $0xFA0  }
0x3e: {  	s10 =	sshrl.u32 s10, $0x3;
	[sflag:s25] =	ssyncset.done $0x0  }
0x3f: {  	s10 =	sadd.s32 s1, s10;
	[sflag:s25] =	ssyncadd.s32 $0xFFFFF060  }
0x40: {  	[tilespmem:s28], [sflag:$0x3] =	stream.linear.gather [hbm4b:s10+s17], $0xFA0, $0x38;
	[tilespmem:$0x1D3D0] =	vst v63  }
0x41: {  	_ =	swait.ge [sflag:s25], $0xFA0  }
0x42: {  	[sflag:s25] =	ssyncset.done $0x0  }
0x43: {  	[sflag:s25] =	ssyncadd.s32 $0xFFFFF060  }
0x44: {  	[tilespmem:s30], [sflag:$0x1] =	stream.indirect.gather [hbm4b:s6+s29], $0x80, s17, s29, $0xb8;
	[tilespmem:$0x1D3D0] =	vst v63  }
0x45: {  	s22 =	simm.s32 $0x50  }
0x46: {  	[tilespmem:s31], [sflag:$0x2] =	stream.indirect.gather [hbm4b:s6+s29], $0x80, s22, s29, $0xb8;
	[tilespmem:$0x1D3D0] =	vst v63  }
0x47: {  	_ =	swait.ge [sflag:s0], $0x2800  }
0x48: {  	[sflag:s0] =	ssyncset.done $0x0  }
0x49: {  	s10 =	simm.s32 $0xFA0;
	[sflag:s0] =	ssyncadd.s32 $0xFFFFD800  }
0x4a: {  	[spmem:s2] =	stream.indirect.scatter.add.f32 [tilespmem:s30], [sflag:$0x4], $0x80, s10, s29, $0xb8;
	[tilespmem:$0x1D3D0] =	vst v63  }
0x4b: {  	_ =	swait.ge [sflag:s3], $0x2800  }
0x4c: {  	s19 =	simm.s32 @!p1 $0x6F40;
	[sflag:s3] =	ssyncset.done $0x0  }
0x4d: {  	s16 =	simm.s32 @!p1 $0x4;
	s17 =	simm.s32 @!p1 $0x50;
	[sflag:s3] =	ssyncadd.s32 $0xFFFFD800  }
0x4e: {  	[spmem:s4] =	stream.indirect.scatter.add.f32 @!p1 [tilespmem:s19], [sflag:$0x4], $0x10, s10, s17, $0xb8;
	[tilespmem:$0x1D3D0] =	vst v63  }
0x4f: {  	_ =	swait.ge @!p1 [sflag:s16], $0x500  }
0x50: {  	[sflag:s16] =	ssyncset.done @!p1 $0x0  }
0x51: {  	s24 =	simm.s32 $0xA0;
	[sflag:s16] =	ssyncadd.s32 @!p1 $0xFFFFFB00  }
0x52: {  	[tilespmem:s30], [sflag:$0x1] =	stream.indirect.gather [hbm4b:s6+s29], $0x80, s24, s29, $0xb8;
	[tilespmem:$0x1D3D0] =	vst v63  }
0x53: {  	_ =	swait.ge [sflag:s5], $0x2800  }
0x54: {  	[sflag:s5] =	ssyncset.done $0x0  }
0x55: {  	s10 =	simm.s32 $0xFF0;
	[sflag:s5] =	ssyncadd.s32 $0xFFFFD800  }
0x56: {  	[spmem:s2] =	stream.indirect.scatter.add.f32 [tilespmem:s31], [sflag:$0x4], $0x80, s10, s29, $0xb8;
	[tilespmem:$0x1D3D0] =	vst v63  }
0x57: {  	_ =	swait.ge [sflag:s3], $0x2800  }
0x58: {  	s21 =	simm.s32 @!p2 $0x3;
	[sflag:s3] =	ssyncset.done $0x0  }
0x59: {  	s22 =	simm.s32 @!p2 $0x50;
	s24 =	simm.s32 @!p2 $0x6F40;
	[sflag:s3] =	ssyncadd.s32 $0xFFFFD800  }
0x5a: {  	[spmem:s4] =	stream.indirect.scatter.add.f32 @!p2 [tilespmem:s24], [sflag:$0x3], $0x10, s10, s22, $0xb8;
	[tilespmem:$0x1D3D0] =	vst v63  }
0x5b: {  	_ =	swait.ge @!p2 [sflag:s21], $0x500  }
0x5c: {  	s20 =	simm.s32 $0xA0;
	s10 =	simm.s32 $0x500;
	[sflag:s21] =	ssyncset.done @!p2 $0x0  }
.LBB2_3:
0x5d: {  	s12 =	sadd.s32 $0x50, s20  }
0x5e: {  	[sflag:s21] =	ssyncadd.s32 @!p2 $0xFFFFFB00;
	s13 =	smov.u32 s10;
	s10 =	sadd.s32 $0x280, s10  }
0x5f: {  	[tilespmem:s31], [sflag:$0x2] =	stream.indirect.gather [hbm4b:s6+s29], $0x80, s12, s29, $0xb8;
	[tilespmem:$0x1D3D0] =	vst v63  }
0x60: {  	p3 =	sne.s32 s10, $0x3C00;
	_ =	swait.ge [sflag:s0], $0x2800  }
0x61: {  	[sflag:s0] =	ssyncset.done $0x0  }
0x62: {  	s12 =	sadd.s32 $0xFA0, s20;
	[sflag:s0] =	ssyncadd.s32 $0xFFFFD800  }
0x63: {  	[spmem:s2] =	stream.indirect.scatter.add.f32 [tilespmem:s30], [sflag:$0x4], $0x80, s12, s29, $0xb8;
	[tilespmem:$0x1D3D0] =	vst v63  }
0x64: {  	_ =	swait.ge [sflag:s3], $0x2800  }
0x65: {  	[sflag:s3] =	ssyncset.done $0x0  }
0x66: {  	[sflag:s3] =	ssyncadd.s32 $0xFFFFD800  }
0x67: {  	[spmem:s4] =	stream.indirect.scatter.add.f32 @!p1 [tilespmem:s19], [sflag:$0x4], $0x10, s12, s17, $0xb8;
	[tilespmem:$0x1D3D0] =	vst v63  }
0x68: {  	_ =	swait.ge @!p1 [sflag:s16], $0x500  }
0x69: {  	[sflag:s16] =	ssyncset.done @!p1 $0x0  }
0x6a: {  	s12 =	sadd.s32 $0xA0, s20;
	[sflag:s16] =	ssyncadd.s32 @!p1 $0xFFFFFB00  }
0x6b: {  	[tilespmem:s30], [sflag:$0x1] =	stream.indirect.gather [hbm4b:s6+s29], $0x80, s12, s29, $0xb8;
	[tilespmem:$0x1D3D0] =	vst v63  }
0x6c: {  	_ =	swait.ge [sflag:s5], $0x2800  }
0x6d: {  	[sflag:s5] =	ssyncset.done $0x0  }
0x6e: {  	s12 =	sadd.s32 $0xFF0, s20;
	[sflag:s5] =	ssyncadd.s32 $0xFFFFD800  }
0x6f: {  	[spmem:s2] =	stream.indirect.scatter.add.f32 [tilespmem:s31], [sflag:$0x4], $0x80, s12, s29, $0xb8;
	[tilespmem:$0x1D3D0] =	vst v63  }
0x70: {  	_ =	swait.ge [sflag:s3], $0x2800  }
.Ltmp0:
0x71: {  	[sflag:s3] =	ssyncset.done $0x0;
	(pc) =	sbr.rel @p3 .LBB2_3-.Ltmp0, $4  }
0x72: {  	[sflag:s3] =	ssyncadd.s32 $0xFFFFD800  }
0x73: {  	[spmem:s4] =	stream.indirect.scatter.add.f32 @!p2 [tilespmem:s24], [sflag:$0x3], $0x10, s12, s22, $0xb8;
	[tilespmem:$0x1D3D0] =	vst v63  }
0x74: {  	_ =	swait.ge @!p2 [sflag:s21], $0x500  }
0x75: {  	s20 =	sshra.s32 s13, $0x2;
	[sflag:s21] =	ssyncset.done @!p2 $0x0  }
0x76: {  	s10 =	sadd.s32 $0x50, s20;
	[sflag:s21] =	ssyncadd.s32 @!p2 $0xFFFFFB00  }
0x77: {  	[tilespmem:s31], [sflag:$0x2] =	stream.indirect.gather [hbm4b:s6+s29], $0x80, s10, s29, $0xb8;
	[tilespmem:$0x1D3D0] =	vst v63  }
0x78: {  	_ =	swait.ge [sflag:s0], $0x2800  }
0x79: {  	[sflag:s0] =	ssyncset.done $0x0  }
0x7a: {  	s10 =	sadd.s32 $0xFA0, s20;
	[sflag:s0] =	ssyncadd.s32 $0xFFFFD800  }
0x7b: {  	[spmem:s2] =	stream.indirect.scatter.add.f32 [tilespmem:s30], [sflag:$0x4], $0x80, s10, s29, $0xb8;
	[tilespmem:$0x1D3D0] =	vst v63  }
0x7c: {  	_ =	swait.ge [sflag:s3], $0x2800  }
0x7d: {  	s16 =	simm.s32 @!p1 $0x4;
	[sflag:s3] =	ssyncset.done $0x0  }
0x7e: {  	s12 =	simm.s32 @!p1 $0x50;
	s13 =	simm.s32 @!p1 $0x6F40;
	[sflag:s3] =	ssyncadd.s32 $0xFFFFD800  }
0x7f: {  	[spmem:s4] =	stream.indirect.scatter.add.f32 @!p1 [tilespmem:s13], [sflag:$0x4], $0x10, s10, s12, $0xb8;
	[tilespmem:$0x1D3D0] =	vst v63  }
0x80: {  	_ =	swait.ge @!p1 [sflag:s16], $0x500  }
0x81: {  	[sflag:s16] =	ssyncset.done @!p1 $0x0  }
0x82: {  	s24 =	sadd.s32 $0xA0, s20;
	[sflag:s16] =	ssyncadd.s32 @!p1 $0xFFFFFB00  }
0x83: {  	[tilespmem:s30], [sflag:$0x1] =	stream.indirect.gather [hbm4b:s6+s29], $0x80, s24, s29, $0xb8;
	[tilespmem:$0x1D3D0] =	vst v63  }
0x84: {  	_ =	swait.ge [sflag:s5], $0x2800  }
0x85: {  	[sflag:s5] =	ssyncset.done $0x0  }
0x86: {  	s10 =	sadd.s32 $0xFF0, s20;
	[sflag:s5] =	ssyncadd.s32 $0xFFFFD800  }
0x87: {  	[spmem:s2] =	stream.indirect.scatter.add.f32 [tilespmem:s31], [sflag:$0x4], $0x80, s10, s29, $0xb8;
	[tilespmem:$0x1D3D0] =	vst v63  }
0x88: {  	_ =	swait.ge [sflag:s3], $0x2800  }
0x89: {  	s17 =	simm.s32 @!p2 $0x3;
	[sflag:s3] =	ssyncset.done $0x0  }
0x8a: {  	s19 =	simm.s32 @!p2 $0x50;
	s20 =	simm.s32 @!p2 $0x6F40;
	[sflag:s3] =	ssyncadd.s32 $0xFFFFD800  }
0x8b: {  	[spmem:s4] =	stream.indirect.scatter.add.f32 @!p2 [tilespmem:s20], [sflag:$0x3], $0x10, s10, s19, $0xb8;
	[tilespmem:$0x1D3D0] =	vst v63  }
0x8c: {  	_ =	swait.ge @!p2 [sflag:s17], $0x500  }
0x8d: {  	[sflag:s17] =	ssyncset.done @!p2 $0x0  }
0x8e: {  	[sflag:s17] =	ssyncadd.s32 @!p2 $0xFFFFFB00  }
0x8f: {  	[tilespmem:s31], [sflag:$0x2] =	stream.indirect.gather [hbm4b:s6+s29], $0x80, s26, s29, $0xb8;
	[tilespmem:$0x1D3D0] =	vst v63  }
0x90: {  	_ =	swait.ge [sflag:s0], $0x2800  }
0x91: {  	[sflag:s0] =	ssyncset.done $0x0  }
0x92: {  	[sflag:s0] =	ssyncadd.s32 $0xFFFFD800  }
0x93: {  	[spmem:s2] =	stream.indirect.scatter.add.f32 [tilespmem:s30], [sflag:$0x4], $0x80, s8, s29, $0xb8;
	[tilespmem:$0x1D3D0] =	vst v63  }
0x94: {  	_ =	swait.ge [sflag:s3], $0x2800  }
0x95: {  	[sflag:s3] =	ssyncset.done $0x0  }
0x96: {  	s10 =	simm.s32 @p1 $0x2;
	[sflag:s3] =	ssyncadd.s32 $0xFFFFD800  }
0x97: {  	_ =	swait.ge @p1 [sflag:s10], $0x2800  }
0x98: {  	s19 =	simm.s32 @p1 $0x4740;
	[sflag:s10] =	ssyncset.done @p1 $0x0  }
0x99: {  	s17 =	simm.s32 @p1 $0x1EF0;
	[sflag:s10] =	ssyncadd.s32 @p1 $0xFFFFD800;
	s10 =	simm.s32 @p1 $0x50  }
0x9a: {  	[spmem:s2] =	stream.indirect.scatter.add.f32 @p1 [tilespmem:s19], [sflag:$0x4], $0x80, s17, s10, $0xb8;
	[tilespmem:$0x1D3D0] =	vst v63  }
0x9b: {  	s19 =	simm.s32 @p1 $0x4  }
0x9c: {  	_ =	swait.ge @p1 [sflag:s19], $0x2800  }
0x9d: {  	[sflag:s19] =	ssyncset.done @p1 $0x0  }
0x9e: {  	[sflag:s19] =	ssyncadd.s32 @p1 $0xFFFFD800;
	s19 =	simm.s32 @p1 $0x6F40  }
0x9f: {  	[spmem:s4] =	stream.indirect.scatter.add.f32 @p1 [tilespmem:s19], [sflag:$0x3], $0x10, s17, s10, $0xb8;
	[tilespmem:$0x1D3D0] =	vst v63  }
0xa0: {  	s10 =	simm.s32 @p1 $0x3  }
0xa1: {  	_ =	swait.ge @p1 [sflag:s10], $0x500  }
0xa2: {  	[sflag:s10] =	ssyncset.done @p1 $0x0  }
0xa3: {  	[sflag:s10] =	ssyncadd.s32 @p1 $0xFFFFFB00;
	s10 =	simm.s32 @!p1 $0x1EA0  }
0xa4: {  	[spmem:s4] =	stream.indirect.scatter.add.f32 @!p1 [tilespmem:s13], [sflag:$0x4], $0x10, s10, s12, $0xb8;
	[tilespmem:$0x1D3D0] =	vst v63  }
0xa5: {  	_ =	swait.ge @!p1 [sflag:s16], $0x500  }
0xa6: {  	[sflag:s16] =	ssyncset.done @!p1 $0x0  }
0xa7: {  	s10 =	simm.s32 @!p1 $0x2;
	[sflag:s16] =	ssyncadd.s32 @!p1 $0xFFFFFB00  }
0xa8: {  	s15 =	sadd.s32 $0x1, s15;
	_ =	swait.ge @!p1 [sflag:s10], $0x2800  }
0xa9: {  	p3 =	sne.s32 s15, $0x5;
	s13 =	simm.s32 @!p1 $0x4740;
	[sflag:s10] =	ssyncset.done @!p1 $0x0  }
.Ltmp1:
0xaa: {  	[sflag:s10] =	ssyncadd.s32 @!p1 $0xFFFFD800;
	s10 =	simm.s32 @!p1 $0x1EF0;
	(pc) =	sbr.rel @p3 .LBB2_2-.Ltmp1, $4  }
0xab: {  	[spmem:s2] =	stream.indirect.scatter.add.f32 @!p1 [tilespmem:s13], [sflag:$0x4], $0x80, s10, s12, $0xb8;
	[tilespmem:$0x1D3D0] =	vst v63  }
0xac: {  	_ =	swait.ge @!p1 [sflag:s16], $0x2800  }
0xad: {  	[sflag:s16] =	ssyncset.done @!p1 $0x0  }
0xae: {  	[sflag:s16] =	ssyncadd.s32 @!p1 $0xFFFFD800  }
0xaf: {  	[bflag:$0x0] =	sbarrier.arrive $0xFFFF  }
0xb0: {  	s10 =	rddreg [dreg:$0xc]  }
0xb1: {  	s12 =	rddreg [dreg:$0x13]  }
0xb2: {  	[hbm:s10], [sflag:s11] =	dma.local [spmem:s12], $0x2700  }
0xb3: {  	_ =	swait.ge [sflag:s25], $0x2700  }
0xb4: {  	[sflag:s25] =	ssyncset.done $0x0;
	s21 =	rddreg [dreg:$0xe]  }
0xb5: {  	s22 =	rddreg [dreg:$0x14];
	[sflag:s25] =	ssyncadd.s32 $0xFFFFD900  }
0xb6: {  	[hbm:s21], [sflag:s11] =	dma.local [spmem:s22], $0x4E0  }
0xb7: {  	_ =	swait.ge [sflag:s25], $0x4E0  }
0xb8: {  	[sflag:s25] =	ssyncset.done $0x0;
	s10 =	rddreg [dreg:$0xd]  }
0xb9: {  	s12 =	rddreg [dreg:$0x15];
	[sflag:s25] =	ssyncadd.s32 $0xFFFFFB20  }
0xba: {  	[hbm:s10], [sflag:s11] =	dma.local @!p0 [spmem:s12], $0x100  }
0xbb: {  	s10 =	simm.s32 @!p0 $0x3  }
0xbc: {  	_ =	swait.ge @!p0 [sflag:s10], $0x100  }
0xbd: {  	[sflag:s10] =	ssyncset.done @!p0 $0x0  }
0xbe: {  	s12 =	rddreg [dreg:$0xf];
	[sflag:s10] =	ssyncadd.s32 @!p0 $0xFFFFFF00  }
0xbf: {  	[hbm:s12], [sflag:s11] =	dma.local @!p0 [spmem:s14], $0x20  }
0xc0: {  	_ =	swait.ge @!p0 [sflag:s10], $0x20  }
0xc1: {  	s9 =	sadd.s32 $0x1, s9;
	s24 =	rddreg [dreg:$0x12]  }
0xc2: {  	p3 =	sne.s32 s9, s24  }
.Ltmp2:
0xc3: {  	_ = 	snop;
	(pc) =	sbr.rel @p3 .LBB2_1-.Ltmp2, $3  }
0xc4: {  	_ =	sdelay $0x1  }
0xc5: {  	[sflag:s10] =	ssyncset.done @!p0 $0x0  }
0xc6: {  	[sflag:s10] =	ssyncadd.s32 @!p0 $0xFFFFFFE0  }
0xc7: {  	_ =	sfence.sel $0x180000  }
0xc8: {  	[bflag:$0x0] =	sbarrier.arrive $0xFFFF  }
0xc9: {  	_ =	strace $0x9000004A  }
0xca: {  	s0 =	stileid.u32;
	[bflag:$0x2] =	sbarrier.arrive $0xFFFF  }
0xcb: {  	p0 =	sne.s32 s0, $0x0;
	s0 =	rddreg [dreg:$0x4]  }
0xcc: {  	s0 =	sadd.s32 @!p0 $0x100000, s0  }
0xcd: {  	[sflag:s0] =	ssyncadd.tile.s32 @!p0 $0x1;
	_ =	shalt  }
.Lfunc_end2:
_tile_overlayer_lowered:
.L_overlay_start_2:
0xce: {  	(tag) =	ssettag $0x2  }
0xcf: {  	s0 =	rddreg [dreg:$0x0];
	s2 =	stileid.u32  }
0xd0: {  	s1 =	rddreg [dreg:$0x1];
	p0 =	sne.s32 s2, $0x0  }
0xd1: {  	s3 =	rddreg [dreg:$0x2];
	[bflag:$0x3] =	sbarrier.arrive $0xFFFF;
	s2 =	simm.s32 @!p0 $0x1C03  }
0xd2: {  	[timem:s3], [sflag:s2] =	dma.local @!p0 [hbm:s0], s1  }
0xd3: {  	s0 =	simm.s32 @!p0 $0x3  }
0xd4: {  	_ =	swait.ge @!p0 [sflag:s0], s1  }
0xd5: {  	s1 =	ssub.s32 @!p0 $0x0, s1;
	[sflag:s0] =	ssyncset.done @!p0 $0x0  }
0xd6: {  	[sflag:s0] =	ssyncadd.s32 @!p0 s1  }
0xd7: {  	[bflag:$0x3] =	sbarrier.arrive $0xFFFF  }
0xd8: {  	_ =	shalt  }

// kernel: kernel.19.cloned.1.call-start
scs
__scs_entry_jumppad:
0x0: {  	(pc) =	sbr.rel $0x88, $3  }
0x1: {  	(tag) =	ssettag $0x0;
	lr =	simm.s32 $0x1  }
0x2: {  	[smem:$0x3F86] =	sst lr;
	_ =	strace $0xD0000000  }
0x3: {  	_ = 	snop  }
0x4: {  	_ = 	snop  }
0x5: {  	_ = 	snop  }
0x6: {  	_ = 	snop  }
0x7: {  	_ = 	snop  }
__scs_overlays_trampoline_lowered:
0x8: {  	[smem:$0x3F95] =	sst s0  }
0x9: {  	[smem:$0x3F96] =	sst s1  }
0xa: {  	[smem:$0x3F97] =	sst s2  }
0xb: {  	[smem:$0x3F98] =	sst s3  }
0xc: {  	[smem:$0x3F99] =	sst s4  }
0xd: {  	[smem:$0x3F9A] =	sst s5  }
0xe: {  	[smem:$0x3F9B] =	sst s6  }
0xf: {  	[smem:$0x3F9C] =	sst s7  }
0x10: {  	[smem:$0x3F9D] =	sst s8  }
0x11: {  	[smem:$0x3F9E] =	sst s9;
	s0 =	simm.s32 @!p0 $0x0  }
0x12: {  	s1 =	sld [smem:$0x3F84];
	s0 =	simm.s32 @p0 $0x1  }
0x13: {  	[smem:$0x3F9F] =	sst s0;
	s0 =	simm.s32 @!p1 $0x0  }
0x14: {  	s2 =	sld [smem:$0x3F83];
	s0 =	simm.s32 @p1 $0x1  }
0x15: {  	[smem:$0x3FA0] =	sst s0;
	s0 =	simm.s32 @!p2 $0x0  }
0x16: {  	s3 =	sld [smem:$0x3FDB];
	s0 =	simm.s32 @p2 $0x1  }
0x17: {  	s4 =	simm.s32 $0x1BF5;
	[smem:$0x3FA2] =	sst s0  }
0x18: {  	s0 =	sld [smem:$0x3F85];
	_ =	swait.ge [sflag:s4], $0x0  }
0x19: {  	s7 =	sld [smem:$0x3F86]  }
0x1a: {  	s8 =	sadd.s32 $0xFFFFE003, lr  }
0x1b: {  	s9 =	sadd.s32 $0xFFFFFEF7, lr;
	s5 =	simm.s32 $0xFFFFFFFF;
	p2 =	slt.u32 s8, $0xFFFFF086  }
0x1c: {  	p1 =	slt.u32 s9, $0xF7A;
	s5 =	simm.s32 @!p2 $0x0  }
0x1d: {  	s5 =	simm.s32 @p1 $0x1;
	p0 =	seq.s32 s7, s2  }
0x1e: {  	s7 =	smul.u32 @!p0 $0xF7A, s2;
	p2 =	seq.s32 @!p0 s5, $0x0  }
0x1f: {  	s9 =	smul.u32 $0xF7A, s1;
	s8 =	simm.s32 @!p0 $0x1BF5;
	p2 =	por !p2, p0  }
0x20: {  	[sflag:s8] =	ssyncset.s32 @!p0 $0xFFFFF086;
	s6 =	sadd.s32 @!p0 s3, s7;
	s7 =	simm.s32 @!p0 $0x108  }
0x21: {  	s3 =	sadd.s32 s3, s9;
	s6 =	sadd.s32 @!p0 $0x88, s6;
	s7 =	simm.s32 @p2 $0x1082  }
0x22: {  	[simem:s7], [sflag:s8] =	dma.local @!p0 [hbm:s6], $0xF7A  }
0x23: {  	s9 =	sor.u32 $0xD0000000, s2;
	s6 =	simm.s32 $0x108;
	_ =	swait.ge @!p0 [sflag:s8], $0x0  }
0x24: {  	s3 =	sadd.s32 $0x88, s3;
	s6 =	simm.s32 @!p1 $0x1082;
	[sflag:s4] =	ssyncset.s32 $0xFFFFF086  }
0x25: {  	[simem:s6], [sflag:s4] =	dma.local [hbm:s3], $0xF7A  }
0x26: {  	[smem:$0x3F86] =	sst s1;
	(tag) =	ssettag s2;
	_ =	strace s9  }
0x27: {  	s1 =	sld [smem:$0x3F96]  }
0x28: {  	s2 =	sld [smem:$0x3F97]  }
0x29: {  	s4 =	sld [smem:$0x3F99]  }
0x2a: {  	p0 =	seq.s32 s5, $0x0;
	s5 =	sld [smem:$0x3F9A]  }
0x2b: {  	s6 =	sld [smem:$0x3F9B]  }
0x2c: {  	s7 =	sld [smem:$0x3F9C]  }
0x2d: {  	s3 =	simm.s32 $0x108;
	s8 =	sld [smem:$0x3F9D]  }
0x2e: {  	s3 =	simm.s32 @!p0 $0x1082;
	s9 =	sld [smem:$0x3F9E]  }
0x2f: {  	lr =	sadd.s32 s0, s3;
	s0 =	sld [smem:$0x3F95]  }
0x30: {  	s3 =	sld [smem:$0x3F98]  }
0x31: {  	[smem:$0x3FA1] =	sst s10  }
0x32: {  	s10 =	sld [smem:$0x3F9F];
	_ =	sdelay $0x3  }
0x33: {  	p0 =	seq.s32 s10, $0x1;
	s10 =	sld [smem:$0x3FA1];
	_ =	sdelay $0x3  }
0x34: {  	[smem:$0x3FA1] =	sst s10  }
0x35: {  	s10 =	sld [smem:$0x3FA0];
	_ =	sdelay $0x3  }
0x36: {  	p1 =	seq.s32 s10, $0x1;
	s10 =	sld [smem:$0x3FA1];
	_ =	sdelay $0x3  }
0x37: {  	[smem:$0x3FA1] =	sst s10  }
0x38: {  	s10 =	sld [smem:$0x3FA2]  }
0x39: {  	_ = 	snop;
	(pc) =	sbr.ind lr, $3  }
0x3a: {  	_ = 	snop  }
0x3b: {  	_ = 	snop  }
0x3c: {  	p2 =	seq.s32 s10, $0x1;
	s10 =	sld [smem:$0x3FA1]  }
0x3d: {  	_ =	shalt  }
0x3e: {  	_ =	shalt  }
0x3f: {  	_ =	shalt  }
0x40: {  	_ =	shalt  }
0x41: {  	_ =	shalt  }
0x42: {  	_ =	shalt  }
0x43: {  	_ =	shalt  }
0x44: {  	_ =	shalt  }
0x45: {  	_ =	shalt  }
0x46: {  	_ =	shalt  }
0x47: {  	_ =	shalt  }
0x48: {  	_ =	shalt  }
0x49: {  	_ =	shalt  }
0x4a: {  	_ =	shalt  }
0x4b: {  	_ =	shalt  }
0x4c: {  	_ =	shalt  }
0x4d: {  	_ =	shalt  }
0x4e: {  	_ =	shalt  }
0x4f: {  	_ =	shalt  }
0x50: {  	_ =	shalt  }
0x51: {  	_ =	shalt  }
0x52: {  	_ =	shalt  }
0x53: {  	_ =	shalt  }
0x54: {  	_ =	shalt  }
0x55: {  	_ =	shalt  }
0x56: {  	_ =	shalt  }
0x57: {  	_ =	shalt  }
0x58: {  	_ =	shalt  }
0x59: {  	_ =	shalt  }
0x5a: {  	_ =	shalt  }
0x5b: {  	_ =	shalt  }
0x5c: {  	_ =	shalt  }
0x5d: {  	_ =	shalt  }
0x5e: {  	_ =	shalt  }
0x5f: {  	_ =	shalt  }
0x60: {  	_ =	shalt  }
0x61: {  	_ =	shalt  }
0x62: {  	_ =	shalt  }
0x63: {  	_ =	shalt  }
0x64: {  	_ =	shalt  }
0x65: {  	_ =	shalt  }
0x66: {  	_ =	shalt  }
0x67: {  	_ =	shalt  }
0x68: {  	_ =	shalt  }
0x69: {  	_ =	shalt  }
0x6a: {  	_ =	shalt  }
0x6b: {  	_ =	shalt  }
0x6c: {  	_ =	shalt  }
0x6d: {  	_ =	shalt  }
0x6e: {  	_ =	shalt  }
0x6f: {  	_ =	shalt  }
0x70: {  	_ =	shalt  }
0x71: {  	_ =	shalt  }
0x72: {  	_ =	shalt  }
0x73: {  	_ =	shalt  }
0x74: {  	_ =	shalt  }
0x75: {  	_ =	shalt  }
0x76: {  	_ =	shalt  }
0x77: {  	_ =	shalt  }
0x78: {  	_ =	shalt  }
0x79: {  	_ =	shalt  }
0x7a: {  	_ =	shalt  }
0x7b: {  	_ =	shalt  }
0x7c: {  	_ =	shalt  }
0x7d: {  	_ =	shalt  }
0x7e: {  	_ =	shalt  }
0x7f: {  	_ =	shalt  }
0x80: {  	_ =	shalt  }
0x81: {  	_ =	shalt  }
0x82: {  	_ =	shalt  }
0x83: {  	_ =	shalt  }
0x84: {  	_ =	shalt  }
0x85: {  	_ =	shalt  }
0x86: {  	_ =	shalt  }
0x87: {  	_ =	shalt  }
.Lfunc_end0:
.L_simem_size_0:
called_computation.1_lowered:
.L_overlay_start_0:
0x88: {  	s2 =	sld [smem:$0x3FD9]  }
0x89: {  	s3 =	sld [smem:$0x3FFE];
	_ =	sdelay $0x1  }
0x8a: {  	s1 =	srdreg.scid  }
0x8b: {  	s0 =	sand.u32 $0x1, s1  }
0x8c: {  	s16 =	sshll.u32 s0, $0xA;
	s2 =	sadd.s32 s3, s2  }
0x8d: {  	s2 =	sadd.s32 s2, s16  }
0x8e: {  	[smem:$0x3FAD] =	sst s2  }
0x8f: {  	_ = 	snop  }
0x90: {  	(tm) =	ssettm $0x1  }
0x91: {  	s17 =	sld [smem:$0x3FFB];
	_ =	sdelay $0x3  }
0x92: {  	_ =	strace s17  }
0x93: {  	s2 =	sld [smem:$0x3FFC];
	_ =	sdelay $0x3  }
0x94: {  	_ =	strace s2  }
0x95: {  	s2 =	sld [smem:$0x3FFD];
	_ =	sdelay $0x3  }
0x96: {  	_ =	strace s2  }
0x97: {  	_ =	strace $0x8FFFFFFF  }
0x98: {  	s18 =	sld [smem:$0x3FDB];
	_ =	sdelay $0x1  }
0x99: {  	s19 =	simm.s32 $_scs_section_size  }
0x9a: {  	s4 =	simm.s32 $_size__tile_overlayer_lowered;
	s5 =	simm.s32 $_tile_overlayer_lowered  }
0x9b: {  	s22 =	simm.s32 $0x1BFF;
	s21 =	sshll.u32 s5, $0x1;
	s2 =	sadd.s32 s19, s18  }
0x9c: {  	s6 =	simm.s32 $0x0;
	s20 =	sshll.u32 s4, $0x1;
	s4 =	sadd.s32 s21, s2  }
0x9d: {  	[timem:s6], [sflag:s22] =	dma.local [hbm:s4], s20  }
0x9e: {  	_ =	swait.ge [sflag:s22], s20  }
0x9f: {  	s3 =	ssub.s32 $0x0, s20;
	[sflag:s22] =	ssyncset.done $0x0  }
0xa0: {  	[sflag:s22] =	ssyncadd.s32 s3;
	_ =	sdelay $0x1  }
0xa1: {  	s23 =	simm.s32 $0x1B8B  }
0xa2: {  	_ =	swait.ge [sflag:s23], $0x1  }
0xa3: {  	[sflag:s23] =	ssyncset.done $0x0  }
0xa4: {  	s25 =	simm.s32 $0x1B8E;
	s24 =	sld [smem:$0x3FFE];
	[sflag:s23] =	ssyncadd.s32 $0xFFFFFFFF  }
0xa5: {  	s26 =	simm.s32 $execute0_lowered;
	[smem:$0x3FD2] =	sst s25  }
0xa6: {  	s4 =	sshll.u32 s26, $0x1;
	_ =	strace $0x80000046;
	[dreg:$0x1] =	wrdreg $0xFFFFFFFF  }
0xa7: {  	s28 =	simm.s32 $_size_execute0_lowered;
	s2 =	sadd.s32 s2, s4;
	[dreg:$0x0] =	wrdreg $0x0  }
0xa8: {  	s4 =	sshll.u32 s28, $0x1;
	[dreg:$0x2] =	wrdreg s2  }
0xa9: {  	[dreg:$0x3] =	wrdreg s4  }
0xaa: {  	[dreg:$0x4] =	wrdreg $0xC0  }
0xab: {  	_ =	task [dreg:s6], $0x5FFFF  }
0xac: {  	[dreg:$0x1] =	wrdreg $0xFFFFFFFF  }
0xad: {  	[dreg:$0x0] =	wrdreg $0x60  }
0xae: {  	[dreg:$0x2] =	wrdreg s24  }
0xaf: {  	[dreg:$0x3] =	wrdreg $0x74400  }
0xb0: {  	[dreg:$0x4] =	wrdreg $0x1ACC00  }
0xb1: {  	[dreg:$0x5] =	wrdreg $0xA  }
0xb2: {  	_ =	task.clear_ibuf [dreg:s6], $0x6FFFF;
	_ =	strace $0x90000046  }
0xb3: {  	s29 =	simm.s32 $0xA;
	_ =	strace $0x80000048  }
0xb4: {  	_ =	swait.ge [sflag:s29], $0x1  }
0xb5: {  	[sflag:s29] =	ssyncadd.s32 $0xFFFFFFFF  }
0xb6: {  	_ =	strace $0x90000048  }
0xb7: {  	_ =	sfence  }
0xb8: {  	s30 =	sld [smem:$0x0];
	_ =	sdelay $0x2  }
0xb9: {  	s31 =	sshll.u32 s1, $0xD;
	s1 =	sshrl.u32 s1, $0x2  }
0xba: {  	s3 =	sand.u32 $0x4000, s31;
	s1 =	sadd.s32 s1, s30  }
0xbb: {  	s0 =	sor.u32 s3, s0;
	s1 =	sshll.u32 s1, $0x11  }
0xbc: {  	s0 =	sor.u32 s1, s0  }
0xbd: {  	s0 =	sadd.s32 $0x8F2B, s0  }
0xbe: {  	[sflag:s0] =	ssyncadd.remote.s32 $0x1  }
0xbf: {  	_ =	sfence.sel $0xFFFF  }
0xc0: {  	[dreg:$0x0] =	wrdreg $0xFFFFFFFF;
	(pc) =	sbr.abs _section_cstart, $3  }
0xc1: {  	[dreg:$0x1] =	wrdreg $0xFFFFFFFF  }
0xc2: {  	_ =	task.clear_ibuf [dreg:s6], $0x2FFFF;
	_ =	strace $0x9FFFFFFF  }
0xc3: {  	(tm) =	ssettm $0x7FFFFFFF  }
tec
execute0_lowered:
.L_overlay_start_1:
0x0: {  	(tag) =	ssettag $0x1  }
0x1: {  	s0 =	rddreg [dreg:$0x0]  }
0x2: {  	s1 =	rddreg [dreg:$0x1]  }
0x3: {  	s3 =	rddreg [dreg:$0x2]  }
0x4: {  	s2 =	simm.s32 $0x0;
	s16 =	stileid.u32;
	s9 =	srdreg.scid  }
0x5: {  	s28 =	simm.s32 $0xFA0;
	s29 =	simm.s32 $0x50;
	s30 =	simm.s32 $0x1F40  }
0x6: {  	s31 =	simm.s32 $0x4740;
	[smem:$0x7FF] =	sst s2;
	s21 =	smul.u32 $0x13800, s16  }
0x7: {  	s5 =	sadd.s32 $0x37E00, s0;
	s6 =	sadd.s32 $0x24400, s0;
	s4 =	smul.u32 $0x2700, s16  }
0x8: {  	s7 =	sadd.s32 $0x6C00, s0;
	s9 =	sand.u32 $0x1, s9;
	s11 =	sadd.s32 $0xB2200, s0  }
0x9: {  	s12 =	sadd.s32 $0xBC200, s0;
	s13 =	sadd.s32 $0xB2400, s0;
	s15 =	smul.u32 $0x270, s16  }
0xa: {  	s24 =	sshll.u32 s16, $0x6;
	s19 =	sadd.s32 $0xAD000, s0;
	s18 =	smul.u32 $0x4E20, s16  }
0xb: {  	p0 =	sne.s32 s16, $0xF;
	_ =	strace $0x80000047;
	[dreg:$0x4] =	wrdreg s11  }
0xc: {  	s22 =	ssub.s32 $0x2, s9;
	s25 =	smul.u32 $0x2710, s9;
	s11 =	sor.u32 $0x1C03, s24  }
0xd: {  	[dreg:$0xa] =	wrdreg s19;
	p1 =	sne.s32 s9, $0x0;
	p2 =	seq.s32 s9, $0x0  }
0xe: {  	s8 =	sshrl.u32 s21, $0x3;
	s10 =	sshrl.u32 s4, $0x3;
	s2 =	sadd.s32 s21, s1  }
0xf: {  	s14 =	sshrl.u32 s22, $0x1;
	s26 =	sadd.s32 s4, s3;
	[dreg:$0x5] =	wrdreg s2  }
0x10: {  	s8 =	sadd.s32 s8, s0;
	s10 =	sadd.s32 s10, s0;
	[dreg:$0x7] =	wrdreg s26  }
0x11: {  	s15 =	sadd.s32 s15, s25;
	s17 =	sadd.s32 $0x2700, s25;
	s25 =	sadd.s32 $0x27000, s3  }
0x12: {  	s14 =	ssub.s32 s22, s14;
	s0 =	sadd.s32 $0xB2000, s0;
	[dreg:$0xf] =	wrdreg s25  }
0x13: {  	s22 =	smul.u32 $0x4E200, s9;
	s23 =	sadd.s32 $0x86000, s8;
	[dreg:$0x10] =	wrdreg s0  }
0x14: {  	s9 =	simm.s32 $0x0;
	s4 =	sadd.s32 $0xAD200, s10;
	[dreg:$0x6] =	wrdreg s23  }
0x15: {  	s10 =	sadd.s32 $0x138000, s1;
	s20 =	sshll.u32 s15, $0x4;
	[dreg:$0x8] =	wrdreg s4  }
0x16: {  	s21 =	sshll.u32 s17, $0x4;
	s26 =	smax.u32 s14, $0x1;
	[dreg:$0x9] =	wrdreg s10  }
0x17: {  	s2 =	sshll.u32 s15, $0x1;
	s8 =	sadd.s32 s12, s20;
	[dreg:$0x11] =	wrdreg s26  }
0x18: {  	s25 =	simm.s32 $0x3;
	s23 =	sadd.s32 s12, s21;
	[dreg:$0xb] =	wrdreg s8  }
0x19: {  	s0 =	simm.s32 $0x1;
	s2 =	sadd.s32 s13, s2;
	[dreg:$0xc] =	wrdreg s23  }
0x1a: {  	s4 =	sshll.u32 s17, $0x1;
	s26 =	simm.s32 $0xF50;
	[dreg:$0xd] =	wrdreg s2  }
0x1b: {  	s24 =	sadd.s32 s13, s4;
	s23 =	sadd.s32 s18, s22;
	s2 =	simm.s32 $0x4  }
0x1c: {  	s4 =	simm.s32 $0x2;
	s8 =	simm.s32 $0x1EA0;
	[dreg:$0xe] =	wrdreg s24  }
.LBB2_1:
0x1d: {  	s10 =	rddreg [dreg:$0x5]  }
0x1e: {  	s17 =	rddreg [dreg:$0x6];
	s12 =	sshrl.u32 s10, $0x3  }
0x1f: {  	[dreg:$0x12] =	wrdreg s12  }
0x20: {  	[spmem:s12], [sflag:s11] =	dma.local [hbm:s17], $0x2700  }
0x21: {  	_ =	swait.ge [sflag:s25], $0x2700  }
0x22: {  	s19 =	rddreg [dreg:$0x7]  }
0x23: {  	[sflag:s25] =	ssyncset.done $0x0;
	s21 =	rddreg [dreg:$0x8];
	s20 =	sshrl.u32 s19, $0x3  }
0x24: {  	[sflag:s25] =	ssyncadd.s32 $0xFFFFD900;
	[dreg:$0x13] =	wrdreg s20  }
0x25: {  	[spmem:s20], [sflag:s11] =	dma.local [hbm:s21], $0x4E0  }
0x26: {  	_ =	swait.ge [sflag:s25], $0x4E0  }
0x27: {  	s22 =	simm.s32 $0x0;
	[sflag:s25] =	ssyncset.done $0x0  }
0x28: {  	s13 =	simm.s32 $0x6F40;
	s24 =	rddreg [dreg:$0x4];
	[sflag:s25] =	ssyncadd.s32 $0xFFFFFB20  }
0x29: {  	[tilespmem:s13], [sflag:$0x3] =	stream.linear.gather [hbm4b:s24+s22], $0x500, $0x38;
	[tilespmem:$0x1D3D0] =	vst v63  }
0x2a: {  	_ =	swait.ge [sflag:s25], $0x500  }
0x2b: {  	s10 =	rddreg [dreg:$0x9]  }
0x2c: {  	[sflag:s25] =	ssyncset.done $0x0;
	s12 =	sshrl.u32 @!p0 s10, $0x3;
	s10 =	rddreg [dreg:$0xa]  }
0x2d: {  	[sflag:s25] =	ssyncadd.s32 $0xFFFFFB00;
	[dreg:$0x14] =	wrdreg s12  }
0x2e: {  	[spmem:s12], [sflag:s11] =	dma.local @!p0 [hbm:s10], $0x100  }
0x2f: {  	s10 =	simm.s32 @!p0 $0x3  }
0x30: {  	_ =	swait.ge @!p0 [sflag:s10], $0x100  }
0x31: {  	[sflag:s10] =	ssyncset.done @!p0 $0x0;
	s12 =	rddreg [dreg:$0xf]  }
0x32: {  	[sflag:s10] =	ssyncadd.s32 @!p0 $0xFFFFFF00;
	s14 =	sshrl.u32 @!p0 s12, $0x3;
	s12 =	rddreg [dreg:$0x10]  }
0x33: {  	[spmem:s14], [sflag:s11] =	dma.local @!p0 [hbm:s12], $0x20  }
0x34: {  	_ =	swait.ge @!p0 [sflag:s10], $0x20  }
0x35: {  	[sflag:s10] =	ssyncset.done @!p0 $0x0  }
0x36: {  	[sflag:s10] =	ssyncadd.s32 @!p0 $0xFFFFFFE0  }
0x37: {  	s15 =	simm.s32 $0x0;
	[bflag:$0x0] =	sbarrier.arrive $0xFFFF  }
.LBB2_2:
0x38: {  	s10 =	smul.u32 $0xFA0, s15;
	_ =	sdelay $0x1  }
0x39: {  	s16 =	sadd.s32 s10, s23  }
0x3a: {  	s16 =	sshrl.u32 s16, $0x3  }
0x3b: {  	s17 =	simm.s32 $0x0;
	s16 =	sadd.s32 s6, s16  }
0x3c: {  	[tilespmem:s17], [sflag:$0x3] =	stream.linear.gather [hbm4b:s16+s17], $0xFA0, $0x38;
	[tilespmem:$0x1D3D0] =	vst v63  }
0x3d: {  	s10 =	sadd.s32 s18, s10;
	_ =	swait.ge [sflag:s25], $0xFA0  }
0x3e: {  	s10 =	sshrl.u32 s10, $0x3;
	[sflag:s25] =	ssyncset.done $0x0  }
0x3f: {  	s10 =	sadd.s32 s7, s10;
	[sflag:s25] =	ssyncadd.s32 $0xFFFFF060  }
0x40: {  	[tilespmem:s28], [sflag:$0x3] =	stream.linear.gather [hbm4b:s10+s17], $0xFA0, $0x38;
	[tilespmem:$0x1D3D0] =	vst v63  }
0x41: {  	_ =	swait.ge [sflag:s25], $0xFA0  }
0x42: {  	[sflag:s25] =	ssyncset.done $0x0  }
0x43: {  	[sflag:s25] =	ssyncadd.s32 $0xFFFFF060  }
0x44: {  	[tilespmem:s30], [sflag:$0x1] =	stream.indirect.gather [hbm4b:s5+s29], $0x80, s17, s29, $0xb8;
	[tilespmem:$0x1D3D0] =	vst v63  }
0x45: {  	s22 =	simm.s32 $0x50  }
0x46: {  	[tilespmem:s31], [sflag:$0x2] =	stream.indirect.gather [hbm4b:s5+s29], $0x80, s22, s29, $0xb8;
	[tilespmem:$0x1D3D0] =	vst v63  }
0x47: {  	_ =	swait.ge [sflag:s0], $0x2800  }
0x48: {  	[sflag:s0] =	ssyncset.done $0x0  }
0x49: {  	s10 =	simm.s32 $0xFA0;
	[sflag:s0] =	ssyncadd.s32 $0xFFFFD800  }
0x4a: {  	[spmem:s1] =	stream.indirect.scatter.add.f32 [tilespmem:s30], [sflag:$0x4], $0x80, s10, s29, $0xb8;
	[tilespmem:$0x1D3D0] =	vst v63  }
0x4b: {  	_ =	swait.ge [sflag:s2], $0x2800  }
0x4c: {  	s19 =	simm.s32 @!p1 $0x6F40;
	[sflag:s2] =	ssyncset.done $0x0  }
0x4d: {  	s16 =	simm.s32 @!p1 $0x4;
	s17 =	simm.s32 @!p1 $0x50;
	[sflag:s2] =	ssyncadd.s32 $0xFFFFD800  }
0x4e: {  	[spmem:s3] =	stream.indirect.scatter.add.f32 @!p1 [tilespmem:s19], [sflag:$0x4], $0x10, s10, s17, $0xb8;
	[tilespmem:$0x1D3D0] =	vst v63  }
0x4f: {  	_ =	swait.ge @!p1 [sflag:s16], $0x500  }
0x50: {  	[sflag:s16] =	ssyncset.done @!p1 $0x0  }
0x51: {  	s24 =	simm.s32 $0xA0;
	[sflag:s16] =	ssyncadd.s32 @!p1 $0xFFFFFB00  }
0x52: {  	[tilespmem:s30], [sflag:$0x1] =	stream.indirect.gather [hbm4b:s5+s29], $0x80, s24, s29, $0xb8;
	[tilespmem:$0x1D3D0] =	vst v63  }
0x53: {  	_ =	swait.ge [sflag:s4], $0x2800  }
0x54: {  	[sflag:s4] =	ssyncset.done $0x0  }
0x55: {  	s10 =	simm.s32 $0xFF0;
	[sflag:s4] =	ssyncadd.s32 $0xFFFFD800  }
0x56: {  	[spmem:s1] =	stream.indirect.scatter.add.f32 [tilespmem:s31], [sflag:$0x4], $0x80, s10, s29, $0xb8;
	[tilespmem:$0x1D3D0] =	vst v63  }
0x57: {  	_ =	swait.ge [sflag:s2], $0x2800  }
0x58: {  	s21 =	simm.s32 @!p2 $0x3;
	[sflag:s2] =	ssyncset.done $0x0  }
0x59: {  	s22 =	simm.s32 @!p2 $0x50;
	s24 =	simm.s32 @!p2 $0x6F40;
	[sflag:s2] =	ssyncadd.s32 $0xFFFFD800  }
0x5a: {  	[spmem:s3] =	stream.indirect.scatter.add.f32 @!p2 [tilespmem:s24], [sflag:$0x3], $0x10, s10, s22, $0xb8;
	[tilespmem:$0x1D3D0] =	vst v63  }
0x5b: {  	_ =	swait.ge @!p2 [sflag:s21], $0x500  }
0x5c: {  	s20 =	simm.s32 $0xA0;
	s10 =	simm.s32 $0x500;
	[sflag:s21] =	ssyncset.done @!p2 $0x0  }
.LBB2_3:
0x5d: {  	s12 =	sadd.s32 $0x50, s20  }
0x5e: {  	[sflag:s21] =	ssyncadd.s32 @!p2 $0xFFFFFB00;
	s13 =	smov.u32 s10;
	s10 =	sadd.s32 $0x280, s10  }
0x5f: {  	[tilespmem:s31], [sflag:$0x2] =	stream.indirect.gather [hbm4b:s5+s29], $0x80, s12, s29, $0xb8;
	[tilespmem:$0x1D3D0] =	vst v63  }
0x60: {  	p3 =	sne.s32 s10, $0x3C00;
	_ =	swait.ge [sflag:s0], $0x2800  }
0x61: {  	[sflag:s0] =	ssyncset.done $0x0  }
0x62: {  	s12 =	sadd.s32 $0xFA0, s20;
	[sflag:s0] =	ssyncadd.s32 $0xFFFFD800  }
0x63: {  	[spmem:s1] =	stream.indirect.scatter.add.f32 [tilespmem:s30], [sflag:$0x4], $0x80, s12, s29, $0xb8;
	[tilespmem:$0x1D3D0] =	vst v63  }
0x64: {  	_ =	swait.ge [sflag:s2], $0x2800  }
0x65: {  	[sflag:s2] =	ssyncset.done $0x0  }
0x66: {  	[sflag:s2] =	ssyncadd.s32 $0xFFFFD800  }
0x67: {  	[spmem:s3] =	stream.indirect.scatter.add.f32 @!p1 [tilespmem:s19], [sflag:$0x4], $0x10, s12, s17, $0xb8;
	[tilespmem:$0x1D3D0] =	vst v63  }
0x68: {  	_ =	swait.ge @!p1 [sflag:s16], $0x500  }
0x69: {  	[sflag:s16] =	ssyncset.done @!p1 $0x0  }
0x6a: {  	s12 =	sadd.s32 $0xA0, s20;
	[sflag:s16] =	ssyncadd.s32 @!p1 $0xFFFFFB00  }
0x6b: {  	[tilespmem:s30], [sflag:$0x1] =	stream.indirect.gather [hbm4b:s5+s29], $0x80, s12, s29, $0xb8;
	[tilespmem:$0x1D3D0] =	vst v63  }
0x6c: {  	_ =	swait.ge [sflag:s4], $0x2800  }
0x6d: {  	[sflag:s4] =	ssyncset.done $0x0  }
0x6e: {  	s12 =	sadd.s32 $0xFF0, s20;
	[sflag:s4] =	ssyncadd.s32 $0xFFFFD800  }
0x6f: {  	[spmem:s1] =	stream.indirect.scatter.add.f32 [tilespmem:s31], [sflag:$0x4], $0x80, s12, s29, $0xb8;
	[tilespmem:$0x1D3D0] =	vst v63  }
0x70: {  	_ =	swait.ge [sflag:s2], $0x2800  }
.Ltmp0:
0x71: {  	[sflag:s2] =	ssyncset.done $0x0;
	(pc) =	sbr.rel @p3 .LBB2_3-.Ltmp0, $4  }
0x72: {  	[sflag:s2] =	ssyncadd.s32 $0xFFFFD800  }
0x73: {  	[spmem:s3] =	stream.indirect.scatter.add.f32 @!p2 [tilespmem:s24], [sflag:$0x3], $0x10, s12, s22, $0xb8;
	[tilespmem:$0x1D3D0] =	vst v63  }
0x74: {  	_ =	swait.ge @!p2 [sflag:s21], $0x500  }
0x75: {  	s20 =	sshra.s32 s13, $0x2;
	[sflag:s21] =	ssyncset.done @!p2 $0x0  }
0x76: {  	s10 =	sadd.s32 $0x50, s20;
	[sflag:s21] =	ssyncadd.s32 @!p2 $0xFFFFFB00  }
0x77: {  	[tilespmem:s31], [sflag:$0x2] =	stream.indirect.gather [hbm4b:s5+s29], $0x80, s10, s29, $0xb8;
	[tilespmem:$0x1D3D0] =	vst v63  }
0x78: {  	_ =	swait.ge [sflag:s0], $0x2800  }
0x79: {  	[sflag:s0] =	ssyncset.done $0x0  }
0x7a: {  	s10 =	sadd.s32 $0xFA0, s20;
	[sflag:s0] =	ssyncadd.s32 $0xFFFFD800  }
0x7b: {  	[spmem:s1] =	stream.indirect.scatter.add.f32 [tilespmem:s30], [sflag:$0x4], $0x80, s10, s29, $0xb8;
	[tilespmem:$0x1D3D0] =	vst v63  }
0x7c: {  	_ =	swait.ge [sflag:s2], $0x2800  }
0x7d: {  	s16 =	simm.s32 @!p1 $0x4;
	[sflag:s2] =	ssyncset.done $0x0  }
0x7e: {  	s12 =	simm.s32 @!p1 $0x50;
	s13 =	simm.s32 @!p1 $0x6F40;
	[sflag:s2] =	ssyncadd.s32 $0xFFFFD800  }
0x7f: {  	[spmem:s3] =	stream.indirect.scatter.add.f32 @!p1 [tilespmem:s13], [sflag:$0x4], $0x10, s10, s12, $0xb8;
	[tilespmem:$0x1D3D0] =	vst v63  }
0x80: {  	_ =	swait.ge @!p1 [sflag:s16], $0x500  }
0x81: {  	[sflag:s16] =	ssyncset.done @!p1 $0x0  }
0x82: {  	s24 =	sadd.s32 $0xA0, s20;
	[sflag:s16] =	ssyncadd.s32 @!p1 $0xFFFFFB00  }
0x83: {  	[tilespmem:s30], [sflag:$0x1] =	stream.indirect.gather [hbm4b:s5+s29], $0x80, s24, s29, $0xb8;
	[tilespmem:$0x1D3D0] =	vst v63  }
0x84: {  	_ =	swait.ge [sflag:s4], $0x2800  }
0x85: {  	[sflag:s4] =	ssyncset.done $0x0  }
0x86: {  	s10 =	sadd.s32 $0xFF0, s20;
	[sflag:s4] =	ssyncadd.s32 $0xFFFFD800  }
0x87: {  	[spmem:s1] =	stream.indirect.scatter.add.f32 [tilespmem:s31], [sflag:$0x4], $0x80, s10, s29, $0xb8;
	[tilespmem:$0x1D3D0] =	vst v63  }
0x88: {  	_ =	swait.ge [sflag:s2], $0x2800  }
0x89: {  	s17 =	simm.s32 @!p2 $0x3;
	[sflag:s2] =	ssyncset.done $0x0  }
0x8a: {  	s19 =	simm.s32 @!p2 $0x50;
	s20 =	simm.s32 @!p2 $0x6F40;
	[sflag:s2] =	ssyncadd.s32 $0xFFFFD800  }
0x8b: {  	[spmem:s3] =	stream.indirect.scatter.add.f32 @!p2 [tilespmem:s20], [sflag:$0x3], $0x10, s10, s19, $0xb8;
	[tilespmem:$0x1D3D0] =	vst v63  }
0x8c: {  	_ =	swait.ge @!p2 [sflag:s17], $0x500  }
0x8d: {  	[sflag:s17] =	ssyncset.done @!p2 $0x0  }
0x8e: {  	[sflag:s17] =	ssyncadd.s32 @!p2 $0xFFFFFB00  }
0x8f: {  	[tilespmem:s31], [sflag:$0x2] =	stream.indirect.gather [hbm4b:s5+s29], $0x80, s26, s29, $0xb8;
	[tilespmem:$0x1D3D0] =	vst v63  }
0x90: {  	_ =	swait.ge [sflag:s0], $0x2800  }
0x91: {  	[sflag:s0] =	ssyncset.done $0x0  }
0x92: {  	[sflag:s0] =	ssyncadd.s32 $0xFFFFD800  }
0x93: {  	[spmem:s1] =	stream.indirect.scatter.add.f32 [tilespmem:s30], [sflag:$0x4], $0x80, s8, s29, $0xb8;
	[tilespmem:$0x1D3D0] =	vst v63  }
0x94: {  	_ =	swait.ge [sflag:s2], $0x2800  }
0x95: {  	[sflag:s2] =	ssyncset.done $0x0  }
0x96: {  	s10 =	simm.s32 @p1 $0x2;
	[sflag:s2] =	ssyncadd.s32 $0xFFFFD800  }
0x97: {  	_ =	swait.ge @p1 [sflag:s10], $0x2800  }
0x98: {  	s19 =	simm.s32 @p1 $0x4740;
	[sflag:s10] =	ssyncset.done @p1 $0x0  }
0x99: {  	s17 =	simm.s32 @p1 $0x1EF0;
	[sflag:s10] =	ssyncadd.s32 @p1 $0xFFFFD800;
	s10 =	simm.s32 @p1 $0x50  }
0x9a: {  	[spmem:s1] =	stream.indirect.scatter.add.f32 @p1 [tilespmem:s19], [sflag:$0x4], $0x80, s17, s10, $0xb8;
	[tilespmem:$0x1D3D0] =	vst v63  }
0x9b: {  	s19 =	simm.s32 @p1 $0x4  }
0x9c: {  	_ =	swait.ge @p1 [sflag:s19], $0x2800  }
0x9d: {  	[sflag:s19] =	ssyncset.done @p1 $0x0  }
0x9e: {  	[sflag:s19] =	ssyncadd.s32 @p1 $0xFFFFD800;
	s19 =	simm.s32 @p1 $0x6F40  }
0x9f: {  	[spmem:s3] =	stream.indirect.scatter.add.f32 @p1 [tilespmem:s19], [sflag:$0x3], $0x10, s17, s10, $0xb8;
	[tilespmem:$0x1D3D0] =	vst v63  }
0xa0: {  	s10 =	simm.s32 @p1 $0x3  }
0xa1: {  	_ =	swait.ge @p1 [sflag:s10], $0x500  }
0xa2: {  	[sflag:s10] =	ssyncset.done @p1 $0x0  }
0xa3: {  	[sflag:s10] =	ssyncadd.s32 @p1 $0xFFFFFB00;
	s10 =	simm.s32 @!p1 $0x1EA0  }
0xa4: {  	[spmem:s3] =	stream.indirect.scatter.add.f32 @!p1 [tilespmem:s13], [sflag:$0x4], $0x10, s10, s12, $0xb8;
	[tilespmem:$0x1D3D0] =	vst v63  }
0xa5: {  	_ =	swait.ge @!p1 [sflag:s16], $0x500  }
0xa6: {  	[sflag:s16] =	ssyncset.done @!p1 $0x0  }
0xa7: {  	s10 =	simm.s32 @!p1 $0x2;
	[sflag:s16] =	ssyncadd.s32 @!p1 $0xFFFFFB00  }
0xa8: {  	s15 =	sadd.s32 $0x1, s15;
	_ =	swait.ge @!p1 [sflag:s10], $0x2800  }
0xa9: {  	p3 =	sne.s32 s15, $0x5;
	s13 =	simm.s32 @!p1 $0x4740;
	[sflag:s10] =	ssyncset.done @!p1 $0x0  }
.Ltmp1:
0xaa: {  	[sflag:s10] =	ssyncadd.s32 @!p1 $0xFFFFD800;
	s10 =	simm.s32 @!p1 $0x1EF0;
	(pc) =	sbr.rel @p3 .LBB2_2-.Ltmp1, $4  }
0xab: {  	[spmem:s1] =	stream.indirect.scatter.add.f32 @!p1 [tilespmem:s13], [sflag:$0x4], $0x80, s10, s12, $0xb8;
	[tilespmem:$0x1D3D0] =	vst v63  }
0xac: {  	_ =	swait.ge @!p1 [sflag:s16], $0x2800  }
0xad: {  	[sflag:s16] =	ssyncset.done @!p1 $0x0  }
0xae: {  	[sflag:s16] =	ssyncadd.s32 @!p1 $0xFFFFD800  }
0xaf: {  	[bflag:$0x0] =	sbarrier.arrive $0xFFFF  }
0xb0: {  	s10 =	rddreg [dreg:$0xb]  }
0xb1: {  	s12 =	rddreg [dreg:$0x12]  }
0xb2: {  	[hbm:s10], [sflag:s11] =	dma.local [spmem:s12], $0x2700  }
0xb3: {  	_ =	swait.ge [sflag:s25], $0x2700  }
0xb4: {  	[sflag:s25] =	ssyncset.done $0x0;
	s21 =	rddreg [dreg:$0xd]  }
0xb5: {  	s22 =	rddreg [dreg:$0x13];
	[sflag:s25] =	ssyncadd.s32 $0xFFFFD900  }
0xb6: {  	[hbm:s21], [sflag:s11] =	dma.local [spmem:s22], $0x4E0  }
0xb7: {  	_ =	swait.ge [sflag:s25], $0x4E0  }
0xb8: {  	[sflag:s25] =	ssyncset.done $0x0;
	s10 =	rddreg [dreg:$0xc]  }
0xb9: {  	s12 =	rddreg [dreg:$0x14];
	[sflag:s25] =	ssyncadd.s32 $0xFFFFFB20  }
0xba: {  	[hbm:s10], [sflag:s11] =	dma.local @!p0 [spmem:s12], $0x100  }
0xbb: {  	s10 =	simm.s32 @!p0 $0x3  }
0xbc: {  	_ =	swait.ge @!p0 [sflag:s10], $0x100  }
0xbd: {  	[sflag:s10] =	ssyncset.done @!p0 $0x0  }
0xbe: {  	s12 =	rddreg [dreg:$0xe];
	[sflag:s10] =	ssyncadd.s32 @!p0 $0xFFFFFF00  }
0xbf: {  	[hbm:s12], [sflag:s11] =	dma.local @!p0 [spmem:s14], $0x20  }
0xc0: {  	_ =	swait.ge @!p0 [sflag:s10], $0x20  }
0xc1: {  	s9 =	sadd.s32 $0x1, s9;
	s24 =	rddreg [dreg:$0x11]  }
0xc2: {  	p3 =	sne.s32 s9, s24  }
.Ltmp2:
0xc3: {  	_ = 	snop;
	(pc) =	sbr.rel @p3 .LBB2_1-.Ltmp2, $3  }
0xc4: {  	_ =	sdelay $0x1  }
0xc5: {  	[sflag:s10] =	ssyncset.done @!p0 $0x0  }
0xc6: {  	[sflag:s10] =	ssyncadd.s32 @!p0 $0xFFFFFFE0  }
0xc7: {  	_ =	sfence.sel $0x180000  }
0xc8: {  	[bflag:$0x0] =	sbarrier.arrive $0xFFFF  }
0xc9: {  	_ =	strace $0x90000047  }
0xca: {  	s0 =	stileid.u32;
	[bflag:$0x2] =	sbarrier.arrive $0xFFFF  }
0xcb: {  	p0 =	sne.s32 s0, $0x0;
	s0 =	rddreg [dreg:$0x3]  }
0xcc: {  	s0 =	sadd.s32 @!p0 $0x100000, s0  }
0xcd: {  	[sflag:s0] =	ssyncadd.tile.s32 @!p0 $0x1;
	_ =	shalt  }
.Lfunc_end2:
_tile_overlayer_lowered:
.L_overlay_start_2:
0xce: {  	(tag) =	ssettag $0x2  }
0xcf: {  	s0 =	rddreg [dreg:$0x0];
	s2 =	stileid.u32  }
0xd0: {  	s1 =	rddreg [dreg:$0x1];
	p0 =	sne.s32 s2, $0x0  }
0xd1: {  	s3 =	rddreg [dreg:$0x2];
	[bflag:$0x3] =	sbarrier.arrive $0xFFFF;
	s2 =	simm.s32 @!p0 $0x1C03  }
0xd2: {  	[timem:s3], [sflag:s2] =	dma.local @!p0 [hbm:s0], s1  }
0xd3: {  	s0 =	simm.s32 @!p0 $0x3  }
0xd4: {  	_ =	swait.ge @!p0 [sflag:s0], s1  }
0xd5: {  	s1 =	ssub.s32 @!p0 $0x0, s1;
	[sflag:s0] =	ssyncset.done @!p0 $0x0  }
0xd6: {  	[sflag:s0] =	ssyncadd.s32 @!p0 s1  }
0xd7: {  	[bflag:$0x3] =	sbarrier.arrive $0xFFFF  }
0xd8: {  	_ =	shalt  }

// kernel: kernel.22.cloned.1.call-start
scs
__scs_entry_jumppad:
0x0: {  	(pc) =	sbr.rel $0x88, $3  }
0x1: {  	(tag) =	ssettag $0x0;
	lr =	simm.s32 $0x1  }
0x2: {  	[smem:$0x3F86] =	sst lr;
	_ =	strace $0xD0000000  }
0x3: {  	_ = 	snop  }
0x4: {  	_ = 	snop  }
0x5: {  	_ = 	snop  }
0x6: {  	_ = 	snop  }
0x7: {  	_ = 	snop  }
__scs_overlays_trampoline_lowered:
0x8: {  	[smem:$0x3F95] =	sst s0  }
0x9: {  	[smem:$0x3F96] =	sst s1  }
0xa: {  	[smem:$0x3F97] =	sst s2  }
0xb: {  	[smem:$0x3F98] =	sst s3  }
0xc: {  	[smem:$0x3F99] =	sst s4  }
0xd: {  	[smem:$0x3F9A] =	sst s5  }
0xe: {  	[smem:$0x3F9B] =	sst s6  }
0xf: {  	[smem:$0x3F9C] =	sst s7  }
0x10: {  	[smem:$0x3F9D] =	sst s8  }
0x11: {  	[smem:$0x3F9E] =	sst s9;
	s0 =	simm.s32 @!p0 $0x0  }
0x12: {  	s1 =	sld [smem:$0x3F84];
	s0 =	simm.s32 @p0 $0x1  }
0x13: {  	[smem:$0x3F9F] =	sst s0;
	s0 =	simm.s32 @!p1 $0x0  }
0x14: {  	s2 =	sld [smem:$0x3F83];
	s0 =	simm.s32 @p1 $0x1  }
0x15: {  	[smem:$0x3FA0] =	sst s0;
	s0 =	simm.s32 @!p2 $0x0  }
0x16: {  	s3 =	sld [smem:$0x3FDB];
	s0 =	simm.s32 @p2 $0x1  }
0x17: {  	s4 =	simm.s32 $0x1BF5;
	[smem:$0x3FA2] =	sst s0  }
0x18: {  	s0 =	sld [smem:$0x3F85];
	_ =	swait.ge [sflag:s4], $0x0  }
0x19: {  	s7 =	sld [smem:$0x3F86]  }
0x1a: {  	s8 =	sadd.s32 $0xFFFFE003, lr  }
0x1b: {  	s9 =	sadd.s32 $0xFFFFFEF7, lr;
	s5 =	simm.s32 $0xFFFFFFFF;
	p2 =	slt.u32 s8, $0xFFFFF086  }
0x1c: {  	p1 =	slt.u32 s9, $0xF7A;
	s5 =	simm.s32 @!p2 $0x0  }
0x1d: {  	s5 =	simm.s32 @p1 $0x1;
	p0 =	seq.s32 s7, s2  }
0x1e: {  	s7 =	smul.u32 @!p0 $0xF7A, s2;
	p2 =	seq.s32 @!p0 s5, $0x0  }
0x1f: {  	s9 =	smul.u32 $0xF7A, s1;
	s8 =	simm.s32 @!p0 $0x1BF5;
	p2 =	por !p2, p0  }
0x20: {  	[sflag:s8] =	ssyncset.s32 @!p0 $0xFFFFF086;
	s6 =	sadd.s32 @!p0 s3, s7;
	s7 =	simm.s32 @!p0 $0x108  }
0x21: {  	s3 =	sadd.s32 s3, s9;
	s6 =	sadd.s32 @!p0 $0x88, s6;
	s7 =	simm.s32 @p2 $0x1082  }
0x22: {  	[simem:s7], [sflag:s8] =	dma.local @!p0 [hbm:s6], $0xF7A  }
0x23: {  	s9 =	sor.u32 $0xD0000000, s2;
	s6 =	simm.s32 $0x108;
	_ =	swait.ge @!p0 [sflag:s8], $0x0  }
0x24: {  	s3 =	sadd.s32 $0x88, s3;
	s6 =	simm.s32 @!p1 $0x1082;
	[sflag:s4] =	ssyncset.s32 $0xFFFFF086  }
0x25: {  	[simem:s6], [sflag:s4] =	dma.local [hbm:s3], $0xF7A  }
0x26: {  	[smem:$0x3F86] =	sst s1;
	(tag) =	ssettag s2;
	_ =	strace s9  }
0x27: {  	s1 =	sld [smem:$0x3F96]  }
0x28: {  	s2 =	sld [smem:$0x3F97]  }
0x29: {  	s4 =	sld [smem:$0x3F99]  }
0x2a: {  	p0 =	seq.s32 s5, $0x0;
	s5 =	sld [smem:$0x3F9A]  }
0x2b: {  	s6 =	sld [smem:$0x3F9B]  }
0x2c: {  	s7 =	sld [smem:$0x3F9C]  }
0x2d: {  	s3 =	simm.s32 $0x108;
	s8 =	sld [smem:$0x3F9D]  }
0x2e: {  	s3 =	simm.s32 @!p0 $0x1082;
	s9 =	sld [smem:$0x3F9E]  }
0x2f: {  	lr =	sadd.s32 s0, s3;
	s0 =	sld [smem:$0x3F95]  }
0x30: {  	s3 =	sld [smem:$0x3F98]  }
0x31: {  	[smem:$0x3FA1] =	sst s10  }
0x32: {  	s10 =	sld [smem:$0x3F9F];
	_ =	sdelay $0x3  }
0x33: {  	p0 =	seq.s32 s10, $0x1;
	s10 =	sld [smem:$0x3FA1];
	_ =	sdelay $0x3  }
0x34: {  	[smem:$0x3FA1] =	sst s10  }
0x35: {  	s10 =	sld [smem:$0x3FA0];
	_ =	sdelay $0x3  }
0x36: {  	p1 =	seq.s32 s10, $0x1;
	s10 =	sld [smem:$0x3FA1];
	_ =	sdelay $0x3  }
0x37: {  	[smem:$0x3FA1] =	sst s10  }
0x38: {  	s10 =	sld [smem:$0x3FA2]  }
0x39: {  	_ = 	snop;
	(pc) =	sbr.ind lr, $3  }
0x3a: {  	_ = 	snop  }
0x3b: {  	_ = 	snop  }
0x3c: {  	p2 =	seq.s32 s10, $0x1;
	s10 =	sld [smem:$0x3FA1]  }
0x3d: {  	_ =	shalt  }
0x3e: {  	_ =	shalt  }
0x3f: {  	_ =	shalt  }
0x40: {  	_ =	shalt  }
0x41: {  	_ =	shalt  }
0x42: {  	_ =	shalt  }
0x43: {  	_ =	shalt  }
0x44: {  	_ =	shalt  }
0x45: {  	_ =	shalt  }
0x46: {  	_ =	shalt  }
0x47: {  	_ =	shalt  }
0x48: {  	_ =	shalt  }
0x49: {  	_ =	shalt  }
0x4a: {  	_ =	shalt  }
0x4b: {  	_ =	shalt  }
0x4c: {  	_ =	shalt  }
0x4d: {  	_ =	shalt  }
0x4e: {  	_ =	shalt  }
0x4f: {  	_ =	shalt  }
0x50: {  	_ =	shalt  }
0x51: {  	_ =	shalt  }
0x52: {  	_ =	shalt  }
0x53: {  	_ =	shalt  }
0x54: {  	_ =	shalt  }
0x55: {  	_ =	shalt  }
0x56: {  	_ =	shalt  }
0x57: {  	_ =	shalt  }
0x58: {  	_ =	shalt  }
0x59: {  	_ =	shalt  }
0x5a: {  	_ =	shalt  }
0x5b: {  	_ =	shalt  }
0x5c: {  	_ =	shalt  }
0x5d: {  	_ =	shalt  }
0x5e: {  	_ =	shalt  }
0x5f: {  	_ =	shalt  }
0x60: {  	_ =	shalt  }
0x61: {  	_ =	shalt  }
0x62: {  	_ =	shalt  }
0x63: {  	_ =	shalt  }
0x64: {  	_ =	shalt  }
0x65: {  	_ =	shalt  }
0x66: {  	_ =	shalt  }
0x67: {  	_ =	shalt  }
0x68: {  	_ =	shalt  }
0x69: {  	_ =	shalt  }
0x6a: {  	_ =	shalt  }
0x6b: {  	_ =	shalt  }
0x6c: {  	_ =	shalt  }
0x6d: {  	_ =	shalt  }
0x6e: {  	_ =	shalt  }
0x6f: {  	_ =	shalt  }
0x70: {  	_ =	shalt  }
0x71: {  	_ =	shalt  }
0x72: {  	_ =	shalt  }
0x73: {  	_ =	shalt  }
0x74: {  	_ =	shalt  }
0x75: {  	_ =	shalt  }
0x76: {  	_ =	shalt  }
0x77: {  	_ =	shalt  }
0x78: {  	_ =	shalt  }
0x79: {  	_ =	shalt  }
0x7a: {  	_ =	shalt  }
0x7b: {  	_ =	shalt  }
0x7c: {  	_ =	shalt  }
0x7d: {  	_ =	shalt  }
0x7e: {  	_ =	shalt  }
0x7f: {  	_ =	shalt  }
0x80: {  	_ =	shalt  }
0x81: {  	_ =	shalt  }
0x82: {  	_ =	shalt  }
0x83: {  	_ =	shalt  }
0x84: {  	_ =	shalt  }
0x85: {  	_ =	shalt  }
0x86: {  	_ =	shalt  }
0x87: {  	_ =	shalt  }
.Lfunc_end0:
.L_simem_size_0:
called_computation.2_lowered:
.L_overlay_start_0:
0x88: {  	s2 =	sld [smem:$0x3FD9]  }
0x89: {  	s3 =	sld [smem:$0x3FFE];
	_ =	sdelay $0x1  }
0x8a: {  	s1 =	srdreg.scid  }
0x8b: {  	s0 =	sand.u32 $0x1, s1  }
0x8c: {  	s17 =	sshll.u32 s0, $0xA;
	s2 =	sadd.s32 s3, s2  }
0x8d: {  	s2 =	sadd.s32 s2, s17  }
0x8e: {  	[smem:$0x3FAD] =	sst s2  }
0x8f: {  	_ = 	snop  }
0x90: {  	s18 =	sld [smem:$0x3FD0];
	(tm) =	ssettm $0x1  }
0x91: {  	s19 =	sld [smem:$0x3FFB];
	_ =	sdelay $0x3  }
0x92: {  	_ =	strace s19  }
0x93: {  	s2 =	sld [smem:$0x3FFC];
	_ =	sdelay $0x3  }
0x94: {  	_ =	strace s2  }
0x95: {  	s2 =	sld [smem:$0x3FFD];
	_ =	sdelay $0x3  }
0x96: {  	_ =	strace s2  }
0x97: {  	_ =	strace $0x8FFFFFFF  }
0x98: {  	s20 =	sld [smem:$0x3FDB];
	_ =	sdelay $0x1  }
0x99: {  	s4 =	simm.s32 $_scs_section_size  }
0x9a: {  	s5 =	simm.s32 $_size__tile_overlayer_lowered;
	s6 =	simm.s32 $_tile_overlayer_lowered  }
0x9b: {  	s7 =	simm.s32 $0x1BFF;
	s21 =	sshll.u32 s6, $0x1;
	s4 =	sadd.s32 s4, s20  }
0x9c: {  	s22 =	simm.s32 $0x0;
	s5 =	sshll.u32 s5, $0x1;
	s6 =	sadd.s32 s21, s4  }
0x9d: {  	[timem:s22], [sflag:s7] =	dma.local [hbm:s6], s5  }
0x9e: {  	_ =	swait.ge [sflag:s7], s5  }
0x9f: {  	s5 =	ssub.s32 $0x0, s5;
	[sflag:s7] =	ssyncset.done $0x0  }
0xa0: {  	[sflag:s7] =	ssyncadd.s32 s5;
	_ =	sdelay $0x1  }
0xa1: {  	s23 =	simm.s32 $0x1B8B  }
0xa2: {  	_ =	swait.ge [sflag:s23], $0x1  }
0xa3: {  	[sflag:s23] =	ssyncset.done $0x0  }
0xa4: {  	[sflag:s23] =	ssyncadd.s32 $0xFFFFFFFF  }
0xa5: {  	s5 =	sld [smem:$0x0]  }
0xa6: {  	s6 =	sand.u32 $0xFFFFFFFE, s1  }
0xa7: {  	p0 =	sne.s32 s1, s6  }
0xa8: {  	s6 =	sshll.u32 @p0 s6, $0xE  }
0xa9: {  	s6 =	sadd.s32 @p0 $0x11B8D, s6;
	s7 =	sshll.u32 @p0 s5, $0x11  }
0xaa: {  	s6 =	sor.u32 @p0 s7, s6  }
0xab: {  	[sflag:s6] =	ssyncadd.remote.s32 @p0 $0x1;
	_ =	sdelay $0x1  }
0xac: {  	s6 =	simm.s32 @p0 $0x1B8D  }
0xad: {  	_ =	swait.eq @p0 [sflag:s6], $0x1  }
0xae: {  	[sflag:s6] =	ssyncadd.s32 @p0 $0xFFFFFFFF  }
0xaf: {  	s7 =	sshll.u32 @!p0 s1, $0xE  }
0xb0: {  	s7 =	sor.u32 @!p0 $0x4000, s7;
	s6 =	simm.s32 @!p0 $0x1B8D  }
0xb1: {  	s5 =	sshll.u32 @!p0 s5, $0x11;
	s7 =	sadd.s32 @!p0 $0x11B8D, s7;
	_ =	swait.eq @!p0 [sflag:s6], $0x1  }
0xb2: {  	s5 =	sor.u32 @!p0 s5, s7;
	[sflag:s6] =	ssyncadd.s32 @!p0 $0xFFFFFFFF  }
0xb3: {  	s25 =	simm.s32 $0x1B8E;
	s24 =	sld [smem:$0x3FFE];
	[sflag:s5] =	ssyncadd.remote.s32 @!p0 $0x1  }
0xb4: {  	s26 =	simm.s32 $execute0_lowered;
	[smem:$0x3FD2] =	sst s25  }
0xb5: {  	s6 =	sshll.u32 s26, $0x1;
	_ =	strace $0x8000004C;
	[dreg:$0x1] =	wrdreg $0xFFFFFFFF  }
0xb6: {  	s28 =	simm.s32 $_size_execute0_lowered;
	s4 =	sadd.s32 s4, s6;
	[dreg:$0x0] =	wrdreg $0x0  }
0xb7: {  	s6 =	sshll.u32 s28, $0x1;
	[dreg:$0x2] =	wrdreg s4  }
0xb8: {  	[dreg:$0x3] =	wrdreg s6  }
0xb9: {  	[dreg:$0x4] =	wrdreg $0xC0  }
0xba: {  	_ =	task [dreg:s22], $0x5FFFF  }
0xbb: {  	[dreg:$0x1] =	wrdreg $0xFFFFFFFF  }
0xbc: {  	[dreg:$0x0] =	wrdreg $0x60  }
0xbd: {  	[dreg:$0x2] =	wrdreg s24  }
0xbe: {  	[dreg:$0x3] =	wrdreg s18  }
0xbf: {  	[dreg:$0x4] =	wrdreg $0x6F400  }
0xc0: {  	[dreg:$0x5] =	wrdreg $0xA  }
0xc1: {  	_ =	task.clear_ibuf [dreg:s22], $0x6FFFF;
	_ =	strace $0x9000004C  }
0xc2: {  	s29 =	simm.s32 $0xA;
	_ =	strace $0x8000004E  }
0xc3: {  	_ =	swait.ge [sflag:s29], $0x1  }
0xc4: {  	[sflag:s29] =	ssyncadd.s32 $0xFFFFFFFF  }
0xc5: {  	_ =	strace $0x9000004E  }
0xc6: {  	_ =	sfence  }
0xc7: {  	s30 =	sld [smem:$0x0];
	_ =	sdelay $0x2  }
0xc8: {  	s31 =	sshll.u32 s1, $0xD;
	s1 =	sshrl.u32 s1, $0x2  }
0xc9: {  	s4 =	sand.u32 $0x4000, s31;
	s1 =	sadd.s32 s1, s30  }
0xca: {  	s0 =	sor.u32 s4, s0;
	s1 =	sshll.u32 s1, $0x11  }
0xcb: {  	s0 =	sor.u32 s1, s0  }
0xcc: {  	s0 =	sadd.s32 $0x8F2B, s0  }
0xcd: {  	[sflag:s0] =	ssyncadd.remote.s32 $0x1  }
0xce: {  	_ =	sfence.sel $0xFFFF  }
0xcf: {  	[dreg:$0x0] =	wrdreg $0xFFFFFFFF;
	(pc) =	sbr.abs _section_cstart, $3  }
0xd0: {  	[dreg:$0x1] =	wrdreg $0xFFFFFFFF  }
0xd1: {  	_ =	task.clear_ibuf [dreg:s22], $0x2FFFF;
	_ =	strace $0x9FFFFFFF  }
0xd2: {  	(tm) =	ssettm $0x7FFFFFFF  }
0xd3: {  	_ =	shalt  }
tec
execute0_lowered:
.L_overlay_start_1:
0x0: {  	(tag) =	ssettag $0x1  }
0x1: {  	s10 =	rddreg [dreg:$0x0]  }
0x2: {  	s2 =	rddreg [dreg:$0x1]  }
0x3: {  	s3 =	rddreg [dreg:$0x2];
	s4 =	simm.s32 $0x0  }
0x4: {  	s0 =	stileid.u32;
	s8 =	srdreg.scid;
	s19 =	simm.s32 $0x50  }
0x5: {  	s20 =	simm.s32 $0x1F40;
	s21 =	simm.s32 $0x4740;
	s22 =	simm.s32 $0x1  }
0x6: {  	s23 =	simm.s32 $0x2;
	s24 =	simm.s32 $0xF50;
	s25 =	simm.s32 $0x1EA0  }
0x7: {  	s26 =	simm.s32 $0x1EF0;
	[smem:$0x7FF] =	sst s4;
	s7 =	smul.u32 $0x13800, s0  }
0x8: {  	s5 =	sadd.s32 $0xB2400, s10;
	s6 =	sadd.s32 $0x10A00, s10;
	s8 =	sand.u32 $0x1, s8  }
0x9: {  	s12 =	smul.u32 $0x2700, s0;
	s13 =	sadd.s32 $0x1FE800, s10;
	s31 =	sshll.u32 s0, $0x6  }
0xa: {  	s18 =	sadd.s32 $0x138000, s3;
	p0 =	sne.s32 s0, $0xF;
	s15 =	smul.u32 $0x4E200, s8  }
0xb: {  	_ =	strace $0x8000004D;
	s11 =	ssub.s32 $0x2, s8;
	s30 =	smul.u32 $0x27100, s8  }
0xc: {  	s17 =	smul.u32 $0x138800, s8;
	s8 =	sor.u32 $0x1C03, s31;
	s9 =	sshrl.u32 s7, $0x3  }
0xd: {  	s14 =	sshrl.u32 s11, $0x1;
	s16 =	sadd.s32 s7, s3;
	s9 =	sadd.s32 s9, s10  }
0xe: {  	s14 =	ssub.s32 s11, s14;
	s10 =	sadd.s32 $0xAD000, s10;
	s12 =	sadd.s32 s12, s30  }
0xf: {  	s17 =	sshrl.u32 s17, $0x3;
	s7 =	sadd.s32 $0x86000, s9;
	s9 =	smul.u32 $0x4E20, s0  }
0x10: {  	s12 =	sadd.s32 s13, s12;
	s13 =	sadd.s32 s13, s17;
	s14 =	smax.u32 s14, $0x1  }
0x11: {  	s17 =	sshrl.u32 @!p0 s18, $0x3;
	s18 =	simm.s32 $0xFA0;
	s13 =	sadd.s32 $0x27000, s13  }
0x12: {  	s11 =	sadd.s32 s9, s15;
	s15 =	sshrl.u32 s16, $0x3;
	s16 =	simm.s32 $0x3  }
.LBB2_1:
0x13: {  	[spmem:s15], [sflag:s8] =	dma.local [hbm:s7], $0x2700  }
0x14: {  	_ =	swait.ge [sflag:s16], $0x2700  }
0x15: {  	[sflag:s16] =	ssyncset.done $0x0  }
0x16: {  	s28 =	simm.s32 @!p0 $0x3;
	[sflag:s16] =	ssyncadd.s32 $0xFFFFD900  }
0x17: {  	[spmem:s17], [sflag:s8] =	dma.local @!p0 [hbm:s10], $0x100  }
0x18: {  	_ =	swait.ge @!p0 [sflag:s28], $0x100  }
0x19: {  	[sflag:s28] =	ssyncset.done @!p0 $0x0  }
0x1a: {  	[sflag:s28] =	ssyncadd.s32 @!p0 $0xFFFFFF00  }
0x1b: {  	s28 =	simm.s32 $0x0;
	[bflag:$0x0] =	sbarrier.arrive $0xFFFF  }
.LBB2_2:
0x1c: {  	s29 =	smul.u32 $0xFA0, s28;
	_ =	sdelay $0x1  }
0x1d: {  	s30 =	sadd.s32 s29, s11  }
0x1e: {  	s30 =	sshrl.u32 s30, $0x3  }
0x1f: {  	s31 =	simm.s32 $0x0;
	s30 =	sadd.s32 s6, s30  }
0x20: {  	[tilespmem:s31], [sflag:$0x3] =	stream.linear.gather [hbm4b:s30+s31], $0xFA0, $0x38;
	[tilespmem:$0x1A7C0] =	vst v63  }
0x21: {  	s29 =	sadd.s32 s9, s29;
	_ =	swait.ge [sflag:s16], $0xFA0  }
0x22: {  	s29 =	sshrl.u32 s29, $0x3;
	[sflag:s16] =	ssyncset.done $0x0  }
0x23: {  	s29 =	sadd.s32 s2, s29;
	[sflag:s16] =	ssyncadd.s32 $0xFFFFF060  }
0x24: {  	[tilespmem:s18], [sflag:$0x3] =	stream.linear.gather [hbm4b:s29+s31], $0xFA0, $0x38;
	[tilespmem:$0x1A7C0] =	vst v63  }
0x25: {  	_ =	swait.ge [sflag:s16], $0xFA0  }
0x26: {  	[sflag:s16] =	ssyncset.done $0x0  }
0x27: {  	[sflag:s16] =	ssyncadd.s32 $0xFFFFF060  }
0x28: {  	[tilespmem:s20], [sflag:$0x1] =	stream.indirect.gather [hbm4b:s5+s19], $0x80, s31, s19, $0xb8;
	[tilespmem:$0x1A7C0] =	vst v63  }
0x29: {  	s29 =	simm.s32 $0x50  }
0x2a: {  	[tilespmem:s21], [sflag:$0x2] =	stream.indirect.gather [hbm4b:s5+s19], $0x80, s29, s19, $0xb8;
	[tilespmem:$0x1A7C0] =	vst v63  }
0x2b: {  	_ =	swait.ge [sflag:s22], $0x2800  }
0x2c: {  	[sflag:s22] =	ssyncset.done $0x0  }
0x2d: {  	s29 =	simm.s32 $0xFA0;
	[sflag:s22] =	ssyncadd.s32 $0xFFFFD800  }
0x2e: {  	[spmem:s3] =	stream.indirect.scatter.add.f32 [tilespmem:s20], [sflag:$0x3], $0x80, s29, s19, $0xb8;
	[tilespmem:$0x1A7C0] =	vst v63  }
0x2f: {  	_ =	swait.ge [sflag:s16], $0x2800  }
0x30: {  	[sflag:s16] =	ssyncset.done $0x0  }
0x31: {  	s29 =	simm.s32 $0xA0;
	[sflag:s16] =	ssyncadd.s32 $0xFFFFD800  }
0x32: {  	[tilespmem:s20], [sflag:$0x1] =	stream.indirect.gather [hbm4b:s5+s19], $0x80, s29, s19, $0xb8;
	[tilespmem:$0x1A7C0] =	vst v63  }
0x33: {  	_ =	swait.ge [sflag:s23], $0x2800  }
0x34: {  	[sflag:s23] =	ssyncset.done $0x0  }
0x35: {  	s29 =	simm.s32 $0xFF0;
	[sflag:s23] =	ssyncadd.s32 $0xFFFFD800  }
0x36: {  	[spmem:s3] =	stream.indirect.scatter.add.f32 [tilespmem:s21], [sflag:$0x3], $0x80, s29, s19, $0xb8;
	[tilespmem:$0x1A7C0] =	vst v63  }
0x37: {  	_ =	swait.ge [sflag:s16], $0x2800  }
0x38: {  	s30 =	simm.s32 $0x500;
	s29 =	simm.s32 $0xA0;
	[sflag:s16] =	ssyncset.done $0x0  }
.LBB2_3:
0x39: {  	s31 =	sadd.s32 $0x50, s29  }
0x3a: {  	[sflag:s16] =	ssyncadd.s32 $0xFFFFD800;
	s0 =	smov.u32 s30;
	s1 =	sadd.s32 $0x280, s30  }
0x3b: {  	[tilespmem:s21], [sflag:$0x2] =	stream.indirect.gather [hbm4b:s5+s19], $0x80, s31, s19, $0xb8;
	[tilespmem:$0x1A7C0] =	vst v63  }
0x3c: {  	p1 =	sne.s32 s30, $0x3980;
	_ =	swait.ge [sflag:s22], $0x2800  }
0x3d: {  	[sflag:s22] =	ssyncset.done $0x0  }
0x3e: {  	s30 =	sadd.s32 $0xFA0, s29;
	[sflag:s22] =	ssyncadd.s32 $0xFFFFD800  }
0x3f: {  	[spmem:s3] =	stream.indirect.scatter.add.f32 [tilespmem:s20], [sflag:$0x3], $0x80, s30, s19, $0xb8;
	[tilespmem:$0x1A7C0] =	vst v63  }
0x40: {  	_ =	swait.ge [sflag:s16], $0x2800  }
0x41: {  	[sflag:s16] =	ssyncset.done $0x0  }
0x42: {  	s30 =	sadd.s32 $0xA0, s29;
	[sflag:s16] =	ssyncadd.s32 $0xFFFFD800  }
0x43: {  	[tilespmem:s20], [sflag:$0x1] =	stream.indirect.gather [hbm4b:s5+s19], $0x80, s30, s19, $0xb8;
	[tilespmem:$0x1A7C0] =	vst v63  }
0x44: {  	_ =	swait.ge [sflag:s23], $0x2800  }
.Ltmp0:
0x45: {  	[sflag:s23] =	ssyncset.done $0x0;
	(pc) =	sbr.rel @p1 .LBB2_3-.Ltmp0, $4  }
0x46: {  	s29 =	sadd.s32 $0xFF0, s29;
	[sflag:s23] =	ssyncadd.s32 $0xFFFFD800  }
0x47: {  	[spmem:s3] =	stream.indirect.scatter.add.f32 [tilespmem:s21], [sflag:$0x3], $0x80, s29, s19, $0xb8;
	[tilespmem:$0x1A7C0] =	vst v63  }
0x48: {  	_ =	swait.ge [sflag:s16], $0x2800  }
0x49: {  	s30 =	smov.u32 s1;
	s29 =	sshra.s32 s0, $0x2;
	[sflag:s16] =	ssyncset.done $0x0  }
0x4a: {  	s0 =	sadd.s32 $0x50, s29;
	[sflag:s16] =	ssyncadd.s32 $0xFFFFD800  }
0x4b: {  	[tilespmem:s21], [sflag:$0x2] =	stream.indirect.gather [hbm4b:s5+s19], $0x80, s0, s19, $0xb8;
	[tilespmem:$0x1A7C0] =	vst v63  }
0x4c: {  	_ =	swait.ge [sflag:s22], $0x2800  }
0x4d: {  	[sflag:s22] =	ssyncset.done $0x0  }
0x4e: {  	s1 =	sadd.s32 $0xFA0, s29;
	[sflag:s22] =	ssyncadd.s32 $0xFFFFD800  }
0x4f: {  	[spmem:s3] =	stream.indirect.scatter.add.f32 [tilespmem:s20], [sflag:$0x3], $0x80, s1, s19, $0xb8;
	[tilespmem:$0x1A7C0] =	vst v63  }
0x50: {  	_ =	swait.ge [sflag:s16], $0x2800  }
0x51: {  	[sflag:s16] =	ssyncset.done $0x0  }
0x52: {  	s30 =	sadd.s32 $0xA0, s29;
	[sflag:s16] =	ssyncadd.s32 $0xFFFFD800  }
0x53: {  	[tilespmem:s20], [sflag:$0x1] =	stream.indirect.gather [hbm4b:s5+s19], $0x80, s30, s19, $0xb8;
	[tilespmem:$0x1A7C0] =	vst v63  }
0x54: {  	_ =	swait.ge [sflag:s23], $0x2800  }
0x55: {  	[sflag:s23] =	ssyncset.done $0x0  }
0x56: {  	s31 =	sadd.s32 $0xFF0, s29;
	[sflag:s23] =	ssyncadd.s32 $0xFFFFD800  }
0x57: {  	[spmem:s3] =	stream.indirect.scatter.add.f32 [tilespmem:s21], [sflag:$0x3], $0x80, s31, s19, $0xb8;
	[tilespmem:$0x1A7C0] =	vst v63  }
0x58: {  	_ =	swait.ge [sflag:s16], $0x2800  }
0x59: {  	[sflag:s16] =	ssyncset.done $0x0  }
0x5a: {  	[sflag:s16] =	ssyncadd.s32 $0xFFFFD800  }
0x5b: {  	[tilespmem:s21], [sflag:$0x2] =	stream.indirect.gather [hbm4b:s5+s19], $0x80, s24, s19, $0xb8;
	[tilespmem:$0x1A7C0] =	vst v63  }
0x5c: {  	_ =	swait.ge [sflag:s22], $0x2800  }
0x5d: {  	[sflag:s22] =	ssyncset.done $0x0  }
0x5e: {  	[sflag:s22] =	ssyncadd.s32 $0xFFFFD800  }
0x5f: {  	[spmem:s3] =	stream.indirect.scatter.add.f32 [tilespmem:s20], [sflag:$0x3], $0x80, s25, s19, $0xb8;
	[tilespmem:$0x1A7C0] =	vst v63  }
0x60: {  	_ =	swait.ge [sflag:s16], $0x2800  }
0x61: {  	[sflag:s16] =	ssyncset.done $0x0  }
0x62: {  	[sflag:s16] =	ssyncadd.s32 $0xFFFFD800  }
0x63: {  	s28 =	sadd.s32 $0x1, s28;
	_ =	swait.ge [sflag:s23], $0x2800  }
0x64: {  	p1 =	sne.s32 s28, $0x5;
	[sflag:s23] =	ssyncset.done $0x0  }
.Ltmp1:
0x65: {  	[sflag:s23] =	ssyncadd.s32 $0xFFFFD800;
	(pc) =	sbr.rel @p1 .LBB2_2-.Ltmp1, $4  }
0x66: {  	[spmem:s3] =	stream.indirect.scatter.add.f32 [tilespmem:s21], [sflag:$0x3], $0x80, s26, s19, $0xb8;
	[tilespmem:$0x1A7C0] =	vst v63  }
0x67: {  	_ =	swait.ge [sflag:s16], $0x2800  }
0x68: {  	[sflag:s16] =	ssyncset.done $0x0  }
0x69: {  	[sflag:s16] =	ssyncadd.s32 $0xFFFFD800  }
0x6a: {  	[bflag:$0x0] =	sbarrier.arrive $0xFFFF  }
0x6b: {  	[hbm:s12], [sflag:s8] =	dma.local [spmem:s15], $0x2700  }
0x6c: {  	s4 =	sadd.s32 $0x1, s4;
	_ =	swait.ge [sflag:s16], $0x2700  }
0x6d: {  	p1 =	sne.s32 s4, s14;
	[sflag:s16] =	ssyncset.done $0x0  }
.Ltmp2:
0x6e: {  	s0 =	simm.s32 @!p0 $0x3;
	[sflag:s16] =	ssyncadd.s32 $0xFFFFD900;
	(pc) =	sbr.rel @p1 .LBB2_1-.Ltmp2, $4  }
0x6f: {  	[hbm:s13], [sflag:s8] =	dma.local @!p0 [spmem:s17], $0x100  }
0x70: {  	_ =	swait.ge @!p0 [sflag:s0], $0x100  }
0x71: {  	[sflag:s0] =	ssyncset.done @!p0 $0x0  }
0x72: {  	[sflag:s0] =	ssyncadd.s32 @!p0 $0xFFFFFF00  }
0x73: {  	_ =	sfence.sel $0x180000  }
0x74: {  	[bflag:$0x0] =	sbarrier.arrive $0xFFFF  }
0x75: {  	_ =	strace $0x9000004D  }
0x76: {  	s0 =	stileid.u32;
	[bflag:$0x2] =	sbarrier.arrive $0xFFFF  }
0x77: {  	p0 =	sne.s32 s0, $0x0;
	s0 =	rddreg [dreg:$0x3]  }
0x78: {  	s0 =	sadd.s32 @!p0 $0x100000, s0  }
0x79: {  	[sflag:s0] =	ssyncadd.tile.s32 @!p0 $0x1;
	_ =	shalt  }
.Lfunc_end2:
_tile_overlayer_lowered:
.L_overlay_start_2:
0x7a: {  	(tag) =	ssettag $0x2  }
0x7b: {  	s0 =	rddreg [dreg:$0x0];
	s2 =	stileid.u32  }
0x7c: {  	s1 =	rddreg [dreg:$0x1];
	p0 =	sne.s32 s2, $0x0  }
0x7d: {  	s3 =	rddreg [dreg:$0x2];
	[bflag:$0x3] =	sbarrier.arrive $0xFFFF;
	s2 =	simm.s32 @!p0 $0x1C03  }
0x7e: {  	[timem:s3], [sflag:s2] =	dma.local @!p0 [hbm:s0], s1  }
0x7f: {  	s0 =	simm.s32 @!p0 $0x3  }
0x80: {  	_ =	swait.ge @!p0 [sflag:s0], s1  }
0x81: {  	s1 =	ssub.s32 @!p0 $0x0, s1;
	[sflag:s0] =	ssyncset.done @!p0 $0x0  }
0x82: {  	[sflag:s0] =	ssyncadd.s32 @!p0 s1  }
0x83: {  	[bflag:$0x3] =	sbarrier.arrive $0xFFFF  }
0x84: {  	_ =	shalt  }

// kernel: kernel.25.cloned.1.call-start
scs
__scs_entry_jumppad:
0x0: {  	(pc) =	sbr.rel $0x88, $3  }
0x1: {  	(tag) =	ssettag $0x0;
	lr =	simm.s32 $0x1  }
0x2: {  	[smem:$0x3F86] =	sst lr;
	_ =	strace $0xD0000000  }
0x3: {  	_ = 	snop  }
0x4: {  	_ = 	snop  }
0x5: {  	_ = 	snop  }
0x6: {  	_ = 	snop  }
0x7: {  	_ = 	snop  }
__scs_overlays_trampoline_lowered:
0x8: {  	[smem:$0x3F95] =	sst s0  }
0x9: {  	[smem:$0x3F96] =	sst s1  }
0xa: {  	[smem:$0x3F97] =	sst s2  }
0xb: {  	[smem:$0x3F98] =	sst s3  }
0xc: {  	[smem:$0x3F99] =	sst s4  }
0xd: {  	[smem:$0x3F9A] =	sst s5  }
0xe: {  	[smem:$0x3F9B] =	sst s6  }
0xf: {  	[smem:$0x3F9C] =	sst s7  }
0x10: {  	[smem:$0x3F9D] =	sst s8  }
0x11: {  	[smem:$0x3F9E] =	sst s9;
	s0 =	simm.s32 @!p0 $0x0  }
0x12: {  	s1 =	sld [smem:$0x3F84];
	s0 =	simm.s32 @p0 $0x1  }
0x13: {  	[smem:$0x3F9F] =	sst s0;
	s0 =	simm.s32 @!p1 $0x0  }
0x14: {  	s2 =	sld [smem:$0x3F83];
	s0 =	simm.s32 @p1 $0x1  }
0x15: {  	[smem:$0x3FA0] =	sst s0;
	s0 =	simm.s32 @!p2 $0x0  }
0x16: {  	s3 =	sld [smem:$0x3FDB];
	s0 =	simm.s32 @p2 $0x1  }
0x17: {  	s4 =	simm.s32 $0x1BF5;
	[smem:$0x3FA2] =	sst s0  }
0x18: {  	s0 =	sld [smem:$0x3F85];
	_ =	swait.ge [sflag:s4], $0x0  }
0x19: {  	s7 =	sld [smem:$0x3F86]  }
0x1a: {  	s8 =	sadd.s32 $0xFFFFE003, lr  }
0x1b: {  	s9 =	sadd.s32 $0xFFFFFEF7, lr;
	s5 =	simm.s32 $0xFFFFFFFF;
	p2 =	slt.u32 s8, $0xFFFFF086  }
0x1c: {  	p1 =	slt.u32 s9, $0xF7A;
	s5 =	simm.s32 @!p2 $0x0  }
0x1d: {  	s5 =	simm.s32 @p1 $0x1;
	p0 =	seq.s32 s7, s2  }
0x1e: {  	s7 =	smul.u32 @!p0 $0xF7A, s2;
	p2 =	seq.s32 @!p0 s5, $0x0  }
0x1f: {  	s9 =	smul.u32 $0xF7A, s1;
	s8 =	simm.s32 @!p0 $0x1BF5;
	p2 =	por !p2, p0  }
0x20: {  	[sflag:s8] =	ssyncset.s32 @!p0 $0xFFFFF086;
	s6 =	sadd.s32 @!p0 s3, s7;
	s7 =	simm.s32 @!p0 $0x108  }
0x21: {  	s3 =	sadd.s32 s3, s9;
	s6 =	sadd.s32 @!p0 $0x88, s6;
	s7 =	simm.s32 @p2 $0x1082  }
0x22: {  	[simem:s7], [sflag:s8] =	dma.local @!p0 [hbm:s6], $0xF7A  }
0x23: {  	s9 =	sor.u32 $0xD0000000, s2;
	s6 =	simm.s32 $0x108;
	_ =	swait.ge @!p0 [sflag:s8], $0x0  }
0x24: {  	s3 =	sadd.s32 $0x88, s3;
	s6 =	simm.s32 @!p1 $0x1082;
	[sflag:s4] =	ssyncset.s32 $0xFFFFF086  }
0x25: {  	[simem:s6], [sflag:s4] =	dma.local [hbm:s3], $0xF7A  }
0x26: {  	[smem:$0x3F86] =	sst s1;
	(tag) =	ssettag s2;
	_ =	strace s9  }
0x27: {  	s1 =	sld [smem:$0x3F96]  }
0x28: {  	s2 =	sld [smem:$0x3F97]  }
0x29: {  	s4 =	sld [smem:$0x3F99]  }
0x2a: {  	p0 =	seq.s32 s5, $0x0;
	s5 =	sld [smem:$0x3F9A]  }
0x2b: {  	s6 =	sld [smem:$0x3F9B]  }
0x2c: {  	s7 =	sld [smem:$0x3F9C]  }
0x2d: {  	s3 =	simm.s32 $0x108;
	s8 =	sld [smem:$0x3F9D]  }
0x2e: {  	s3 =	simm.s32 @!p0 $0x1082;
	s9 =	sld [smem:$0x3F9E]  }
0x2f: {  	lr =	sadd.s32 s0, s3;
	s0 =	sld [smem:$0x3F95]  }
0x30: {  	s3 =	sld [smem:$0x3F98]  }
0x31: {  	[smem:$0x3FA1] =	sst s10  }
0x32: {  	s10 =	sld [smem:$0x3F9F];
	_ =	sdelay $0x3  }
0x33: {  	p0 =	seq.s32 s10, $0x1;
	s10 =	sld [smem:$0x3FA1];
	_ =	sdelay $0x3  }
0x34: {  	[smem:$0x3FA1] =	sst s10  }
0x35: {  	s10 =	sld [smem:$0x3FA0];
	_ =	sdelay $0x3  }
0x36: {  	p1 =	seq.s32 s10, $0x1;
	s10 =	sld [smem:$0x3FA1];
	_ =	sdelay $0x3  }
0x37: {  	[smem:$0x3FA1] =	sst s10  }
0x38: {  	s10 =	sld [smem:$0x3FA2]  }
0x39: {  	_ = 	snop;
	(pc) =	sbr.ind lr, $3  }
0x3a: {  	_ = 	snop  }
0x3b: {  	_ = 	snop  }
0x3c: {  	p2 =	seq.s32 s10, $0x1;
	s10 =	sld [smem:$0x3FA1]  }
0x3d: {  	_ =	shalt  }
0x3e: {  	_ =	shalt  }
0x3f: {  	_ =	shalt  }
0x40: {  	_ =	shalt  }
0x41: {  	_ =	shalt  }
0x42: {  	_ =	shalt  }
0x43: {  	_ =	shalt  }
0x44: {  	_ =	shalt  }
0x45: {  	_ =	shalt  }
0x46: {  	_ =	shalt  }
0x47: {  	_ =	shalt  }
0x48: {  	_ =	shalt  }
0x49: {  	_ =	shalt  }
0x4a: {  	_ =	shalt  }
0x4b: {  	_ =	shalt  }
0x4c: {  	_ =	shalt  }
0x4d: {  	_ =	shalt  }
0x4e: {  	_ =	shalt  }
0x4f: {  	_ =	shalt  }
0x50: {  	_ =	shalt  }
0x51: {  	_ =	shalt  }
0x52: {  	_ =	shalt  }
0x53: {  	_ =	shalt  }
0x54: {  	_ =	shalt  }
0x55: {  	_ =	shalt  }
0x56: {  	_ =	shalt  }
0x57: {  	_ =	shalt  }
0x58: {  	_ =	shalt  }
0x59: {  	_ =	shalt  }
0x5a: {  	_ =	shalt  }
0x5b: {  	_ =	shalt  }
0x5c: {  	_ =	shalt  }
0x5d: {  	_ =	shalt  }
0x5e: {  	_ =	shalt  }
0x5f: {  	_ =	shalt  }
0x60: {  	_ =	shalt  }
0x61: {  	_ =	shalt  }
0x62: {  	_ =	shalt  }
0x63: {  	_ =	shalt  }
0x64: {  	_ =	shalt  }
0x65: {  	_ =	shalt  }
0x66: {  	_ =	shalt  }
0x67: {  	_ =	shalt  }
0x68: {  	_ =	shalt  }
0x69: {  	_ =	shalt  }
0x6a: {  	_ =	shalt  }
0x6b: {  	_ =	shalt  }
0x6c: {  	_ =	shalt  }
0x6d: {  	_ =	shalt  }
0x6e: {  	_ =	shalt  }
0x6f: {  	_ =	shalt  }
0x70: {  	_ =	shalt  }
0x71: {  	_ =	shalt  }
0x72: {  	_ =	shalt  }
0x73: {  	_ =	shalt  }
0x74: {  	_ =	shalt  }
0x75: {  	_ =	shalt  }
0x76: {  	_ =	shalt  }
0x77: {  	_ =	shalt  }
0x78: {  	_ =	shalt  }
0x79: {  	_ =	shalt  }
0x7a: {  	_ =	shalt  }
0x7b: {  	_ =	shalt  }
0x7c: {  	_ =	shalt  }
0x7d: {  	_ =	shalt  }
0x7e: {  	_ =	shalt  }
0x7f: {  	_ =	shalt  }
0x80: {  	_ =	shalt  }
0x81: {  	_ =	shalt  }
0x82: {  	_ =	shalt  }
0x83: {  	_ =	shalt  }
0x84: {  	_ =	shalt  }
0x85: {  	_ =	shalt  }
0x86: {  	_ =	shalt  }
0x87: {  	_ =	shalt  }
.Lfunc_end0:
.L_simem_size_0:
called_computation.3_lowered:
.L_overlay_start_0:
0x88: {  	s2 =	sld [smem:$0x3FD9]  }
0x89: {  	s3 =	sld [smem:$0x3FFE];
	_ =	sdelay $0x1  }
0x8a: {  	s1 =	srdreg.scid  }
0x8b: {  	s0 =	sand.u32 $0x1, s1  }
0x8c: {  	s17 =	sshll.u32 s0, $0xA;
	s2 =	sadd.s32 s3, s2  }
0x8d: {  	s2 =	sadd.s32 s2, s17  }
0x8e: {  	[smem:$0x3FAD] =	sst s2  }
0x8f: {  	_ = 	snop  }
0x90: {  	(tm) =	ssettm $0x1  }
0x91: {  	s18 =	sld [smem:$0x3FFB];
	_ =	sdelay $0x3  }
0x92: {  	_ =	strace s18  }
0x93: {  	s2 =	sld [smem:$0x3FFC];
	_ =	sdelay $0x3  }
0x94: {  	_ =	strace s2  }
0x95: {  	s2 =	sld [smem:$0x3FFD];
	_ =	sdelay $0x3  }
0x96: {  	_ =	strace s2  }
0x97: {  	_ =	strace $0x8FFFFFFF  }
0x98: {  	s19 =	sld [smem:$0x3FDB];
	_ =	sdelay $0x1  }
0x99: {  	s20 =	simm.s32 $_scs_section_size  }
0x9a: {  	s4 =	simm.s32 $_size__tile_overlayer_lowered;
	s5 =	simm.s32 $_tile_overlayer_lowered  }
0x9b: {  	s6 =	simm.s32 $0x1BFF;
	s21 =	sshll.u32 s5, $0x1;
	s3 =	sadd.s32 s20, s19  }
0x9c: {  	s22 =	simm.s32 $0x0;
	s4 =	sshll.u32 s4, $0x1;
	s5 =	sadd.s32 s21, s3  }
0x9d: {  	[timem:s22], [sflag:s6] =	dma.local [hbm:s5], s4  }
0x9e: {  	_ =	swait.ge [sflag:s6], s4  }
0x9f: {  	s4 =	ssub.s32 $0x0, s4;
	[sflag:s6] =	ssyncset.done $0x0  }
0xa0: {  	[sflag:s6] =	ssyncadd.s32 s4;
	_ =	sdelay $0x1  }
0xa1: {  	s23 =	simm.s32 $0x1B8B  }
0xa2: {  	_ =	swait.ge [sflag:s23], $0x1  }
0xa3: {  	[sflag:s23] =	ssyncset.done $0x0  }
0xa4: {  	[sflag:s23] =	ssyncadd.s32 $0xFFFFFFFF  }
0xa5: {  	s4 =	sld [smem:$0x0]  }
0xa6: {  	s5 =	sand.u32 $0xFFFFFFFE, s1  }
0xa7: {  	p0 =	sne.s32 s1, s5  }
0xa8: {  	s5 =	sshll.u32 @p0 s5, $0xE  }
0xa9: {  	s5 =	sadd.s32 @p0 $0x11B8D, s5;
	s6 =	sshll.u32 @p0 s4, $0x11  }
0xaa: {  	s5 =	sor.u32 @p0 s6, s5  }
0xab: {  	[sflag:s5] =	ssyncadd.remote.s32 @p0 $0x1;
	_ =	sdelay $0x1  }
0xac: {  	s5 =	simm.s32 @p0 $0x1B8D  }
0xad: {  	_ =	swait.eq @p0 [sflag:s5], $0x1  }
0xae: {  	[sflag:s5] =	ssyncadd.s32 @p0 $0xFFFFFFFF  }
0xaf: {  	s6 =	sshll.u32 @!p0 s1, $0xE  }
0xb0: {  	s6 =	sor.u32 @!p0 $0x4000, s6;
	s5 =	simm.s32 @!p0 $0x1B8D  }
0xb1: {  	s4 =	sshll.u32 @!p0 s4, $0x11;
	s6 =	sadd.s32 @!p0 $0x11B8D, s6;
	_ =	swait.eq @!p0 [sflag:s5], $0x1  }
0xb2: {  	s4 =	sor.u32 @!p0 s4, s6;
	[sflag:s5] =	ssyncadd.s32 @!p0 $0xFFFFFFFF  }
0xb3: {  	s25 =	simm.s32 $0x1B8E;
	s24 =	sld [smem:$0x3FFE];
	[sflag:s4] =	ssyncadd.remote.s32 @!p0 $0x1  }
0xb4: {  	s26 =	simm.s32 $execute0_lowered;
	[smem:$0x3FD2] =	sst s25  }
0xb5: {  	s5 =	sshll.u32 s26, $0x1;
	_ =	strace $0x8000004F;
	[dreg:$0x1] =	wrdreg $0xFFFFFFFF  }
0xb6: {  	s28 =	simm.s32 $_size_execute0_lowered;
	s3 =	sadd.s32 s3, s5;
	[dreg:$0x0] =	wrdreg $0x0  }
0xb7: {  	s5 =	sshll.u32 s28, $0x1;
	[dreg:$0x2] =	wrdreg s3  }
0xb8: {  	[dreg:$0x3] =	wrdreg s5  }
0xb9: {  	[dreg:$0x4] =	wrdreg $0xC0  }
0xba: {  	_ =	task [dreg:s22], $0x5FFFF  }
0xbb: {  	[dreg:$0x1] =	wrdreg $0xFFFFFFFF  }
0xbc: {  	[dreg:$0x0] =	wrdreg $0x60  }
0xbd: {  	[dreg:$0x2] =	wrdreg s24  }
0xbe: {  	[dreg:$0x3] =	wrdreg $0x6F400  }
0xbf: {  	[dreg:$0x4] =	wrdreg $0x9  }
0xc0: {  	_ =	task.clear_ibuf [dreg:s22], $0x5FFFF;
	_ =	strace $0x9000004F  }
0xc1: {  	s29 =	simm.s32 $0x9;
	_ =	strace $0x80000051  }
0xc2: {  	_ =	swait.ge [sflag:s29], $0x1  }
0xc3: {  	[sflag:s29] =	ssyncadd.s32 $0xFFFFFFFF  }
0xc4: {  	_ =	strace $0x90000051  }
0xc5: {  	_ =	sfence  }
0xc6: {  	s30 =	sld [smem:$0x0];
	_ =	sdelay $0x2  }
0xc7: {  	s31 =	sshll.u32 s1, $0xD;
	s1 =	sshrl.u32 s1, $0x2  }
0xc8: {  	s4 =	sand.u32 $0x4000, s31;
	s1 =	sadd.s32 s1, s30  }
0xc9: {  	s0 =	sor.u32 s4, s0;
	s1 =	sshll.u32 s1, $0x11  }
0xca: {  	s0 =	sor.u32 s1, s0  }
0xcb: {  	s0 =	sadd.s32 $0x8F2B, s0  }
0xcc: {  	[sflag:s0] =	ssyncadd.remote.s32 $0x1  }
0xcd: {  	_ =	sfence.sel $0xFFFF  }
0xce: {  	[dreg:$0x0] =	wrdreg $0xFFFFFFFF;
	(pc) =	sbr.abs _section_cstart, $3  }
0xcf: {  	[dreg:$0x1] =	wrdreg $0xFFFFFFFF  }
0xd0: {  	_ =	task.clear_ibuf [dreg:s22], $0x2FFFF;
	_ =	strace $0x9FFFFFFF  }
0xd1: {  	(tm) =	ssettm $0x7FFFFFFF  }
tec
execute0_lowered:
.L_overlay_start_1:
0x0: {  	(tag) =	ssettag $0x1  }
0x1: {  	s10 =	rddreg [dreg:$0x0]  }
0x2: {  	s2 =	rddreg [dreg:$0x1];
	s3 =	simm.s32 $0x0;
	s0 =	stileid.u32  }
0x3: {  	s8 =	srdreg.scid;
	s19 =	simm.s32 $0x50;
	s20 =	simm.s32 $0x1F40  }
0x4: {  	s21 =	simm.s32 $0x4740;
	s22 =	simm.s32 $0x1;
	s23 =	simm.s32 $0x2  }
0x5: {  	s24 =	simm.s32 $0xF50;
	s25 =	simm.s32 $0x1EA0;
	s26 =	simm.s32 $0x1EF0  }
0x6: {  	[smem:$0x7FF] =	sst s3;
	s7 =	smul.u32 $0x13800, s0;
	s4 =	sadd.s32 $0x37E00, s10  }
0x7: {  	s5 =	sadd.s32 $0x24400, s10;
	s6 =	sadd.s32 $0x6C00, s10;
	s8 =	sand.u32 $0x1, s8  }
0x8: {  	s12 =	smul.u32 $0x2700, s0;
	s13 =	sadd.s32 $0x14E800, s10;
	s31 =	sshll.u32 s0, $0x6  }
0x9: {  	s18 =	sadd.s32 $0x138000, s2;
	p0 =	sne.s32 s0, $0xF;
	s15 =	smul.u32 $0x4E200, s8  }
0xa: {  	_ =	strace $0x80000050;
	s11 =	ssub.s32 $0x2, s8;
	s30 =	smul.u32 $0x27100, s8  }
0xb: {  	s17 =	smul.u32 $0x138800, s8;
	s8 =	sor.u32 $0x1C03, s31;
	s9 =	sshrl.u32 s7, $0x3  }
0xc: {  	s14 =	sshrl.u32 s11, $0x1;
	s16 =	sadd.s32 s7, s2;
	s9 =	sadd.s32 s9, s10  }
0xd: {  	s14 =	ssub.s32 s11, s14;
	s10 =	sadd.s32 $0xAD000, s10;
	s12 =	sadd.s32 s12, s30  }
0xe: {  	s17 =	sshrl.u32 s17, $0x3;
	s7 =	sadd.s32 $0x86000, s9;
	s9 =	smul.u32 $0x4E20, s0  }
0xf: {  	s12 =	sadd.s32 s13, s12;
	s13 =	sadd.s32 s13, s17;
	s14 =	smax.u32 s14, $0x1  }
0x10: {  	s17 =	sshrl.u32 @!p0 s18, $0x3;
	s18 =	simm.s32 $0xFA0;
	s13 =	sadd.s32 $0x27000, s13  }
0x11: {  	s11 =	sadd.s32 s9, s15;
	s15 =	sshrl.u32 s16, $0x3;
	s16 =	simm.s32 $0x3  }
.LBB2_1:
0x12: {  	[spmem:s15], [sflag:s8] =	dma.local [hbm:s7], $0x2700  }
0x13: {  	_ =	swait.ge [sflag:s16], $0x2700  }
0x14: {  	[sflag:s16] =	ssyncset.done $0x0  }
0x15: {  	s28 =	simm.s32 @!p0 $0x3;
	[sflag:s16] =	ssyncadd.s32 $0xFFFFD900  }
0x16: {  	[spmem:s17], [sflag:s8] =	dma.local @!p0 [hbm:s10], $0x100  }
0x17: {  	_ =	swait.ge @!p0 [sflag:s28], $0x100  }
0x18: {  	[sflag:s28] =	ssyncset.done @!p0 $0x0  }
0x19: {  	[sflag:s28] =	ssyncadd.s32 @!p0 $0xFFFFFF00  }
0x1a: {  	s28 =	simm.s32 $0x0;
	[bflag:$0x0] =	sbarrier.arrive $0xFFFF  }
.LBB2_2:
0x1b: {  	s29 =	smul.u32 $0xFA0, s28;
	_ =	sdelay $0x1  }
0x1c: {  	s30 =	sadd.s32 s29, s11  }
0x1d: {  	s30 =	sshrl.u32 s30, $0x3  }
0x1e: {  	s31 =	simm.s32 $0x0;
	s30 =	sadd.s32 s5, s30  }
0x1f: {  	[tilespmem:s31], [sflag:$0x3] =	stream.linear.gather [hbm4b:s30+s31], $0xFA0, $0x38;
	[tilespmem:$0x1A7C0] =	vst v63  }
0x20: {  	s29 =	sadd.s32 s9, s29;
	_ =	swait.ge [sflag:s16], $0xFA0  }
0x21: {  	s29 =	sshrl.u32 s29, $0x3;
	[sflag:s16] =	ssyncset.done $0x0  }
0x22: {  	s29 =	sadd.s32 s6, s29;
	[sflag:s16] =	ssyncadd.s32 $0xFFFFF060  }
0x23: {  	[tilespmem:s18], [sflag:$0x3] =	stream.linear.gather [hbm4b:s29+s31], $0xFA0, $0x38;
	[tilespmem:$0x1A7C0] =	vst v63  }
0x24: {  	_ =	swait.ge [sflag:s16], $0xFA0  }
0x25: {  	[sflag:s16] =	ssyncset.done $0x0  }
0x26: {  	[sflag:s16] =	ssyncadd.s32 $0xFFFFF060  }
0x27: {  	[tilespmem:s20], [sflag:$0x1] =	stream.indirect.gather [hbm4b:s4+s19], $0x80, s31, s19, $0xb8;
	[tilespmem:$0x1A7C0] =	vst v63  }
0x28: {  	s29 =	simm.s32 $0x50  }
0x29: {  	[tilespmem:s21], [sflag:$0x2] =	stream.indirect.gather [hbm4b:s4+s19], $0x80, s29, s19, $0xb8;
	[tilespmem:$0x1A7C0] =	vst v63  }
0x2a: {  	_ =	swait.ge [sflag:s22], $0x2800  }
0x2b: {  	[sflag:s22] =	ssyncset.done $0x0  }
0x2c: {  	s29 =	simm.s32 $0xFA0;
	[sflag:s22] =	ssyncadd.s32 $0xFFFFD800  }
0x2d: {  	[spmem:s2] =	stream.indirect.scatter.add.f32 [tilespmem:s20], [sflag:$0x3], $0x80, s29, s19, $0xb8;
	[tilespmem:$0x1A7C0] =	vst v63  }
0x2e: {  	_ =	swait.ge [sflag:s16], $0x2800  }
0x2f: {  	[sflag:s16] =	ssyncset.done $0x0  }
0x30: {  	s29 =	simm.s32 $0xA0;
	[sflag:s16] =	ssyncadd.s32 $0xFFFFD800  }
0x31: {  	[tilespmem:s20], [sflag:$0x1] =	stream.indirect.gather [hbm4b:s4+s19], $0x80, s29, s19, $0xb8;
	[tilespmem:$0x1A7C0] =	vst v63  }
0x32: {  	_ =	swait.ge [sflag:s23], $0x2800  }
0x33: {  	[sflag:s23] =	ssyncset.done $0x0  }
0x34: {  	s29 =	simm.s32 $0xFF0;
	[sflag:s23] =	ssyncadd.s32 $0xFFFFD800  }
0x35: {  	[spmem:s2] =	stream.indirect.scatter.add.f32 [tilespmem:s21], [sflag:$0x3], $0x80, s29, s19, $0xb8;
	[tilespmem:$0x1A7C0] =	vst v63  }
0x36: {  	_ =	swait.ge [sflag:s16], $0x2800  }
0x37: {  	s30 =	simm.s32 $0x500;
	s29 =	simm.s32 $0xA0;
	[sflag:s16] =	ssyncset.done $0x0  }
.LBB2_3:
0x38: {  	s31 =	sadd.s32 $0x50, s29  }
0x39: {  	[sflag:s16] =	ssyncadd.s32 $0xFFFFD800;
	s0 =	smov.u32 s30;
	s1 =	sadd.s32 $0x280, s30  }
0x3a: {  	[tilespmem:s21], [sflag:$0x2] =	stream.indirect.gather [hbm4b:s4+s19], $0x80, s31, s19, $0xb8;
	[tilespmem:$0x1A7C0] =	vst v63  }
0x3b: {  	p1 =	sne.s32 s30, $0x3980;
	_ =	swait.ge [sflag:s22], $0x2800  }
0x3c: {  	[sflag:s22] =	ssyncset.done $0x0  }
0x3d: {  	s30 =	sadd.s32 $0xFA0, s29;
	[sflag:s22] =	ssyncadd.s32 $0xFFFFD800  }
0x3e: {  	[spmem:s2] =	stream.indirect.scatter.add.f32 [tilespmem:s20], [sflag:$0x3], $0x80, s30, s19, $0xb8;
	[tilespmem:$0x1A7C0] =	vst v63  }
0x3f: {  	_ =	swait.ge [sflag:s16], $0x2800  }
0x40: {  	[sflag:s16] =	ssyncset.done $0x0  }
0x41: {  	s30 =	sadd.s32 $0xA0, s29;
	[sflag:s16] =	ssyncadd.s32 $0xFFFFD800  }
0x42: {  	[tilespmem:s20], [sflag:$0x1] =	stream.indirect.gather [hbm4b:s4+s19], $0x80, s30, s19, $0xb8;
	[tilespmem:$0x1A7C0] =	vst v63  }
0x43: {  	_ =	swait.ge [sflag:s23], $0x2800  }
.Ltmp0:
0x44: {  	[sflag:s23] =	ssyncset.done $0x0;
	(pc) =	sbr.rel @p1 .LBB2_3-.Ltmp0, $4  }
0x45: {  	s29 =	sadd.s32 $0xFF0, s29;
	[sflag:s23] =	ssyncadd.s32 $0xFFFFD800  }
0x46: {  	[spmem:s2] =	stream.indirect.scatter.add.f32 [tilespmem:s21], [sflag:$0x3], $0x80, s29, s19, $0xb8;
	[tilespmem:$0x1A7C0] =	vst v63  }
0x47: {  	_ =	swait.ge [sflag:s16], $0x2800  }
0x48: {  	s30 =	smov.u32 s1;
	s29 =	sshra.s32 s0, $0x2;
	[sflag:s16] =	ssyncset.done $0x0  }
0x49: {  	s0 =	sadd.s32 $0x50, s29;
	[sflag:s16] =	ssyncadd.s32 $0xFFFFD800  }
0x4a: {  	[tilespmem:s21], [sflag:$0x2] =	stream.indirect.gather [hbm4b:s4+s19], $0x80, s0, s19, $0xb8;
	[tilespmem:$0x1A7C0] =	vst v63  }
0x4b: {  	_ =	swait.ge [sflag:s22], $0x2800  }
0x4c: {  	[sflag:s22] =	ssyncset.done $0x0  }
0x4d: {  	s1 =	sadd.s32 $0xFA0, s29;
	[sflag:s22] =	ssyncadd.s32 $0xFFFFD800  }
0x4e: {  	[spmem:s2] =	stream.indirect.scatter.add.f32 [tilespmem:s20], [sflag:$0x3], $0x80, s1, s19, $0xb8;
	[tilespmem:$0x1A7C0] =	vst v63  }
0x4f: {  	_ =	swait.ge [sflag:s16], $0x2800  }
0x50: {  	[sflag:s16] =	ssyncset.done $0x0  }
0x51: {  	s30 =	sadd.s32 $0xA0, s29;
	[sflag:s16] =	ssyncadd.s32 $0xFFFFD800  }
0x52: {  	[tilespmem:s20], [sflag:$0x1] =	stream.indirect.gather [hbm4b:s4+s19], $0x80, s30, s19, $0xb8;
	[tilespmem:$0x1A7C0] =	vst v63  }
0x53: {  	_ =	swait.ge [sflag:s23], $0x2800  }
0x54: {  	[sflag:s23] =	ssyncset.done $0x0  }
0x55: {  	s31 =	sadd.s32 $0xFF0, s29;
	[sflag:s23] =	ssyncadd.s32 $0xFFFFD800  }
0x56: {  	[spmem:s2] =	stream.indirect.scatter.add.f32 [tilespmem:s21], [sflag:$0x3], $0x80, s31, s19, $0xb8;
	[tilespmem:$0x1A7C0] =	vst v63  }
0x57: {  	_ =	swait.ge [sflag:s16], $0x2800  }
0x58: {  	[sflag:s16] =	ssyncset.done $0x0  }
0x59: {  	[sflag:s16] =	ssyncadd.s32 $0xFFFFD800  }
0x5a: {  	[tilespmem:s21], [sflag:$0x2] =	stream.indirect.gather [hbm4b:s4+s19], $0x80, s24, s19, $0xb8;
	[tilespmem:$0x1A7C0] =	vst v63  }
0x5b: {  	_ =	swait.ge [sflag:s22], $0x2800  }
0x5c: {  	[sflag:s22] =	ssyncset.done $0x0  }
0x5d: {  	[sflag:s22] =	ssyncadd.s32 $0xFFFFD800  }
0x5e: {  	[spmem:s2] =	stream.indirect.scatter.add.f32 [tilespmem:s20], [sflag:$0x3], $0x80, s25, s19, $0xb8;
	[tilespmem:$0x1A7C0] =	vst v63  }
0x5f: {  	_ =	swait.ge [sflag:s16], $0x2800  }
0x60: {  	[sflag:s16] =	ssyncset.done $0x0  }
0x61: {  	[sflag:s16] =	ssyncadd.s32 $0xFFFFD800  }
0x62: {  	s28 =	sadd.s32 $0x1, s28;
	_ =	swait.ge [sflag:s23], $0x2800  }
0x63: {  	p1 =	sne.s32 s28, $0x5;
	[sflag:s23] =	ssyncset.done $0x0  }
.Ltmp1:
0x64: {  	[sflag:s23] =	ssyncadd.s32 $0xFFFFD800;
	(pc) =	sbr.rel @p1 .LBB2_2-.Ltmp1, $4  }
0x65: {  	[spmem:s2] =	stream.indirect.scatter.add.f32 [tilespmem:s21], [sflag:$0x3], $0x80, s26, s19, $0xb8;
	[tilespmem:$0x1A7C0] =	vst v63  }
0x66: {  	_ =	swait.ge [sflag:s16], $0x2800  }
0x67: {  	[sflag:s16] =	ssyncset.done $0x0  }
0x68: {  	[sflag:s16] =	ssyncadd.s32 $0xFFFFD800  }
0x69: {  	[bflag:$0x0] =	sbarrier.arrive $0xFFFF  }
0x6a: {  	[hbm:s12], [sflag:s8] =	dma.local [spmem:s15], $0x2700  }
0x6b: {  	s3 =	sadd.s32 $0x1, s3;
	_ =	swait.ge [sflag:s16], $0x2700  }
0x6c: {  	p1 =	sne.s32 s3, s14;
	[sflag:s16] =	ssyncset.done $0x0  }
.Ltmp2:
0x6d: {  	s0 =	simm.s32 @!p0 $0x3;
	[sflag:s16] =	ssyncadd.s32 $0xFFFFD900;
	(pc) =	sbr.rel @p1 .LBB2_1-.Ltmp2, $4  }
0x6e: {  	[hbm:s13], [sflag:s8] =	dma.local @!p0 [spmem:s17], $0x100  }
0x6f: {  	_ =	swait.ge @!p0 [sflag:s0], $0x100  }
0x70: {  	[sflag:s0] =	ssyncset.done @!p0 $0x0  }
0x71: {  	[sflag:s0] =	ssyncadd.s32 @!p0 $0xFFFFFF00  }
0x72: {  	_ =	sfence.sel $0x180000  }
0x73: {  	[bflag:$0x0] =	sbarrier.arrive $0xFFFF  }
0x74: {  	_ =	strace $0x90000050  }
0x75: {  	s0 =	stileid.u32;
	[bflag:$0x2] =	sbarrier.arrive $0xFFFF  }
0x76: {  	p0 =	sne.s32 s0, $0x0;
	s0 =	rddreg [dreg:$0x2]  }
0x77: {  	s0 =	sadd.s32 @!p0 $0x100000, s0  }
0x78: {  	[sflag:s0] =	ssyncadd.tile.s32 @!p0 $0x1;
	_ =	shalt  }
.Lfunc_end2:
_tile_overlayer_lowered:
.L_overlay_start_2:
0x79: {  	(tag) =	ssettag $0x2  }
0x7a: {  	s0 =	rddreg [dreg:$0x0];
	s2 =	stileid.u32  }
0x7b: {  	s1 =	rddreg [dreg:$0x1];
	p0 =	sne.s32 s2, $0x0  }
0x7c: {  	s3 =	rddreg [dreg:$0x2];
	[bflag:$0x3] =	sbarrier.arrive $0xFFFF;
	s2 =	simm.s32 @!p0 $0x1C03  }
0x7d: {  	[timem:s3], [sflag:s2] =	dma.local @!p0 [hbm:s0], s1  }
0x7e: {  	s0 =	simm.s32 @!p0 $0x3  }
0x7f: {  	_ =	swait.ge @!p0 [sflag:s0], s1  }
0x80: {  	s1 =	ssub.s32 @!p0 $0x0, s1;
	[sflag:s0] =	ssyncset.done @!p0 $0x0  }
0x81: {  	[sflag:s0] =	ssyncadd.s32 @!p0 s1  }
0x82: {  	[bflag:$0x3] =	sbarrier.arrive $0xFFFF  }
0x83: {  	_ =	shalt  }

// kernel: kernel.28.cloned.1.call-start
scs
__scs_entry_jumppad:
0x0: {  	(pc) =	sbr.rel $0x88, $3  }
0x1: {  	(tag) =	ssettag $0x0;
	lr =	simm.s32 $0x1  }
0x2: {  	[smem:$0x3F86] =	sst lr;
	_ =	strace $0xD0000000  }
0x3: {  	_ = 	snop  }
0x4: {  	_ = 	snop  }
0x5: {  	_ = 	snop  }
0x6: {  	_ = 	snop  }
0x7: {  	_ = 	snop  }
__scs_overlays_trampoline_lowered:
0x8: {  	[smem:$0x3F95] =	sst s0  }
0x9: {  	[smem:$0x3F96] =	sst s1  }
0xa: {  	[smem:$0x3F97] =	sst s2  }
0xb: {  	[smem:$0x3F98] =	sst s3  }
0xc: {  	[smem:$0x3F99] =	sst s4  }
0xd: {  	[smem:$0x3F9A] =	sst s5  }
0xe: {  	[smem:$0x3F9B] =	sst s6  }
0xf: {  	[smem:$0x3F9C] =	sst s7  }
0x10: {  	[smem:$0x3F9D] =	sst s8  }
0x11: {  	[smem:$0x3F9E] =	sst s9;
	s0 =	simm.s32 @!p0 $0x0  }
0x12: {  	s1 =	sld [smem:$0x3F84];
	s0 =	simm.s32 @p0 $0x1  }
0x13: {  	[smem:$0x3F9F] =	sst s0;
	s0 =	simm.s32 @!p1 $0x0  }
0x14: {  	s2 =	sld [smem:$0x3F83];
	s0 =	simm.s32 @p1 $0x1  }
0x15: {  	[smem:$0x3FA0] =	sst s0;
	s0 =	simm.s32 @!p2 $0x0  }
0x16: {  	s3 =	sld [smem:$0x3FDB];
	s0 =	simm.s32 @p2 $0x1  }
0x17: {  	s4 =	simm.s32 $0x1BF5;
	[smem:$0x3FA2] =	sst s0  }
0x18: {  	s0 =	sld [smem:$0x3F85];
	_ =	swait.ge [sflag:s4], $0x0  }
0x19: {  	s7 =	sld [smem:$0x3F86]  }
0x1a: {  	s8 =	sadd.s32 $0xFFFFE003, lr  }
0x1b: {  	s9 =	sadd.s32 $0xFFFFFEF7, lr;
	s5 =	simm.s32 $0xFFFFFFFF;
	p2 =	slt.u32 s8, $0xFFFFF086  }
0x1c: {  	p1 =	slt.u32 s9, $0xF7A;
	s5 =	simm.s32 @!p2 $0x0  }
0x1d: {  	s5 =	simm.s32 @p1 $0x1;
	p0 =	seq.s32 s7, s2  }
0x1e: {  	s7 =	smul.u32 @!p0 $0xF7A, s2;
	p2 =	seq.s32 @!p0 s5, $0x0  }
0x1f: {  	s9 =	smul.u32 $0xF7A, s1;
	s8 =	simm.s32 @!p0 $0x1BF5;
	p2 =	por !p2, p0  }
0x20: {  	[sflag:s8] =	ssyncset.s32 @!p0 $0xFFFFF086;
	s6 =	sadd.s32 @!p0 s3, s7;
	s7 =	simm.s32 @!p0 $0x108  }
0x21: {  	s3 =	sadd.s32 s3, s9;
	s6 =	sadd.s32 @!p0 $0x88, s6;
	s7 =	simm.s32 @p2 $0x1082  }
0x22: {  	[simem:s7], [sflag:s8] =	dma.local @!p0 [hbm:s6], $0xF7A  }
0x23: {  	s9 =	sor.u32 $0xD0000000, s2;
	s6 =	simm.s32 $0x108;
	_ =	swait.ge @!p0 [sflag:s8], $0x0  }
0x24: {  	s3 =	sadd.s32 $0x88, s3;
	s6 =	simm.s32 @!p1 $0x1082;
	[sflag:s4] =	ssyncset.s32 $0xFFFFF086  }
0x25: {  	[simem:s6], [sflag:s4] =	dma.local [hbm:s3], $0xF7A  }
0x26: {  	[smem:$0x3F86] =	sst s1;
	(tag) =	ssettag s2;
	_ =	strace s9  }
0x27: {  	s1 =	sld [smem:$0x3F96]  }
0x28: {  	s2 =	sld [smem:$0x3F97]  }
0x29: {  	s4 =	sld [smem:$0x3F99]  }
0x2a: {  	p0 =	seq.s32 s5, $0x0;
	s5 =	sld [smem:$0x3F9A]  }
0x2b: {  	s6 =	sld [smem:$0x3F9B]  }
0x2c: {  	s7 =	sld [smem:$0x3F9C]  }
0x2d: {  	s3 =	simm.s32 $0x108;
	s8 =	sld [smem:$0x3F9D]  }
0x2e: {  	s3 =	simm.s32 @!p0 $0x1082;
	s9 =	sld [smem:$0x3F9E]  }
0x2f: {  	lr =	sadd.s32 s0, s3;
	s0 =	sld [smem:$0x3F95]  }
0x30: {  	s3 =	sld [smem:$0x3F98]  }
0x31: {  	[smem:$0x3FA1] =	sst s10  }
0x32: {  	s10 =	sld [smem:$0x3F9F];
	_ =	sdelay $0x3  }
0x33: {  	p0 =	seq.s32 s10, $0x1;
	s10 =	sld [smem:$0x3FA1];
	_ =	sdelay $0x3  }
0x34: {  	[smem:$0x3FA1] =	sst s10  }
0x35: {  	s10 =	sld [smem:$0x3FA0];
	_ =	sdelay $0x3  }
0x36: {  	p1 =	seq.s32 s10, $0x1;
	s10 =	sld [smem:$0x3FA1];
	_ =	sdelay $0x3  }
0x37: {  	[smem:$0x3FA1] =	sst s10  }
0x38: {  	s10 =	sld [smem:$0x3FA2]  }
0x39: {  	_ = 	snop;
	(pc) =	sbr.ind lr, $3  }
0x3a: {  	_ = 	snop  }
0x3b: {  	_ = 	snop  }
0x3c: {  	p2 =	seq.s32 s10, $0x1;
	s10 =	sld [smem:$0x3FA1]  }
0x3d: {  	_ =	shalt  }
0x3e: {  	_ =	shalt  }
0x3f: {  	_ =	shalt  }
0x40: {  	_ =	shalt  }
0x41: {  	_ =	shalt  }
0x42: {  	_ =	shalt  }
0x43: {  	_ =	shalt  }
0x44: {  	_ =	shalt  }
0x45: {  	_ =	shalt  }
0x46: {  	_ =	shalt  }
0x47: {  	_ =	shalt  }
0x48: {  	_ =	shalt  }
0x49: {  	_ =	shalt  }
0x4a: {  	_ =	shalt  }
0x4b: {  	_ =	shalt  }
0x4c: {  	_ =	shalt  }
0x4d: {  	_ =	shalt  }
0x4e: {  	_ =	shalt  }
0x4f: {  	_ =	shalt  }
0x50: {  	_ =	shalt  }
0x51: {  	_ =	shalt  }
0x52: {  	_ =	shalt  }
0x53: {  	_ =	shalt  }
0x54: {  	_ =	shalt  }
0x55: {  	_ =	shalt  }
0x56: {  	_ =	shalt  }
0x57: {  	_ =	shalt  }
0x58: {  	_ =	shalt  }
0x59: {  	_ =	shalt  }
0x5a: {  	_ =	shalt  }
0x5b: {  	_ =	shalt  }
0x5c: {  	_ =	shalt  }
0x5d: {  	_ =	shalt  }
0x5e: {  	_ =	shalt  }
0x5f: {  	_ =	shalt  }
0x60: {  	_ =	shalt  }
0x61: {  	_ =	shalt  }
0x62: {  	_ =	shalt  }
0x63: {  	_ =	shalt  }
0x64: {  	_ =	shalt  }
0x65: {  	_ =	shalt  }
0x66: {  	_ =	shalt  }
0x67: {  	_ =	shalt  }
0x68: {  	_ =	shalt  }
0x69: {  	_ =	shalt  }
0x6a: {  	_ =	shalt  }
0x6b: {  	_ =	shalt  }
0x6c: {  	_ =	shalt  }
0x6d: {  	_ =	shalt  }
0x6e: {  	_ =	shalt  }
0x6f: {  	_ =	shalt  }
0x70: {  	_ =	shalt  }
0x71: {  	_ =	shalt  }
0x72: {  	_ =	shalt  }
0x73: {  	_ =	shalt  }
0x74: {  	_ =	shalt  }
0x75: {  	_ =	shalt  }
0x76: {  	_ =	shalt  }
0x77: {  	_ =	shalt  }
0x78: {  	_ =	shalt  }
0x79: {  	_ =	shalt  }
0x7a: {  	_ =	shalt  }
0x7b: {  	_ =	shalt  }
0x7c: {  	_ =	shalt  }
0x7d: {  	_ =	shalt  }
0x7e: {  	_ =	shalt  }
0x7f: {  	_ =	shalt  }
0x80: {  	_ =	shalt  }
0x81: {  	_ =	shalt  }
0x82: {  	_ =	shalt  }
0x83: {  	_ =	shalt  }
0x84: {  	_ =	shalt  }
0x85: {  	_ =	shalt  }
0x86: {  	_ =	shalt  }
0x87: {  	_ =	shalt  }
.Lfunc_end0:
.L_simem_size_0:
called_computation.4_lowered:
.L_overlay_start_0:
0x88: {  	s2 =	sld [smem:$0x3FD9]  }
0x89: {  	s3 =	sld [smem:$0x3FFE];
	_ =	sdelay $0x1  }
0x8a: {  	s1 =	srdreg.scid  }
0x8b: {  	s0 =	sand.u32 $0x1, s1  }
0x8c: {  	s17 =	sshll.u32 s0, $0xA;
	s2 =	sadd.s32 s3, s2  }
0x8d: {  	s2 =	sadd.s32 s2, s17  }
0x8e: {  	[smem:$0x3FAD] =	sst s2  }
0x8f: {  	_ = 	snop  }
0x90: {  	s2 =	sld [smem:$0x3FD0];
	(tm) =	ssettm $0x1  }
0x91: {  	s18 =	sld [smem:$0x3FFB];
	_ =	sdelay $0x3  }
0x92: {  	_ =	strace s18  }
0x93: {  	s3 =	sld [smem:$0x3FFC];
	_ =	sdelay $0x3  }
0x94: {  	_ =	strace s3  }
0x95: {  	s3 =	sld [smem:$0x3FFD];
	_ =	sdelay $0x3  }
0x96: {  	_ =	strace s3  }
0x97: {  	_ =	strace $0x8FFFFFFF  }
0x98: {  	s19 =	sld [smem:$0x3FDB];
	_ =	sdelay $0x1  }
0x99: {  	s4 =	simm.s32 $_scs_section_size  }
0x9a: {  	s5 =	simm.s32 $_size__tile_overlayer_lowered;
	s6 =	simm.s32 $_tile_overlayer_lowered  }
0x9b: {  	s22 =	simm.s32 $0x1BFF;
	s21 =	sshll.u32 s6, $0x1;
	s3 =	sadd.s32 s4, s19  }
0x9c: {  	s7 =	simm.s32 $0x0;
	s20 =	sshll.u32 s5, $0x1;
	s5 =	sadd.s32 s21, s3  }
0x9d: {  	[timem:s7], [sflag:s22] =	dma.local [hbm:s5], s20  }
0x9e: {  	_ =	swait.ge [sflag:s22], s20  }
0x9f: {  	s4 =	ssub.s32 $0x0, s20;
	[sflag:s22] =	ssyncset.done $0x0  }
0xa0: {  	[sflag:s22] =	ssyncadd.s32 s4;
	_ =	sdelay $0x1  }
0xa1: {  	s23 =	simm.s32 $0x1B8B  }
0xa2: {  	_ =	swait.ge [sflag:s23], $0x1  }
0xa3: {  	[sflag:s23] =	ssyncset.done $0x0  }
0xa4: {  	s25 =	simm.s32 $0x1B8E;
	s24 =	sld [smem:$0x3FFE];
	[sflag:s23] =	ssyncadd.s32 $0xFFFFFFFF  }
0xa5: {  	s26 =	simm.s32 $execute0_lowered;
	[smem:$0x3FD2] =	sst s25  }
0xa6: {  	s5 =	sshll.u32 s26, $0x1;
	_ =	strace $0x80000052;
	[dreg:$0x1] =	wrdreg $0xFFFFFFFF  }
0xa7: {  	s28 =	simm.s32 $_size_execute0_lowered;
	s3 =	sadd.s32 s3, s5;
	[dreg:$0x0] =	wrdreg $0x0  }
0xa8: {  	s5 =	sshll.u32 s28, $0x1;
	[dreg:$0x2] =	wrdreg s3  }
0xa9: {  	[dreg:$0x3] =	wrdreg s5  }
0xaa: {  	[dreg:$0x4] =	wrdreg $0xC0  }
0xab: {  	_ =	task [dreg:s7], $0x5FFFF  }
0xac: {  	[dreg:$0x1] =	wrdreg $0xFFFFFFFF  }
0xad: {  	[dreg:$0x0] =	wrdreg $0x60  }
0xae: {  	[dreg:$0x2] =	wrdreg s24  }
0xaf: {  	[dreg:$0x3] =	wrdreg s2  }
0xb0: {  	[dreg:$0x4] =	wrdreg $0x9  }
0xb1: {  	_ =	task.clear_ibuf [dreg:s7], $0x5FFFF;
	_ =	strace $0x90000052  }
0xb2: {  	s29 =	simm.s32 $0x9;
	_ =	strace $0x80000054  }
0xb3: {  	_ =	swait.ge [sflag:s29], $0x1  }
0xb4: {  	[sflag:s29] =	ssyncadd.s32 $0xFFFFFFFF  }
0xb5: {  	_ =	strace $0x90000054  }
0xb6: {  	_ =	sfence  }
0xb7: {  	s30 =	sld [smem:$0x0];
	_ =	sdelay $0x2  }
0xb8: {  	s31 =	sshll.u32 s1, $0xD;
	s1 =	sshrl.u32 s1, $0x2  }
0xb9: {  	s3 =	sand.u32 $0x4000, s31;
	s1 =	sadd.s32 s1, s30  }
0xba: {  	s0 =	sor.u32 s3, s0;
	s1 =	sshll.u32 s1, $0x11  }
0xbb: {  	s0 =	sor.u32 s1, s0  }
0xbc: {  	s0 =	sadd.s32 $0x8F2B, s0  }
0xbd: {  	[sflag:s0] =	ssyncadd.remote.s32 $0x1  }
0xbe: {  	_ =	sfence.sel $0xFFFF  }
0xbf: {  	[dreg:$0x0] =	wrdreg $0xFFFFFFFF;
	(pc) =	sbr.abs _section_cstart, $3  }
0xc0: {  	[dreg:$0x1] =	wrdreg $0xFFFFFFFF  }
0xc1: {  	_ =	task.clear_ibuf [dreg:s7], $0x2FFFF;
	_ =	strace $0x9FFFFFFF  }
0xc2: {  	(tm) =	ssettm $0x7FFFFFFF  }
0xc3: {  	_ =	shalt  }
tec
execute0_lowered:
.L_overlay_start_1:
0x0: {  	(tag) =	ssettag $0x1  }
0x1: {  	s5 =	rddreg [dreg:$0x0]  }
0x2: {  	s0 =	srdreg.scid;
	s6 =	rddreg [dreg:$0x1]  }
0x3: {  	s1 =	stileid.u32;
	s2 =	simm.s32 $0x0;
	s15 =	simm.s32 $0x4F00  }
0x4: {  	s16 =	simm.s32 $0x9F00;
	s17 =	simm.s32 $0x7700;
	s18 =	simm.s32 $0xC700  }
0x5: {  	s19 =	simm.s32 $0x1;
	s20 =	simm.s32 $0x3;
	s21 =	simm.s32 $0x6  }
0x6: {  	s22 =	simm.s32 $0x2;
	s23 =	simm.s32 $0x4;
	s24 =	simm.s32 $0x0  }
0x7: {  	s7 =	sand.u32 $0x1, s0;
	[smem:$0x7FF] =	sst s2;
	s4 =	sadd.s32 $0x100600, s5  }
0x8: {  	s12 =	sadd.s32 $0x127800, s5;
	s29 =	smul.u32 $0x27100, s1;
	s3 =	sshll.u32 s7, $0x4  }
0x9: {  	s14 =	sadd.s32 $0x609800, s5;
	s26 =	smul.u32 $0x271000, s7;
	s8 =	sor.u32 s1, s3  }
0xa: {  	_ =	strace $0x80000053;
	s10 =	ssub.s32 $0x2, s7;
	s9 =	smul.u32 $0x2710, s8  }
0xb: {  	s3 =	sadd.s32 $0x10A00, s5;
	s13 =	sshrl.u32 s10, $0x1;
	s8 =	smul.u32 $0x27100, s8  }
0xc: {  	s10 =	ssub.s32 s10, s13;
	s30 =	sadd.s32 s26, s14;
	s13 =	simm.s32 $0x2780  }
0xd: {  	s7 =	smax.u32 s10, $0x1;
	s9 =	sshrl.u32 s9, $0x3;
	s28 =	sadd.s32 $0x26C00, s8  }
0xe: {  	s11 =	sadd.s32 s9, s5;
	s6 =	sadd.s32 s6, s9;
	s8 =	sadd.s32 s12, s28  }
0xf: {  	s12 =	sadd.s32 s26, s12;
	s9 =	sadd.s32 s14, s28;
	s14 =	simm.s32 $0x50  }
0x10: {  	s5 =	sadd.s32 $0x6C00, s11;
	s31 =	sadd.s32 s29, s12;
	s11 =	sadd.s32 s29, s30  }
0x11: {  	s12 =	simm.s32 $0x5;
	s10 =	sadd.s32 $0x500, s31;
	s11 =	sadd.s32 $0x500, s11  }
.LBB2_1:
0x12: {  	[tilespmem:s2], [sflag:$0x5] =	stream.linear.gather [hbm4b:s5+s2], $0x2710, $0x38;
	[tilespmem:$0xEF00] =	vst v63  }
0x13: {  	_ =	swait.ge [sflag:s12], $0x2710  }
0x14: {  	[sflag:s12] =	ssyncset.done $0x0  }
0x15: {  	[sflag:s12] =	ssyncadd.s32 $0xFFFFD8F0  }
0x16: {  	[tilespmem:s13], [sflag:$0x5] =	stream.linear.gather [hbm4b:s6+s2], $0x2710, $0x38;
	[tilespmem:$0xEF00] =	vst v63  }
0x17: {  	_ =	swait.ge [sflag:s12], $0x2710  }
0x18: {  	[sflag:s12] =	ssyncset.done $0x0  }
0x19: {  	[sflag:s12] =	ssyncadd.s32 $0xFFFFD8F0  }
0x1a: {  	[tilespmem:s15], [sflag:$0x1] =	stream.indirect.gather [hbm4b:s3+s14], $0x80, s2, s14, $0xb8;
	[tilespmem:$0xEF00] =	vst v63  }
0x1b: {  	_ = 	snop  }
0x1c: {  	[tilespmem:s16], [sflag:$0x3] =	stream.indirect.gather [hbm4b:s4+s14], $0x80, s13, s14, $0xb8;
	[tilespmem:$0xEF00] =	vst v63  }
0x1d: {  	s25 =	simm.s32 $0x50  }
0x1e: {  	[tilespmem:s17], [sflag:$0x2] =	stream.indirect.gather [hbm4b:s3+s14], $0x80, s25, s14, $0xb8;
	[tilespmem:$0xEF00] =	vst v63  }
0x1f: {  	s30 =	simm.s32 $0x27D0  }
0x20: {  	[tilespmem:s18], [sflag:$0x4] =	stream.indirect.gather [hbm4b:s4+s14], $0x80, s30, s14, $0xb8;
	[tilespmem:$0xEF00] =	vst v63  }
0x21: {  	_ =	swait.ge [sflag:s19], $0x2800  }
0x22: {  	[sflag:s19] =	ssyncset.done $0x0  }
0x23: {  	[sflag:s19] =	ssyncadd.s32 $0xFFFFD800  }
0x24: {  	_ =	swait.ge [sflag:s20], $0x2800  }
0x25: {  	[sflag:s20] =	ssyncset.done $0x0  }
0x26: {  	s0 =	sadd.s32 $0xFFFFFB00, s10;
	[sflag:s20] =	ssyncadd.s32 $0xFFFFD800  }
0x27: {  	[hbm4b:s0+s2] =	stream.linear.scatter [tilespmem:s15], [sflag:$0x6], $0x2800, $0x38;
	[tilespmem:$0xEF00] =	vst v63  }
0x28: {  	_ =	swait.ge [sflag:s21], $0x2800  }
0x29: {  	[sflag:s21] =	ssyncset.done $0x0  }
0x2a: {  	s26 =	sadd.s32 $0xFFFFFB00, s11;
	[sflag:s21] =	ssyncadd.s32 $0xFFFFD800  }
0x2b: {  	[hbm4b:s26+s2] =	stream.linear.scatter [tilespmem:s16], [sflag:$0x6], $0x2800, $0x38;
	[tilespmem:$0xEF00] =	vst v63  }
0x2c: {  	_ =	swait.ge [sflag:s21], $0x2800  }
0x2d: {  	[sflag:s21] =	ssyncset.done $0x0  }
0x2e: {  	s29 =	simm.s32 $0xA0;
	[sflag:s21] =	ssyncadd.s32 $0xFFFFD800  }
0x2f: {  	[tilespmem:s15], [sflag:$0x1] =	stream.indirect.gather [hbm4b:s3+s14], $0x80, s29, s14, $0xb8;
	[tilespmem:$0xEF00] =	vst v63  }
0x30: {  	s30 =	simm.s32 $0x2820  }
0x31: {  	[tilespmem:s16], [sflag:$0x3] =	stream.indirect.gather [hbm4b:s4+s14], $0x80, s30, s14, $0xb8;
	[tilespmem:$0xEF00] =	vst v63  }
0x32: {  	_ =	swait.ge [sflag:s22], $0x2800  }
0x33: {  	[sflag:s22] =	ssyncset.done $0x0  }
0x34: {  	[sflag:s22] =	ssyncadd.s32 $0xFFFFD800  }
0x35: {  	_ =	swait.ge [sflag:s23], $0x2800  }
0x36: {  	[sflag:s23] =	ssyncset.done $0x0  }
0x37: {  	[sflag:s23] =	ssyncadd.s32 $0xFFFFD800  }
0x38: {  	[hbm4b:s10+s2] =	stream.linear.scatter [tilespmem:s17], [sflag:$0x6], $0x2800, $0x38;
	[tilespmem:$0xEF00] =	vst v63  }
0x39: {  	_ =	swait.ge [sflag:s21], $0x2800  }
0x3a: {  	[sflag:s21] =	ssyncset.done $0x0  }
0x3b: {  	[sflag:s21] =	ssyncadd.s32 $0xFFFFD800  }
0x3c: {  	[hbm4b:s11+s2] =	stream.linear.scatter [tilespmem:s18], [sflag:$0x5], $0x2800, $0x38;
	[tilespmem:$0xEF00] =	vst v63  }
0x3d: {  	s31 =	simm.s32 $0x500;
	s28 =	simm.s32 $0xA0;
	_ =	swait.ge [sflag:s12], $0x2800  }
0x3e: {  	s25 =	sadd.s32 $0xA00, s11;
	s26 =	sadd.s32 $0xA00, s10;
	[sflag:s12] =	ssyncset.done $0x0  }
.LBB2_2:
0x3f: {  	s0 =	sadd.s32 $0x50, s28  }
0x40: {  	[sflag:s12] =	ssyncadd.s32 $0xFFFFD800;
	s30 =	smov.u32 s31;
	s29 =	sadd.s32 $0x280, s31  }
0x41: {  	[tilespmem:s17], [sflag:$0x2] =	stream.indirect.gather [hbm4b:s3+s14], $0x80, s0, s14, $0xb8;
	[tilespmem:$0xEF00] =	vst v63  }
0x42: {  	p0 =	sne.s32 s31, $0x9880;
	s0 =	sadd.s32 $0x27D0, s28  }
0x43: {  	[tilespmem:s18], [sflag:$0x4] =	stream.indirect.gather [hbm4b:s4+s14], $0x80, s0, s14, $0xb8;
	[tilespmem:$0xEF00] =	vst v63  }
0x44: {  	_ =	swait.ge [sflag:s19], $0x2800  }
0x45: {  	[sflag:s19] =	ssyncset.done $0x0  }
0x46: {  	[sflag:s19] =	ssyncadd.s32 $0xFFFFD800  }
0x47: {  	_ =	swait.ge [sflag:s20], $0x2800  }
0x48: {  	[sflag:s20] =	ssyncset.done $0x0  }
0x49: {  	s0 =	sadd.s32 $0xFFFFFB00, s26;
	[sflag:s20] =	ssyncadd.s32 $0xFFFFD800  }
0x4a: {  	[hbm4b:s0+s2] =	stream.linear.scatter [tilespmem:s15], [sflag:$0x6], $0x2800, $0x38;
	[tilespmem:$0xEF00] =	vst v63  }
0x4b: {  	_ =	swait.ge [sflag:s21], $0x2800  }
0x4c: {  	[sflag:s21] =	ssyncset.done $0x0  }
0x4d: {  	s0 =	sadd.s32 $0xFFFFFB00, s25;
	[sflag:s21] =	ssyncadd.s32 $0xFFFFD800  }
0x4e: {  	[hbm4b:s0+s2] =	stream.linear.scatter [tilespmem:s16], [sflag:$0x6], $0x2800, $0x38;
	[tilespmem:$0xEF00] =	vst v63  }
0x4f: {  	_ =	swait.ge [sflag:s21], $0x2800  }
0x50: {  	[sflag:s21] =	ssyncset.done $0x0  }
0x51: {  	s0 =	sadd.s32 $0xA0, s28;
	[sflag:s21] =	ssyncadd.s32 $0xFFFFD800  }
0x52: {  	[tilespmem:s15], [sflag:$0x1] =	stream.indirect.gather [hbm4b:s3+s14], $0x80, s0, s14, $0xb8;
	[tilespmem:$0xEF00] =	vst v63  }
0x53: {  	s0 =	sadd.s32 $0x2820, s28  }
0x54: {  	[tilespmem:s16], [sflag:$0x3] =	stream.indirect.gather [hbm4b:s4+s14], $0x80, s0, s14, $0xb8;
	[tilespmem:$0xEF00] =	vst v63  }
0x55: {  	_ =	swait.ge [sflag:s22], $0x2800  }
0x56: {  	[sflag:s22] =	ssyncset.done $0x0  }
0x57: {  	[sflag:s22] =	ssyncadd.s32 $0xFFFFD800  }
0x58: {  	_ =	swait.ge [sflag:s23], $0x2800  }
0x59: {  	[sflag:s23] =	ssyncset.done $0x0  }
0x5a: {  	[sflag:s23] =	ssyncadd.s32 $0xFFFFD800  }
0x5b: {  	[hbm4b:s26+s2] =	stream.linear.scatter [tilespmem:s17], [sflag:$0x6], $0x2800, $0x38;
	[tilespmem:$0xEF00] =	vst v63  }
0x5c: {  	_ =	swait.ge [sflag:s21], $0x2800  }
.Ltmp0:
0x5d: {  	[sflag:s21] =	ssyncset.done $0x0;
	(pc) =	sbr.rel @p0 .LBB2_2-.Ltmp0, $4  }
0x5e: {  	[sflag:s21] =	ssyncadd.s32 $0xFFFFD800  }
0x5f: {  	[hbm4b:s25+s2] =	stream.linear.scatter [tilespmem:s18], [sflag:$0x5], $0x2800, $0x38;
	[tilespmem:$0xEF00] =	vst v63  }
0x60: {  	s31 =	smov.u32 s29;
	s25 =	sadd.s32 $0xA00, s25;
	_ =	swait.ge [sflag:s12], $0x2800  }
0x61: {  	s28 =	sshra.s32 s30, $0x2;
	s26 =	sadd.s32 $0xA00, s26;
	[sflag:s12] =	ssyncset.done $0x0  }
0x62: {  	s0 =	sadd.s32 $0x50, s28;
	[sflag:s12] =	ssyncadd.s32 $0xFFFFD800  }
0x63: {  	[tilespmem:s17], [sflag:$0x2] =	stream.indirect.gather [hbm4b:s3+s14], $0x80, s0, s14, $0xb8;
	[tilespmem:$0xEF00] =	vst v63  }
0x64: {  	s30 =	sadd.s32 $0x27D0, s28  }
0x65: {  	[tilespmem:s18], [sflag:$0x4] =	stream.indirect.gather [hbm4b:s4+s14], $0x80, s30, s14, $0xb8;
	[tilespmem:$0xEF00] =	vst v63  }
0x66: {  	_ =	swait.ge [sflag:s19], $0x2800  }
0x67: {  	[sflag:s19] =	ssyncset.done $0x0  }
0x68: {  	[sflag:s19] =	ssyncadd.s32 $0xFFFFD800  }
0x69: {  	_ =	swait.ge [sflag:s20], $0x2800  }
0x6a: {  	[sflag:s20] =	ssyncset.done $0x0  }
0x6b: {  	s31 =	sadd.s32 $0xFFFFFB00, s26;
	[sflag:s20] =	ssyncadd.s32 $0xFFFFD800  }
0x6c: {  	[hbm4b:s31+s2] =	stream.linear.scatter [tilespmem:s15], [sflag:$0x6], $0x2800, $0x38;
	[tilespmem:$0xEF00] =	vst v63  }
0x6d: {  	_ =	swait.ge [sflag:s21], $0x2800  }
0x6e: {  	[sflag:s21] =	ssyncset.done $0x0  }
0x6f: {  	s29 =	sadd.s32 $0xFFFFFB00, s25;
	[sflag:s21] =	ssyncadd.s32 $0xFFFFD800  }
0x70: {  	[hbm4b:s29+s2] =	stream.linear.scatter [tilespmem:s16], [sflag:$0x6], $0x2800, $0x38;
	[tilespmem:$0xEF00] =	vst v63  }
0x71: {  	_ =	swait.ge [sflag:s21], $0x2800  }
0x72: {  	[sflag:s21] =	ssyncset.done $0x0  }
0x73: {  	s30 =	sadd.s32 $0xA0, s28;
	[sflag:s21] =	ssyncadd.s32 $0xFFFFD800  }
0x74: {  	[tilespmem:s15], [sflag:$0x1] =	stream.indirect.gather [hbm4b:s3+s14], $0x80, s30, s14, $0xb8;
	[tilespmem:$0xEF00] =	vst v63  }
0x75: {  	s31 =	sadd.s32 $0x2820, s28  }
0x76: {  	[tilespmem:s16], [sflag:$0x3] =	stream.indirect.gather [hbm4b:s4+s14], $0x80, s31, s14, $0xb8;
	[tilespmem:$0xEF00] =	vst v63  }
0x77: {  	_ =	swait.ge [sflag:s22], $0x2800  }
0x78: {  	[sflag:s22] =	ssyncset.done $0x0  }
0x79: {  	[sflag:s22] =	ssyncadd.s32 $0xFFFFD800  }
0x7a: {  	_ =	swait.ge [sflag:s23], $0x2800  }
0x7b: {  	[sflag:s23] =	ssyncset.done $0x0  }
0x7c: {  	[sflag:s23] =	ssyncadd.s32 $0xFFFFD800  }
0x7d: {  	[hbm4b:s26+s2] =	stream.linear.scatter [tilespmem:s17], [sflag:$0x6], $0x2800, $0x38;
	[tilespmem:$0xEF00] =	vst v63  }
0x7e: {  	_ =	swait.ge [sflag:s21], $0x2800  }
0x7f: {  	[sflag:s21] =	ssyncset.done $0x0  }
0x80: {  	[sflag:s21] =	ssyncadd.s32 $0xFFFFD800  }
0x81: {  	[hbm4b:s25+s2] =	stream.linear.scatter [tilespmem:s18], [sflag:$0x5], $0x2800, $0x38;
	[tilespmem:$0xEF00] =	vst v63  }
0x82: {  	_ =	swait.ge [sflag:s12], $0x2800  }
0x83: {  	[sflag:s12] =	ssyncset.done $0x0  }
0x84: {  	[sflag:s12] =	ssyncadd.s32 $0xFFFFD800  }
0x85: {  	_ =	swait.ge [sflag:s19], $0x2800  }
0x86: {  	[sflag:s19] =	ssyncset.done $0x0  }
0x87: {  	[sflag:s19] =	ssyncadd.s32 $0xFFFFD800  }
0x88: {  	_ =	swait.ge [sflag:s20], $0x2800  }
0x89: {  	[sflag:s20] =	ssyncset.done $0x0  }
0x8a: {  	[sflag:s20] =	ssyncadd.s32 $0xFFFFD800  }
0x8b: {  	[hbm4b:s8+s2] =	stream.linear.scatter [tilespmem:s15], [sflag:$0x6], $0x2800, $0x38;
	[tilespmem:$0xEF00] =	vst v63  }
0x8c: {  	s24 =	sadd.s32 $0x1, s24;
	_ =	swait.ge [sflag:s21], $0x2800  }
0x8d: {  	p0 =	sne.s32 s24, s7;
	[sflag:s21] =	ssyncset.done $0x0  }
.Ltmp1:
0x8e: {  	[sflag:s21] =	ssyncadd.s32 $0xFFFFD800;
	(pc) =	sbr.rel @p0 .LBB2_1-.Ltmp1, $4  }
0x8f: {  	[hbm4b:s9+s2] =	stream.linear.scatter [tilespmem:s16], [sflag:$0x6], $0x2800, $0x38;
	[tilespmem:$0xEF00] =	vst v63  }
0x90: {  	_ =	swait.ge [sflag:s21], $0x2800  }
0x91: {  	[sflag:s21] =	ssyncset.done $0x0  }
0x92: {  	[sflag:s21] =	ssyncadd.s32 $0xFFFFD800  }
0x93: {  	_ =	sfence.sel $0x180000  }
0x94: {  	[bflag:$0x0] =	sbarrier.arrive $0xFFFF  }
0x95: {  	_ =	strace $0x90000053  }
0x96: {  	[bflag:$0x2] =	sbarrier.arrive $0xFFFF  }
0x97: {  	p0 =	sne.s32 s1, $0x0;
	s0 =	rddreg [dreg:$0x2]  }
0x98: {  	s0 =	sadd.s32 @!p0 $0x100000, s0  }
0x99: {  	[sflag:s0] =	ssyncadd.tile.s32 @!p0 $0x1;
	_ =	shalt  }
.Lfunc_end2:
_tile_overlayer_lowered:
.L_overlay_start_2:
0x9a: {  	(tag) =	ssettag $0x2  }
0x9b: {  	s0 =	rddreg [dreg:$0x0];
	s2 =	stileid.u32  }
0x9c: {  	s1 =	rddreg [dreg:$0x1];
	p0 =	sne.s32 s2, $0x0  }
0x9d: {  	s3 =	rddreg [dreg:$0x2];
	[bflag:$0x3] =	sbarrier.arrive $0xFFFF;
	s2 =	simm.s32 @!p0 $0x1C05  }
0x9e: {  	[timem:s3], [sflag:s2] =	dma.local @!p0 [hbm:s0], s1  }
0x9f: {  	s0 =	simm.s32 @!p0 $0x5  }
0xa0: {  	_ =	swait.ge @!p0 [sflag:s0], s1  }
0xa1: {  	s1 =	ssub.s32 @!p0 $0x0, s1;
	[sflag:s0] =	ssyncset.done @!p0 $0x0  }
0xa2: {  	[sflag:s0] =	ssyncadd.s32 @!p0 s1  }
0xa3: {  	[bflag:$0x3] =	sbarrier.arrive $0xFFFF  }
0xa4: {  	_ =	shalt  }

</sc_bundles>
